<compile_context>
chip_gen: v7x
topology: tpu7x:2x2x1
jax: 0.10.2.dev20260603
libtpu: 0.0.44.dev20260713+nightly
codegen_flags: <defaults>
</compile_context>

<pallas_src>
import jax
import jax.numpy as jnp
from jax import lax
from jax.experimental import pallas as pl
from jax.experimental.pallas import tpu as pltpu
from jax.experimental.pallas import tpu_sc as plsc

N = 10000
D = 128
E = 320000
NC = 2
NS = 16
NW = NC * NS
CHUNK = 128
NKP = 2560
NK = NKP // NW
IB = 8
NBLK = NK // IB
ACC_ROWS = N + 8
RST = 624
RLEFT = N - NS * RST
DEG_W = 128

_MESH = plsc.VectorSubcoreMesh(core_axis_name="c", subcore_axis_name="s")


NCH = E // CHUNK


def _spmv_body(src_hbm, sidx_hbm, didx_hbm, zrows_hbm, out_hbm,
               acc, sidx_v, didx_v, sidxB, didxB, rows_v,
               gsem, isem, i2, i3):
    c = lax.axis_index("c")
    s = lax.axis_index("s")
    wid = s * NC + c
    r0 = s * RST
    pltpu.sync_copy(zrows_hbm.at[pl.ds(0, RST)], acc.at[pl.ds(r0, RST)])

    @pl.when(s == 0)
    def _():
        pltpu.sync_copy(zrows_hbm.at[pl.ds(0, RLEFT)],
                        acc.at[pl.ds(NS * RST, RLEFT)])

    plsc.subcore_barrier()
    base = wid * NK * CHUNK

    def pair(pp, carry):
        eA = base + (2 * pp) * CHUNK
        eB = eA + CHUNK
        d1 = pltpu.async_copy(sidx_hbm.at[pl.ds(eA, CHUNK)], sidx_v, isem)
        d2 = pltpu.async_copy(didx_hbm.at[pl.ds(eA, CHUNK)], didx_v, i2)
        d3 = pltpu.async_copy(sidx_hbm.at[pl.ds(eB, CHUNK)], sidxB, i3)
        d4 = pltpu.async_copy(didx_hbm.at[pl.ds(eB, CHUNK)], didxB, gsem)
        d1.wait()
        d2.wait()
        pltpu.async_copy(src_hbm.at[sidx_v], rows_v, gsem).wait()
        pltpu.sync_copy(rows_v, acc.at[didx_v], add=True)
        d3.wait()
        d4.wait()
        pltpu.async_copy(src_hbm.at[sidxB], rows_v, gsem).wait()
        pltpu.sync_copy(rows_v, acc.at[didxB], add=True)
        return carry

    lax.fori_loop(0, NK // 2, pair, 0)
    plsc.subcore_barrier()
    pltpu.sync_copy(acc.at[pl.ds(r0, RST)], out_hbm.at[c, pl.ds(r0, RST)])

    @pl.when(s == 0)
    def _():
        pltpu.sync_copy(acc.at[pl.ds(NS * RST, RLEFT)],
                        out_hbm.at[c, pl.ds(NS * RST, RLEFT)])


_spmv = pl.kernel(
    _spmv_body,
    out_type=jax.ShapeDtypeStruct((NC, N, D), jnp.float32),
    mesh=_MESH,
    scratch_types=[
        pltpu.VMEM_SHARED((ACC_ROWS, D), jnp.float32),
        pltpu.VMEM((CHUNK,), jnp.int32),
        pltpu.VMEM((CHUNK,), jnp.int32),
        pltpu.VMEM((CHUNK,), jnp.int32),
        pltpu.VMEM((CHUNK,), jnp.int32),
        pltpu.VMEM((CHUNK, D), jnp.float32),
        pltpu.SemaphoreType.DMA,
        pltpu.SemaphoreType.DMA,
        pltpu.SemaphoreType.DMA,
        pltpu.SemaphoreType.DMA,
    ],
)


NK2 = NKP // NS


def _deg_body(uidx_hbm, iidx_hbm, ones_hbm, zrows_hbm, out_hbm,
              acc, idx_v, ones_v, dsem):
    c = lax.axis_index("c")
    s = lax.axis_index("s")
    r0 = s * RST

    @pl.when(c == 0)
    def _():
        pltpu.sync_copy(uidx_hbm.at[pl.ds(s * NK2, NK2)], idx_v)

    @pl.when(c == 1)
    def _():
        pltpu.sync_copy(iidx_hbm.at[pl.ds(s * NK2, NK2)], idx_v)

    pltpu.sync_copy(ones_hbm, ones_v)
    pltpu.sync_copy(zrows_hbm.at[pl.ds(0, RST)], acc.at[pl.ds(r0, RST)])

    @pl.when(s == 0)
    def _():
        pltpu.sync_copy(zrows_hbm.at[pl.ds(0, RLEFT)],
                        acc.at[pl.ds(NS * RST, RLEFT)])

    plsc.subcore_barrier()

    def fire(k, carry):
        pltpu.async_copy(ones_v, acc.at[idx_v.at[k]], dsem, add=True)
        return carry

    lax.fori_loop(0, NK2, fire, 0)

    def drain(k, carry):
        pltpu.make_async_copy(ones_v, acc.at[idx_v.at[0]], dsem).wait()
        return carry

    lax.fori_loop(0, NK2, drain, 0)
    plsc.subcore_barrier()
    pltpu.sync_copy(acc.at[pl.ds(r0, RST)], out_hbm.at[c, pl.ds(r0, RST)])

    @pl.when(s == 0)
    def _():
        pltpu.sync_copy(acc.at[pl.ds(NS * RST, RLEFT)],
                        out_hbm.at[c, pl.ds(NS * RST, RLEFT)])


_deg = pl.kernel(
    _deg_body,
    out_type=jax.ShapeDtypeStruct((NC, N, DEG_W), jnp.float32),
    mesh=_MESH,
    scratch_types=[
        pltpu.VMEM_SHARED((ACC_ROWS, DEG_W), jnp.float32),
        pltpu.VMEM((NK2, CHUNK), jnp.int32),
        pltpu.VMEM((CHUNK, DEG_W), jnp.float32),
        pltpu.SemaphoreType.DMA,
    ],
)


def _combine_body(p_ref, d_ref, o_ref):
    ssum = p_ref[0] + p_ref[1]
    o_ref[...] = ssum / jnp.maximum(d_ref[:, :1], 1.0)


_BR = 1000


def _combine(p, deg):
    return pl.pallas_call(
        _combine_body,
        out_shape=jax.ShapeDtypeStruct((N, D), jnp.float32),
        grid=(N // _BR,),
        in_specs=[
            pl.BlockSpec((NC, _BR, D), lambda j: (0, j, 0)),
            pl.BlockSpec((_BR, DEG_W), lambda j: (j, 0)),
        ],
        out_specs=pl.BlockSpec((_BR, D), lambda j: (j, 0)),
    )(p, deg)


def kernel(user_emb, item_emb, edge_index):
    u = edge_index[0].astype(jnp.int32)
    i = edge_index[1].astype(jnp.int32)
    npad = NKP * CHUNK - E
    pad0 = jnp.zeros((npad,), jnp.int32)
    padd = jnp.full((npad,), N, jnp.int32)
    srcU = jnp.concatenate([u, pad0])
    srcI = jnp.concatenate([i, pad0])
    dstU = jnp.concatenate([u, padd])
    dstI = jnp.concatenate([i, padd])
    zrows = jnp.zeros((RST, D), jnp.float32)
    ones = jnp.ones((CHUNK, DEG_W), jnp.float32)
    degs = _deg(dstU.reshape(NKP, CHUNK), dstI.reshape(NKP, CHUNK),
                ones, zrows)
    du = degs[0]
    di = degs[1]
    h_u, h_i = user_emb, item_emb
    for _ in range(2):
        rst = _combine(_spmv(h_u, srcU, dstI, zrows), di)
        nu = _combine(_spmv(rst, srcI, dstU, zrows), du)
        rs = _combine(_spmv(h_i, srcI, dstU, zrows), du)
        ni = _combine(_spmv(rs, srcU, dstI, zrows), di)
        h_u, h_i = nu, ni
    return jnp.stack([h_u, h_i], axis=0)

# --- scband reference (transcript-rebuilt; emitter-appended) ---
"""Pipeline reference for scband-hgcn-69672959476265 (READ-ONLY COPY).

The authoritative reference and input builder live on the scoring server;
editing this copy changes nothing except your own understanding.
"""

import jax, jax.numpy as jnp
import numpy as np

N_USERS = 10000
N_ITEMS = 10000
E = 320000
D = 128
LAYERS = 2
NORM_2 = -1.0


def setup_inputs(seed: int = 0) -> dict:
    key = jax.random.key(seed)
    k1, k2, k3, k4 = jax.random.split(key, 4)
    # learned parameters (xavier_normal init on nn.Parameter in the torch module)
    std = float(np.sqrt(2.0 / (N_USERS + D)))
    user_emb = jax.random.normal(k1, (N_USERS, D), dtype=jnp.float32) * std
    std_i = float(np.sqrt(2.0 / (N_ITEMS + D)))
    item_emb = jax.random.normal(k2, (N_ITEMS, D), dtype=jnp.float32) * std_i
    # bipartite edge list: row 0 = user (src of 'ui'), row 1 = item (dst of 'ui')
    eu = jax.random.randint(k3, (E,), 0, N_USERS, dtype=jnp.int64)
    ei = jax.random.randint(k4, (E,), 0, N_ITEMS, dtype=jnp.int64)
    edge_index = jnp.stack([eu, ei], axis=0)
    return {"user_emb": user_emb, "item_emb": item_emb, "edge_index": edge_index}


def _hgcn_layer(h_src, src_idx, dst_idx, n_src, n_dst, norm_2):
    # forward direction: copy_u -> sum into dst, then mean-normalize by dst in-degree
    ones = jnp.ones((src_idx.shape[0],), dtype=jnp.float32)
    deg_dst = jnp.maximum(jax.ops.segment_sum(ones, dst_idx, num_segments=n_dst), 1.0)
    rst = jax.ops.segment_sum(jnp.take(h_src, src_idx, axis=0), dst_idx, num_segments=n_dst)
    rst = rst * (deg_dst ** -1.0)[:, None]
    # back direction: scatter rst back to src via reversed edges, normalize by src in-degree^norm_2
    deg_src = jnp.maximum(jax.ops.segment_sum(ones, src_idx, num_segments=n_src), 1.0)
    bsrc = jax.ops.segment_sum(jnp.take(rst, dst_idx, axis=0), src_idx, num_segments=n_src)
    bsrc = bsrc * (deg_src ** norm_2)[:, None]
    return bsrc, rst


def reference(user_emb, item_emb, edge_index):
    u = edge_index[0]
    i = edge_index[1]
    h_user, h_item = user_emb, item_emb
    for _ in range(LAYERS):
        # both updates use the same pre-iteration h (as in torch forward)
        new_user, _ = _hgcn_layer(h_user, u, i, N_USERS, N_ITEMS, NORM_2)  # ('user','ui','item') fwd, ('item','iu','user') back
        new_item, _ = _hgcn_layer(h_item, i, u, N_ITEMS, N_USERS, NORM_2)  # ('item','iu','user') fwd, ('user','ui','item') back
        h_user, h_item = new_user, new_item
    # pack dict output {'user': h_user, 'item': h_item} as a stacked array [2, N, D]
    return jnp.stack([h_user, h_item], axis=0)

if __name__ == "__main__":
    import jax
    _d = setup_inputs()
    print(jax.jit(kernel)(*tuple(_d.values())))

</pallas_src>

<mosaic_0001>
#map = affine_map<(d0, d1) -> (0, 0)>
#map1 = affine_map<(d0, d1) -> (0)>
#map2 = affine_map<(d0, d1) -> (0, 0, 0)>
module attributes {stable_mosaic.version = 14 : i64} {
  func.func @_spmv_body(%arg0: i32, %arg1: i32, %arg2: memref<10000x128xf32, #tpu.memory_space<hbm>>, %arg3: memref<327680xi32, #tpu.memory_space<hbm>>, %arg4: memref<327680xi32, #tpu.memory_space<hbm>>, %arg5: memref<624x128xf32, #tpu.memory_space<hbm>>, %arg6: memref<2x10000x128xf32, #tpu.memory_space<hbm>>, %arg7: memref<10008x128xf32, #tpu.memory_space<vmem_shared>>, %arg8: memref<128xi32, #tpu.memory_space<vmem>>, %arg9: memref<128xi32, #tpu.memory_space<vmem>>, %arg10: memref<128xi32, #tpu.memory_space<vmem>>, %arg11: memref<128xi32, #tpu.memory_space<vmem>>, %arg12: memref<128x128xf32, #tpu.memory_space<vmem>>, %arg13: memref<!tpu.dma_semaphore, #tpu.memory_space<semaphore_mem>>, %arg14: memref<!tpu.dma_semaphore, #tpu.memory_space<semaphore_mem>>, %arg15: memref<!tpu.dma_semaphore, #tpu.memory_space<semaphore_mem>>, %arg16: memref<!tpu.dma_semaphore, #tpu.memory_space<semaphore_mem>>) attributes {dimension_semantics = [#tpu.dimension_semantics<core_parallel>, #tpu.dimension_semantics<subcore_parallel>], iteration_bounds = array<i64: 2, 16>, scalar_prefetch = 0 : i64, scratch_operands = 10 : i64, tpu.core_type = #tpu.core_type<sc_vector_subcore>, window_params = [{transform_indices = #map}, {transform_indices = #map1}, {transform_indices = #map1}, {transform_indices = #map}, {transform_indices = #map2}]} {
    %mul3A = arith.constant 2 : i32
    %mul3A_0 = arith.muli %arg1, %mul3A : i32
    %add3A = arith.addi %mul3A_0, %arg0 : i32
    %mul3A_1 = arith.constant 624 : i32
    %mul3A_2 = arith.muli %arg1, %mul3A_1 : i32
    "tpu.region"() ({
      %run_scoped3A = tpu.sem_alloc : memref<!tpu.dma_semaphore, #tpu.memory_space<semaphore_mem>>
      %dma_start3A = arith.constant 0 : i32
      %dma_start3A_20 = tpu.memref_slice %arg7[%mul3A_2, %dma_start3A] : memref<10008x128xf32, #tpu.memory_space<vmem_shared>> -> memref<624x128xf32, #tpu.memory_space<vmem_shared>>
      %dma_start3A_21 = arith.constant 0 : i32
      %dma_start3A_22 = arith.constant 0 : i32
      %dma_start3A_23 = tpu.memref_slice %arg5[%dma_start3A_21, %dma_start3A_22] : memref<624x128xf32, #tpu.memory_space<hbm>> -> memref<624x128xf32, #tpu.memory_space<hbm>>
      tpu.enqueue_dma source(%dma_start3A_23 : memref<624x128xf32, #tpu.memory_space<hbm>>) target(%dma_start3A_20 : memref<624x128xf32, #tpu.memory_space<vmem_shared>>) target_semaphore(%run_scoped3A : memref<!tpu.dma_semaphore, #tpu.memory_space<semaphore_mem>>)
      %dma_wait3A = arith.constant 0 : i32
      %dma_wait3A_24 = tpu.memref_slice %arg7[%mul3A_2, %dma_wait3A] : memref<10008x128xf32, #tpu.memory_space<vmem_shared>> -> memref<624x128xf32, #tpu.memory_space<vmem_shared>>
      %dma_wait3A_25 = arith.constant 0 : i32
      %dma_wait3A_26 = arith.constant 0 : i32
      %dma_wait3A_27 = tpu.memref_slice %arg5[%dma_wait3A_25, %dma_wait3A_26] : memref<624x128xf32, #tpu.memory_space<hbm>> -> memref<624x128xf32, #tpu.memory_space<hbm>>
      tpu.wait_dma2 semaphore(%run_scoped3A : memref<!tpu.dma_semaphore, #tpu.memory_space<semaphore_mem>>) src(%dma_wait3A_27 : memref<624x128xf32, #tpu.memory_space<hbm>>) dst(%dma_wait3A_24 : memref<624x128xf32, #tpu.memory_space<vmem_shared>>)
      tpu.yield
    }) : () -> ()
    %eq3A = arith.constant 0 : i32
    %eq3A_3 = arith.cmpi eq, %arg1, %eq3A : i32
    %convert_element_type3A = arith.extui %eq3A_3 : i1 to i32
    %cond3A = arith.constant 0 : i32
    %cond3A_4 = arith.cmpi ne, %convert_element_type3A, %cond3A : i32
    scf.if %cond3A_4 {
      "tpu.region"() ({
        %run_scoped3A = tpu.sem_alloc : memref<!tpu.dma_semaphore, #tpu.memory_space<semaphore_mem>>
        %dma_start3A = arith.constant 9984 : i32
        %dma_start3A_20 = arith.constant 0 : i32
        %dma_start3A_21 = tpu.memref_slice %arg7[%dma_start3A, %dma_start3A_20] : memref<10008x128xf32, #tpu.memory_space<vmem_shared>> -> memref<16x128xf32, #tpu.memory_space<vmem_shared>>
        %dma_start3A_22 = arith.constant 0 : i32
        %dma_start3A_23 = arith.constant 0 : i32
        %dma_start3A_24 = tpu.memref_slice %arg5[%dma_start3A_22, %dma_start3A_23] : memref<624x128xf32, #tpu.memory_space<hbm>> -> memref<16x128xf32, #tpu.memory_space<hbm>>
        tpu.enqueue_dma source(%dma_start3A_24 : memref<16x128xf32, #tpu.memory_space<hbm>>) target(%dma_start3A_21 : memref<16x128xf32, #tpu.memory_space<vmem_shared>>) target_semaphore(%run_scoped3A : memref<!tpu.dma_semaphore, #tpu.memory_space<semaphore_mem>>)
        %dma_wait3A = arith.constant 9984 : i32
        %dma_wait3A_25 = arith.constant 0 : i32
        %dma_wait3A_26 = tpu.memref_slice %arg7[%dma_wait3A, %dma_wait3A_25] : memref<10008x128xf32, #tpu.memory_space<vmem_shared>> -> memref<16x128xf32, #tpu.memory_space<vmem_shared>>
        %dma_wait3A_27 = arith.constant 0 : i32
        %dma_wait3A_28 = arith.constant 0 : i32
        %dma_wait3A_29 = tpu.memref_slice %arg5[%dma_wait3A_27, %dma_wait3A_28] : memref<624x128xf32, #tpu.memory_space<hbm>> -> memref<16x128xf32, #tpu.memory_space<hbm>>
        tpu.wait_dma2 semaphore(%run_scoped3A : memref<!tpu.dma_semaphore, #tpu.memory_space<semaphore_mem>>) src(%dma_wait3A_29 : memref<16x128xf32, #tpu.memory_space<hbm>>) dst(%dma_wait3A_26 : memref<16x128xf32, #tpu.memory_space<vmem_shared>>)
        tpu.yield
      }) : () -> ()
    } else {
    }
    %barrier3A = arith.constant 0 : index
    tpu.barrier barrier_id(%barrier3A)
    %mul3A_5 = arith.constant 80 : i32
    %mul3A_6 = arith.muli %add3A, %mul3A_5 : i32
    %mul3A_7 = arith.constant 128 : i32
    %mul3A_8 = arith.muli %mul3A_6, %mul3A_7 : i32
    %scan3A = arith.constant 0 : i32
    %scan3A_9 = arith.constant 0 : i32
    %scan3A_10 = arith.constant 40 : i32
    %scan3A_11 = arith.addi %scan3A_9, %scan3A_10 : i32
    %scan3A_12 = arith.constant 1 : i32
    scf.for %scan3A_20 = %scan3A_9 to %scan3A_11 step %scan3A_12  : i32 {
      %mul3A_21 = arith.constant 2 : i32
      %mul3A_22 = arith.muli %mul3A_21, %scan3A_20 : i32
      %mul3A_23 = arith.constant 128 : i32
      %mul3A_24 = arith.muli %mul3A_22, %mul3A_23 : i32
      %add3A_25 = arith.addi %mul3A_8, %mul3A_24 : i32
      %add3A_26 = arith.constant 128 : i32
      %add3A_27 = arith.addi %add3A_25, %add3A_26 : i32
      %dma_start3A = tpu.memref_slice %arg3[%add3A_25] : memref<327680xi32, #tpu.memory_space<hbm>> -> memref<128xi32, #tpu.memory_space<hbm>>
      %dma_start3A_28 = tpu.memref_slice %arg3[%add3A_25] : memref<327680xi32, #tpu.memory_space<hbm>> -> memref<128xi32, #tpu.memory_space<hbm>>
      tpu.enqueue_dma source(%dma_start3A_28 : memref<128xi32, #tpu.memory_space<hbm>>) target(%arg8 : memref<128xi32, #tpu.memory_space<vmem>>) target_semaphore(%arg14 : memref<!tpu.dma_semaphore, #tpu.memory_space<semaphore_mem>>)
      %dma_start3A_29 = tpu.memref_slice %arg4[%add3A_25] : memref<327680xi32, #tpu.memory_space<hbm>> -> memref<128xi32, #tpu.memory_space<hbm>>
      %dma_start3A_30 = tpu.memref_slice %arg4[%add3A_25] : memref<327680xi32, #tpu.memory_space<hbm>> -> memref<128xi32, #tpu.memory_space<hbm>>
      tpu.enqueue_dma source(%dma_start3A_30 : memref<128xi32, #tpu.memory_space<hbm>>) target(%arg9 : memref<128xi32, #tpu.memory_space<vmem>>) target_semaphore(%arg15 : memref<!tpu.dma_semaphore, #tpu.memory_space<semaphore_mem>>)
      %dma_start3A_31 = tpu.memref_slice %arg3[%add3A_27] : memref<327680xi32, #tpu.memory_space<hbm>> -> memref<128xi32, #tpu.memory_space<hbm>>
      %dma_start3A_32 = tpu.memref_slice %arg3[%add3A_27] : memref<327680xi32, #tpu.memory_space<hbm>> -> memref<128xi32, #tpu.memory_space<hbm>>
      tpu.enqueue_dma source(%dma_start3A_32 : memref<128xi32, #tpu.memory_space<hbm>>) target(%arg10 : memref<128xi32, #tpu.memory_space<vmem>>) target_semaphore(%arg16 : memref<!tpu.dma_semaphore, #tpu.memory_space<semaphore_mem>>)
      %dma_start3A_33 = tpu.memref_slice %arg4[%add3A_27] : memref<327680xi32, #tpu.memory_space<hbm>> -> memref<128xi32, #tpu.memory_space<hbm>>
      %dma_start3A_34 = tpu.memref_slice %arg4[%add3A_27] : memref<327680xi32, #tpu.memory_space<hbm>> -> memref<128xi32, #tpu.memory_space<hbm>>
      tpu.enqueue_dma source(%dma_start3A_34 : memref<128xi32, #tpu.memory_space<hbm>>) target(%arg11 : memref<128xi32, #tpu.memory_space<vmem>>) target_semaphore(%arg13 : memref<!tpu.dma_semaphore, #tpu.memory_space<semaphore_mem>>)
      %dma_wait3A = tpu.memref_slice %arg3[%add3A_25] : memref<327680xi32, #tpu.memory_space<hbm>> -> memref<128xi32, #tpu.memory_space<hbm>>
      %dma_wait3A_35 = tpu.memref_slice %arg3[%add3A_25] : memref<327680xi32, #tpu.memory_space<hbm>> -> memref<128xi32, #tpu.memory_space<hbm>>
      tpu.wait_dma2 semaphore(%arg14 : memref<!tpu.dma_semaphore, #tpu.memory_space<semaphore_mem>>) src(%dma_wait3A_35 : memref<128xi32, #tpu.memory_space<hbm>>) dst(%arg8 : memref<128xi32, #tpu.memory_space<vmem>>)
      %dma_wait3A_36 = tpu.memref_slice %arg4[%add3A_25] : memref<327680xi32, #tpu.memory_space<hbm>> -> memref<128xi32, #tpu.memory_space<hbm>>
      %dma_wait3A_37 = tpu.memref_slice %arg4[%add3A_25] : memref<327680xi32, #tpu.memory_space<hbm>> -> memref<128xi32, #tpu.memory_space<hbm>>
      tpu.wait_dma2 semaphore(%arg15 : memref<!tpu.dma_semaphore, #tpu.memory_space<semaphore_mem>>) src(%dma_wait3A_37 : memref<128xi32, #tpu.memory_space<hbm>>) dst(%arg9 : memref<128xi32, #tpu.memory_space<vmem>>)
      %dma_start3A_38 = arith.constant 0 : i32
      %dma_start3A_39 = arith.constant 0 : i32
      %dma_start3A_40 = tpu.memref_slice %arg2[%dma_start3A_38, %dma_start3A_39] : memref<10000x128xf32, #tpu.memory_space<hbm>> -> memref<10000x128xf32, #tpu.memory_space<hbm>>
      tpu.enqueue_indirect_dma source(%dma_start3A_40 : memref<10000x128xf32, #tpu.memory_space<hbm>>) target(%arg12 : memref<128x128xf32, #tpu.memory_space<vmem>>) offsets(%arg8 : memref<128xi32, #tpu.memory_space<vmem>>) semaphore(%arg13 : memref<!tpu.dma_semaphore, #tpu.memory_space<semaphore_mem>>)
      %dma_wait3A_41 = arith.constant 0 : i32
      %dma_wait3A_42 = arith.constant 0 : i32
      %dma_wait3A_43 = tpu.memref_slice %arg2[%dma_wait3A_41, %dma_wait3A_42] : memref<10000x128xf32, #tpu.memory_space<hbm>> -> memref<10000x128xf32, #tpu.memory_space<hbm>>
      tpu.wait_indirect_dma semaphore(%arg13 : memref<!tpu.dma_semaphore, #tpu.memory_space<semaphore_mem>>) src(%dma_wait3A_43 : memref<10000x128xf32, #tpu.memory_space<hbm>>) dst(%arg12 : memref<128x128xf32, #tpu.memory_space<vmem>>)
      "tpu.region"() ({
        %run_scoped3A = tpu.sem_alloc : memref<!tpu.dma_semaphore, #tpu.memory_space<semaphore_mem>>
        %dma_start3A_54 = arith.constant 0 : i32
        %dma_start3A_55 = arith.constant 0 : i32
        %dma_start3A_56 = tpu.memref_slice %arg7[%dma_start3A_54, %dma_start3A_55] : memref<10008x128xf32, #tpu.memory_space<vmem_shared>> -> memref<10008x128xf32, #tpu.memory_space<vmem_shared>>
        tpu.enqueue_indirect_dma source(%arg12 : memref<128x128xf32, #tpu.memory_space<vmem>>) target(%dma_start3A_56 : memref<10008x128xf32, #tpu.memory_space<vmem_shared>>) offsets(%arg9 : memref<128xi32, #tpu.memory_space<vmem>>) semaphore(%run_scoped3A : memref<!tpu.dma_semaphore, #tpu.memory_space<semaphore_mem>>) {add = true}
        %dma_wait3A_57 = arith.constant 0 : i32
        %dma_wait3A_58 = arith.constant 0 : i32
        %dma_wait3A_59 = tpu.memref_slice %arg7[%dma_wait3A_57, %dma_wait3A_58] : memref<10008x128xf32, #tpu.memory_space<vmem_shared>> -> memref<10008x128xf32, #tpu.memory_space<vmem_shared>>
        tpu.wait_indirect_dma semaphore(%run_scoped3A : memref<!tpu.dma_semaphore, #tpu.memory_space<semaphore_mem>>) src(%arg12 : memref<128x128xf32, #tpu.memory_space<vmem>>) dst(%dma_wait3A_59 : memref<10008x128xf32, #tpu.memory_space<vmem_shared>>)
        tpu.yield
      }) : () -> ()
      %dma_wait3A_44 = tpu.memref_slice %arg3[%add3A_27] : memref<327680xi32, #tpu.memory_space<hbm>> -> memref<128xi32, #tpu.memory_space<hbm>>
      %dma_wait3A_45 = tpu.memref_slice %arg3[%add3A_27] : memref<327680xi32, #tpu.memory_space<hbm>> -> memref<128xi32, #tpu.memory_space<hbm>>
      tpu.wait_dma2 semaphore(%arg16 : memref<!tpu.dma_semaphore, #tpu.memory_space<semaphore_mem>>) src(%dma_wait3A_45 : memref<128xi32, #tpu.memory_space<hbm>>) dst(%arg10 : memref<128xi32, #tpu.memory_space<vmem>>)
      %dma_wait3A_46 = tpu.memref_slice %arg4[%add3A_27] : memref<327680xi32, #tpu.memory_space<hbm>> -> memref<128xi32, #tpu.memory_space<hbm>>
      %dma_wait3A_47 = tpu.memref_slice %arg4[%add3A_27] : memref<327680xi32, #tpu.memory_space<hbm>> -> memref<128xi32, #tpu.memory_space<hbm>>
      tpu.wait_dma2 semaphore(%arg13 : memref<!tpu.dma_semaphore, #tpu.memory_space<semaphore_mem>>) src(%dma_wait3A_47 : memref<128xi32, #tpu.memory_space<hbm>>) dst(%arg11 : memref<128xi32, #tpu.memory_space<vmem>>)
      %dma_start3A_48 = arith.constant 0 : i32
      %dma_start3A_49 = arith.constant 0 : i32
      %dma_start3A_50 = tpu.memref_slice %arg2[%dma_start3A_48, %dma_start3A_49] : memref<10000x128xf32, #tpu.memory_space<hbm>> -> memref<10000x128xf32, #tpu.memory_space<hbm>>
      tpu.enqueue_indirect_dma source(%dma_start3A_50 : memref<10000x128xf32, #tpu.memory_space<hbm>>) target(%arg12 : memref<128x128xf32, #tpu.memory_space<vmem>>) offsets(%arg10 : memref<128xi32, #tpu.memory_space<vmem>>) semaphore(%arg13 : memref<!tpu.dma_semaphore, #tpu.memory_space<semaphore_mem>>)
      %dma_wait3A_51 = arith.constant 0 : i32
      %dma_wait3A_52 = arith.constant 0 : i32
      %dma_wait3A_53 = tpu.memref_slice %arg2[%dma_wait3A_51, %dma_wait3A_52] : memref<10000x128xf32, #tpu.memory_space<hbm>> -> memref<10000x128xf32, #tpu.memory_space<hbm>>
      tpu.wait_indirect_dma semaphore(%arg13 : memref<!tpu.dma_semaphore, #tpu.memory_space<semaphore_mem>>) src(%dma_wait3A_53 : memref<10000x128xf32, #tpu.memory_space<hbm>>) dst(%arg12 : memref<128x128xf32, #tpu.memory_space<vmem>>)
      "tpu.region"() ({
        %run_scoped3A = tpu.sem_alloc : memref<!tpu.dma_semaphore, #tpu.memory_space<semaphore_mem>>
        %dma_start3A_54 = arith.constant 0 : i32
        %dma_start3A_55 = arith.constant 0 : i32
        %dma_start3A_56 = tpu.memref_slice %arg7[%dma_start3A_54, %dma_start3A_55] : memref<10008x128xf32, #tpu.memory_space<vmem_shared>> -> memref<10008x128xf32, #tpu.memory_space<vmem_shared>>
        tpu.enqueue_indirect_dma source(%arg12 : memref<128x128xf32, #tpu.memory_space<vmem>>) target(%dma_start3A_56 : memref<10008x128xf32, #tpu.memory_space<vmem_shared>>) offsets(%arg11 : memref<128xi32, #tpu.memory_space<vmem>>) semaphore(%run_scoped3A : memref<!tpu.dma_semaphore, #tpu.memory_space<semaphore_mem>>) {add = true}
        %dma_wait3A_57 = arith.constant 0 : i32
        %dma_wait3A_58 = arith.constant 0 : i32
        %dma_wait3A_59 = tpu.memref_slice %arg7[%dma_wait3A_57, %dma_wait3A_58] : memref<10008x128xf32, #tpu.memory_space<vmem_shared>> -> memref<10008x128xf32, #tpu.memory_space<vmem_shared>>
        tpu.wait_indirect_dma semaphore(%run_scoped3A : memref<!tpu.dma_semaphore, #tpu.memory_space<semaphore_mem>>) src(%arg12 : memref<128x128xf32, #tpu.memory_space<vmem>>) dst(%dma_wait3A_59 : memref<10008x128xf32, #tpu.memory_space<vmem_shared>>)
        tpu.yield
      }) : () -> ()
    }
    %scan3A_13 = arith.constant 40 : i32
    %barrier3A_14 = arith.constant 0 : index
    tpu.barrier barrier_id(%barrier3A_14)
    "tpu.region"() ({
      %run_scoped3A = tpu.sem_alloc : memref<!tpu.dma_semaphore, #tpu.memory_space<semaphore_mem>>
      %dma_start3A = arith.constant 0 : i32
      %dma_start3A_20 = tpu.memref_slice %arg6[%arg0, %mul3A_2, %dma_start3A] : memref<2x10000x128xf32, #tpu.memory_space<hbm>> -> memref<1x624x128xf32, #tpu.memory_space<hbm>>
      %dma_start3A_21 = tpu.memref_squeeze %dma_start3A_20 : memref<1x624x128xf32, #tpu.memory_space<hbm>> -> memref<624x128xf32, #tpu.memory_space<hbm>>
      %dma_start3A_22 = arith.constant 0 : i32
      %dma_start3A_23 = tpu.memref_slice %arg7[%mul3A_2, %dma_start3A_22] : memref<10008x128xf32, #tpu.memory_space<vmem_shared>> -> memref<624x128xf32, #tpu.memory_space<vmem_shared>>
      tpu.enqueue_dma source(%dma_start3A_23 : memref<624x128xf32, #tpu.memory_space<vmem_shared>>) target(%dma_start3A_21 : memref<624x128xf32, #tpu.memory_space<hbm>>) target_semaphore(%run_scoped3A : memref<!tpu.dma_semaphore, #tpu.memory_space<semaphore_mem>>)
      %dma_wait3A = arith.constant 0 : i32
      %dma_wait3A_24 = tpu.memref_slice %arg6[%arg0, %mul3A_2, %dma_wait3A] : memref<2x10000x128xf32, #tpu.memory_space<hbm>> -> memref<1x624x128xf32, #tpu.memory_space<hbm>>
      %dma_wait3A_25 = tpu.memref_squeeze %dma_wait3A_24 : memref<1x624x128xf32, #tpu.memory_space<hbm>> -> memref<624x128xf32, #tpu.memory_space<hbm>>
      %dma_wait3A_26 = arith.constant 0 : i32
      %dma_wait3A_27 = tpu.memref_slice %arg7[%mul3A_2, %dma_wait3A_26] : memref<10008x128xf32, #tpu.memory_space<vmem_shared>> -> memref<624x128xf32, #tpu.memory_space<vmem_shared>>
      tpu.wait_dma2 semaphore(%run_scoped3A : memref<!tpu.dma_semaphore, #tpu.memory_space<semaphore_mem>>) src(%dma_wait3A_27 : memref<624x128xf32, #tpu.memory_space<vmem_shared>>) dst(%dma_wait3A_25 : memref<624x128xf32, #tpu.memory_space<hbm>>)
      tpu.yield
    }) : () -> ()
    %eq3A_15 = arith.constant 0 : i32
    %eq3A_16 = arith.cmpi eq, %arg1, %eq3A_15 : i32
    %convert_element_type3A_17 = arith.extui %eq3A_16 : i1 to i32
    %cond3A_18 = arith.constant 0 : i32
    %cond3A_19 = arith.cmpi ne, %convert_element_type3A_17, %cond3A_18 : i32
    scf.if %cond3A_19 {
      "tpu.region"() ({
        %run_scoped3A = tpu.sem_alloc : memref<!tpu.dma_semaphore, #tpu.memory_space<semaphore_mem>>
        %dma_start3A = arith.constant 9984 : i32
        %dma_start3A_20 = arith.constant 0 : i32
        %dma_start3A_21 = tpu.memref_slice %arg6[%arg0, %dma_start3A, %dma_start3A_20] : memref<2x10000x128xf32, #tpu.memory_space<hbm>> -> memref<1x16x128xf32, #tpu.memory_space<hbm>>
        %dma_start3A_22 = tpu.memref_squeeze %dma_start3A_21 : memref<1x16x128xf32, #tpu.memory_space<hbm>> -> memref<16x128xf32, #tpu.memory_space<hbm>>
        %dma_start3A_23 = arith.constant 9984 : i32
        %dma_start3A_24 = arith.constant 0 : i32
        %dma_start3A_25 = tpu.memref_slice %arg7[%dma_start3A_23, %dma_start3A_24] : memref<10008x128xf32, #tpu.memory_space<vmem_shared>> -> memref<16x128xf32, #tpu.memory_space<vmem_shared>>
        tpu.enqueue_dma source(%dma_start3A_25 : memref<16x128xf32, #tpu.memory_space<vmem_shared>>) target(%dma_start3A_22 : memref<16x128xf32, #tpu.memory_space<hbm>>) target_semaphore(%run_scoped3A : memref<!tpu.dma_semaphore, #tpu.memory_space<semaphore_mem>>)
        %dma_wait3A = arith.constant 9984 : i32
        %dma_wait3A_26 = arith.constant 0 : i32
        %dma_wait3A_27 = tpu.memref_slice %arg6[%arg0, %dma_wait3A, %dma_wait3A_26] : memref<2x10000x128xf32, #tpu.memory_space<hbm>> -> memref<1x16x128xf32, #tpu.memory_space<hbm>>
        %dma_wait3A_28 = tpu.memref_squeeze %dma_wait3A_27 : memref<1x16x128xf32, #tpu.memory_space<hbm>> -> memref<16x128xf32, #tpu.memory_space<hbm>>
        %dma_wait3A_29 = arith.constant 9984 : i32
        %dma_wait3A_30 = arith.constant 0 : i32
        %dma_wait3A_31 = tpu.memref_slice %arg7[%dma_wait3A_29, %dma_wait3A_30] : memref<10008x128xf32, #tpu.memory_space<vmem_shared>> -> memref<16x128xf32, #tpu.memory_space<vmem_shared>>
        tpu.wait_dma2 semaphore(%run_scoped3A : memref<!tpu.dma_semaphore, #tpu.memory_space<semaphore_mem>>) src(%dma_wait3A_31 : memref<16x128xf32, #tpu.memory_space<vmem_shared>>) dst(%dma_wait3A_28 : memref<16x128xf32, #tpu.memory_space<hbm>>)
        tpu.yield
      }) : () -> ()
    } else {
    }
    return
  }
}

#map = affine_map<(d0, d1) -> (0, 0)>
#map1 = affine_map<(d0, d1) -> (0, 0, 0)>
module attributes {stable_mosaic.version = 14 : i64} {
  func.func @_deg_body(%arg0: i32, %arg1: i32, %arg2: memref<2560x128xi32, #tpu.memory_space<hbm>>, %arg3: memref<2560x128xi32, #tpu.memory_space<hbm>>, %arg4: memref<128x128xf32, #tpu.memory_space<hbm>>, %arg5: memref<624x128xf32, #tpu.memory_space<hbm>>, %arg6: memref<2x10000x128xf32, #tpu.memory_space<hbm>>, %arg7: memref<10008x128xf32, #tpu.memory_space<vmem_shared>>, %arg8: memref<160x128xi32, #tpu.memory_space<vmem>>, %arg9: memref<128x128xf32, #tpu.memory_space<vmem>>, %arg10: memref<!tpu.dma_semaphore, #tpu.memory_space<semaphore_mem>>) attributes {dimension_semantics = [#tpu.dimension_semantics<core_parallel>, #tpu.dimension_semantics<subcore_parallel>], iteration_bounds = array<i64: 2, 16>, scalar_prefetch = 0 : i64, scratch_operands = 4 : i64, tpu.core_type = #tpu.core_type<sc_vector_subcore>, window_params = [{transform_indices = #map}, {transform_indices = #map}, {transform_indices = #map}, {transform_indices = #map}, {transform_indices = #map1}]} {
    %mul3A = arith.constant 624 : i32
    %mul3A_0 = arith.muli %arg1, %mul3A : i32
    %eq3A = arith.constant 0 : i32
    %eq3A_1 = arith.cmpi eq, %arg0, %eq3A : i32
    %convert_element_type3A = arith.extui %eq3A_1 : i1 to i32
    %cond3A = arith.constant 0 : i32
    %cond3A_2 = arith.cmpi ne, %convert_element_type3A, %cond3A : i32
    scf.if %cond3A_2 {
      %mul3A_30 = arith.constant 160 : i32
      %mul3A_31 = arith.muli %arg1, %mul3A_30 : i32
      "tpu.region"() ({
        %run_scoped3A = tpu.sem_alloc : memref<!tpu.dma_semaphore, #tpu.memory_space<semaphore_mem>>
        %dma_start3A = arith.constant 0 : i32
        %dma_start3A_32 = tpu.memref_slice %arg2[%mul3A_31, %dma_start3A] : memref<2560x128xi32, #tpu.memory_space<hbm>> -> memref<160x128xi32, #tpu.memory_space<hbm>>
        %dma_start3A_33 = arith.constant 0 : i32
        %dma_start3A_34 = tpu.memref_slice %arg2[%mul3A_31, %dma_start3A_33] : memref<2560x128xi32, #tpu.memory_space<hbm>> -> memref<160x128xi32, #tpu.memory_space<hbm>>
        tpu.enqueue_dma source(%dma_start3A_34 : memref<160x128xi32, #tpu.memory_space<hbm>>) target(%arg8 : memref<160x128xi32, #tpu.memory_space<vmem>>) target_semaphore(%run_scoped3A : memref<!tpu.dma_semaphore, #tpu.memory_space<semaphore_mem>>)
        %dma_wait3A = arith.constant 0 : i32
        %dma_wait3A_35 = tpu.memref_slice %arg2[%mul3A_31, %dma_wait3A] : memref<2560x128xi32, #tpu.memory_space<hbm>> -> memref<160x128xi32, #tpu.memory_space<hbm>>
        %dma_wait3A_36 = arith.constant 0 : i32
        %dma_wait3A_37 = tpu.memref_slice %arg2[%mul3A_31, %dma_wait3A_36] : memref<2560x128xi32, #tpu.memory_space<hbm>> -> memref<160x128xi32, #tpu.memory_space<hbm>>
        tpu.wait_dma2 semaphore(%run_scoped3A : memref<!tpu.dma_semaphore, #tpu.memory_space<semaphore_mem>>) src(%dma_wait3A_37 : memref<160x128xi32, #tpu.memory_space<hbm>>) dst(%arg8 : memref<160x128xi32, #tpu.memory_space<vmem>>)
        tpu.yield
      }) : () -> ()
    } else {
    }
    %eq3A_3 = arith.constant 1 : i32
    %eq3A_4 = arith.cmpi eq, %arg0, %eq3A_3 : i32
    %convert_element_type3A_5 = arith.extui %eq3A_4 : i1 to i32
    %cond3A_6 = arith.constant 0 : i32
    %cond3A_7 = arith.cmpi ne, %convert_element_type3A_5, %cond3A_6 : i32
    scf.if %cond3A_7 {
      %mul3A_30 = arith.constant 160 : i32
      %mul3A_31 = arith.muli %arg1, %mul3A_30 : i32
      "tpu.region"() ({
        %run_scoped3A = tpu.sem_alloc : memref<!tpu.dma_semaphore, #tpu.memory_space<semaphore_mem>>
        %dma_start3A = arith.constant 0 : i32
        %dma_start3A_32 = tpu.memref_slice %arg3[%mul3A_31, %dma_start3A] : memref<2560x128xi32, #tpu.memory_space<hbm>> -> memref<160x128xi32, #tpu.memory_space<hbm>>
        %dma_start3A_33 = arith.constant 0 : i32
        %dma_start3A_34 = tpu.memref_slice %arg3[%mul3A_31, %dma_start3A_33] : memref<2560x128xi32, #tpu.memory_space<hbm>> -> memref<160x128xi32, #tpu.memory_space<hbm>>
        tpu.enqueue_dma source(%dma_start3A_34 : memref<160x128xi32, #tpu.memory_space<hbm>>) target(%arg8 : memref<160x128xi32, #tpu.memory_space<vmem>>) target_semaphore(%run_scoped3A : memref<!tpu.dma_semaphore, #tpu.memory_space<semaphore_mem>>)
        %dma_wait3A = arith.constant 0 : i32
        %dma_wait3A_35 = tpu.memref_slice %arg3[%mul3A_31, %dma_wait3A] : memref<2560x128xi32, #tpu.memory_space<hbm>> -> memref<160x128xi32, #tpu.memory_space<hbm>>
        %dma_wait3A_36 = arith.constant 0 : i32
        %dma_wait3A_37 = tpu.memref_slice %arg3[%mul3A_31, %dma_wait3A_36] : memref<2560x128xi32, #tpu.memory_space<hbm>> -> memref<160x128xi32, #tpu.memory_space<hbm>>
        tpu.wait_dma2 semaphore(%run_scoped3A : memref<!tpu.dma_semaphore, #tpu.memory_space<semaphore_mem>>) src(%dma_wait3A_37 : memref<160x128xi32, #tpu.memory_space<hbm>>) dst(%arg8 : memref<160x128xi32, #tpu.memory_space<vmem>>)
        tpu.yield
      }) : () -> ()
    } else {
    }
    "tpu.region"() ({
      %run_scoped3A = tpu.sem_alloc : memref<!tpu.dma_semaphore, #tpu.memory_space<semaphore_mem>>
      tpu.enqueue_dma source(%arg4 : memref<128x128xf32, #tpu.memory_space<hbm>>) target(%arg9 : memref<128x128xf32, #tpu.memory_space<vmem>>) target_semaphore(%run_scoped3A : memref<!tpu.dma_semaphore, #tpu.memory_space<semaphore_mem>>)
      tpu.wait_dma2 semaphore(%run_scoped3A : memref<!tpu.dma_semaphore, #tpu.memory_space<semaphore_mem>>) src(%arg4 : memref<128x128xf32, #tpu.memory_space<hbm>>) dst(%arg9 : memref<128x128xf32, #tpu.memory_space<vmem>>)
      tpu.yield
    }) : () -> ()
    "tpu.region"() ({
      %run_scoped3A = tpu.sem_alloc : memref<!tpu.dma_semaphore, #tpu.memory_space<semaphore_mem>>
      %dma_start3A = arith.constant 0 : i32
      %dma_start3A_30 = tpu.memref_slice %arg7[%mul3A_0, %dma_start3A] : memref<10008x128xf32, #tpu.memory_space<vmem_shared>> -> memref<624x128xf32, #tpu.memory_space<vmem_shared>>
      %dma_start3A_31 = arith.constant 0 : i32
      %dma_start3A_32 = arith.constant 0 : i32
      %dma_start3A_33 = tpu.memref_slice %arg5[%dma_start3A_31, %dma_start3A_32] : memref<624x128xf32, #tpu.memory_space<hbm>> -> memref<624x128xf32, #tpu.memory_space<hbm>>
      tpu.enqueue_dma source(%dma_start3A_33 : memref<624x128xf32, #tpu.memory_space<hbm>>) target(%dma_start3A_30 : memref<624x128xf32, #tpu.memory_space<vmem_shared>>) target_semaphore(%run_scoped3A : memref<!tpu.dma_semaphore, #tpu.memory_space<semaphore_mem>>)
      %dma_wait3A = arith.constant 0 : i32
      %dma_wait3A_34 = tpu.memref_slice %arg7[%mul3A_0, %dma_wait3A] : memref<10008x128xf32, #tpu.memory_space<vmem_shared>> -> memref<624x128xf32, #tpu.memory_space<vmem_shared>>
      %dma_wait3A_35 = arith.constant 0 : i32
      %dma_wait3A_36 = arith.constant 0 : i32
      %dma_wait3A_37 = tpu.memref_slice %arg5[%dma_wait3A_35, %dma_wait3A_36] : memref<624x128xf32, #tpu.memory_space<hbm>> -> memref<624x128xf32, #tpu.memory_space<hbm>>
      tpu.wait_dma2 semaphore(%run_scoped3A : memref<!tpu.dma_semaphore, #tpu.memory_space<semaphore_mem>>) src(%dma_wait3A_37 : memref<624x128xf32, #tpu.memory_space<hbm>>) dst(%dma_wait3A_34 : memref<624x128xf32, #tpu.memory_space<vmem_shared>>)
      tpu.yield
    }) : () -> ()
    %eq3A_8 = arith.constant 0 : i32
    %eq3A_9 = arith.cmpi eq, %arg1, %eq3A_8 : i32
    %convert_element_type3A_10 = arith.extui %eq3A_9 : i1 to i32
    %cond3A_11 = arith.constant 0 : i32
    %cond3A_12 = arith.cmpi ne, %convert_element_type3A_10, %cond3A_11 : i32
    scf.if %cond3A_12 {
      "tpu.region"() ({
        %run_scoped3A = tpu.sem_alloc : memref<!tpu.dma_semaphore, #tpu.memory_space<semaphore_mem>>
        %dma_start3A = arith.constant 9984 : i32
        %dma_start3A_30 = arith.constant 0 : i32
        %dma_start3A_31 = tpu.memref_slice %arg7[%dma_start3A, %dma_start3A_30] : memref<10008x128xf32, #tpu.memory_space<vmem_shared>> -> memref<16x128xf32, #tpu.memory_space<vmem_shared>>
        %dma_start3A_32 = arith.constant 0 : i32
        %dma_start3A_33 = arith.constant 0 : i32
        %dma_start3A_34 = tpu.memref_slice %arg5[%dma_start3A_32, %dma_start3A_33] : memref<624x128xf32, #tpu.memory_space<hbm>> -> memref<16x128xf32, #tpu.memory_space<hbm>>
        tpu.enqueue_dma source(%dma_start3A_34 : memref<16x128xf32, #tpu.memory_space<hbm>>) target(%dma_start3A_31 : memref<16x128xf32, #tpu.memory_space<vmem_shared>>) target_semaphore(%run_scoped3A : memref<!tpu.dma_semaphore, #tpu.memory_space<semaphore_mem>>)
        %dma_wait3A = arith.constant 9984 : i32
        %dma_wait3A_35 = arith.constant 0 : i32
        %dma_wait3A_36 = tpu.memref_slice %arg7[%dma_wait3A, %dma_wait3A_35] : memref<10008x128xf32, #tpu.memory_space<vmem_shared>> -> memref<16x128xf32, #tpu.memory_space<vmem_shared>>
        %dma_wait3A_37 = arith.constant 0 : i32
        %dma_wait3A_38 = arith.constant 0 : i32
        %dma_wait3A_39 = tpu.memref_slice %arg5[%dma_wait3A_37, %dma_wait3A_38] : memref<624x128xf32, #tpu.memory_space<hbm>> -> memref<16x128xf32, #tpu.memory_space<hbm>>
        tpu.wait_dma2 semaphore(%run_scoped3A : memref<!tpu.dma_semaphore, #tpu.memory_space<semaphore_mem>>) src(%dma_wait3A_39 : memref<16x128xf32, #tpu.memory_space<hbm>>) dst(%dma_wait3A_36 : memref<16x128xf32, #tpu.memory_space<vmem_shared>>)
        tpu.yield
      }) : () -> ()
    } else {
    }
    %barrier3A = arith.constant 0 : index
    tpu.barrier barrier_id(%barrier3A)
    %scan3A = arith.constant 0 : i32
    %scan3A_13 = arith.constant 0 : i32
    %scan3A_14 = arith.constant 160 : i32
    %scan3A_15 = arith.addi %scan3A_13, %scan3A_14 : i32
    %scan3A_16 = arith.constant 1 : i32
    scf.for %scan3A_30 = %scan3A_13 to %scan3A_15 step %scan3A_16  : i32 {
      %dma_start3A = arith.constant 0 : i32
      %dma_start3A_31 = tpu.memref_slice %arg8[%scan3A_30, %dma_start3A] : memref<160x128xi32, #tpu.memory_space<vmem>> -> memref<1x128xi32, #tpu.memory_space<vmem>>
      %dma_start3A_32 = tpu.memref_squeeze %dma_start3A_31 : memref<1x128xi32, #tpu.memory_space<vmem>> -> memref<128xi32, #tpu.memory_space<vmem>>
      %dma_start3A_33 = arith.constant 0 : i32
      %dma_start3A_34 = arith.constant 0 : i32
      %dma_start3A_35 = tpu.memref_slice %arg7[%dma_start3A_33, %dma_start3A_34] : memref<10008x128xf32, #tpu.memory_space<vmem_shared>> -> memref<10008x128xf32, #tpu.memory_space<vmem_shared>>
      tpu.enqueue_indirect_dma source(%arg9 : memref<128x128xf32, #tpu.memory_space<vmem>>) target(%dma_start3A_35 : memref<10008x128xf32, #tpu.memory_space<vmem_shared>>) offsets(%dma_start3A_32 : memref<128xi32, #tpu.memory_space<vmem>>) semaphore(%arg10 : memref<!tpu.dma_semaphore, #tpu.memory_space<semaphore_mem>>) {add = true}
    }
    %scan3A_17 = arith.constant 160 : i32
    %scan3A_18 = arith.constant 0 : i32
    %scan3A_19 = arith.constant 0 : i32
    %scan3A_20 = arith.constant 160 : i32
    %scan3A_21 = arith.addi %scan3A_19, %scan3A_20 : i32
    %scan3A_22 = arith.constant 1 : i32
    scf.for %scan3A_30 = %scan3A_19 to %scan3A_21 step %scan3A_22  : i32 {
      %dma_wait3A = arith.constant 0 : i32
      %dma_wait3A_31 = arith.constant 0 : i32
      %dma_wait3A_32 = tpu.memref_slice %arg8[%dma_wait3A, %dma_wait3A_31] : memref<160x128xi32, #tpu.memory_space<vmem>> -> memref<1x128xi32, #tpu.memory_space<vmem>>
      %dma_wait3A_33 = tpu.memref_squeeze %dma_wait3A_32 : memref<1x128xi32, #tpu.memory_space<vmem>> -> memref<128xi32, #tpu.memory_space<vmem>>
      %dma_wait3A_34 = arith.constant 0 : i32
      %dma_wait3A_35 = arith.constant 0 : i32
      %dma_wait3A_36 = tpu.memref_slice %arg7[%dma_wait3A_34, %dma_wait3A_35] : memref<10008x128xf32, #tpu.memory_space<vmem_shared>> -> memref<10008x128xf32, #tpu.memory_space<vmem_shared>>
      tpu.wait_indirect_dma semaphore(%arg10 : memref<!tpu.dma_semaphore, #tpu.memory_space<semaphore_mem>>) src(%arg9 : memref<128x128xf32, #tpu.memory_space<vmem>>) dst(%dma_wait3A_36 : memref<10008x128xf32, #tpu.memory_space<vmem_shared>>)
    }
    %scan3A_23 = arith.constant 160 : i32
    %barrier3A_24 = arith.constant 0 : index
    tpu.barrier barrier_id(%barrier3A_24)
    "tpu.region"() ({
      %run_scoped3A = tpu.sem_alloc : memref<!tpu.dma_semaphore, #tpu.memory_space<semaphore_mem>>
      %dma_start3A = arith.constant 0 : i32
      %dma_start3A_30 = tpu.memref_slice %arg6[%arg0, %mul3A_0, %dma_start3A] : memref<2x10000x128xf32, #tpu.memory_space<hbm>> -> memref<1x624x128xf32, #tpu.memory_space<hbm>>
      %dma_start3A_31 = tpu.memref_squeeze %dma_start3A_30 : memref<1x624x128xf32, #tpu.memory_space<hbm>> -> memref<624x128xf32, #tpu.memory_space<hbm>>
      %dma_start3A_32 = arith.constant 0 : i32
      %dma_start3A_33 = tpu.memref_slice %arg7[%mul3A_0, %dma_start3A_32] : memref<10008x128xf32, #tpu.memory_space<vmem_shared>> -> memref<624x128xf32, #tpu.memory_space<vmem_shared>>
      tpu.enqueue_dma source(%dma_start3A_33 : memref<624x128xf32, #tpu.memory_space<vmem_shared>>) target(%dma_start3A_31 : memref<624x128xf32, #tpu.memory_space<hbm>>) target_semaphore(%run_scoped3A : memref<!tpu.dma_semaphore, #tpu.memory_space<semaphore_mem>>)
      %dma_wait3A = arith.constant 0 : i32
      %dma_wait3A_34 = tpu.memref_slice %arg6[%arg0, %mul3A_0, %dma_wait3A] : memref<2x10000x128xf32, #tpu.memory_space<hbm>> -> memref<1x624x128xf32, #tpu.memory_space<hbm>>
      %dma_wait3A_35 = tpu.memref_squeeze %dma_wait3A_34 : memref<1x624x128xf32, #tpu.memory_space<hbm>> -> memref<624x128xf32, #tpu.memory_space<hbm>>
      %dma_wait3A_36 = arith.constant 0 : i32
      %dma_wait3A_37 = tpu.memref_slice %arg7[%mul3A_0, %dma_wait3A_36] : memref<10008x128xf32, #tpu.memory_space<vmem_shared>> -> memref<624x128xf32, #tpu.memory_space<vmem_shared>>
      tpu.wait_dma2 semaphore(%run_scoped3A : memref<!tpu.dma_semaphore, #tpu.memory_space<semaphore_mem>>) src(%dma_wait3A_37 : memref<624x128xf32, #tpu.memory_space<vmem_shared>>) dst(%dma_wait3A_35 : memref<624x128xf32, #tpu.memory_space<hbm>>)
      tpu.yield
    }) : () -> ()
    %eq3A_25 = arith.constant 0 : i32
    %eq3A_26 = arith.cmpi eq, %arg1, %eq3A_25 : i32
    %convert_element_type3A_27 = arith.extui %eq3A_26 : i1 to i32
    %cond3A_28 = arith.constant 0 : i32
    %cond3A_29 = arith.cmpi ne, %convert_element_type3A_27, %cond3A_28 : i32
    scf.if %cond3A_29 {
      "tpu.region"() ({
        %run_scoped3A = tpu.sem_alloc : memref<!tpu.dma_semaphore, #tpu.memory_space<semaphore_mem>>
        %dma_start3A = arith.constant 9984 : i32
        %dma_start3A_30 = arith.constant 0 : i32
        %dma_start3A_31 = tpu.memref_slice %arg6[%arg0, %dma_start3A, %dma_start3A_30] : memref<2x10000x128xf32, #tpu.memory_space<hbm>> -> memref<1x16x128xf32, #tpu.memory_space<hbm>>
        %dma_start3A_32 = tpu.memref_squeeze %dma_start3A_31 : memref<1x16x128xf32, #tpu.memory_space<hbm>> -> memref<16x128xf32, #tpu.memory_space<hbm>>
        %dma_start3A_33 = arith.constant 9984 : i32
        %dma_start3A_34 = arith.constant 0 : i32
        %dma_start3A_35 = tpu.memref_slice %arg7[%dma_start3A_33, %dma_start3A_34] : memref<10008x128xf32, #tpu.memory_space<vmem_shared>> -> memref<16x128xf32, #tpu.memory_space<vmem_shared>>
        tpu.enqueue_dma source(%dma_start3A_35 : memref<16x128xf32, #tpu.memory_space<vmem_shared>>) target(%dma_start3A_32 : memref<16x128xf32, #tpu.memory_space<hbm>>) target_semaphore(%run_scoped3A : memref<!tpu.dma_semaphore, #tpu.memory_space<semaphore_mem>>)
        %dma_wait3A = arith.constant 9984 : i32
        %dma_wait3A_36 = arith.constant 0 : i32
        %dma_wait3A_37 = tpu.memref_slice %arg6[%arg0, %dma_wait3A, %dma_wait3A_36] : memref<2x10000x128xf32, #tpu.memory_space<hbm>> -> memref<1x16x128xf32, #tpu.memory_space<hbm>>
        %dma_wait3A_38 = tpu.memref_squeeze %dma_wait3A_37 : memref<1x16x128xf32, #tpu.memory_space<hbm>> -> memref<16x128xf32, #tpu.memory_space<hbm>>
        %dma_wait3A_39 = arith.constant 9984 : i32
        %dma_wait3A_40 = arith.constant 0 : i32
        %dma_wait3A_41 = tpu.memref_slice %arg7[%dma_wait3A_39, %dma_wait3A_40] : memref<10008x128xf32, #tpu.memory_space<vmem_shared>> -> memref<16x128xf32, #tpu.memory_space<vmem_shared>>
        tpu.wait_dma2 semaphore(%run_scoped3A : memref<!tpu.dma_semaphore, #tpu.memory_space<semaphore_mem>>) src(%dma_wait3A_41 : memref<16x128xf32, #tpu.memory_space<vmem_shared>>) dst(%dma_wait3A_38 : memref<16x128xf32, #tpu.memory_space<hbm>>)
        tpu.yield
      }) : () -> ()
    } else {
    }
    return
  }
}

#map = affine_map<(d0, d1) -> (0, 0)>
#map1 = affine_map<(d0, d1) -> (0)>
#map2 = affine_map<(d0, d1) -> (0, 0, 0)>
module attributes {stable_mosaic.version = 14 : i64} {
  func.func @_spmv_body(%arg0: i32, %arg1: i32, %arg2: memref<10000x128xf32, #tpu.memory_space<hbm>>, %arg3: memref<327680xi32, #tpu.memory_space<hbm>>, %arg4: memref<327680xi32, #tpu.memory_space<hbm>>, %arg5: memref<624x128xf32, #tpu.memory_space<hbm>>, %arg6: memref<2x10000x128xf32, #tpu.memory_space<hbm>>, %arg7: memref<10008x128xf32, #tpu.memory_space<vmem_shared>>, %arg8: memref<128xi32, #tpu.memory_space<vmem>>, %arg9: memref<128xi32, #tpu.memory_space<vmem>>, %arg10: memref<128xi32, #tpu.memory_space<vmem>>, %arg11: memref<128xi32, #tpu.memory_space<vmem>>, %arg12: memref<128x128xf32, #tpu.memory_space<vmem>>, %arg13: memref<!tpu.dma_semaphore, #tpu.memory_space<semaphore_mem>>, %arg14: memref<!tpu.dma_semaphore, #tpu.memory_space<semaphore_mem>>, %arg15: memref<!tpu.dma_semaphore, #tpu.memory_space<semaphore_mem>>, %arg16: memref<!tpu.dma_semaphore, #tpu.memory_space<semaphore_mem>>) attributes {dimension_semantics = [#tpu.dimension_semantics<core_parallel>, #tpu.dimension_semantics<subcore_parallel>], iteration_bounds = array<i64: 2, 16>, scalar_prefetch = 0 : i64, scratch_operands = 10 : i64, tpu.core_type = #tpu.core_type<sc_vector_subcore>, window_params = [{transform_indices = #map}, {transform_indices = #map1}, {transform_indices = #map1}, {transform_indices = #map}, {transform_indices = #map2}]} {
    %mul3A = arith.constant 2 : i32
    %mul3A_0 = arith.muli %arg1, %mul3A : i32
    %add3A = arith.addi %mul3A_0, %arg0 : i32
    %mul3A_1 = arith.constant 624 : i32
    %mul3A_2 = arith.muli %arg1, %mul3A_1 : i32
    "tpu.region"() ({
      %run_scoped3A = tpu.sem_alloc : memref<!tpu.dma_semaphore, #tpu.memory_space<semaphore_mem>>
      %dma_start3A = arith.constant 0 : i32
      %dma_start3A_20 = tpu.memref_slice %arg7[%mul3A_2, %dma_start3A] : memref<10008x128xf32, #tpu.memory_space<vmem_shared>> -> memref<624x128xf32, #tpu.memory_space<vmem_shared>>
      %dma_start3A_21 = arith.constant 0 : i32
      %dma_start3A_22 = arith.constant 0 : i32
      %dma_start3A_23 = tpu.memref_slice %arg5[%dma_start3A_21, %dma_start3A_22] : memref<624x128xf32, #tpu.memory_space<hbm>> -> memref<624x128xf32, #tpu.memory_space<hbm>>
      tpu.enqueue_dma source(%dma_start3A_23 : memref<624x128xf32, #tpu.memory_space<hbm>>) target(%dma_start3A_20 : memref<624x128xf32, #tpu.memory_space<vmem_shared>>) target_semaphore(%run_scoped3A : memref<!tpu.dma_semaphore, #tpu.memory_space<semaphore_mem>>)
      %dma_wait3A = arith.constant 0 : i32
      %dma_wait3A_24 = tpu.memref_slice %arg7[%mul3A_2, %dma_wait3A] : memref<10008x128xf32, #tpu.memory_space<vmem_shared>> -> memref<624x128xf32, #tpu.memory_space<vmem_shared>>
      %dma_wait3A_25 = arith.constant 0 : i32
      %dma_wait3A_26 = arith.constant 0 : i32
      %dma_wait3A_27 = tpu.memref_slice %arg5[%dma_wait3A_25, %dma_wait3A_26] : memref<624x128xf32, #tpu.memory_space<hbm>> -> memref<624x128xf32, #tpu.memory_space<hbm>>
      tpu.wait_dma2 semaphore(%run_scoped3A : memref<!tpu.dma_semaphore, #tpu.memory_space<semaphore_mem>>) src(%dma_wait3A_27 : memref<624x128xf32, #tpu.memory_space<hbm>>) dst(%dma_wait3A_24 : memref<624x128xf32, #tpu.memory_space<vmem_shared>>)
      tpu.yield
    }) : () -> ()
    %eq3A = arith.constant 0 : i32
    %eq3A_3 = arith.cmpi eq, %arg1, %eq3A : i32
    %convert_element_type3A = arith.extui %eq3A_3 : i1 to i32
    %cond3A = arith.constant 0 : i32
    %cond3A_4 = arith.cmpi ne, %convert_element_type3A, %cond3A : i32
    scf.if %cond3A_4 {
      "tpu.region"() ({
        %run_scoped3A = tpu.sem_alloc : memref<!tpu.dma_semaphore, #tpu.memory_space<semaphore_mem>>
        %dma_start3A = arith.constant 9984 : i32
        %dma_start3A_20 = arith.constant 0 : i32
        %dma_start3A_21 = tpu.memref_slice %arg7[%dma_start3A, %dma_start3A_20] : memref<10008x128xf32, #tpu.memory_space<vmem_shared>> -> memref<16x128xf32, #tpu.memory_space<vmem_shared>>
        %dma_start3A_22 = arith.constant 0 : i32
        %dma_start3A_23 = arith.constant 0 : i32
        %dma_start3A_24 = tpu.memref_slice %arg5[%dma_start3A_22, %dma_start3A_23] : memref<624x128xf32, #tpu.memory_space<hbm>> -> memref<16x128xf32, #tpu.memory_space<hbm>>
        tpu.enqueue_dma source(%dma_start3A_24 : memref<16x128xf32, #tpu.memory_space<hbm>>) target(%dma_start3A_21 : memref<16x128xf32, #tpu.memory_space<vmem_shared>>) target_semaphore(%run_scoped3A : memref<!tpu.dma_semaphore, #tpu.memory_space<semaphore_mem>>)
        %dma_wait3A = arith.constant 9984 : i32
        %dma_wait3A_25 = arith.constant 0 : i32
        %dma_wait3A_26 = tpu.memref_slice %arg7[%dma_wait3A, %dma_wait3A_25] : memref<10008x128xf32, #tpu.memory_space<vmem_shared>> -> memref<16x128xf32, #tpu.memory_space<vmem_shared>>
        %dma_wait3A_27 = arith.constant 0 : i32
        %dma_wait3A_28 = arith.constant 0 : i32
        %dma_wait3A_29 = tpu.memref_slice %arg5[%dma_wait3A_27, %dma_wait3A_28] : memref<624x128xf32, #tpu.memory_space<hbm>> -> memref<16x128xf32, #tpu.memory_space<hbm>>
        tpu.wait_dma2 semaphore(%run_scoped3A : memref<!tpu.dma_semaphore, #tpu.memory_space<semaphore_mem>>) src(%dma_wait3A_29 : memref<16x128xf32, #tpu.memory_space<hbm>>) dst(%dma_wait3A_26 : memref<16x128xf32, #tpu.memory_space<vmem_shared>>)
        tpu.yield
      }) : () -> ()
    } else {
    }
    %barrier3A = arith.constant 0 : index
    tpu.barrier barrier_id(%barrier3A)
    %mul3A_5 = arith.constant 80 : i32
    %mul3A_6 = arith.muli %add3A, %mul3A_5 : i32
    %mul3A_7 = arith.constant 128 : i32
    %mul3A_8 = arith.muli %mul3A_6, %mul3A_7 : i32
    %scan3A = arith.constant 0 : i32
    %scan3A_9 = arith.constant 0 : i32
    %scan3A_10 = arith.constant 40 : i32
    %scan3A_11 = arith.addi %scan3A_9, %scan3A_10 : i32
    %scan3A_12 = arith.constant 1 : i32
    scf.for %scan3A_20 = %scan3A_9 to %scan3A_11 step %scan3A_12  : i32 {
      %mul3A_21 = arith.constant 2 : i32
      %mul3A_22 = arith.muli %mul3A_21, %scan3A_20 : i32
      %mul3A_23 = arith.constant 128 : i32
      %mul3A_24 = arith.muli %mul3A_22, %mul3A_23 : i32
      %add3A_25 = arith.addi %mul3A_8, %mul3A_24 : i32
      %add3A_26 = arith.constant 128 : i32
      %add3A_27 = arith.addi %add3A_25, %add3A_26 : i32
      %dma_start3A = tpu.memref_slice %arg3[%add3A_25] : memref<327680xi32, #tpu.memory_space<hbm>> -> memref<128xi32, #tpu.memory_space<hbm>>
      %dma_start3A_28 = tpu.memref_slice %arg3[%add3A_25] : memref<327680xi32, #tpu.memory_space<hbm>> -> memref<128xi32, #tpu.memory_space<hbm>>
      tpu.enqueue_dma source(%dma_start3A_28 : memref<128xi32, #tpu.memory_space<hbm>>) target(%arg8 : memref<128xi32, #tpu.memory_space<vmem>>) target_semaphore(%arg14 : memref<!tpu.dma_semaphore, #tpu.memory_space<semaphore_mem>>)
      %dma_start3A_29 = tpu.memref_slice %arg4[%add3A_25] : memref<327680xi32, #tpu.memory_space<hbm>> -> memref<128xi32, #tpu.memory_space<hbm>>
      %dma_start3A_30 = tpu.memref_slice %arg4[%add3A_25] : memref<327680xi32, #tpu.memory_space<hbm>> -> memref<128xi32, #tpu.memory_space<hbm>>
      tpu.enqueue_dma source(%dma_start3A_30 : memref<128xi32, #tpu.memory_space<hbm>>) target(%arg9 : memref<128xi32, #tpu.memory_space<vmem>>) target_semaphore(%arg15 : memref<!tpu.dma_semaphore, #tpu.memory_space<semaphore_mem>>)
      %dma_start3A_31 = tpu.memref_slice %arg3[%add3A_27] : memref<327680xi32, #tpu.memory_space<hbm>> -> memref<128xi32, #tpu.memory_space<hbm>>
      %dma_start3A_32 = tpu.memref_slice %arg3[%add3A_27] : memref<327680xi32, #tpu.memory_space<hbm>> -> memref<128xi32, #tpu.memory_space<hbm>>
      tpu.enqueue_dma source(%dma_start3A_32 : memref<128xi32, #tpu.memory_space<hbm>>) target(%arg10 : memref<128xi32, #tpu.memory_space<vmem>>) target_semaphore(%arg16 : memref<!tpu.dma_semaphore, #tpu.memory_space<semaphore_mem>>)
      %dma_start3A_33 = tpu.memref_slice %arg4[%add3A_27] : memref<327680xi32, #tpu.memory_space<hbm>> -> memref<128xi32, #tpu.memory_space<hbm>>
      %dma_start3A_34 = tpu.memref_slice %arg4[%add3A_27] : memref<327680xi32, #tpu.memory_space<hbm>> -> memref<128xi32, #tpu.memory_space<hbm>>
      tpu.enqueue_dma source(%dma_start3A_34 : memref<128xi32, #tpu.memory_space<hbm>>) target(%arg11 : memref<128xi32, #tpu.memory_space<vmem>>) target_semaphore(%arg13 : memref<!tpu.dma_semaphore, #tpu.memory_space<semaphore_mem>>)
      %dma_wait3A = tpu.memref_slice %arg3[%add3A_25] : memref<327680xi32, #tpu.memory_space<hbm>> -> memref<128xi32, #tpu.memory_space<hbm>>
      %dma_wait3A_35 = tpu.memref_slice %arg3[%add3A_25] : memref<327680xi32, #tpu.memory_space<hbm>> -> memref<128xi32, #tpu.memory_space<hbm>>
      tpu.wait_dma2 semaphore(%arg14 : memref<!tpu.dma_semaphore, #tpu.memory_space<semaphore_mem>>) src(%dma_wait3A_35 : memref<128xi32, #tpu.memory_space<hbm>>) dst(%arg8 : memref<128xi32, #tpu.memory_space<vmem>>)
      %dma_wait3A_36 = tpu.memref_slice %arg4[%add3A_25] : memref<327680xi32, #tpu.memory_space<hbm>> -> memref<128xi32, #tpu.memory_space<hbm>>
      %dma_wait3A_37 = tpu.memref_slice %arg4[%add3A_25] : memref<327680xi32, #tpu.memory_space<hbm>> -> memref<128xi32, #tpu.memory_space<hbm>>
      tpu.wait_dma2 semaphore(%arg15 : memref<!tpu.dma_semaphore, #tpu.memory_space<semaphore_mem>>) src(%dma_wait3A_37 : memref<128xi32, #tpu.memory_space<hbm>>) dst(%arg9 : memref<128xi32, #tpu.memory_space<vmem>>)
      %dma_start3A_38 = arith.constant 0 : i32
      %dma_start3A_39 = arith.constant 0 : i32
      %dma_start3A_40 = tpu.memref_slice %arg2[%dma_start3A_38, %dma_start3A_39] : memref<10000x128xf32, #tpu.memory_space<hbm>> -> memref<10000x128xf32, #tpu.memory_space<hbm>>
      tpu.enqueue_indirect_dma source(%dma_start3A_40 : memref<10000x128xf32, #tpu.memory_space<hbm>>) target(%arg12 : memref<128x128xf32, #tpu.memory_space<vmem>>) offsets(%arg8 : memref<128xi32, #tpu.memory_space<vmem>>) semaphore(%arg13 : memref<!tpu.dma_semaphore, #tpu.memory_space<semaphore_mem>>)
      %dma_wait3A_41 = arith.constant 0 : i32
      %dma_wait3A_42 = arith.constant 0 : i32
      %dma_wait3A_43 = tpu.memref_slice %arg2[%dma_wait3A_41, %dma_wait3A_42] : memref<10000x128xf32, #tpu.memory_space<hbm>> -> memref<10000x128xf32, #tpu.memory_space<hbm>>
      tpu.wait_indirect_dma semaphore(%arg13 : memref<!tpu.dma_semaphore, #tpu.memory_space<semaphore_mem>>) src(%dma_wait3A_43 : memref<10000x128xf32, #tpu.memory_space<hbm>>) dst(%arg12 : memref<128x128xf32, #tpu.memory_space<vmem>>)
      "tpu.region"() ({
        %run_scoped3A = tpu.sem_alloc : memref<!tpu.dma_semaphore, #tpu.memory_space<semaphore_mem>>
        %dma_start3A_54 = arith.constant 0 : i32
        %dma_start3A_55 = arith.constant 0 : i32
        %dma_start3A_56 = tpu.memref_slice %arg7[%dma_start3A_54, %dma_start3A_55] : memref<10008x128xf32, #tpu.memory_space<vmem_shared>> -> memref<10008x128xf32, #tpu.memory_space<vmem_shared>>
        tpu.enqueue_indirect_dma source(%arg12 : memref<128x128xf32, #tpu.memory_space<vmem>>) target(%dma_start3A_56 : memref<10008x128xf32, #tpu.memory_space<vmem_shared>>) offsets(%arg9 : memref<128xi32, #tpu.memory_space<vmem>>) semaphore(%run_scoped3A : memref<!tpu.dma_semaphore, #tpu.memory_space<semaphore_mem>>) {add = true}
        %dma_wait3A_57 = arith.constant 0 : i32
        %dma_wait3A_58 = arith.constant 0 : i32
        %dma_wait3A_59 = tpu.memref_slice %arg7[%dma_wait3A_57, %dma_wait3A_58] : memref<10008x128xf32, #tpu.memory_space<vmem_shared>> -> memref<10008x128xf32, #tpu.memory_space<vmem_shared>>
        tpu.wait_indirect_dma semaphore(%run_scoped3A : memref<!tpu.dma_semaphore, #tpu.memory_space<semaphore_mem>>) src(%arg12 : memref<128x128xf32, #tpu.memory_space<vmem>>) dst(%dma_wait3A_59 : memref<10008x128xf32, #tpu.memory_space<vmem_shared>>)
        tpu.yield
      }) : () -> ()
      %dma_wait3A_44 = tpu.memref_slice %arg3[%add3A_27] : memref<327680xi32, #tpu.memory_space<hbm>> -> memref<128xi32, #tpu.memory_space<hbm>>
      %dma_wait3A_45 = tpu.memref_slice %arg3[%add3A_27] : memref<327680xi32, #tpu.memory_space<hbm>> -> memref<128xi32, #tpu.memory_space<hbm>>
      tpu.wait_dma2 semaphore(%arg16 : memref<!tpu.dma_semaphore, #tpu.memory_space<semaphore_mem>>) src(%dma_wait3A_45 : memref<128xi32, #tpu.memory_space<hbm>>) dst(%arg10 : memref<128xi32, #tpu.memory_space<vmem>>)
      %dma_wait3A_46 = tpu.memref_slice %arg4[%add3A_27] : memref<327680xi32, #tpu.memory_space<hbm>> -> memref<128xi32, #tpu.memory_space<hbm>>
      %dma_wait3A_47 = tpu.memref_slice %arg4[%add3A_27] : memref<327680xi32, #tpu.memory_space<hbm>> -> memref<128xi32, #tpu.memory_space<hbm>>
      tpu.wait_dma2 semaphore(%arg13 : memref<!tpu.dma_semaphore, #tpu.memory_space<semaphore_mem>>) src(%dma_wait3A_47 : memref<128xi32, #tpu.memory_space<hbm>>) dst(%arg11 : memref<128xi32, #tpu.memory_space<vmem>>)
      %dma_start3A_48 = arith.constant 0 : i32
      %dma_start3A_49 = arith.constant 0 : i32
      %dma_start3A_50 = tpu.memref_slice %arg2[%dma_start3A_48, %dma_start3A_49] : memref<10000x128xf32, #tpu.memory_space<hbm>> -> memref<10000x128xf32, #tpu.memory_space<hbm>>
      tpu.enqueue_indirect_dma source(%dma_start3A_50 : memref<10000x128xf32, #tpu.memory_space<hbm>>) target(%arg12 : memref<128x128xf32, #tpu.memory_space<vmem>>) offsets(%arg10 : memref<128xi32, #tpu.memory_space<vmem>>) semaphore(%arg13 : memref<!tpu.dma_semaphore, #tpu.memory_space<semaphore_mem>>)
      %dma_wait3A_51 = arith.constant 0 : i32
      %dma_wait3A_52 = arith.constant 0 : i32
      %dma_wait3A_53 = tpu.memref_slice %arg2[%dma_wait3A_51, %dma_wait3A_52] : memref<10000x128xf32, #tpu.memory_space<hbm>> -> memref<10000x128xf32, #tpu.memory_space<hbm>>
      tpu.wait_indirect_dma semaphore(%arg13 : memref<!tpu.dma_semaphore, #tpu.memory_space<semaphore_mem>>) src(%dma_wait3A_53 : memref<10000x128xf32, #tpu.memory_space<hbm>>) dst(%arg12 : memref<128x128xf32, #tpu.memory_space<vmem>>)
      "tpu.region"() ({
        %run_scoped3A = tpu.sem_alloc : memref<!tpu.dma_semaphore, #tpu.memory_space<semaphore_mem>>
        %dma_start3A_54 = arith.constant 0 : i32
        %dma_start3A_55 = arith.constant 0 : i32
        %dma_start3A_56 = tpu.memref_slice %arg7[%dma_start3A_54, %dma_start3A_55] : memref<10008x128xf32, #tpu.memory_space<vmem_shared>> -> memref<10008x128xf32, #tpu.memory_space<vmem_shared>>
        tpu.enqueue_indirect_dma source(%arg12 : memref<128x128xf32, #tpu.memory_space<vmem>>) target(%dma_start3A_56 : memref<10008x128xf32, #tpu.memory_space<vmem_shared>>) offsets(%arg11 : memref<128xi32, #tpu.memory_space<vmem>>) semaphore(%run_scoped3A : memref<!tpu.dma_semaphore, #tpu.memory_space<semaphore_mem>>) {add = true}
        %dma_wait3A_57 = arith.constant 0 : i32
        %dma_wait3A_58 = arith.constant 0 : i32
        %dma_wait3A_59 = tpu.memref_slice %arg7[%dma_wait3A_57, %dma_wait3A_58] : memref<10008x128xf32, #tpu.memory_space<vmem_shared>> -> memref<10008x128xf32, #tpu.memory_space<vmem_shared>>
        tpu.wait_indirect_dma semaphore(%run_scoped3A : memref<!tpu.dma_semaphore, #tpu.memory_space<semaphore_mem>>) src(%arg12 : memref<128x128xf32, #tpu.memory_space<vmem>>) dst(%dma_wait3A_59 : memref<10008x128xf32, #tpu.memory_space<vmem_shared>>)
        tpu.yield
      }) : () -> ()
    }
    %scan3A_13 = arith.constant 40 : i32
    %barrier3A_14 = arith.constant 0 : index
    tpu.barrier barrier_id(%barrier3A_14)
    "tpu.region"() ({
      %run_scoped3A = tpu.sem_alloc : memref<!tpu.dma_semaphore, #tpu.memory_space<semaphore_mem>>
      %dma_start3A = arith.constant 0 : i32
      %dma_start3A_20 = tpu.memref_slice %arg6[%arg0, %mul3A_2, %dma_start3A] : memref<2x10000x128xf32, #tpu.memory_space<hbm>> -> memref<1x624x128xf32, #tpu.memory_space<hbm>>
      %dma_start3A_21 = tpu.memref_squeeze %dma_start3A_20 : memref<1x624x128xf32, #tpu.memory_space<hbm>> -> memref<624x128xf32, #tpu.memory_space<hbm>>
      %dma_start3A_22 = arith.constant 0 : i32
      %dma_start3A_23 = tpu.memref_slice %arg7[%mul3A_2, %dma_start3A_22] : memref<10008x128xf32, #tpu.memory_space<vmem_shared>> -> memref<624x128xf32, #tpu.memory_space<vmem_shared>>
      tpu.enqueue_dma source(%dma_start3A_23 : memref<624x128xf32, #tpu.memory_space<vmem_shared>>) target(%dma_start3A_21 : memref<624x128xf32, #tpu.memory_space<hbm>>) target_semaphore(%run_scoped3A : memref<!tpu.dma_semaphore, #tpu.memory_space<semaphore_mem>>)
      %dma_wait3A = arith.constant 0 : i32
      %dma_wait3A_24 = tpu.memref_slice %arg6[%arg0, %mul3A_2, %dma_wait3A] : memref<2x10000x128xf32, #tpu.memory_space<hbm>> -> memref<1x624x128xf32, #tpu.memory_space<hbm>>
      %dma_wait3A_25 = tpu.memref_squeeze %dma_wait3A_24 : memref<1x624x128xf32, #tpu.memory_space<hbm>> -> memref<624x128xf32, #tpu.memory_space<hbm>>
      %dma_wait3A_26 = arith.constant 0 : i32
      %dma_wait3A_27 = tpu.memref_slice %arg7[%mul3A_2, %dma_wait3A_26] : memref<10008x128xf32, #tpu.memory_space<vmem_shared>> -> memref<624x128xf32, #tpu.memory_space<vmem_shared>>
      tpu.wait_dma2 semaphore(%run_scoped3A : memref<!tpu.dma_semaphore, #tpu.memory_space<semaphore_mem>>) src(%dma_wait3A_27 : memref<624x128xf32, #tpu.memory_space<vmem_shared>>) dst(%dma_wait3A_25 : memref<624x128xf32, #tpu.memory_space<hbm>>)
      tpu.yield
    }) : () -> ()
    %eq3A_15 = arith.constant 0 : i32
    %eq3A_16 = arith.cmpi eq, %arg1, %eq3A_15 : i32
    %convert_element_type3A_17 = arith.extui %eq3A_16 : i1 to i32
    %cond3A_18 = arith.constant 0 : i32
    %cond3A_19 = arith.cmpi ne, %convert_element_type3A_17, %cond3A_18 : i32
    scf.if %cond3A_19 {
      "tpu.region"() ({
        %run_scoped3A = tpu.sem_alloc : memref<!tpu.dma_semaphore, #tpu.memory_space<semaphore_mem>>
        %dma_start3A = arith.constant 9984 : i32
        %dma_start3A_20 = arith.constant 0 : i32
        %dma_start3A_21 = tpu.memref_slice %arg6[%arg0, %dma_start3A, %dma_start3A_20] : memref<2x10000x128xf32, #tpu.memory_space<hbm>> -> memref<1x16x128xf32, #tpu.memory_space<hbm>>
        %dma_start3A_22 = tpu.memref_squeeze %dma_start3A_21 : memref<1x16x128xf32, #tpu.memory_space<hbm>> -> memref<16x128xf32, #tpu.memory_space<hbm>>
        %dma_start3A_23 = arith.constant 9984 : i32
        %dma_start3A_24 = arith.constant 0 : i32
        %dma_start3A_25 = tpu.memref_slice %arg7[%dma_start3A_23, %dma_start3A_24] : memref<10008x128xf32, #tpu.memory_space<vmem_shared>> -> memref<16x128xf32, #tpu.memory_space<vmem_shared>>
        tpu.enqueue_dma source(%dma_start3A_25 : memref<16x128xf32, #tpu.memory_space<vmem_shared>>) target(%dma_start3A_22 : memref<16x128xf32, #tpu.memory_space<hbm>>) target_semaphore(%run_scoped3A : memref<!tpu.dma_semaphore, #tpu.memory_space<semaphore_mem>>)
        %dma_wait3A = arith.constant 9984 : i32
        %dma_wait3A_26 = arith.constant 0 : i32
        %dma_wait3A_27 = tpu.memref_slice %arg6[%arg0, %dma_wait3A, %dma_wait3A_26] : memref<2x10000x128xf32, #tpu.memory_space<hbm>> -> memref<1x16x128xf32, #tpu.memory_space<hbm>>
        %dma_wait3A_28 = tpu.memref_squeeze %dma_wait3A_27 : memref<1x16x128xf32, #tpu.memory_space<hbm>> -> memref<16x128xf32, #tpu.memory_space<hbm>>
        %dma_wait3A_29 = arith.constant 9984 : i32
        %dma_wait3A_30 = arith.constant 0 : i32
        %dma_wait3A_31 = tpu.memref_slice %arg7[%dma_wait3A_29, %dma_wait3A_30] : memref<10008x128xf32, #tpu.memory_space<vmem_shared>> -> memref<16x128xf32, #tpu.memory_space<vmem_shared>>
        tpu.wait_dma2 semaphore(%run_scoped3A : memref<!tpu.dma_semaphore, #tpu.memory_space<semaphore_mem>>) src(%dma_wait3A_31 : memref<16x128xf32, #tpu.memory_space<vmem_shared>>) dst(%dma_wait3A_28 : memref<16x128xf32, #tpu.memory_space<hbm>>)
        tpu.yield
      }) : () -> ()
    } else {
    }
    return
  }
}

#map = affine_map<(d0, d1) -> (0, 0)>
#map1 = affine_map<(d0, d1) -> (0)>
#map2 = affine_map<(d0, d1) -> (0, 0, 0)>
module attributes {stable_mosaic.version = 14 : i64} {
  func.func @_spmv_body(%arg0: i32, %arg1: i32, %arg2: memref<10000x128xf32, #tpu.memory_space<hbm>>, %arg3: memref<327680xi32, #tpu.memory_space<hbm>>, %arg4: memref<327680xi32, #tpu.memory_space<hbm>>, %arg5: memref<624x128xf32, #tpu.memory_space<hbm>>, %arg6: memref<2x10000x128xf32, #tpu.memory_space<hbm>>, %arg7: memref<10008x128xf32, #tpu.memory_space<vmem_shared>>, %arg8: memref<128xi32, #tpu.memory_space<vmem>>, %arg9: memref<128xi32, #tpu.memory_space<vmem>>, %arg10: memref<128xi32, #tpu.memory_space<vmem>>, %arg11: memref<128xi32, #tpu.memory_space<vmem>>, %arg12: memref<128x128xf32, #tpu.memory_space<vmem>>, %arg13: memref<!tpu.dma_semaphore, #tpu.memory_space<semaphore_mem>>, %arg14: memref<!tpu.dma_semaphore, #tpu.memory_space<semaphore_mem>>, %arg15: memref<!tpu.dma_semaphore, #tpu.memory_space<semaphore_mem>>, %arg16: memref<!tpu.dma_semaphore, #tpu.memory_space<semaphore_mem>>) attributes {dimension_semantics = [#tpu.dimension_semantics<core_parallel>, #tpu.dimension_semantics<subcore_parallel>], iteration_bounds = array<i64: 2, 16>, scalar_prefetch = 0 : i64, scratch_operands = 10 : i64, tpu.core_type = #tpu.core_type<sc_vector_subcore>, window_params = [{transform_indices = #map}, {transform_indices = #map1}, {transform_indices = #map1}, {transform_indices = #map}, {transform_indices = #map2}]} {
    %mul3A = arith.constant 2 : i32
    %mul3A_0 = arith.muli %arg1, %mul3A : i32
    %add3A = arith.addi %mul3A_0, %arg0 : i32
    %mul3A_1 = arith.constant 624 : i32
    %mul3A_2 = arith.muli %arg1, %mul3A_1 : i32
    "tpu.region"() ({
      %run_scoped3A = tpu.sem_alloc : memref<!tpu.dma_semaphore, #tpu.memory_space<semaphore_mem>>
      %dma_start3A = arith.constant 0 : i32
      %dma_start3A_20 = tpu.memref_slice %arg7[%mul3A_2, %dma_start3A] : memref<10008x128xf32, #tpu.memory_space<vmem_shared>> -> memref<624x128xf32, #tpu.memory_space<vmem_shared>>
      %dma_start3A_21 = arith.constant 0 : i32
      %dma_start3A_22 = arith.constant 0 : i32
      %dma_start3A_23 = tpu.memref_slice %arg5[%dma_start3A_21, %dma_start3A_22] : memref<624x128xf32, #tpu.memory_space<hbm>> -> memref<624x128xf32, #tpu.memory_space<hbm>>
      tpu.enqueue_dma source(%dma_start3A_23 : memref<624x128xf32, #tpu.memory_space<hbm>>) target(%dma_start3A_20 : memref<624x128xf32, #tpu.memory_space<vmem_shared>>) target_semaphore(%run_scoped3A : memref<!tpu.dma_semaphore, #tpu.memory_space<semaphore_mem>>)
      %dma_wait3A = arith.constant 0 : i32
      %dma_wait3A_24 = tpu.memref_slice %arg7[%mul3A_2, %dma_wait3A] : memref<10008x128xf32, #tpu.memory_space<vmem_shared>> -> memref<624x128xf32, #tpu.memory_space<vmem_shared>>
      %dma_wait3A_25 = arith.constant 0 : i32
      %dma_wait3A_26 = arith.constant 0 : i32
      %dma_wait3A_27 = tpu.memref_slice %arg5[%dma_wait3A_25, %dma_wait3A_26] : memref<624x128xf32, #tpu.memory_space<hbm>> -> memref<624x128xf32, #tpu.memory_space<hbm>>
      tpu.wait_dma2 semaphore(%run_scoped3A : memref<!tpu.dma_semaphore, #tpu.memory_space<semaphore_mem>>) src(%dma_wait3A_27 : memref<624x128xf32, #tpu.memory_space<hbm>>) dst(%dma_wait3A_24 : memref<624x128xf32, #tpu.memory_space<vmem_shared>>)
      tpu.yield
    }) : () -> ()
    %eq3A = arith.constant 0 : i32
    %eq3A_3 = arith.cmpi eq, %arg1, %eq3A : i32
    %convert_element_type3A = arith.extui %eq3A_3 : i1 to i32
    %cond3A = arith.constant 0 : i32
    %cond3A_4 = arith.cmpi ne, %convert_element_type3A, %cond3A : i32
    scf.if %cond3A_4 {
      "tpu.region"() ({
        %run_scoped3A = tpu.sem_alloc : memref<!tpu.dma_semaphore, #tpu.memory_space<semaphore_mem>>
        %dma_start3A = arith.constant 9984 : i32
        %dma_start3A_20 = arith.constant 0 : i32
        %dma_start3A_21 = tpu.memref_slice %arg7[%dma_start3A, %dma_start3A_20] : memref<10008x128xf32, #tpu.memory_space<vmem_shared>> -> memref<16x128xf32, #tpu.memory_space<vmem_shared>>
        %dma_start3A_22 = arith.constant 0 : i32
        %dma_start3A_23 = arith.constant 0 : i32
        %dma_start3A_24 = tpu.memref_slice %arg5[%dma_start3A_22, %dma_start3A_23] : memref<624x128xf32, #tpu.memory_space<hbm>> -> memref<16x128xf32, #tpu.memory_space<hbm>>
        tpu.enqueue_dma source(%dma_start3A_24 : memref<16x128xf32, #tpu.memory_space<hbm>>) target(%dma_start3A_21 : memref<16x128xf32, #tpu.memory_space<vmem_shared>>) target_semaphore(%run_scoped3A : memref<!tpu.dma_semaphore, #tpu.memory_space<semaphore_mem>>)
        %dma_wait3A = arith.constant 9984 : i32
        %dma_wait3A_25 = arith.constant 0 : i32
        %dma_wait3A_26 = tpu.memref_slice %arg7[%dma_wait3A, %dma_wait3A_25] : memref<10008x128xf32, #tpu.memory_space<vmem_shared>> -> memref<16x128xf32, #tpu.memory_space<vmem_shared>>
        %dma_wait3A_27 = arith.constant 0 : i32
        %dma_wait3A_28 = arith.constant 0 : i32
        %dma_wait3A_29 = tpu.memref_slice %arg5[%dma_wait3A_27, %dma_wait3A_28] : memref<624x128xf32, #tpu.memory_space<hbm>> -> memref<16x128xf32, #tpu.memory_space<hbm>>
        tpu.wait_dma2 semaphore(%run_scoped3A : memref<!tpu.dma_semaphore, #tpu.memory_space<semaphore_mem>>) src(%dma_wait3A_29 : memref<16x128xf32, #tpu.memory_space<hbm>>) dst(%dma_wait3A_26 : memref<16x128xf32, #tpu.memory_space<vmem_shared>>)
        tpu.yield
      }) : () -> ()
    } else {
    }
    %barrier3A = arith.constant 0 : index
    tpu.barrier barrier_id(%barrier3A)
    %mul3A_5 = arith.constant 80 : i32
    %mul3A_6 = arith.muli %add3A, %mul3A_5 : i32
    %mul3A_7 = arith.constant 128 : i32
    %mul3A_8 = arith.muli %mul3A_6, %mul3A_7 : i32
    %scan3A = arith.constant 0 : i32
    %scan3A_9 = arith.constant 0 : i32
    %scan3A_10 = arith.constant 40 : i32
    %scan3A_11 = arith.addi %scan3A_9, %scan3A_10 : i32
    %scan3A_12 = arith.constant 1 : i32
    scf.for %scan3A_20 = %scan3A_9 to %scan3A_11 step %scan3A_12  : i32 {
      %mul3A_21 = arith.constant 2 : i32
      %mul3A_22 = arith.muli %mul3A_21, %scan3A_20 : i32
      %mul3A_23 = arith.constant 128 : i32
      %mul3A_24 = arith.muli %mul3A_22, %mul3A_23 : i32
      %add3A_25 = arith.addi %mul3A_8, %mul3A_24 : i32
      %add3A_26 = arith.constant 128 : i32
      %add3A_27 = arith.addi %add3A_25, %add3A_26 : i32
      %dma_start3A = tpu.memref_slice %arg3[%add3A_25] : memref<327680xi32, #tpu.memory_space<hbm>> -> memref<128xi32, #tpu.memory_space<hbm>>
      %dma_start3A_28 = tpu.memref_slice %arg3[%add3A_25] : memref<327680xi32, #tpu.memory_space<hbm>> -> memref<128xi32, #tpu.memory_space<hbm>>
      tpu.enqueue_dma source(%dma_start3A_28 : memref<128xi32, #tpu.memory_space<hbm>>) target(%arg8 : memref<128xi32, #tpu.memory_space<vmem>>) target_semaphore(%arg14 : memref<!tpu.dma_semaphore, #tpu.memory_space<semaphore_mem>>)
      %dma_start3A_29 = tpu.memref_slice %arg4[%add3A_25] : memref<327680xi32, #tpu.memory_space<hbm>> -> memref<128xi32, #tpu.memory_space<hbm>>
      %dma_start3A_30 = tpu.memref_slice %arg4[%add3A_25] : memref<327680xi32, #tpu.memory_space<hbm>> -> memref<128xi32, #tpu.memory_space<hbm>>
      tpu.enqueue_dma source(%dma_start3A_30 : memref<128xi32, #tpu.memory_space<hbm>>) target(%arg9 : memref<128xi32, #tpu.memory_space<vmem>>) target_semaphore(%arg15 : memref<!tpu.dma_semaphore, #tpu.memory_space<semaphore_mem>>)
      %dma_start3A_31 = tpu.memref_slice %arg3[%add3A_27] : memref<327680xi32, #tpu.memory_space<hbm>> -> memref<128xi32, #tpu.memory_space<hbm>>
      %dma_start3A_32 = tpu.memref_slice %arg3[%add3A_27] : memref<327680xi32, #tpu.memory_space<hbm>> -> memref<128xi32, #tpu.memory_space<hbm>>
      tpu.enqueue_dma source(%dma_start3A_32 : memref<128xi32, #tpu.memory_space<hbm>>) target(%arg10 : memref<128xi32, #tpu.memory_space<vmem>>) target_semaphore(%arg16 : memref<!tpu.dma_semaphore, #tpu.memory_space<semaphore_mem>>)
      %dma_start3A_33 = tpu.memref_slice %arg4[%add3A_27] : memref<327680xi32, #tpu.memory_space<hbm>> -> memref<128xi32, #tpu.memory_space<hbm>>
      %dma_start3A_34 = tpu.memref_slice %arg4[%add3A_27] : memref<327680xi32, #tpu.memory_space<hbm>> -> memref<128xi32, #tpu.memory_space<hbm>>
      tpu.enqueue_dma source(%dma_start3A_34 : memref<128xi32, #tpu.memory_space<hbm>>) target(%arg11 : memref<128xi32, #tpu.memory_space<vmem>>) target_semaphore(%arg13 : memref<!tpu.dma_semaphore, #tpu.memory_space<semaphore_mem>>)
      %dma_wait3A = tpu.memref_slice %arg3[%add3A_25] : memref<327680xi32, #tpu.memory_space<hbm>> -> memref<128xi32, #tpu.memory_space<hbm>>
      %dma_wait3A_35 = tpu.memref_slice %arg3[%add3A_25] : memref<327680xi32, #tpu.memory_space<hbm>> -> memref<128xi32, #tpu.memory_space<hbm>>
      tpu.wait_dma2 semaphore(%arg14 : memref<!tpu.dma_semaphore, #tpu.memory_space<semaphore_mem>>) src(%dma_wait3A_35 : memref<128xi32, #tpu.memory_space<hbm>>) dst(%arg8 : memref<128xi32, #tpu.memory_space<vmem>>)
      %dma_wait3A_36 = tpu.memref_slice %arg4[%add3A_25] : memref<327680xi32, #tpu.memory_space<hbm>> -> memref<128xi32, #tpu.memory_space<hbm>>
      %dma_wait3A_37 = tpu.memref_slice %arg4[%add3A_25] : memref<327680xi32, #tpu.memory_space<hbm>> -> memref<128xi32, #tpu.memory_space<hbm>>
      tpu.wait_dma2 semaphore(%arg15 : memref<!tpu.dma_semaphore, #tpu.memory_space<semaphore_mem>>) src(%dma_wait3A_37 : memref<128xi32, #tpu.memory_space<hbm>>) dst(%arg9 : memref<128xi32, #tpu.memory_space<vmem>>)
      %dma_start3A_38 = arith.constant 0 : i32
      %dma_start3A_39 = arith.constant 0 : i32
      %dma_start3A_40 = tpu.memref_slice %arg2[%dma_start3A_38, %dma_start3A_39] : memref<10000x128xf32, #tpu.memory_space<hbm>> -> memref<10000x128xf32, #tpu.memory_space<hbm>>
      tpu.enqueue_indirect_dma source(%dma_start3A_40 : memref<10000x128xf32, #tpu.memory_space<hbm>>) target(%arg12 : memref<128x128xf32, #tpu.memory_space<vmem>>) offsets(%arg8 : memref<128xi32, #tpu.memory_space<vmem>>) semaphore(%arg13 : memref<!tpu.dma_semaphore, #tpu.memory_space<semaphore_mem>>)
      %dma_wait3A_41 = arith.constant 0 : i32
      %dma_wait3A_42 = arith.constant 0 : i32
      %dma_wait3A_43 = tpu.memref_slice %arg2[%dma_wait3A_41, %dma_wait3A_42] : memref<10000x128xf32, #tpu.memory_space<hbm>> -> memref<10000x128xf32, #tpu.memory_space<hbm>>
      tpu.wait_indirect_dma semaphore(%arg13 : memref<!tpu.dma_semaphore, #tpu.memory_space<semaphore_mem>>) src(%dma_wait3A_43 : memref<10000x128xf32, #tpu.memory_space<hbm>>) dst(%arg12 : memref<128x128xf32, #tpu.memory_space<vmem>>)
      "tpu.region"() ({
        %run_scoped3A = tpu.sem_alloc : memref<!tpu.dma_semaphore, #tpu.memory_space<semaphore_mem>>
        %dma_start3A_54 = arith.constant 0 : i32
        %dma_start3A_55 = arith.constant 0 : i32
        %dma_start3A_56 = tpu.memref_slice %arg7[%dma_start3A_54, %dma_start3A_55] : memref<10008x128xf32, #tpu.memory_space<vmem_shared>> -> memref<10008x128xf32, #tpu.memory_space<vmem_shared>>
        tpu.enqueue_indirect_dma source(%arg12 : memref<128x128xf32, #tpu.memory_space<vmem>>) target(%dma_start3A_56 : memref<10008x128xf32, #tpu.memory_space<vmem_shared>>) offsets(%arg9 : memref<128xi32, #tpu.memory_space<vmem>>) semaphore(%run_scoped3A : memref<!tpu.dma_semaphore, #tpu.memory_space<semaphore_mem>>) {add = true}
        %dma_wait3A_57 = arith.constant 0 : i32
        %dma_wait3A_58 = arith.constant 0 : i32
        %dma_wait3A_59 = tpu.memref_slice %arg7[%dma_wait3A_57, %dma_wait3A_58] : memref<10008x128xf32, #tpu.memory_space<vmem_shared>> -> memref<10008x128xf32, #tpu.memory_space<vmem_shared>>
        tpu.wait_indirect_dma semaphore(%run_scoped3A : memref<!tpu.dma_semaphore, #tpu.memory_space<semaphore_mem>>) src(%arg12 : memref<128x128xf32, #tpu.memory_space<vmem>>) dst(%dma_wait3A_59 : memref<10008x128xf32, #tpu.memory_space<vmem_shared>>)
        tpu.yield
      }) : () -> ()
      %dma_wait3A_44 = tpu.memref_slice %arg3[%add3A_27] : memref<327680xi32, #tpu.memory_space<hbm>> -> memref<128xi32, #tpu.memory_space<hbm>>
      %dma_wait3A_45 = tpu.memref_slice %arg3[%add3A_27] : memref<327680xi32, #tpu.memory_space<hbm>> -> memref<128xi32, #tpu.memory_space<hbm>>
      tpu.wait_dma2 semaphore(%arg16 : memref<!tpu.dma_semaphore, #tpu.memory_space<semaphore_mem>>) src(%dma_wait3A_45 : memref<128xi32, #tpu.memory_space<hbm>>) dst(%arg10 : memref<128xi32, #tpu.memory_space<vmem>>)
      %dma_wait3A_46 = tpu.memref_slice %arg4[%add3A_27] : memref<327680xi32, #tpu.memory_space<hbm>> -> memref<128xi32, #tpu.memory_space<hbm>>
      %dma_wait3A_47 = tpu.memref_slice %arg4[%add3A_27] : memref<327680xi32, #tpu.memory_space<hbm>> -> memref<128xi32, #tpu.memory_space<hbm>>
      tpu.wait_dma2 semaphore(%arg13 : memref<!tpu.dma_semaphore, #tpu.memory_space<semaphore_mem>>) src(%dma_wait3A_47 : memref<128xi32, #tpu.memory_space<hbm>>) dst(%arg11 : memref<128xi32, #tpu.memory_space<vmem>>)
      %dma_start3A_48 = arith.constant 0 : i32
      %dma_start3A_49 = arith.constant 0 : i32
      %dma_start3A_50 = tpu.memref_slice %arg2[%dma_start3A_48, %dma_start3A_49] : memref<10000x128xf32, #tpu.memory_space<hbm>> -> memref<10000x128xf32, #tpu.memory_space<hbm>>
      tpu.enqueue_indirect_dma source(%dma_start3A_50 : memref<10000x128xf32, #tpu.memory_space<hbm>>) target(%arg12 : memref<128x128xf32, #tpu.memory_space<vmem>>) offsets(%arg10 : memref<128xi32, #tpu.memory_space<vmem>>) semaphore(%arg13 : memref<!tpu.dma_semaphore, #tpu.memory_space<semaphore_mem>>)
      %dma_wait3A_51 = arith.constant 0 : i32
      %dma_wait3A_52 = arith.constant 0 : i32
      %dma_wait3A_53 = tpu.memref_slice %arg2[%dma_wait3A_51, %dma_wait3A_52] : memref<10000x128xf32, #tpu.memory_space<hbm>> -> memref<10000x128xf32, #tpu.memory_space<hbm>>
      tpu.wait_indirect_dma semaphore(%arg13 : memref<!tpu.dma_semaphore, #tpu.memory_space<semaphore_mem>>) src(%dma_wait3A_53 : memref<10000x128xf32, #tpu.memory_space<hbm>>) dst(%arg12 : memref<128x128xf32, #tpu.memory_space<vmem>>)
      "tpu.region"() ({
        %run_scoped3A = tpu.sem_alloc : memref<!tpu.dma_semaphore, #tpu.memory_space<semaphore_mem>>
        %dma_start3A_54 = arith.constant 0 : i32
        %dma_start3A_55 = arith.constant 0 : i32
        %dma_start3A_56 = tpu.memref_slice %arg7[%dma_start3A_54, %dma_start3A_55] : memref<10008x128xf32, #tpu.memory_space<vmem_shared>> -> memref<10008x128xf32, #tpu.memory_space<vmem_shared>>
        tpu.enqueue_indirect_dma source(%arg12 : memref<128x128xf32, #tpu.memory_space<vmem>>) target(%dma_start3A_56 : memref<10008x128xf32, #tpu.memory_space<vmem_shared>>) offsets(%arg11 : memref<128xi32, #tpu.memory_space<vmem>>) semaphore(%run_scoped3A : memref<!tpu.dma_semaphore, #tpu.memory_space<semaphore_mem>>) {add = true}
        %dma_wait3A_57 = arith.constant 0 : i32
        %dma_wait3A_58 = arith.constant 0 : i32
        %dma_wait3A_59 = tpu.memref_slice %arg7[%dma_wait3A_57, %dma_wait3A_58] : memref<10008x128xf32, #tpu.memory_space<vmem_shared>> -> memref<10008x128xf32, #tpu.memory_space<vmem_shared>>
        tpu.wait_indirect_dma semaphore(%run_scoped3A : memref<!tpu.dma_semaphore, #tpu.memory_space<semaphore_mem>>) src(%arg12 : memref<128x128xf32, #tpu.memory_space<vmem>>) dst(%dma_wait3A_59 : memref<10008x128xf32, #tpu.memory_space<vmem_shared>>)
        tpu.yield
      }) : () -> ()
    }
    %scan3A_13 = arith.constant 40 : i32
    %barrier3A_14 = arith.constant 0 : index
    tpu.barrier barrier_id(%barrier3A_14)
    "tpu.region"() ({
      %run_scoped3A = tpu.sem_alloc : memref<!tpu.dma_semaphore, #tpu.memory_space<semaphore_mem>>
      %dma_start3A = arith.constant 0 : i32
      %dma_start3A_20 = tpu.memref_slice %arg6[%arg0, %mul3A_2, %dma_start3A] : memref<2x10000x128xf32, #tpu.memory_space<hbm>> -> memref<1x624x128xf32, #tpu.memory_space<hbm>>
      %dma_start3A_21 = tpu.memref_squeeze %dma_start3A_20 : memref<1x624x128xf32, #tpu.memory_space<hbm>> -> memref<624x128xf32, #tpu.memory_space<hbm>>
      %dma_start3A_22 = arith.constant 0 : i32
      %dma_start3A_23 = tpu.memref_slice %arg7[%mul3A_2, %dma_start3A_22] : memref<10008x128xf32, #tpu.memory_space<vmem_shared>> -> memref<624x128xf32, #tpu.memory_space<vmem_shared>>
      tpu.enqueue_dma source(%dma_start3A_23 : memref<624x128xf32, #tpu.memory_space<vmem_shared>>) target(%dma_start3A_21 : memref<624x128xf32, #tpu.memory_space<hbm>>) target_semaphore(%run_scoped3A : memref<!tpu.dma_semaphore, #tpu.memory_space<semaphore_mem>>)
      %dma_wait3A = arith.constant 0 : i32
      %dma_wait3A_24 = tpu.memref_slice %arg6[%arg0, %mul3A_2, %dma_wait3A] : memref<2x10000x128xf32, #tpu.memory_space<hbm>> -> memref<1x624x128xf32, #tpu.memory_space<hbm>>
      %dma_wait3A_25 = tpu.memref_squeeze %dma_wait3A_24 : memref<1x624x128xf32, #tpu.memory_space<hbm>> -> memref<624x128xf32, #tpu.memory_space<hbm>>
      %dma_wait3A_26 = arith.constant 0 : i32
      %dma_wait3A_27 = tpu.memref_slice %arg7[%mul3A_2, %dma_wait3A_26] : memref<10008x128xf32, #tpu.memory_space<vmem_shared>> -> memref<624x128xf32, #tpu.memory_space<vmem_shared>>
      tpu.wait_dma2 semaphore(%run_scoped3A : memref<!tpu.dma_semaphore, #tpu.memory_space<semaphore_mem>>) src(%dma_wait3A_27 : memref<624x128xf32, #tpu.memory_space<vmem_shared>>) dst(%dma_wait3A_25 : memref<624x128xf32, #tpu.memory_space<hbm>>)
      tpu.yield
    }) : () -> ()
    %eq3A_15 = arith.constant 0 : i32
    %eq3A_16 = arith.cmpi eq, %arg1, %eq3A_15 : i32
    %convert_element_type3A_17 = arith.extui %eq3A_16 : i1 to i32
    %cond3A_18 = arith.constant 0 : i32
    %cond3A_19 = arith.cmpi ne, %convert_element_type3A_17, %cond3A_18 : i32
    scf.if %cond3A_19 {
      "tpu.region"() ({
        %run_scoped3A = tpu.sem_alloc : memref<!tpu.dma_semaphore, #tpu.memory_space<semaphore_mem>>
        %dma_start3A = arith.constant 9984 : i32
        %dma_start3A_20 = arith.constant 0 : i32
        %dma_start3A_21 = tpu.memref_slice %arg6[%arg0, %dma_start3A, %dma_start3A_20] : memref<2x10000x128xf32, #tpu.memory_space<hbm>> -> memref<1x16x128xf32, #tpu.memory_space<hbm>>
        %dma_start3A_22 = tpu.memref_squeeze %dma_start3A_21 : memref<1x16x128xf32, #tpu.memory_space<hbm>> -> memref<16x128xf32, #tpu.memory_space<hbm>>
        %dma_start3A_23 = arith.constant 9984 : i32
        %dma_start3A_24 = arith.constant 0 : i32
        %dma_start3A_25 = tpu.memref_slice %arg7[%dma_start3A_23, %dma_start3A_24] : memref<10008x128xf32, #tpu.memory_space<vmem_shared>> -> memref<16x128xf32, #tpu.memory_space<vmem_shared>>
        tpu.enqueue_dma source(%dma_start3A_25 : memref<16x128xf32, #tpu.memory_space<vmem_shared>>) target(%dma_start3A_22 : memref<16x128xf32, #tpu.memory_space<hbm>>) target_semaphore(%run_scoped3A : memref<!tpu.dma_semaphore, #tpu.memory_space<semaphore_mem>>)
        %dma_wait3A = arith.constant 9984 : i32
        %dma_wait3A_26 = arith.constant 0 : i32
        %dma_wait3A_27 = tpu.memref_slice %arg6[%arg0, %dma_wait3A, %dma_wait3A_26] : memref<2x10000x128xf32, #tpu.memory_space<hbm>> -> memref<1x16x128xf32, #tpu.memory_space<hbm>>
        %dma_wait3A_28 = tpu.memref_squeeze %dma_wait3A_27 : memref<1x16x128xf32, #tpu.memory_space<hbm>> -> memref<16x128xf32, #tpu.memory_space<hbm>>
        %dma_wait3A_29 = arith.constant 9984 : i32
        %dma_wait3A_30 = arith.constant 0 : i32
        %dma_wait3A_31 = tpu.memref_slice %arg7[%dma_wait3A_29, %dma_wait3A_30] : memref<10008x128xf32, #tpu.memory_space<vmem_shared>> -> memref<16x128xf32, #tpu.memory_space<vmem_shared>>
        tpu.wait_dma2 semaphore(%run_scoped3A : memref<!tpu.dma_semaphore, #tpu.memory_space<semaphore_mem>>) src(%dma_wait3A_31 : memref<16x128xf32, #tpu.memory_space<vmem_shared>>) dst(%dma_wait3A_28 : memref<16x128xf32, #tpu.memory_space<hbm>>)
        tpu.yield
      }) : () -> ()
    } else {
    }
    return
  }
}

#map = affine_map<(d0, d1) -> (0, 0)>
#map1 = affine_map<(d0, d1) -> (0)>
#map2 = affine_map<(d0, d1) -> (0, 0, 0)>
module attributes {stable_mosaic.version = 14 : i64} {
  func.func @_spmv_body(%arg0: i32, %arg1: i32, %arg2: memref<10000x128xf32, #tpu.memory_space<hbm>>, %arg3: memref<327680xi32, #tpu.memory_space<hbm>>, %arg4: memref<327680xi32, #tpu.memory_space<hbm>>, %arg5: memref<624x128xf32, #tpu.memory_space<hbm>>, %arg6: memref<2x10000x128xf32, #tpu.memory_space<hbm>>, %arg7: memref<10008x128xf32, #tpu.memory_space<vmem_shared>>, %arg8: memref<128xi32, #tpu.memory_space<vmem>>, %arg9: memref<128xi32, #tpu.memory_space<vmem>>, %arg10: memref<128xi32, #tpu.memory_space<vmem>>, %arg11: memref<128xi32, #tpu.memory_space<vmem>>, %arg12: memref<128x128xf32, #tpu.memory_space<vmem>>, %arg13: memref<!tpu.dma_semaphore, #tpu.memory_space<semaphore_mem>>, %arg14: memref<!tpu.dma_semaphore, #tpu.memory_space<semaphore_mem>>, %arg15: memref<!tpu.dma_semaphore, #tpu.memory_space<semaphore_mem>>, %arg16: memref<!tpu.dma_semaphore, #tpu.memory_space<semaphore_mem>>) attributes {dimension_semantics = [#tpu.dimension_semantics<core_parallel>, #tpu.dimension_semantics<subcore_parallel>], iteration_bounds = array<i64: 2, 16>, scalar_prefetch = 0 : i64, scratch_operands = 10 : i64, tpu.core_type = #tpu.core_type<sc_vector_subcore>, window_params = [{transform_indices = #map}, {transform_indices = #map1}, {transform_indices = #map1}, {transform_indices = #map}, {transform_indices = #map2}]} {
    %mul3A = arith.constant 2 : i32
    %mul3A_0 = arith.muli %arg1, %mul3A : i32
    %add3A = arith.addi %mul3A_0, %arg0 : i32
    %mul3A_1 = arith.constant 624 : i32
    %mul3A_2 = arith.muli %arg1, %mul3A_1 : i32
    "tpu.region"() ({
      %run_scoped3A = tpu.sem_alloc : memref<!tpu.dma_semaphore, #tpu.memory_space<semaphore_mem>>
      %dma_start3A = arith.constant 0 : i32
      %dma_start3A_20 = tpu.memref_slice %arg7[%mul3A_2, %dma_start3A] : memref<10008x128xf32, #tpu.memory_space<vmem_shared>> -> memref<624x128xf32, #tpu.memory_space<vmem_shared>>
      %dma_start3A_21 = arith.constant 0 : i32
      %dma_start3A_22 = arith.constant 0 : i32
      %dma_start3A_23 = tpu.memref_slice %arg5[%dma_start3A_21, %dma_start3A_22] : memref<624x128xf32, #tpu.memory_space<hbm>> -> memref<624x128xf32, #tpu.memory_space<hbm>>
      tpu.enqueue_dma source(%dma_start3A_23 : memref<624x128xf32, #tpu.memory_space<hbm>>) target(%dma_start3A_20 : memref<624x128xf32, #tpu.memory_space<vmem_shared>>) target_semaphore(%run_scoped3A : memref<!tpu.dma_semaphore, #tpu.memory_space<semaphore_mem>>)
      %dma_wait3A = arith.constant 0 : i32
      %dma_wait3A_24 = tpu.memref_slice %arg7[%mul3A_2, %dma_wait3A] : memref<10008x128xf32, #tpu.memory_space<vmem_shared>> -> memref<624x128xf32, #tpu.memory_space<vmem_shared>>
      %dma_wait3A_25 = arith.constant 0 : i32
      %dma_wait3A_26 = arith.constant 0 : i32
      %dma_wait3A_27 = tpu.memref_slice %arg5[%dma_wait3A_25, %dma_wait3A_26] : memref<624x128xf32, #tpu.memory_space<hbm>> -> memref<624x128xf32, #tpu.memory_space<hbm>>
      tpu.wait_dma2 semaphore(%run_scoped3A : memref<!tpu.dma_semaphore, #tpu.memory_space<semaphore_mem>>) src(%dma_wait3A_27 : memref<624x128xf32, #tpu.memory_space<hbm>>) dst(%dma_wait3A_24 : memref<624x128xf32, #tpu.memory_space<vmem_shared>>)
      tpu.yield
    }) : () -> ()
    %eq3A = arith.constant 0 : i32
    %eq3A_3 = arith.cmpi eq, %arg1, %eq3A : i32
    %convert_element_type3A = arith.extui %eq3A_3 : i1 to i32
    %cond3A = arith.constant 0 : i32
    %cond3A_4 = arith.cmpi ne, %convert_element_type3A, %cond3A : i32
    scf.if %cond3A_4 {
      "tpu.region"() ({
        %run_scoped3A = tpu.sem_alloc : memref<!tpu.dma_semaphore, #tpu.memory_space<semaphore_mem>>
        %dma_start3A = arith.constant 9984 : i32
        %dma_start3A_20 = arith.constant 0 : i32
        %dma_start3A_21 = tpu.memref_slice %arg7[%dma_start3A, %dma_start3A_20] : memref<10008x128xf32, #tpu.memory_space<vmem_shared>> -> memref<16x128xf32, #tpu.memory_space<vmem_shared>>
        %dma_start3A_22 = arith.constant 0 : i32
        %dma_start3A_23 = arith.constant 0 : i32
        %dma_start3A_24 = tpu.memref_slice %arg5[%dma_start3A_22, %dma_start3A_23] : memref<624x128xf32, #tpu.memory_space<hbm>> -> memref<16x128xf32, #tpu.memory_space<hbm>>
        tpu.enqueue_dma source(%dma_start3A_24 : memref<16x128xf32, #tpu.memory_space<hbm>>) target(%dma_start3A_21 : memref<16x128xf32, #tpu.memory_space<vmem_shared>>) target_semaphore(%run_scoped3A : memref<!tpu.dma_semaphore, #tpu.memory_space<semaphore_mem>>)
        %dma_wait3A = arith.constant 9984 : i32
        %dma_wait3A_25 = arith.constant 0 : i32
        %dma_wait3A_26 = tpu.memref_slice %arg7[%dma_wait3A, %dma_wait3A_25] : memref<10008x128xf32, #tpu.memory_space<vmem_shared>> -> memref<16x128xf32, #tpu.memory_space<vmem_shared>>
        %dma_wait3A_27 = arith.constant 0 : i32
        %dma_wait3A_28 = arith.constant 0 : i32
        %dma_wait3A_29 = tpu.memref_slice %arg5[%dma_wait3A_27, %dma_wait3A_28] : memref<624x128xf32, #tpu.memory_space<hbm>> -> memref<16x128xf32, #tpu.memory_space<hbm>>
        tpu.wait_dma2 semaphore(%run_scoped3A : memref<!tpu.dma_semaphore, #tpu.memory_space<semaphore_mem>>) src(%dma_wait3A_29 : memref<16x128xf32, #tpu.memory_space<hbm>>) dst(%dma_wait3A_26 : memref<16x128xf32, #tpu.memory_space<vmem_shared>>)
        tpu.yield
      }) : () -> ()
    } else {
    }
    %barrier3A = arith.constant 0 : index
    tpu.barrier barrier_id(%barrier3A)
    %mul3A_5 = arith.constant 80 : i32
    %mul3A_6 = arith.muli %add3A, %mul3A_5 : i32
    %mul3A_7 = arith.constant 128 : i32
    %mul3A_8 = arith.muli %mul3A_6, %mul3A_7 : i32
    %scan3A = arith.constant 0 : i32
    %scan3A_9 = arith.constant 0 : i32
    %scan3A_10 = arith.constant 40 : i32
    %scan3A_11 = arith.addi %scan3A_9, %scan3A_10 : i32
    %scan3A_12 = arith.constant 1 : i32
    scf.for %scan3A_20 = %scan3A_9 to %scan3A_11 step %scan3A_12  : i32 {
      %mul3A_21 = arith.constant 2 : i32
      %mul3A_22 = arith.muli %mul3A_21, %scan3A_20 : i32
      %mul3A_23 = arith.constant 128 : i32
      %mul3A_24 = arith.muli %mul3A_22, %mul3A_23 : i32
      %add3A_25 = arith.addi %mul3A_8, %mul3A_24 : i32
      %add3A_26 = arith.constant 128 : i32
      %add3A_27 = arith.addi %add3A_25, %add3A_26 : i32
      %dma_start3A = tpu.memref_slice %arg3[%add3A_25] : memref<327680xi32, #tpu.memory_space<hbm>> -> memref<128xi32, #tpu.memory_space<hbm>>
      %dma_start3A_28 = tpu.memref_slice %arg3[%add3A_25] : memref<327680xi32, #tpu.memory_space<hbm>> -> memref<128xi32, #tpu.memory_space<hbm>>
      tpu.enqueue_dma source(%dma_start3A_28 : memref<128xi32, #tpu.memory_space<hbm>>) target(%arg8 : memref<128xi32, #tpu.memory_space<vmem>>) target_semaphore(%arg14 : memref<!tpu.dma_semaphore, #tpu.memory_space<semaphore_mem>>)
      %dma_start3A_29 = tpu.memref_slice %arg4[%add3A_25] : memref<327680xi32, #tpu.memory_space<hbm>> -> memref<128xi32, #tpu.memory_space<hbm>>
      %dma_start3A_30 = tpu.memref_slice %arg4[%add3A_25] : memref<327680xi32, #tpu.memory_space<hbm>> -> memref<128xi32, #tpu.memory_space<hbm>>
      tpu.enqueue_dma source(%dma_start3A_30 : memref<128xi32, #tpu.memory_space<hbm>>) target(%arg9 : memref<128xi32, #tpu.memory_space<vmem>>) target_semaphore(%arg15 : memref<!tpu.dma_semaphore, #tpu.memory_space<semaphore_mem>>)
      %dma_start3A_31 = tpu.memref_slice %arg3[%add3A_27] : memref<327680xi32, #tpu.memory_space<hbm>> -> memref<128xi32, #tpu.memory_space<hbm>>
      %dma_start3A_32 = tpu.memref_slice %arg3[%add3A_27] : memref<327680xi32, #tpu.memory_space<hbm>> -> memref<128xi32, #tpu.memory_space<hbm>>
      tpu.enqueue_dma source(%dma_start3A_32 : memref<128xi32, #tpu.memory_space<hbm>>) target(%arg10 : memref<128xi32, #tpu.memory_space<vmem>>) target_semaphore(%arg16 : memref<!tpu.dma_semaphore, #tpu.memory_space<semaphore_mem>>)
      %dma_start3A_33 = tpu.memref_slice %arg4[%add3A_27] : memref<327680xi32, #tpu.memory_space<hbm>> -> memref<128xi32, #tpu.memory_space<hbm>>
      %dma_start3A_34 = tpu.memref_slice %arg4[%add3A_27] : memref<327680xi32, #tpu.memory_space<hbm>> -> memref<128xi32, #tpu.memory_space<hbm>>
      tpu.enqueue_dma source(%dma_start3A_34 : memref<128xi32, #tpu.memory_space<hbm>>) target(%arg11 : memref<128xi32, #tpu.memory_space<vmem>>) target_semaphore(%arg13 : memref<!tpu.dma_semaphore, #tpu.memory_space<semaphore_mem>>)
      %dma_wait3A = tpu.memref_slice %arg3[%add3A_25] : memref<327680xi32, #tpu.memory_space<hbm>> -> memref<128xi32, #tpu.memory_space<hbm>>
      %dma_wait3A_35 = tpu.memref_slice %arg3[%add3A_25] : memref<327680xi32, #tpu.memory_space<hbm>> -> memref<128xi32, #tpu.memory_space<hbm>>
      tpu.wait_dma2 semaphore(%arg14 : memref<!tpu.dma_semaphore, #tpu.memory_space<semaphore_mem>>) src(%dma_wait3A_35 : memref<128xi32, #tpu.memory_space<hbm>>) dst(%arg8 : memref<128xi32, #tpu.memory_space<vmem>>)
      %dma_wait3A_36 = tpu.memref_slice %arg4[%add3A_25] : memref<327680xi32, #tpu.memory_space<hbm>> -> memref<128xi32, #tpu.memory_space<hbm>>
      %dma_wait3A_37 = tpu.memref_slice %arg4[%add3A_25] : memref<327680xi32, #tpu.memory_space<hbm>> -> memref<128xi32, #tpu.memory_space<hbm>>
      tpu.wait_dma2 semaphore(%arg15 : memref<!tpu.dma_semaphore, #tpu.memory_space<semaphore_mem>>) src(%dma_wait3A_37 : memref<128xi32, #tpu.memory_space<hbm>>) dst(%arg9 : memref<128xi32, #tpu.memory_space<vmem>>)
      %dma_start3A_38 = arith.constant 0 : i32
      %dma_start3A_39 = arith.constant 0 : i32
      %dma_start3A_40 = tpu.memref_slice %arg2[%dma_start3A_38, %dma_start3A_39] : memref<10000x128xf32, #tpu.memory_space<hbm>> -> memref<10000x128xf32, #tpu.memory_space<hbm>>
      tpu.enqueue_indirect_dma source(%dma_start3A_40 : memref<10000x128xf32, #tpu.memory_space<hbm>>) target(%arg12 : memref<128x128xf32, #tpu.memory_space<vmem>>) offsets(%arg8 : memref<128xi32, #tpu.memory_space<vmem>>) semaphore(%arg13 : memref<!tpu.dma_semaphore, #tpu.memory_space<semaphore_mem>>)
      %dma_wait3A_41 = arith.constant 0 : i32
      %dma_wait3A_42 = arith.constant 0 : i32
      %dma_wait3A_43 = tpu.memref_slice %arg2[%dma_wait3A_41, %dma_wait3A_42] : memref<10000x128xf32, #tpu.memory_space<hbm>> -> memref<10000x128xf32, #tpu.memory_space<hbm>>
      tpu.wait_indirect_dma semaphore(%arg13 : memref<!tpu.dma_semaphore, #tpu.memory_space<semaphore_mem>>) src(%dma_wait3A_43 : memref<10000x128xf32, #tpu.memory_space<hbm>>) dst(%arg12 : memref<128x128xf32, #tpu.memory_space<vmem>>)
      "tpu.region"() ({
        %run_scoped3A = tpu.sem_alloc : memref<!tpu.dma_semaphore, #tpu.memory_space<semaphore_mem>>
        %dma_start3A_54 = arith.constant 0 : i32
        %dma_start3A_55 = arith.constant 0 : i32
        %dma_start3A_56 = tpu.memref_slice %arg7[%dma_start3A_54, %dma_start3A_55] : memref<10008x128xf32, #tpu.memory_space<vmem_shared>> -> memref<10008x128xf32, #tpu.memory_space<vmem_shared>>
        tpu.enqueue_indirect_dma source(%arg12 : memref<128x128xf32, #tpu.memory_space<vmem>>) target(%dma_start3A_56 : memref<10008x128xf32, #tpu.memory_space<vmem_shared>>) offsets(%arg9 : memref<128xi32, #tpu.memory_space<vmem>>) semaphore(%run_scoped3A : memref<!tpu.dma_semaphore, #tpu.memory_space<semaphore_mem>>) {add = true}
        %dma_wait3A_57 = arith.constant 0 : i32
        %dma_wait3A_58 = arith.constant 0 : i32
        %dma_wait3A_59 = tpu.memref_slice %arg7[%dma_wait3A_57, %dma_wait3A_58] : memref<10008x128xf32, #tpu.memory_space<vmem_shared>> -> memref<10008x128xf32, #tpu.memory_space<vmem_shared>>
        tpu.wait_indirect_dma semaphore(%run_scoped3A : memref<!tpu.dma_semaphore, #tpu.memory_space<semaphore_mem>>) src(%arg12 : memref<128x128xf32, #tpu.memory_space<vmem>>) dst(%dma_wait3A_59 : memref<10008x128xf32, #tpu.memory_space<vmem_shared>>)
        tpu.yield
      }) : () -> ()
      %dma_wait3A_44 = tpu.memref_slice %arg3[%add3A_27] : memref<327680xi32, #tpu.memory_space<hbm>> -> memref<128xi32, #tpu.memory_space<hbm>>
      %dma_wait3A_45 = tpu.memref_slice %arg3[%add3A_27] : memref<327680xi32, #tpu.memory_space<hbm>> -> memref<128xi32, #tpu.memory_space<hbm>>
      tpu.wait_dma2 semaphore(%arg16 : memref<!tpu.dma_semaphore, #tpu.memory_space<semaphore_mem>>) src(%dma_wait3A_45 : memref<128xi32, #tpu.memory_space<hbm>>) dst(%arg10 : memref<128xi32, #tpu.memory_space<vmem>>)
      %dma_wait3A_46 = tpu.memref_slice %arg4[%add3A_27] : memref<327680xi32, #tpu.memory_space<hbm>> -> memref<128xi32, #tpu.memory_space<hbm>>
      %dma_wait3A_47 = tpu.memref_slice %arg4[%add3A_27] : memref<327680xi32, #tpu.memory_space<hbm>> -> memref<128xi32, #tpu.memory_space<hbm>>
      tpu.wait_dma2 semaphore(%arg13 : memref<!tpu.dma_semaphore, #tpu.memory_space<semaphore_mem>>) src(%dma_wait3A_47 : memref<128xi32, #tpu.memory_space<hbm>>) dst(%arg11 : memref<128xi32, #tpu.memory_space<vmem>>)
      %dma_start3A_48 = arith.constant 0 : i32
      %dma_start3A_49 = arith.constant 0 : i32
      %dma_start3A_50 = tpu.memref_slice %arg2[%dma_start3A_48, %dma_start3A_49] : memref<10000x128xf32, #tpu.memory_space<hbm>> -> memref<10000x128xf32, #tpu.memory_space<hbm>>
      tpu.enqueue_indirect_dma source(%dma_start3A_50 : memref<10000x128xf32, #tpu.memory_space<hbm>>) target(%arg12 : memref<128x128xf32, #tpu.memory_space<vmem>>) offsets(%arg10 : memref<128xi32, #tpu.memory_space<vmem>>) semaphore(%arg13 : memref<!tpu.dma_semaphore, #tpu.memory_space<semaphore_mem>>)
      %dma_wait3A_51 = arith.constant 0 : i32
      %dma_wait3A_52 = arith.constant 0 : i32
      %dma_wait3A_53 = tpu.memref_slice %arg2[%dma_wait3A_51, %dma_wait3A_52] : memref<10000x128xf32, #tpu.memory_space<hbm>> -> memref<10000x128xf32, #tpu.memory_space<hbm>>
      tpu.wait_indirect_dma semaphore(%arg13 : memref<!tpu.dma_semaphore, #tpu.memory_space<semaphore_mem>>) src(%dma_wait3A_53 : memref<10000x128xf32, #tpu.memory_space<hbm>>) dst(%arg12 : memref<128x128xf32, #tpu.memory_space<vmem>>)
      "tpu.region"() ({
        %run_scoped3A = tpu.sem_alloc : memref<!tpu.dma_semaphore, #tpu.memory_space<semaphore_mem>>
        %dma_start3A_54 = arith.constant 0 : i32
        %dma_start3A_55 = arith.constant 0 : i32
        %dma_start3A_56 = tpu.memref_slice %arg7[%dma_start3A_54, %dma_start3A_55] : memref<10008x128xf32, #tpu.memory_space<vmem_shared>> -> memref<10008x128xf32, #tpu.memory_space<vmem_shared>>
        tpu.enqueue_indirect_dma source(%arg12 : memref<128x128xf32, #tpu.memory_space<vmem>>) target(%dma_start3A_56 : memref<10008x128xf32, #tpu.memory_space<vmem_shared>>) offsets(%arg11 : memref<128xi32, #tpu.memory_space<vmem>>) semaphore(%run_scoped3A : memref<!tpu.dma_semaphore, #tpu.memory_space<semaphore_mem>>) {add = true}
        %dma_wait3A_57 = arith.constant 0 : i32
        %dma_wait3A_58 = arith.constant 0 : i32
        %dma_wait3A_59 = tpu.memref_slice %arg7[%dma_wait3A_57, %dma_wait3A_58] : memref<10008x128xf32, #tpu.memory_space<vmem_shared>> -> memref<10008x128xf32, #tpu.memory_space<vmem_shared>>
        tpu.wait_indirect_dma semaphore(%run_scoped3A : memref<!tpu.dma_semaphore, #tpu.memory_space<semaphore_mem>>) src(%arg12 : memref<128x128xf32, #tpu.memory_space<vmem>>) dst(%dma_wait3A_59 : memref<10008x128xf32, #tpu.memory_space<vmem_shared>>)
        tpu.yield
      }) : () -> ()
    }
    %scan3A_13 = arith.constant 40 : i32
    %barrier3A_14 = arith.constant 0 : index
    tpu.barrier barrier_id(%barrier3A_14)
    "tpu.region"() ({
      %run_scoped3A = tpu.sem_alloc : memref<!tpu.dma_semaphore, #tpu.memory_space<semaphore_mem>>
      %dma_start3A = arith.constant 0 : i32
      %dma_start3A_20 = tpu.memref_slice %arg6[%arg0, %mul3A_2, %dma_start3A] : memref<2x10000x128xf32, #tpu.memory_space<hbm>> -> memref<1x624x128xf32, #tpu.memory_space<hbm>>
      %dma_start3A_21 = tpu.memref_squeeze %dma_start3A_20 : memref<1x624x128xf32, #tpu.memory_space<hbm>> -> memref<624x128xf32, #tpu.memory_space<hbm>>
      %dma_start3A_22 = arith.constant 0 : i32
      %dma_start3A_23 = tpu.memref_slice %arg7[%mul3A_2, %dma_start3A_22] : memref<10008x128xf32, #tpu.memory_space<vmem_shared>> -> memref<624x128xf32, #tpu.memory_space<vmem_shared>>
      tpu.enqueue_dma source(%dma_start3A_23 : memref<624x128xf32, #tpu.memory_space<vmem_shared>>) target(%dma_start3A_21 : memref<624x128xf32, #tpu.memory_space<hbm>>) target_semaphore(%run_scoped3A : memref<!tpu.dma_semaphore, #tpu.memory_space<semaphore_mem>>)
      %dma_wait3A = arith.constant 0 : i32
      %dma_wait3A_24 = tpu.memref_slice %arg6[%arg0, %mul3A_2, %dma_wait3A] : memref<2x10000x128xf32, #tpu.memory_space<hbm>> -> memref<1x624x128xf32, #tpu.memory_space<hbm>>
      %dma_wait3A_25 = tpu.memref_squeeze %dma_wait3A_24 : memref<1x624x128xf32, #tpu.memory_space<hbm>> -> memref<624x128xf32, #tpu.memory_space<hbm>>
      %dma_wait3A_26 = arith.constant 0 : i32
      %dma_wait3A_27 = tpu.memref_slice %arg7[%mul3A_2, %dma_wait3A_26] : memref<10008x128xf32, #tpu.memory_space<vmem_shared>> -> memref<624x128xf32, #tpu.memory_space<vmem_shared>>
      tpu.wait_dma2 semaphore(%run_scoped3A : memref<!tpu.dma_semaphore, #tpu.memory_space<semaphore_mem>>) src(%dma_wait3A_27 : memref<624x128xf32, #tpu.memory_space<vmem_shared>>) dst(%dma_wait3A_25 : memref<624x128xf32, #tpu.memory_space<hbm>>)
      tpu.yield
    }) : () -> ()
    %eq3A_15 = arith.constant 0 : i32
    %eq3A_16 = arith.cmpi eq, %arg1, %eq3A_15 : i32
    %convert_element_type3A_17 = arith.extui %eq3A_16 : i1 to i32
    %cond3A_18 = arith.constant 0 : i32
    %cond3A_19 = arith.cmpi ne, %convert_element_type3A_17, %cond3A_18 : i32
    scf.if %cond3A_19 {
      "tpu.region"() ({
        %run_scoped3A = tpu.sem_alloc : memref<!tpu.dma_semaphore, #tpu.memory_space<semaphore_mem>>
        %dma_start3A = arith.constant 9984 : i32
        %dma_start3A_20 = arith.constant 0 : i32
        %dma_start3A_21 = tpu.memref_slice %arg6[%arg0, %dma_start3A, %dma_start3A_20] : memref<2x10000x128xf32, #tpu.memory_space<hbm>> -> memref<1x16x128xf32, #tpu.memory_space<hbm>>
        %dma_start3A_22 = tpu.memref_squeeze %dma_start3A_21 : memref<1x16x128xf32, #tpu.memory_space<hbm>> -> memref<16x128xf32, #tpu.memory_space<hbm>>
        %dma_start3A_23 = arith.constant 9984 : i32
        %dma_start3A_24 = arith.constant 0 : i32
        %dma_start3A_25 = tpu.memref_slice %arg7[%dma_start3A_23, %dma_start3A_24] : memref<10008x128xf32, #tpu.memory_space<vmem_shared>> -> memref<16x128xf32, #tpu.memory_space<vmem_shared>>
        tpu.enqueue_dma source(%dma_start3A_25 : memref<16x128xf32, #tpu.memory_space<vmem_shared>>) target(%dma_start3A_22 : memref<16x128xf32, #tpu.memory_space<hbm>>) target_semaphore(%run_scoped3A : memref<!tpu.dma_semaphore, #tpu.memory_space<semaphore_mem>>)
        %dma_wait3A = arith.constant 9984 : i32
        %dma_wait3A_26 = arith.constant 0 : i32
        %dma_wait3A_27 = tpu.memref_slice %arg6[%arg0, %dma_wait3A, %dma_wait3A_26] : memref<2x10000x128xf32, #tpu.memory_space<hbm>> -> memref<1x16x128xf32, #tpu.memory_space<hbm>>
        %dma_wait3A_28 = tpu.memref_squeeze %dma_wait3A_27 : memref<1x16x128xf32, #tpu.memory_space<hbm>> -> memref<16x128xf32, #tpu.memory_space<hbm>>
        %dma_wait3A_29 = arith.constant 9984 : i32
        %dma_wait3A_30 = arith.constant 0 : i32
        %dma_wait3A_31 = tpu.memref_slice %arg7[%dma_wait3A_29, %dma_wait3A_30] : memref<10008x128xf32, #tpu.memory_space<vmem_shared>> -> memref<16x128xf32, #tpu.memory_space<vmem_shared>>
        tpu.wait_dma2 semaphore(%run_scoped3A : memref<!tpu.dma_semaphore, #tpu.memory_space<semaphore_mem>>) src(%dma_wait3A_31 : memref<16x128xf32, #tpu.memory_space<vmem_shared>>) dst(%dma_wait3A_28 : memref<16x128xf32, #tpu.memory_space<hbm>>)
        tpu.yield
      }) : () -> ()
    } else {
    }
    return
  }
}

#map = affine_map<(d0, d1) -> (0, 0)>
#map1 = affine_map<(d0, d1) -> (0)>
#map2 = affine_map<(d0, d1) -> (0, 0, 0)>
module attributes {stable_mosaic.version = 14 : i64} {
  func.func @_spmv_body(%arg0: i32, %arg1: i32, %arg2: memref<10000x128xf32, #tpu.memory_space<hbm>>, %arg3: memref<327680xi32, #tpu.memory_space<hbm>>, %arg4: memref<327680xi32, #tpu.memory_space<hbm>>, %arg5: memref<624x128xf32, #tpu.memory_space<hbm>>, %arg6: memref<2x10000x128xf32, #tpu.memory_space<hbm>>, %arg7: memref<10008x128xf32, #tpu.memory_space<vmem_shared>>, %arg8: memref<128xi32, #tpu.memory_space<vmem>>, %arg9: memref<128xi32, #tpu.memory_space<vmem>>, %arg10: memref<128xi32, #tpu.memory_space<vmem>>, %arg11: memref<128xi32, #tpu.memory_space<vmem>>, %arg12: memref<128x128xf32, #tpu.memory_space<vmem>>, %arg13: memref<!tpu.dma_semaphore, #tpu.memory_space<semaphore_mem>>, %arg14: memref<!tpu.dma_semaphore, #tpu.memory_space<semaphore_mem>>, %arg15: memref<!tpu.dma_semaphore, #tpu.memory_space<semaphore_mem>>, %arg16: memref<!tpu.dma_semaphore, #tpu.memory_space<semaphore_mem>>) attributes {dimension_semantics = [#tpu.dimension_semantics<core_parallel>, #tpu.dimension_semantics<subcore_parallel>], iteration_bounds = array<i64: 2, 16>, scalar_prefetch = 0 : i64, scratch_operands = 10 : i64, tpu.core_type = #tpu.core_type<sc_vector_subcore>, window_params = [{transform_indices = #map}, {transform_indices = #map1}, {transform_indices = #map1}, {transform_indices = #map}, {transform_indices = #map2}]} {
    %mul3A = arith.constant 2 : i32
    %mul3A_0 = arith.muli %arg1, %mul3A : i32
    %add3A = arith.addi %mul3A_0, %arg0 : i32
    %mul3A_1 = arith.constant 624 : i32
    %mul3A_2 = arith.muli %arg1, %mul3A_1 : i32
    "tpu.region"() ({
      %run_scoped3A = tpu.sem_alloc : memref<!tpu.dma_semaphore, #tpu.memory_space<semaphore_mem>>
      %dma_start3A = arith.constant 0 : i32
      %dma_start3A_20 = tpu.memref_slice %arg7[%mul3A_2, %dma_start3A] : memref<10008x128xf32, #tpu.memory_space<vmem_shared>> -> memref<624x128xf32, #tpu.memory_space<vmem_shared>>
      %dma_start3A_21 = arith.constant 0 : i32
      %dma_start3A_22 = arith.constant 0 : i32
      %dma_start3A_23 = tpu.memref_slice %arg5[%dma_start3A_21, %dma_start3A_22] : memref<624x128xf32, #tpu.memory_space<hbm>> -> memref<624x128xf32, #tpu.memory_space<hbm>>
      tpu.enqueue_dma source(%dma_start3A_23 : memref<624x128xf32, #tpu.memory_space<hbm>>) target(%dma_start3A_20 : memref<624x128xf32, #tpu.memory_space<vmem_shared>>) target_semaphore(%run_scoped3A : memref<!tpu.dma_semaphore, #tpu.memory_space<semaphore_mem>>)
      %dma_wait3A = arith.constant 0 : i32
      %dma_wait3A_24 = tpu.memref_slice %arg7[%mul3A_2, %dma_wait3A] : memref<10008x128xf32, #tpu.memory_space<vmem_shared>> -> memref<624x128xf32, #tpu.memory_space<vmem_shared>>
      %dma_wait3A_25 = arith.constant 0 : i32
      %dma_wait3A_26 = arith.constant 0 : i32
      %dma_wait3A_27 = tpu.memref_slice %arg5[%dma_wait3A_25, %dma_wait3A_26] : memref<624x128xf32, #tpu.memory_space<hbm>> -> memref<624x128xf32, #tpu.memory_space<hbm>>
      tpu.wait_dma2 semaphore(%run_scoped3A : memref<!tpu.dma_semaphore, #tpu.memory_space<semaphore_mem>>) src(%dma_wait3A_27 : memref<624x128xf32, #tpu.memory_space<hbm>>) dst(%dma_wait3A_24 : memref<624x128xf32, #tpu.memory_space<vmem_shared>>)
      tpu.yield
    }) : () -> ()
    %eq3A = arith.constant 0 : i32
    %eq3A_3 = arith.cmpi eq, %arg1, %eq3A : i32
    %convert_element_type3A = arith.extui %eq3A_3 : i1 to i32
    %cond3A = arith.constant 0 : i32
    %cond3A_4 = arith.cmpi ne, %convert_element_type3A, %cond3A : i32
    scf.if %cond3A_4 {
      "tpu.region"() ({
        %run_scoped3A = tpu.sem_alloc : memref<!tpu.dma_semaphore, #tpu.memory_space<semaphore_mem>>
        %dma_start3A = arith.constant 9984 : i32
        %dma_start3A_20 = arith.constant 0 : i32
        %dma_start3A_21 = tpu.memref_slice %arg7[%dma_start3A, %dma_start3A_20] : memref<10008x128xf32, #tpu.memory_space<vmem_shared>> -> memref<16x128xf32, #tpu.memory_space<vmem_shared>>
        %dma_start3A_22 = arith.constant 0 : i32
        %dma_start3A_23 = arith.constant 0 : i32
        %dma_start3A_24 = tpu.memref_slice %arg5[%dma_start3A_22, %dma_start3A_23] : memref<624x128xf32, #tpu.memory_space<hbm>> -> memref<16x128xf32, #tpu.memory_space<hbm>>
        tpu.enqueue_dma source(%dma_start3A_24 : memref<16x128xf32, #tpu.memory_space<hbm>>) target(%dma_start3A_21 : memref<16x128xf32, #tpu.memory_space<vmem_shared>>) target_semaphore(%run_scoped3A : memref<!tpu.dma_semaphore, #tpu.memory_space<semaphore_mem>>)
        %dma_wait3A = arith.constant 9984 : i32
        %dma_wait3A_25 = arith.constant 0 : i32
        %dma_wait3A_26 = tpu.memref_slice %arg7[%dma_wait3A, %dma_wait3A_25] : memref<10008x128xf32, #tpu.memory_space<vmem_shared>> -> memref<16x128xf32, #tpu.memory_space<vmem_shared>>
        %dma_wait3A_27 = arith.constant 0 : i32
        %dma_wait3A_28 = arith.constant 0 : i32
        %dma_wait3A_29 = tpu.memref_slice %arg5[%dma_wait3A_27, %dma_wait3A_28] : memref<624x128xf32, #tpu.memory_space<hbm>> -> memref<16x128xf32, #tpu.memory_space<hbm>>
        tpu.wait_dma2 semaphore(%run_scoped3A : memref<!tpu.dma_semaphore, #tpu.memory_space<semaphore_mem>>) src(%dma_wait3A_29 : memref<16x128xf32, #tpu.memory_space<hbm>>) dst(%dma_wait3A_26 : memref<16x128xf32, #tpu.memory_space<vmem_shared>>)
        tpu.yield
      }) : () -> ()
    } else {
    }
    %barrier3A = arith.constant 0 : index
    tpu.barrier barrier_id(%barrier3A)
    %mul3A_5 = arith.constant 80 : i32
    %mul3A_6 = arith.muli %add3A, %mul3A_5 : i32
    %mul3A_7 = arith.constant 128 : i32
    %mul3A_8 = arith.muli %mul3A_6, %mul3A_7 : i32
    %scan3A = arith.constant 0 : i32
    %scan3A_9 = arith.constant 0 : i32
    %scan3A_10 = arith.constant 40 : i32
    %scan3A_11 = arith.addi %scan3A_9, %scan3A_10 : i32
    %scan3A_12 = arith.constant 1 : i32
    scf.for %scan3A_20 = %scan3A_9 to %scan3A_11 step %scan3A_12  : i32 {
      %mul3A_21 = arith.constant 2 : i32
      %mul3A_22 = arith.muli %mul3A_21, %scan3A_20 : i32
      %mul3A_23 = arith.constant 128 : i32
      %mul3A_24 = arith.muli %mul3A_22, %mul3A_23 : i32
      %add3A_25 = arith.addi %mul3A_8, %mul3A_24 : i32
      %add3A_26 = arith.constant 128 : i32
      %add3A_27 = arith.addi %add3A_25, %add3A_26 : i32
      %dma_start3A = tpu.memref_slice %arg3[%add3A_25] : memref<327680xi32, #tpu.memory_space<hbm>> -> memref<128xi32, #tpu.memory_space<hbm>>
      %dma_start3A_28 = tpu.memref_slice %arg3[%add3A_25] : memref<327680xi32, #tpu.memory_space<hbm>> -> memref<128xi32, #tpu.memory_space<hbm>>
      tpu.enqueue_dma source(%dma_start3A_28 : memref<128xi32, #tpu.memory_space<hbm>>) target(%arg8 : memref<128xi32, #tpu.memory_space<vmem>>) target_semaphore(%arg14 : memref<!tpu.dma_semaphore, #tpu.memory_space<semaphore_mem>>)
      %dma_start3A_29 = tpu.memref_slice %arg4[%add3A_25] : memref<327680xi32, #tpu.memory_space<hbm>> -> memref<128xi32, #tpu.memory_space<hbm>>
      %dma_start3A_30 = tpu.memref_slice %arg4[%add3A_25] : memref<327680xi32, #tpu.memory_space<hbm>> -> memref<128xi32, #tpu.memory_space<hbm>>
      tpu.enqueue_dma source(%dma_start3A_30 : memref<128xi32, #tpu.memory_space<hbm>>) target(%arg9 : memref<128xi32, #tpu.memory_space<vmem>>) target_semaphore(%arg15 : memref<!tpu.dma_semaphore, #tpu.memory_space<semaphore_mem>>)
      %dma_start3A_31 = tpu.memref_slice %arg3[%add3A_27] : memref<327680xi32, #tpu.memory_space<hbm>> -> memref<128xi32, #tpu.memory_space<hbm>>
      %dma_start3A_32 = tpu.memref_slice %arg3[%add3A_27] : memref<327680xi32, #tpu.memory_space<hbm>> -> memref<128xi32, #tpu.memory_space<hbm>>
      tpu.enqueue_dma source(%dma_start3A_32 : memref<128xi32, #tpu.memory_space<hbm>>) target(%arg10 : memref<128xi32, #tpu.memory_space<vmem>>) target_semaphore(%arg16 : memref<!tpu.dma_semaphore, #tpu.memory_space<semaphore_mem>>)
      %dma_start3A_33 = tpu.memref_slice %arg4[%add3A_27] : memref<327680xi32, #tpu.memory_space<hbm>> -> memref<128xi32, #tpu.memory_space<hbm>>
      %dma_start3A_34 = tpu.memref_slice %arg4[%add3A_27] : memref<327680xi32, #tpu.memory_space<hbm>> -> memref<128xi32, #tpu.memory_space<hbm>>
      tpu.enqueue_dma source(%dma_start3A_34 : memref<128xi32, #tpu.memory_space<hbm>>) target(%arg11 : memref<128xi32, #tpu.memory_space<vmem>>) target_semaphore(%arg13 : memref<!tpu.dma_semaphore, #tpu.memory_space<semaphore_mem>>)
      %dma_wait3A = tpu.memref_slice %arg3[%add3A_25] : memref<327680xi32, #tpu.memory_space<hbm>> -> memref<128xi32, #tpu.memory_space<hbm>>
      %dma_wait3A_35 = tpu.memref_slice %arg3[%add3A_25] : memref<327680xi32, #tpu.memory_space<hbm>> -> memref<128xi32, #tpu.memory_space<hbm>>
      tpu.wait_dma2 semaphore(%arg14 : memref<!tpu.dma_semaphore, #tpu.memory_space<semaphore_mem>>) src(%dma_wait3A_35 : memref<128xi32, #tpu.memory_space<hbm>>) dst(%arg8 : memref<128xi32, #tpu.memory_space<vmem>>)
      %dma_wait3A_36 = tpu.memref_slice %arg4[%add3A_25] : memref<327680xi32, #tpu.memory_space<hbm>> -> memref<128xi32, #tpu.memory_space<hbm>>
      %dma_wait3A_37 = tpu.memref_slice %arg4[%add3A_25] : memref<327680xi32, #tpu.memory_space<hbm>> -> memref<128xi32, #tpu.memory_space<hbm>>
      tpu.wait_dma2 semaphore(%arg15 : memref<!tpu.dma_semaphore, #tpu.memory_space<semaphore_mem>>) src(%dma_wait3A_37 : memref<128xi32, #tpu.memory_space<hbm>>) dst(%arg9 : memref<128xi32, #tpu.memory_space<vmem>>)
      %dma_start3A_38 = arith.constant 0 : i32
      %dma_start3A_39 = arith.constant 0 : i32
      %dma_start3A_40 = tpu.memref_slice %arg2[%dma_start3A_38, %dma_start3A_39] : memref<10000x128xf32, #tpu.memory_space<hbm>> -> memref<10000x128xf32, #tpu.memory_space<hbm>>
      tpu.enqueue_indirect_dma source(%dma_start3A_40 : memref<10000x128xf32, #tpu.memory_space<hbm>>) target(%arg12 : memref<128x128xf32, #tpu.memory_space<vmem>>) offsets(%arg8 : memref<128xi32, #tpu.memory_space<vmem>>) semaphore(%arg13 : memref<!tpu.dma_semaphore, #tpu.memory_space<semaphore_mem>>)
      %dma_wait3A_41 = arith.constant 0 : i32
      %dma_wait3A_42 = arith.constant 0 : i32
      %dma_wait3A_43 = tpu.memref_slice %arg2[%dma_wait3A_41, %dma_wait3A_42] : memref<10000x128xf32, #tpu.memory_space<hbm>> -> memref<10000x128xf32, #tpu.memory_space<hbm>>
      tpu.wait_indirect_dma semaphore(%arg13 : memref<!tpu.dma_semaphore, #tpu.memory_space<semaphore_mem>>) src(%dma_wait3A_43 : memref<10000x128xf32, #tpu.memory_space<hbm>>) dst(%arg12 : memref<128x128xf32, #tpu.memory_space<vmem>>)
      "tpu.region"() ({
        %run_scoped3A = tpu.sem_alloc : memref<!tpu.dma_semaphore, #tpu.memory_space<semaphore_mem>>
        %dma_start3A_54 = arith.constant 0 : i32
        %dma_start3A_55 = arith.constant 0 : i32
        %dma_start3A_56 = tpu.memref_slice %arg7[%dma_start3A_54, %dma_start3A_55] : memref<10008x128xf32, #tpu.memory_space<vmem_shared>> -> memref<10008x128xf32, #tpu.memory_space<vmem_shared>>
        tpu.enqueue_indirect_dma source(%arg12 : memref<128x128xf32, #tpu.memory_space<vmem>>) target(%dma_start3A_56 : memref<10008x128xf32, #tpu.memory_space<vmem_shared>>) offsets(%arg9 : memref<128xi32, #tpu.memory_space<vmem>>) semaphore(%run_scoped3A : memref<!tpu.dma_semaphore, #tpu.memory_space<semaphore_mem>>) {add = true}
        %dma_wait3A_57 = arith.constant 0 : i32
        %dma_wait3A_58 = arith.constant 0 : i32
        %dma_wait3A_59 = tpu.memref_slice %arg7[%dma_wait3A_57, %dma_wait3A_58] : memref<10008x128xf32, #tpu.memory_space<vmem_shared>> -> memref<10008x128xf32, #tpu.memory_space<vmem_shared>>
        tpu.wait_indirect_dma semaphore(%run_scoped3A : memref<!tpu.dma_semaphore, #tpu.memory_space<semaphore_mem>>) src(%arg12 : memref<128x128xf32, #tpu.memory_space<vmem>>) dst(%dma_wait3A_59 : memref<10008x128xf32, #tpu.memory_space<vmem_shared>>)
        tpu.yield
      }) : () -> ()
      %dma_wait3A_44 = tpu.memref_slice %arg3[%add3A_27] : memref<327680xi32, #tpu.memory_space<hbm>> -> memref<128xi32, #tpu.memory_space<hbm>>
      %dma_wait3A_45 = tpu.memref_slice %arg3[%add3A_27] : memref<327680xi32, #tpu.memory_space<hbm>> -> memref<128xi32, #tpu.memory_space<hbm>>
      tpu.wait_dma2 semaphore(%arg16 : memref<!tpu.dma_semaphore, #tpu.memory_space<semaphore_mem>>) src(%dma_wait3A_45 : memref<128xi32, #tpu.memory_space<hbm>>) dst(%arg10 : memref<128xi32, #tpu.memory_space<vmem>>)
      %dma_wait3A_46 = tpu.memref_slice %arg4[%add3A_27] : memref<327680xi32, #tpu.memory_space<hbm>> -> memref<128xi32, #tpu.memory_space<hbm>>
      %dma_wait3A_47 = tpu.memref_slice %arg4[%add3A_27] : memref<327680xi32, #tpu.memory_space<hbm>> -> memref<128xi32, #tpu.memory_space<hbm>>
      tpu.wait_dma2 semaphore(%arg13 : memref<!tpu.dma_semaphore, #tpu.memory_space<semaphore_mem>>) src(%dma_wait3A_47 : memref<128xi32, #tpu.memory_space<hbm>>) dst(%arg11 : memref<128xi32, #tpu.memory_space<vmem>>)
      %dma_start3A_48 = arith.constant 0 : i32
      %dma_start3A_49 = arith.constant 0 : i32
      %dma_start3A_50 = tpu.memref_slice %arg2[%dma_start3A_48, %dma_start3A_49] : memref<10000x128xf32, #tpu.memory_space<hbm>> -> memref<10000x128xf32, #tpu.memory_space<hbm>>
      tpu.enqueue_indirect_dma source(%dma_start3A_50 : memref<10000x128xf32, #tpu.memory_space<hbm>>) target(%arg12 : memref<128x128xf32, #tpu.memory_space<vmem>>) offsets(%arg10 : memref<128xi32, #tpu.memory_space<vmem>>) semaphore(%arg13 : memref<!tpu.dma_semaphore, #tpu.memory_space<semaphore_mem>>)
      %dma_wait3A_51 = arith.constant 0 : i32
      %dma_wait3A_52 = arith.constant 0 : i32
      %dma_wait3A_53 = tpu.memref_slice %arg2[%dma_wait3A_51, %dma_wait3A_52] : memref<10000x128xf32, #tpu.memory_space<hbm>> -> memref<10000x128xf32, #tpu.memory_space<hbm>>
      tpu.wait_indirect_dma semaphore(%arg13 : memref<!tpu.dma_semaphore, #tpu.memory_space<semaphore_mem>>) src(%dma_wait3A_53 : memref<10000x128xf32, #tpu.memory_space<hbm>>) dst(%arg12 : memref<128x128xf32, #tpu.memory_space<vmem>>)
      "tpu.region"() ({
        %run_scoped3A = tpu.sem_alloc : memref<!tpu.dma_semaphore, #tpu.memory_space<semaphore_mem>>
        %dma_start3A_54 = arith.constant 0 : i32
        %dma_start3A_55 = arith.constant 0 : i32
        %dma_start3A_56 = tpu.memref_slice %arg7[%dma_start3A_54, %dma_start3A_55] : memref<10008x128xf32, #tpu.memory_space<vmem_shared>> -> memref<10008x128xf32, #tpu.memory_space<vmem_shared>>
        tpu.enqueue_indirect_dma source(%arg12 : memref<128x128xf32, #tpu.memory_space<vmem>>) target(%dma_start3A_56 : memref<10008x128xf32, #tpu.memory_space<vmem_shared>>) offsets(%arg11 : memref<128xi32, #tpu.memory_space<vmem>>) semaphore(%run_scoped3A : memref<!tpu.dma_semaphore, #tpu.memory_space<semaphore_mem>>) {add = true}
        %dma_wait3A_57 = arith.constant 0 : i32
        %dma_wait3A_58 = arith.constant 0 : i32
        %dma_wait3A_59 = tpu.memref_slice %arg7[%dma_wait3A_57, %dma_wait3A_58] : memref<10008x128xf32, #tpu.memory_space<vmem_shared>> -> memref<10008x128xf32, #tpu.memory_space<vmem_shared>>
        tpu.wait_indirect_dma semaphore(%run_scoped3A : memref<!tpu.dma_semaphore, #tpu.memory_space<semaphore_mem>>) src(%arg12 : memref<128x128xf32, #tpu.memory_space<vmem>>) dst(%dma_wait3A_59 : memref<10008x128xf32, #tpu.memory_space<vmem_shared>>)
        tpu.yield
      }) : () -> ()
    }
    %scan3A_13 = arith.constant 40 : i32
    %barrier3A_14 = arith.constant 0 : index
    tpu.barrier barrier_id(%barrier3A_14)
    "tpu.region"() ({
      %run_scoped3A = tpu.sem_alloc : memref<!tpu.dma_semaphore, #tpu.memory_space<semaphore_mem>>
      %dma_start3A = arith.constant 0 : i32
      %dma_start3A_20 = tpu.memref_slice %arg6[%arg0, %mul3A_2, %dma_start3A] : memref<2x10000x128xf32, #tpu.memory_space<hbm>> -> memref<1x624x128xf32, #tpu.memory_space<hbm>>
      %dma_start3A_21 = tpu.memref_squeeze %dma_start3A_20 : memref<1x624x128xf32, #tpu.memory_space<hbm>> -> memref<624x128xf32, #tpu.memory_space<hbm>>
      %dma_start3A_22 = arith.constant 0 : i32
      %dma_start3A_23 = tpu.memref_slice %arg7[%mul3A_2, %dma_start3A_22] : memref<10008x128xf32, #tpu.memory_space<vmem_shared>> -> memref<624x128xf32, #tpu.memory_space<vmem_shared>>
      tpu.enqueue_dma source(%dma_start3A_23 : memref<624x128xf32, #tpu.memory_space<vmem_shared>>) target(%dma_start3A_21 : memref<624x128xf32, #tpu.memory_space<hbm>>) target_semaphore(%run_scoped3A : memref<!tpu.dma_semaphore, #tpu.memory_space<semaphore_mem>>)
      %dma_wait3A = arith.constant 0 : i32
      %dma_wait3A_24 = tpu.memref_slice %arg6[%arg0, %mul3A_2, %dma_wait3A] : memref<2x10000x128xf32, #tpu.memory_space<hbm>> -> memref<1x624x128xf32, #tpu.memory_space<hbm>>
      %dma_wait3A_25 = tpu.memref_squeeze %dma_wait3A_24 : memref<1x624x128xf32, #tpu.memory_space<hbm>> -> memref<624x128xf32, #tpu.memory_space<hbm>>
      %dma_wait3A_26 = arith.constant 0 : i32
      %dma_wait3A_27 = tpu.memref_slice %arg7[%mul3A_2, %dma_wait3A_26] : memref<10008x128xf32, #tpu.memory_space<vmem_shared>> -> memref<624x128xf32, #tpu.memory_space<vmem_shared>>
      tpu.wait_dma2 semaphore(%run_scoped3A : memref<!tpu.dma_semaphore, #tpu.memory_space<semaphore_mem>>) src(%dma_wait3A_27 : memref<624x128xf32, #tpu.memory_space<vmem_shared>>) dst(%dma_wait3A_25 : memref<624x128xf32, #tpu.memory_space<hbm>>)
      tpu.yield
    }) : () -> ()
    %eq3A_15 = arith.constant 0 : i32
    %eq3A_16 = arith.cmpi eq, %arg1, %eq3A_15 : i32
    %convert_element_type3A_17 = arith.extui %eq3A_16 : i1 to i32
    %cond3A_18 = arith.constant 0 : i32
    %cond3A_19 = arith.cmpi ne, %convert_element_type3A_17, %cond3A_18 : i32
    scf.if %cond3A_19 {
      "tpu.region"() ({
        %run_scoped3A = tpu.sem_alloc : memref<!tpu.dma_semaphore, #tpu.memory_space<semaphore_mem>>
        %dma_start3A = arith.constant 9984 : i32
        %dma_start3A_20 = arith.constant 0 : i32
        %dma_start3A_21 = tpu.memref_slice %arg6[%arg0, %dma_start3A, %dma_start3A_20] : memref<2x10000x128xf32, #tpu.memory_space<hbm>> -> memref<1x16x128xf32, #tpu.memory_space<hbm>>
        %dma_start3A_22 = tpu.memref_squeeze %dma_start3A_21 : memref<1x16x128xf32, #tpu.memory_space<hbm>> -> memref<16x128xf32, #tpu.memory_space<hbm>>
        %dma_start3A_23 = arith.constant 9984 : i32
        %dma_start3A_24 = arith.constant 0 : i32
        %dma_start3A_25 = tpu.memref_slice %arg7[%dma_start3A_23, %dma_start3A_24] : memref<10008x128xf32, #tpu.memory_space<vmem_shared>> -> memref<16x128xf32, #tpu.memory_space<vmem_shared>>
        tpu.enqueue_dma source(%dma_start3A_25 : memref<16x128xf32, #tpu.memory_space<vmem_shared>>) target(%dma_start3A_22 : memref<16x128xf32, #tpu.memory_space<hbm>>) target_semaphore(%run_scoped3A : memref<!tpu.dma_semaphore, #tpu.memory_space<semaphore_mem>>)
        %dma_wait3A = arith.constant 9984 : i32
        %dma_wait3A_26 = arith.constant 0 : i32
        %dma_wait3A_27 = tpu.memref_slice %arg6[%arg0, %dma_wait3A, %dma_wait3A_26] : memref<2x10000x128xf32, #tpu.memory_space<hbm>> -> memref<1x16x128xf32, #tpu.memory_space<hbm>>
        %dma_wait3A_28 = tpu.memref_squeeze %dma_wait3A_27 : memref<1x16x128xf32, #tpu.memory_space<hbm>> -> memref<16x128xf32, #tpu.memory_space<hbm>>
        %dma_wait3A_29 = arith.constant 9984 : i32
        %dma_wait3A_30 = arith.constant 0 : i32
        %dma_wait3A_31 = tpu.memref_slice %arg7[%dma_wait3A_29, %dma_wait3A_30] : memref<10008x128xf32, #tpu.memory_space<vmem_shared>> -> memref<16x128xf32, #tpu.memory_space<vmem_shared>>
        tpu.wait_dma2 semaphore(%run_scoped3A : memref<!tpu.dma_semaphore, #tpu.memory_space<semaphore_mem>>) src(%dma_wait3A_31 : memref<16x128xf32, #tpu.memory_space<vmem_shared>>) dst(%dma_wait3A_28 : memref<16x128xf32, #tpu.memory_space<hbm>>)
        tpu.yield
      }) : () -> ()
    } else {
    }
    return
  }
}

#map = affine_map<(d0, d1) -> (0, 0)>
#map1 = affine_map<(d0, d1) -> (0)>
#map2 = affine_map<(d0, d1) -> (0, 0, 0)>
module attributes {stable_mosaic.version = 14 : i64} {
  func.func @_spmv_body(%arg0: i32, %arg1: i32, %arg2: memref<10000x128xf32, #tpu.memory_space<hbm>>, %arg3: memref<327680xi32, #tpu.memory_space<hbm>>, %arg4: memref<327680xi32, #tpu.memory_space<hbm>>, %arg5: memref<624x128xf32, #tpu.memory_space<hbm>>, %arg6: memref<2x10000x128xf32, #tpu.memory_space<hbm>>, %arg7: memref<10008x128xf32, #tpu.memory_space<vmem_shared>>, %arg8: memref<128xi32, #tpu.memory_space<vmem>>, %arg9: memref<128xi32, #tpu.memory_space<vmem>>, %arg10: memref<128xi32, #tpu.memory_space<vmem>>, %arg11: memref<128xi32, #tpu.memory_space<vmem>>, %arg12: memref<128x128xf32, #tpu.memory_space<vmem>>, %arg13: memref<!tpu.dma_semaphore, #tpu.memory_space<semaphore_mem>>, %arg14: memref<!tpu.dma_semaphore, #tpu.memory_space<semaphore_mem>>, %arg15: memref<!tpu.dma_semaphore, #tpu.memory_space<semaphore_mem>>, %arg16: memref<!tpu.dma_semaphore, #tpu.memory_space<semaphore_mem>>) attributes {dimension_semantics = [#tpu.dimension_semantics<core_parallel>, #tpu.dimension_semantics<subcore_parallel>], iteration_bounds = array<i64: 2, 16>, scalar_prefetch = 0 : i64, scratch_operands = 10 : i64, tpu.core_type = #tpu.core_type<sc_vector_subcore>, window_params = [{transform_indices = #map}, {transform_indices = #map1}, {transform_indices = #map1}, {transform_indices = #map}, {transform_indices = #map2}]} {
    %mul3A = arith.constant 2 : i32
    %mul3A_0 = arith.muli %arg1, %mul3A : i32
    %add3A = arith.addi %mul3A_0, %arg0 : i32
    %mul3A_1 = arith.constant 624 : i32
    %mul3A_2 = arith.muli %arg1, %mul3A_1 : i32
    "tpu.region"() ({
      %run_scoped3A = tpu.sem_alloc : memref<!tpu.dma_semaphore, #tpu.memory_space<semaphore_mem>>
      %dma_start3A = arith.constant 0 : i32
      %dma_start3A_20 = tpu.memref_slice %arg7[%mul3A_2, %dma_start3A] : memref<10008x128xf32, #tpu.memory_space<vmem_shared>> -> memref<624x128xf32, #tpu.memory_space<vmem_shared>>
      %dma_start3A_21 = arith.constant 0 : i32
      %dma_start3A_22 = arith.constant 0 : i32
      %dma_start3A_23 = tpu.memref_slice %arg5[%dma_start3A_21, %dma_start3A_22] : memref<624x128xf32, #tpu.memory_space<hbm>> -> memref<624x128xf32, #tpu.memory_space<hbm>>
      tpu.enqueue_dma source(%dma_start3A_23 : memref<624x128xf32, #tpu.memory_space<hbm>>) target(%dma_start3A_20 : memref<624x128xf32, #tpu.memory_space<vmem_shared>>) target_semaphore(%run_scoped3A : memref<!tpu.dma_semaphore, #tpu.memory_space<semaphore_mem>>)
      %dma_wait3A = arith.constant 0 : i32
      %dma_wait3A_24 = tpu.memref_slice %arg7[%mul3A_2, %dma_wait3A] : memref<10008x128xf32, #tpu.memory_space<vmem_shared>> -> memref<624x128xf32, #tpu.memory_space<vmem_shared>>
      %dma_wait3A_25 = arith.constant 0 : i32
      %dma_wait3A_26 = arith.constant 0 : i32
      %dma_wait3A_27 = tpu.memref_slice %arg5[%dma_wait3A_25, %dma_wait3A_26] : memref<624x128xf32, #tpu.memory_space<hbm>> -> memref<624x128xf32, #tpu.memory_space<hbm>>
      tpu.wait_dma2 semaphore(%run_scoped3A : memref<!tpu.dma_semaphore, #tpu.memory_space<semaphore_mem>>) src(%dma_wait3A_27 : memref<624x128xf32, #tpu.memory_space<hbm>>) dst(%dma_wait3A_24 : memref<624x128xf32, #tpu.memory_space<vmem_shared>>)
      tpu.yield
    }) : () -> ()
    %eq3A = arith.constant 0 : i32
    %eq3A_3 = arith.cmpi eq, %arg1, %eq3A : i32
    %convert_element_type3A = arith.extui %eq3A_3 : i1 to i32
    %cond3A = arith.constant 0 : i32
    %cond3A_4 = arith.cmpi ne, %convert_element_type3A, %cond3A : i32
    scf.if %cond3A_4 {
      "tpu.region"() ({
        %run_scoped3A = tpu.sem_alloc : memref<!tpu.dma_semaphore, #tpu.memory_space<semaphore_mem>>
        %dma_start3A = arith.constant 9984 : i32
        %dma_start3A_20 = arith.constant 0 : i32
        %dma_start3A_21 = tpu.memref_slice %arg7[%dma_start3A, %dma_start3A_20] : memref<10008x128xf32, #tpu.memory_space<vmem_shared>> -> memref<16x128xf32, #tpu.memory_space<vmem_shared>>
        %dma_start3A_22 = arith.constant 0 : i32
        %dma_start3A_23 = arith.constant 0 : i32
        %dma_start3A_24 = tpu.memref_slice %arg5[%dma_start3A_22, %dma_start3A_23] : memref<624x128xf32, #tpu.memory_space<hbm>> -> memref<16x128xf32, #tpu.memory_space<hbm>>
        tpu.enqueue_dma source(%dma_start3A_24 : memref<16x128xf32, #tpu.memory_space<hbm>>) target(%dma_start3A_21 : memref<16x128xf32, #tpu.memory_space<vmem_shared>>) target_semaphore(%run_scoped3A : memref<!tpu.dma_semaphore, #tpu.memory_space<semaphore_mem>>)
        %dma_wait3A = arith.constant 9984 : i32
        %dma_wait3A_25 = arith.constant 0 : i32
        %dma_wait3A_26 = tpu.memref_slice %arg7[%dma_wait3A, %dma_wait3A_25] : memref<10008x128xf32, #tpu.memory_space<vmem_shared>> -> memref<16x128xf32, #tpu.memory_space<vmem_shared>>
        %dma_wait3A_27 = arith.constant 0 : i32
        %dma_wait3A_28 = arith.constant 0 : i32
        %dma_wait3A_29 = tpu.memref_slice %arg5[%dma_wait3A_27, %dma_wait3A_28] : memref<624x128xf32, #tpu.memory_space<hbm>> -> memref<16x128xf32, #tpu.memory_space<hbm>>
        tpu.wait_dma2 semaphore(%run_scoped3A : memref<!tpu.dma_semaphore, #tpu.memory_space<semaphore_mem>>) src(%dma_wait3A_29 : memref<16x128xf32, #tpu.memory_space<hbm>>) dst(%dma_wait3A_26 : memref<16x128xf32, #tpu.memory_space<vmem_shared>>)
        tpu.yield
      }) : () -> ()
    } else {
    }
    %barrier3A = arith.constant 0 : index
    tpu.barrier barrier_id(%barrier3A)
    %mul3A_5 = arith.constant 80 : i32
    %mul3A_6 = arith.muli %add3A, %mul3A_5 : i32
    %mul3A_7 = arith.constant 128 : i32
    %mul3A_8 = arith.muli %mul3A_6, %mul3A_7 : i32
    %scan3A = arith.constant 0 : i32
    %scan3A_9 = arith.constant 0 : i32
    %scan3A_10 = arith.constant 40 : i32
    %scan3A_11 = arith.addi %scan3A_9, %scan3A_10 : i32
    %scan3A_12 = arith.constant 1 : i32
    scf.for %scan3A_20 = %scan3A_9 to %scan3A_11 step %scan3A_12  : i32 {
      %mul3A_21 = arith.constant 2 : i32
      %mul3A_22 = arith.muli %mul3A_21, %scan3A_20 : i32
      %mul3A_23 = arith.constant 128 : i32
      %mul3A_24 = arith.muli %mul3A_22, %mul3A_23 : i32
      %add3A_25 = arith.addi %mul3A_8, %mul3A_24 : i32
      %add3A_26 = arith.constant 128 : i32
      %add3A_27 = arith.addi %add3A_25, %add3A_26 : i32
      %dma_start3A = tpu.memref_slice %arg3[%add3A_25] : memref<327680xi32, #tpu.memory_space<hbm>> -> memref<128xi32, #tpu.memory_space<hbm>>
      %dma_start3A_28 = tpu.memref_slice %arg3[%add3A_25] : memref<327680xi32, #tpu.memory_space<hbm>> -> memref<128xi32, #tpu.memory_space<hbm>>
      tpu.enqueue_dma source(%dma_start3A_28 : memref<128xi32, #tpu.memory_space<hbm>>) target(%arg8 : memref<128xi32, #tpu.memory_space<vmem>>) target_semaphore(%arg14 : memref<!tpu.dma_semaphore, #tpu.memory_space<semaphore_mem>>)
      %dma_start3A_29 = tpu.memref_slice %arg4[%add3A_25] : memref<327680xi32, #tpu.memory_space<hbm>> -> memref<128xi32, #tpu.memory_space<hbm>>
      %dma_start3A_30 = tpu.memref_slice %arg4[%add3A_25] : memref<327680xi32, #tpu.memory_space<hbm>> -> memref<128xi32, #tpu.memory_space<hbm>>
      tpu.enqueue_dma source(%dma_start3A_30 : memref<128xi32, #tpu.memory_space<hbm>>) target(%arg9 : memref<128xi32, #tpu.memory_space<vmem>>) target_semaphore(%arg15 : memref<!tpu.dma_semaphore, #tpu.memory_space<semaphore_mem>>)
      %dma_start3A_31 = tpu.memref_slice %arg3[%add3A_27] : memref<327680xi32, #tpu.memory_space<hbm>> -> memref<128xi32, #tpu.memory_space<hbm>>
      %dma_start3A_32 = tpu.memref_slice %arg3[%add3A_27] : memref<327680xi32, #tpu.memory_space<hbm>> -> memref<128xi32, #tpu.memory_space<hbm>>
      tpu.enqueue_dma source(%dma_start3A_32 : memref<128xi32, #tpu.memory_space<hbm>>) target(%arg10 : memref<128xi32, #tpu.memory_space<vmem>>) target_semaphore(%arg16 : memref<!tpu.dma_semaphore, #tpu.memory_space<semaphore_mem>>)
      %dma_start3A_33 = tpu.memref_slice %arg4[%add3A_27] : memref<327680xi32, #tpu.memory_space<hbm>> -> memref<128xi32, #tpu.memory_space<hbm>>
      %dma_start3A_34 = tpu.memref_slice %arg4[%add3A_27] : memref<327680xi32, #tpu.memory_space<hbm>> -> memref<128xi32, #tpu.memory_space<hbm>>
      tpu.enqueue_dma source(%dma_start3A_34 : memref<128xi32, #tpu.memory_space<hbm>>) target(%arg11 : memref<128xi32, #tpu.memory_space<vmem>>) target_semaphore(%arg13 : memref<!tpu.dma_semaphore, #tpu.memory_space<semaphore_mem>>)
      %dma_wait3A = tpu.memref_slice %arg3[%add3A_25] : memref<327680xi32, #tpu.memory_space<hbm>> -> memref<128xi32, #tpu.memory_space<hbm>>
      %dma_wait3A_35 = tpu.memref_slice %arg3[%add3A_25] : memref<327680xi32, #tpu.memory_space<hbm>> -> memref<128xi32, #tpu.memory_space<hbm>>
      tpu.wait_dma2 semaphore(%arg14 : memref<!tpu.dma_semaphore, #tpu.memory_space<semaphore_mem>>) src(%dma_wait3A_35 : memref<128xi32, #tpu.memory_space<hbm>>) dst(%arg8 : memref<128xi32, #tpu.memory_space<vmem>>)
      %dma_wait3A_36 = tpu.memref_slice %arg4[%add3A_25] : memref<327680xi32, #tpu.memory_space<hbm>> -> memref<128xi32, #tpu.memory_space<hbm>>
      %dma_wait3A_37 = tpu.memref_slice %arg4[%add3A_25] : memref<327680xi32, #tpu.memory_space<hbm>> -> memref<128xi32, #tpu.memory_space<hbm>>
      tpu.wait_dma2 semaphore(%arg15 : memref<!tpu.dma_semaphore, #tpu.memory_space<semaphore_mem>>) src(%dma_wait3A_37 : memref<128xi32, #tpu.memory_space<hbm>>) dst(%arg9 : memref<128xi32, #tpu.memory_space<vmem>>)
      %dma_start3A_38 = arith.constant 0 : i32
      %dma_start3A_39 = arith.constant 0 : i32
      %dma_start3A_40 = tpu.memref_slice %arg2[%dma_start3A_38, %dma_start3A_39] : memref<10000x128xf32, #tpu.memory_space<hbm>> -> memref<10000x128xf32, #tpu.memory_space<hbm>>
      tpu.enqueue_indirect_dma source(%dma_start3A_40 : memref<10000x128xf32, #tpu.memory_space<hbm>>) target(%arg12 : memref<128x128xf32, #tpu.memory_space<vmem>>) offsets(%arg8 : memref<128xi32, #tpu.memory_space<vmem>>) semaphore(%arg13 : memref<!tpu.dma_semaphore, #tpu.memory_space<semaphore_mem>>)
      %dma_wait3A_41 = arith.constant 0 : i32
      %dma_wait3A_42 = arith.constant 0 : i32
      %dma_wait3A_43 = tpu.memref_slice %arg2[%dma_wait3A_41, %dma_wait3A_42] : memref<10000x128xf32, #tpu.memory_space<hbm>> -> memref<10000x128xf32, #tpu.memory_space<hbm>>
      tpu.wait_indirect_dma semaphore(%arg13 : memref<!tpu.dma_semaphore, #tpu.memory_space<semaphore_mem>>) src(%dma_wait3A_43 : memref<10000x128xf32, #tpu.memory_space<hbm>>) dst(%arg12 : memref<128x128xf32, #tpu.memory_space<vmem>>)
      "tpu.region"() ({
        %run_scoped3A = tpu.sem_alloc : memref<!tpu.dma_semaphore, #tpu.memory_space<semaphore_mem>>
        %dma_start3A_54 = arith.constant 0 : i32
        %dma_start3A_55 = arith.constant 0 : i32
        %dma_start3A_56 = tpu.memref_slice %arg7[%dma_start3A_54, %dma_start3A_55] : memref<10008x128xf32, #tpu.memory_space<vmem_shared>> -> memref<10008x128xf32, #tpu.memory_space<vmem_shared>>
        tpu.enqueue_indirect_dma source(%arg12 : memref<128x128xf32, #tpu.memory_space<vmem>>) target(%dma_start3A_56 : memref<10008x128xf32, #tpu.memory_space<vmem_shared>>) offsets(%arg9 : memref<128xi32, #tpu.memory_space<vmem>>) semaphore(%run_scoped3A : memref<!tpu.dma_semaphore, #tpu.memory_space<semaphore_mem>>) {add = true}
        %dma_wait3A_57 = arith.constant 0 : i32
        %dma_wait3A_58 = arith.constant 0 : i32
        %dma_wait3A_59 = tpu.memref_slice %arg7[%dma_wait3A_57, %dma_wait3A_58] : memref<10008x128xf32, #tpu.memory_space<vmem_shared>> -> memref<10008x128xf32, #tpu.memory_space<vmem_shared>>
        tpu.wait_indirect_dma semaphore(%run_scoped3A : memref<!tpu.dma_semaphore, #tpu.memory_space<semaphore_mem>>) src(%arg12 : memref<128x128xf32, #tpu.memory_space<vmem>>) dst(%dma_wait3A_59 : memref<10008x128xf32, #tpu.memory_space<vmem_shared>>)
        tpu.yield
      }) : () -> ()
      %dma_wait3A_44 = tpu.memref_slice %arg3[%add3A_27] : memref<327680xi32, #tpu.memory_space<hbm>> -> memref<128xi32, #tpu.memory_space<hbm>>
      %dma_wait3A_45 = tpu.memref_slice %arg3[%add3A_27] : memref<327680xi32, #tpu.memory_space<hbm>> -> memref<128xi32, #tpu.memory_space<hbm>>
      tpu.wait_dma2 semaphore(%arg16 : memref<!tpu.dma_semaphore, #tpu.memory_space<semaphore_mem>>) src(%dma_wait3A_45 : memref<128xi32, #tpu.memory_space<hbm>>) dst(%arg10 : memref<128xi32, #tpu.memory_space<vmem>>)
      %dma_wait3A_46 = tpu.memref_slice %arg4[%add3A_27] : memref<327680xi32, #tpu.memory_space<hbm>> -> memref<128xi32, #tpu.memory_space<hbm>>
      %dma_wait3A_47 = tpu.memref_slice %arg4[%add3A_27] : memref<327680xi32, #tpu.memory_space<hbm>> -> memref<128xi32, #tpu.memory_space<hbm>>
      tpu.wait_dma2 semaphore(%arg13 : memref<!tpu.dma_semaphore, #tpu.memory_space<semaphore_mem>>) src(%dma_wait3A_47 : memref<128xi32, #tpu.memory_space<hbm>>) dst(%arg11 : memref<128xi32, #tpu.memory_space<vmem>>)
      %dma_start3A_48 = arith.constant 0 : i32
      %dma_start3A_49 = arith.constant 0 : i32
      %dma_start3A_50 = tpu.memref_slice %arg2[%dma_start3A_48, %dma_start3A_49] : memref<10000x128xf32, #tpu.memory_space<hbm>> -> memref<10000x128xf32, #tpu.memory_space<hbm>>
      tpu.enqueue_indirect_dma source(%dma_start3A_50 : memref<10000x128xf32, #tpu.memory_space<hbm>>) target(%arg12 : memref<128x128xf32, #tpu.memory_space<vmem>>) offsets(%arg10 : memref<128xi32, #tpu.memory_space<vmem>>) semaphore(%arg13 : memref<!tpu.dma_semaphore, #tpu.memory_space<semaphore_mem>>)
      %dma_wait3A_51 = arith.constant 0 : i32
      %dma_wait3A_52 = arith.constant 0 : i32
      %dma_wait3A_53 = tpu.memref_slice %arg2[%dma_wait3A_51, %dma_wait3A_52] : memref<10000x128xf32, #tpu.memory_space<hbm>> -> memref<10000x128xf32, #tpu.memory_space<hbm>>
      tpu.wait_indirect_dma semaphore(%arg13 : memref<!tpu.dma_semaphore, #tpu.memory_space<semaphore_mem>>) src(%dma_wait3A_53 : memref<10000x128xf32, #tpu.memory_space<hbm>>) dst(%arg12 : memref<128x128xf32, #tpu.memory_space<vmem>>)
      "tpu.region"() ({
        %run_scoped3A = tpu.sem_alloc : memref<!tpu.dma_semaphore, #tpu.memory_space<semaphore_mem>>
        %dma_start3A_54 = arith.constant 0 : i32
        %dma_start3A_55 = arith.constant 0 : i32
        %dma_start3A_56 = tpu.memref_slice %arg7[%dma_start3A_54, %dma_start3A_55] : memref<10008x128xf32, #tpu.memory_space<vmem_shared>> -> memref<10008x128xf32, #tpu.memory_space<vmem_shared>>
        tpu.enqueue_indirect_dma source(%arg12 : memref<128x128xf32, #tpu.memory_space<vmem>>) target(%dma_start3A_56 : memref<10008x128xf32, #tpu.memory_space<vmem_shared>>) offsets(%arg11 : memref<128xi32, #tpu.memory_space<vmem>>) semaphore(%run_scoped3A : memref<!tpu.dma_semaphore, #tpu.memory_space<semaphore_mem>>) {add = true}
        %dma_wait3A_57 = arith.constant 0 : i32
        %dma_wait3A_58 = arith.constant 0 : i32
        %dma_wait3A_59 = tpu.memref_slice %arg7[%dma_wait3A_57, %dma_wait3A_58] : memref<10008x128xf32, #tpu.memory_space<vmem_shared>> -> memref<10008x128xf32, #tpu.memory_space<vmem_shared>>
        tpu.wait_indirect_dma semaphore(%run_scoped3A : memref<!tpu.dma_semaphore, #tpu.memory_space<semaphore_mem>>) src(%arg12 : memref<128x128xf32, #tpu.memory_space<vmem>>) dst(%dma_wait3A_59 : memref<10008x128xf32, #tpu.memory_space<vmem_shared>>)
        tpu.yield
      }) : () -> ()
    }
    %scan3A_13 = arith.constant 40 : i32
    %barrier3A_14 = arith.constant 0 : index
    tpu.barrier barrier_id(%barrier3A_14)
    "tpu.region"() ({
      %run_scoped3A = tpu.sem_alloc : memref<!tpu.dma_semaphore, #tpu.memory_space<semaphore_mem>>
      %dma_start3A = arith.constant 0 : i32
      %dma_start3A_20 = tpu.memref_slice %arg6[%arg0, %mul3A_2, %dma_start3A] : memref<2x10000x128xf32, #tpu.memory_space<hbm>> -> memref<1x624x128xf32, #tpu.memory_space<hbm>>
      %dma_start3A_21 = tpu.memref_squeeze %dma_start3A_20 : memref<1x624x128xf32, #tpu.memory_space<hbm>> -> memref<624x128xf32, #tpu.memory_space<hbm>>
      %dma_start3A_22 = arith.constant 0 : i32
      %dma_start3A_23 = tpu.memref_slice %arg7[%mul3A_2, %dma_start3A_22] : memref<10008x128xf32, #tpu.memory_space<vmem_shared>> -> memref<624x128xf32, #tpu.memory_space<vmem_shared>>
      tpu.enqueue_dma source(%dma_start3A_23 : memref<624x128xf32, #tpu.memory_space<vmem_shared>>) target(%dma_start3A_21 : memref<624x128xf32, #tpu.memory_space<hbm>>) target_semaphore(%run_scoped3A : memref<!tpu.dma_semaphore, #tpu.memory_space<semaphore_mem>>)
      %dma_wait3A = arith.constant 0 : i32
      %dma_wait3A_24 = tpu.memref_slice %arg6[%arg0, %mul3A_2, %dma_wait3A] : memref<2x10000x128xf32, #tpu.memory_space<hbm>> -> memref<1x624x128xf32, #tpu.memory_space<hbm>>
      %dma_wait3A_25 = tpu.memref_squeeze %dma_wait3A_24 : memref<1x624x128xf32, #tpu.memory_space<hbm>> -> memref<624x128xf32, #tpu.memory_space<hbm>>
      %dma_wait3A_26 = arith.constant 0 : i32
      %dma_wait3A_27 = tpu.memref_slice %arg7[%mul3A_2, %dma_wait3A_26] : memref<10008x128xf32, #tpu.memory_space<vmem_shared>> -> memref<624x128xf32, #tpu.memory_space<vmem_shared>>
      tpu.wait_dma2 semaphore(%run_scoped3A : memref<!tpu.dma_semaphore, #tpu.memory_space<semaphore_mem>>) src(%dma_wait3A_27 : memref<624x128xf32, #tpu.memory_space<vmem_shared>>) dst(%dma_wait3A_25 : memref<624x128xf32, #tpu.memory_space<hbm>>)
      tpu.yield
    }) : () -> ()
    %eq3A_15 = arith.constant 0 : i32
    %eq3A_16 = arith.cmpi eq, %arg1, %eq3A_15 : i32
    %convert_element_type3A_17 = arith.extui %eq3A_16 : i1 to i32
    %cond3A_18 = arith.constant 0 : i32
    %cond3A_19 = arith.cmpi ne, %convert_element_type3A_17, %cond3A_18 : i32
    scf.if %cond3A_19 {
      "tpu.region"() ({
        %run_scoped3A = tpu.sem_alloc : memref<!tpu.dma_semaphore, #tpu.memory_space<semaphore_mem>>
        %dma_start3A = arith.constant 9984 : i32
        %dma_start3A_20 = arith.constant 0 : i32
        %dma_start3A_21 = tpu.memref_slice %arg6[%arg0, %dma_start3A, %dma_start3A_20] : memref<2x10000x128xf32, #tpu.memory_space<hbm>> -> memref<1x16x128xf32, #tpu.memory_space<hbm>>
        %dma_start3A_22 = tpu.memref_squeeze %dma_start3A_21 : memref<1x16x128xf32, #tpu.memory_space<hbm>> -> memref<16x128xf32, #tpu.memory_space<hbm>>
        %dma_start3A_23 = arith.constant 9984 : i32
        %dma_start3A_24 = arith.constant 0 : i32
        %dma_start3A_25 = tpu.memref_slice %arg7[%dma_start3A_23, %dma_start3A_24] : memref<10008x128xf32, #tpu.memory_space<vmem_shared>> -> memref<16x128xf32, #tpu.memory_space<vmem_shared>>
        tpu.enqueue_dma source(%dma_start3A_25 : memref<16x128xf32, #tpu.memory_space<vmem_shared>>) target(%dma_start3A_22 : memref<16x128xf32, #tpu.memory_space<hbm>>) target_semaphore(%run_scoped3A : memref<!tpu.dma_semaphore, #tpu.memory_space<semaphore_mem>>)
        %dma_wait3A = arith.constant 9984 : i32
        %dma_wait3A_26 = arith.constant 0 : i32
        %dma_wait3A_27 = tpu.memref_slice %arg6[%arg0, %dma_wait3A, %dma_wait3A_26] : memref<2x10000x128xf32, #tpu.memory_space<hbm>> -> memref<1x16x128xf32, #tpu.memory_space<hbm>>
        %dma_wait3A_28 = tpu.memref_squeeze %dma_wait3A_27 : memref<1x16x128xf32, #tpu.memory_space<hbm>> -> memref<16x128xf32, #tpu.memory_space<hbm>>
        %dma_wait3A_29 = arith.constant 9984 : i32
        %dma_wait3A_30 = arith.constant 0 : i32
        %dma_wait3A_31 = tpu.memref_slice %arg7[%dma_wait3A_29, %dma_wait3A_30] : memref<10008x128xf32, #tpu.memory_space<vmem_shared>> -> memref<16x128xf32, #tpu.memory_space<vmem_shared>>
        tpu.wait_dma2 semaphore(%run_scoped3A : memref<!tpu.dma_semaphore, #tpu.memory_space<semaphore_mem>>) src(%dma_wait3A_31 : memref<16x128xf32, #tpu.memory_space<vmem_shared>>) dst(%dma_wait3A_28 : memref<16x128xf32, #tpu.memory_space<hbm>>)
        tpu.yield
      }) : () -> ()
    } else {
    }
    return
  }
}

#map = affine_map<(d0, d1) -> (0, 0)>
#map1 = affine_map<(d0, d1) -> (0)>
#map2 = affine_map<(d0, d1) -> (0, 0, 0)>
module attributes {stable_mosaic.version = 14 : i64} {
  func.func @_spmv_body(%arg0: i32, %arg1: i32, %arg2: memref<10000x128xf32, #tpu.memory_space<hbm>>, %arg3: memref<327680xi32, #tpu.memory_space<hbm>>, %arg4: memref<327680xi32, #tpu.memory_space<hbm>>, %arg5: memref<624x128xf32, #tpu.memory_space<hbm>>, %arg6: memref<2x10000x128xf32, #tpu.memory_space<hbm>>, %arg7: memref<10008x128xf32, #tpu.memory_space<vmem_shared>>, %arg8: memref<128xi32, #tpu.memory_space<vmem>>, %arg9: memref<128xi32, #tpu.memory_space<vmem>>, %arg10: memref<128xi32, #tpu.memory_space<vmem>>, %arg11: memref<128xi32, #tpu.memory_space<vmem>>, %arg12: memref<128x128xf32, #tpu.memory_space<vmem>>, %arg13: memref<!tpu.dma_semaphore, #tpu.memory_space<semaphore_mem>>, %arg14: memref<!tpu.dma_semaphore, #tpu.memory_space<semaphore_mem>>, %arg15: memref<!tpu.dma_semaphore, #tpu.memory_space<semaphore_mem>>, %arg16: memref<!tpu.dma_semaphore, #tpu.memory_space<semaphore_mem>>) attributes {dimension_semantics = [#tpu.dimension_semantics<core_parallel>, #tpu.dimension_semantics<subcore_parallel>], iteration_bounds = array<i64: 2, 16>, scalar_prefetch = 0 : i64, scratch_operands = 10 : i64, tpu.core_type = #tpu.core_type<sc_vector_subcore>, window_params = [{transform_indices = #map}, {transform_indices = #map1}, {transform_indices = #map1}, {transform_indices = #map}, {transform_indices = #map2}]} {
    %mul3A = arith.constant 2 : i32
    %mul3A_0 = arith.muli %arg1, %mul3A : i32
    %add3A = arith.addi %mul3A_0, %arg0 : i32
    %mul3A_1 = arith.constant 624 : i32
    %mul3A_2 = arith.muli %arg1, %mul3A_1 : i32
    "tpu.region"() ({
      %run_scoped3A = tpu.sem_alloc : memref<!tpu.dma_semaphore, #tpu.memory_space<semaphore_mem>>
      %dma_start3A = arith.constant 0 : i32
      %dma_start3A_20 = tpu.memref_slice %arg7[%mul3A_2, %dma_start3A] : memref<10008x128xf32, #tpu.memory_space<vmem_shared>> -> memref<624x128xf32, #tpu.memory_space<vmem_shared>>
      %dma_start3A_21 = arith.constant 0 : i32
      %dma_start3A_22 = arith.constant 0 : i32
      %dma_start3A_23 = tpu.memref_slice %arg5[%dma_start3A_21, %dma_start3A_22] : memref<624x128xf32, #tpu.memory_space<hbm>> -> memref<624x128xf32, #tpu.memory_space<hbm>>
      tpu.enqueue_dma source(%dma_start3A_23 : memref<624x128xf32, #tpu.memory_space<hbm>>) target(%dma_start3A_20 : memref<624x128xf32, #tpu.memory_space<vmem_shared>>) target_semaphore(%run_scoped3A : memref<!tpu.dma_semaphore, #tpu.memory_space<semaphore_mem>>)
      %dma_wait3A = arith.constant 0 : i32
      %dma_wait3A_24 = tpu.memref_slice %arg7[%mul3A_2, %dma_wait3A] : memref<10008x128xf32, #tpu.memory_space<vmem_shared>> -> memref<624x128xf32, #tpu.memory_space<vmem_shared>>
      %dma_wait3A_25 = arith.constant 0 : i32
      %dma_wait3A_26 = arith.constant 0 : i32
      %dma_wait3A_27 = tpu.memref_slice %arg5[%dma_wait3A_25, %dma_wait3A_26] : memref<624x128xf32, #tpu.memory_space<hbm>> -> memref<624x128xf32, #tpu.memory_space<hbm>>
      tpu.wait_dma2 semaphore(%run_scoped3A : memref<!tpu.dma_semaphore, #tpu.memory_space<semaphore_mem>>) src(%dma_wait3A_27 : memref<624x128xf32, #tpu.memory_space<hbm>>) dst(%dma_wait3A_24 : memref<624x128xf32, #tpu.memory_space<vmem_shared>>)
      tpu.yield
    }) : () -> ()
    %eq3A = arith.constant 0 : i32
    %eq3A_3 = arith.cmpi eq, %arg1, %eq3A : i32
    %convert_element_type3A = arith.extui %eq3A_3 : i1 to i32
    %cond3A = arith.constant 0 : i32
    %cond3A_4 = arith.cmpi ne, %convert_element_type3A, %cond3A : i32
    scf.if %cond3A_4 {
      "tpu.region"() ({
        %run_scoped3A = tpu.sem_alloc : memref<!tpu.dma_semaphore, #tpu.memory_space<semaphore_mem>>
        %dma_start3A = arith.constant 9984 : i32
        %dma_start3A_20 = arith.constant 0 : i32
        %dma_start3A_21 = tpu.memref_slice %arg7[%dma_start3A, %dma_start3A_20] : memref<10008x128xf32, #tpu.memory_space<vmem_shared>> -> memref<16x128xf32, #tpu.memory_space<vmem_shared>>
        %dma_start3A_22 = arith.constant 0 : i32
        %dma_start3A_23 = arith.constant 0 : i32
        %dma_start3A_24 = tpu.memref_slice %arg5[%dma_start3A_22, %dma_start3A_23] : memref<624x128xf32, #tpu.memory_space<hbm>> -> memref<16x128xf32, #tpu.memory_space<hbm>>
        tpu.enqueue_dma source(%dma_start3A_24 : memref<16x128xf32, #tpu.memory_space<hbm>>) target(%dma_start3A_21 : memref<16x128xf32, #tpu.memory_space<vmem_shared>>) target_semaphore(%run_scoped3A : memref<!tpu.dma_semaphore, #tpu.memory_space<semaphore_mem>>)
        %dma_wait3A = arith.constant 9984 : i32
        %dma_wait3A_25 = arith.constant 0 : i32
        %dma_wait3A_26 = tpu.memref_slice %arg7[%dma_wait3A, %dma_wait3A_25] : memref<10008x128xf32, #tpu.memory_space<vmem_shared>> -> memref<16x128xf32, #tpu.memory_space<vmem_shared>>
        %dma_wait3A_27 = arith.constant 0 : i32
        %dma_wait3A_28 = arith.constant 0 : i32
        %dma_wait3A_29 = tpu.memref_slice %arg5[%dma_wait3A_27, %dma_wait3A_28] : memref<624x128xf32, #tpu.memory_space<hbm>> -> memref<16x128xf32, #tpu.memory_space<hbm>>
        tpu.wait_dma2 semaphore(%run_scoped3A : memref<!tpu.dma_semaphore, #tpu.memory_space<semaphore_mem>>) src(%dma_wait3A_29 : memref<16x128xf32, #tpu.memory_space<hbm>>) dst(%dma_wait3A_26 : memref<16x128xf32, #tpu.memory_space<vmem_shared>>)
        tpu.yield
      }) : () -> ()
    } else {
    }
    %barrier3A = arith.constant 0 : index
    tpu.barrier barrier_id(%barrier3A)
    %mul3A_5 = arith.constant 80 : i32
    %mul3A_6 = arith.muli %add3A, %mul3A_5 : i32
    %mul3A_7 = arith.constant 128 : i32
    %mul3A_8 = arith.muli %mul3A_6, %mul3A_7 : i32
    %scan3A = arith.constant 0 : i32
    %scan3A_9 = arith.constant 0 : i32
    %scan3A_10 = arith.constant 40 : i32
    %scan3A_11 = arith.addi %scan3A_9, %scan3A_10 : i32
    %scan3A_12 = arith.constant 1 : i32
    scf.for %scan3A_20 = %scan3A_9 to %scan3A_11 step %scan3A_12  : i32 {
      %mul3A_21 = arith.constant 2 : i32
      %mul3A_22 = arith.muli %mul3A_21, %scan3A_20 : i32
      %mul3A_23 = arith.constant 128 : i32
      %mul3A_24 = arith.muli %mul3A_22, %mul3A_23 : i32
      %add3A_25 = arith.addi %mul3A_8, %mul3A_24 : i32
      %add3A_26 = arith.constant 128 : i32
      %add3A_27 = arith.addi %add3A_25, %add3A_26 : i32
      %dma_start3A = tpu.memref_slice %arg3[%add3A_25] : memref<327680xi32, #tpu.memory_space<hbm>> -> memref<128xi32, #tpu.memory_space<hbm>>
      %dma_start3A_28 = tpu.memref_slice %arg3[%add3A_25] : memref<327680xi32, #tpu.memory_space<hbm>> -> memref<128xi32, #tpu.memory_space<hbm>>
      tpu.enqueue_dma source(%dma_start3A_28 : memref<128xi32, #tpu.memory_space<hbm>>) target(%arg8 : memref<128xi32, #tpu.memory_space<vmem>>) target_semaphore(%arg14 : memref<!tpu.dma_semaphore, #tpu.memory_space<semaphore_mem>>)
      %dma_start3A_29 = tpu.memref_slice %arg4[%add3A_25] : memref<327680xi32, #tpu.memory_space<hbm>> -> memref<128xi32, #tpu.memory_space<hbm>>
      %dma_start3A_30 = tpu.memref_slice %arg4[%add3A_25] : memref<327680xi32, #tpu.memory_space<hbm>> -> memref<128xi32, #tpu.memory_space<hbm>>
      tpu.enqueue_dma source(%dma_start3A_30 : memref<128xi32, #tpu.memory_space<hbm>>) target(%arg9 : memref<128xi32, #tpu.memory_space<vmem>>) target_semaphore(%arg15 : memref<!tpu.dma_semaphore, #tpu.memory_space<semaphore_mem>>)
      %dma_start3A_31 = tpu.memref_slice %arg3[%add3A_27] : memref<327680xi32, #tpu.memory_space<hbm>> -> memref<128xi32, #tpu.memory_space<hbm>>
      %dma_start3A_32 = tpu.memref_slice %arg3[%add3A_27] : memref<327680xi32, #tpu.memory_space<hbm>> -> memref<128xi32, #tpu.memory_space<hbm>>
      tpu.enqueue_dma source(%dma_start3A_32 : memref<128xi32, #tpu.memory_space<hbm>>) target(%arg10 : memref<128xi32, #tpu.memory_space<vmem>>) target_semaphore(%arg16 : memref<!tpu.dma_semaphore, #tpu.memory_space<semaphore_mem>>)
      %dma_start3A_33 = tpu.memref_slice %arg4[%add3A_27] : memref<327680xi32, #tpu.memory_space<hbm>> -> memref<128xi32, #tpu.memory_space<hbm>>
      %dma_start3A_34 = tpu.memref_slice %arg4[%add3A_27] : memref<327680xi32, #tpu.memory_space<hbm>> -> memref<128xi32, #tpu.memory_space<hbm>>
      tpu.enqueue_dma source(%dma_start3A_34 : memref<128xi32, #tpu.memory_space<hbm>>) target(%arg11 : memref<128xi32, #tpu.memory_space<vmem>>) target_semaphore(%arg13 : memref<!tpu.dma_semaphore, #tpu.memory_space<semaphore_mem>>)
      %dma_wait3A = tpu.memref_slice %arg3[%add3A_25] : memref<327680xi32, #tpu.memory_space<hbm>> -> memref<128xi32, #tpu.memory_space<hbm>>
      %dma_wait3A_35 = tpu.memref_slice %arg3[%add3A_25] : memref<327680xi32, #tpu.memory_space<hbm>> -> memref<128xi32, #tpu.memory_space<hbm>>
      tpu.wait_dma2 semaphore(%arg14 : memref<!tpu.dma_semaphore, #tpu.memory_space<semaphore_mem>>) src(%dma_wait3A_35 : memref<128xi32, #tpu.memory_space<hbm>>) dst(%arg8 : memref<128xi32, #tpu.memory_space<vmem>>)
      %dma_wait3A_36 = tpu.memref_slice %arg4[%add3A_25] : memref<327680xi32, #tpu.memory_space<hbm>> -> memref<128xi32, #tpu.memory_space<hbm>>
      %dma_wait3A_37 = tpu.memref_slice %arg4[%add3A_25] : memref<327680xi32, #tpu.memory_space<hbm>> -> memref<128xi32, #tpu.memory_space<hbm>>
      tpu.wait_dma2 semaphore(%arg15 : memref<!tpu.dma_semaphore, #tpu.memory_space<semaphore_mem>>) src(%dma_wait3A_37 : memref<128xi32, #tpu.memory_space<hbm>>) dst(%arg9 : memref<128xi32, #tpu.memory_space<vmem>>)
      %dma_start3A_38 = arith.constant 0 : i32
      %dma_start3A_39 = arith.constant 0 : i32
      %dma_start3A_40 = tpu.memref_slice %arg2[%dma_start3A_38, %dma_start3A_39] : memref<10000x128xf32, #tpu.memory_space<hbm>> -> memref<10000x128xf32, #tpu.memory_space<hbm>>
      tpu.enqueue_indirect_dma source(%dma_start3A_40 : memref<10000x128xf32, #tpu.memory_space<hbm>>) target(%arg12 : memref<128x128xf32, #tpu.memory_space<vmem>>) offsets(%arg8 : memref<128xi32, #tpu.memory_space<vmem>>) semaphore(%arg13 : memref<!tpu.dma_semaphore, #tpu.memory_space<semaphore_mem>>)
      %dma_wait3A_41 = arith.constant 0 : i32
      %dma_wait3A_42 = arith.constant 0 : i32
      %dma_wait3A_43 = tpu.memref_slice %arg2[%dma_wait3A_41, %dma_wait3A_42] : memref<10000x128xf32, #tpu.memory_space<hbm>> -> memref<10000x128xf32, #tpu.memory_space<hbm>>
      tpu.wait_indirect_dma semaphore(%arg13 : memref<!tpu.dma_semaphore, #tpu.memory_space<semaphore_mem>>) src(%dma_wait3A_43 : memref<10000x128xf32, #tpu.memory_space<hbm>>) dst(%arg12 : memref<128x128xf32, #tpu.memory_space<vmem>>)
      "tpu.region"() ({
        %run_scoped3A = tpu.sem_alloc : memref<!tpu.dma_semaphore, #tpu.memory_space<semaphore_mem>>
        %dma_start3A_54 = arith.constant 0 : i32
        %dma_start3A_55 = arith.constant 0 : i32
        %dma_start3A_56 = tpu.memref_slice %arg7[%dma_start3A_54, %dma_start3A_55] : memref<10008x128xf32, #tpu.memory_space<vmem_shared>> -> memref<10008x128xf32, #tpu.memory_space<vmem_shared>>
        tpu.enqueue_indirect_dma source(%arg12 : memref<128x128xf32, #tpu.memory_space<vmem>>) target(%dma_start3A_56 : memref<10008x128xf32, #tpu.memory_space<vmem_shared>>) offsets(%arg9 : memref<128xi32, #tpu.memory_space<vmem>>) semaphore(%run_scoped3A : memref<!tpu.dma_semaphore, #tpu.memory_space<semaphore_mem>>) {add = true}
        %dma_wait3A_57 = arith.constant 0 : i32
        %dma_wait3A_58 = arith.constant 0 : i32
        %dma_wait3A_59 = tpu.memref_slice %arg7[%dma_wait3A_57, %dma_wait3A_58] : memref<10008x128xf32, #tpu.memory_space<vmem_shared>> -> memref<10008x128xf32, #tpu.memory_space<vmem_shared>>
        tpu.wait_indirect_dma semaphore(%run_scoped3A : memref<!tpu.dma_semaphore, #tpu.memory_space<semaphore_mem>>) src(%arg12 : memref<128x128xf32, #tpu.memory_space<vmem>>) dst(%dma_wait3A_59 : memref<10008x128xf32, #tpu.memory_space<vmem_shared>>)
        tpu.yield
      }) : () -> ()
      %dma_wait3A_44 = tpu.memref_slice %arg3[%add3A_27] : memref<327680xi32, #tpu.memory_space<hbm>> -> memref<128xi32, #tpu.memory_space<hbm>>
      %dma_wait3A_45 = tpu.memref_slice %arg3[%add3A_27] : memref<327680xi32, #tpu.memory_space<hbm>> -> memref<128xi32, #tpu.memory_space<hbm>>
      tpu.wait_dma2 semaphore(%arg16 : memref<!tpu.dma_semaphore, #tpu.memory_space<semaphore_mem>>) src(%dma_wait3A_45 : memref<128xi32, #tpu.memory_space<hbm>>) dst(%arg10 : memref<128xi32, #tpu.memory_space<vmem>>)
      %dma_wait3A_46 = tpu.memref_slice %arg4[%add3A_27] : memref<327680xi32, #tpu.memory_space<hbm>> -> memref<128xi32, #tpu.memory_space<hbm>>
      %dma_wait3A_47 = tpu.memref_slice %arg4[%add3A_27] : memref<327680xi32, #tpu.memory_space<hbm>> -> memref<128xi32, #tpu.memory_space<hbm>>
      tpu.wait_dma2 semaphore(%arg13 : memref<!tpu.dma_semaphore, #tpu.memory_space<semaphore_mem>>) src(%dma_wait3A_47 : memref<128xi32, #tpu.memory_space<hbm>>) dst(%arg11 : memref<128xi32, #tpu.memory_space<vmem>>)
      %dma_start3A_48 = arith.constant 0 : i32
      %dma_start3A_49 = arith.constant 0 : i32
      %dma_start3A_50 = tpu.memref_slice %arg2[%dma_start3A_48, %dma_start3A_49] : memref<10000x128xf32, #tpu.memory_space<hbm>> -> memref<10000x128xf32, #tpu.memory_space<hbm>>
      tpu.enqueue_indirect_dma source(%dma_start3A_50 : memref<10000x128xf32, #tpu.memory_space<hbm>>) target(%arg12 : memref<128x128xf32, #tpu.memory_space<vmem>>) offsets(%arg10 : memref<128xi32, #tpu.memory_space<vmem>>) semaphore(%arg13 : memref<!tpu.dma_semaphore, #tpu.memory_space<semaphore_mem>>)
      %dma_wait3A_51 = arith.constant 0 : i32
      %dma_wait3A_52 = arith.constant 0 : i32
      %dma_wait3A_53 = tpu.memref_slice %arg2[%dma_wait3A_51, %dma_wait3A_52] : memref<10000x128xf32, #tpu.memory_space<hbm>> -> memref<10000x128xf32, #tpu.memory_space<hbm>>
      tpu.wait_indirect_dma semaphore(%arg13 : memref<!tpu.dma_semaphore, #tpu.memory_space<semaphore_mem>>) src(%dma_wait3A_53 : memref<10000x128xf32, #tpu.memory_space<hbm>>) dst(%arg12 : memref<128x128xf32, #tpu.memory_space<vmem>>)
      "tpu.region"() ({
        %run_scoped3A = tpu.sem_alloc : memref<!tpu.dma_semaphore, #tpu.memory_space<semaphore_mem>>
        %dma_start3A_54 = arith.constant 0 : i32
        %dma_start3A_55 = arith.constant 0 : i32
        %dma_start3A_56 = tpu.memref_slice %arg7[%dma_start3A_54, %dma_start3A_55] : memref<10008x128xf32, #tpu.memory_space<vmem_shared>> -> memref<10008x128xf32, #tpu.memory_space<vmem_shared>>
        tpu.enqueue_indirect_dma source(%arg12 : memref<128x128xf32, #tpu.memory_space<vmem>>) target(%dma_start3A_56 : memref<10008x128xf32, #tpu.memory_space<vmem_shared>>) offsets(%arg11 : memref<128xi32, #tpu.memory_space<vmem>>) semaphore(%run_scoped3A : memref<!tpu.dma_semaphore, #tpu.memory_space<semaphore_mem>>) {add = true}
        %dma_wait3A_57 = arith.constant 0 : i32
        %dma_wait3A_58 = arith.constant 0 : i32
        %dma_wait3A_59 = tpu.memref_slice %arg7[%dma_wait3A_57, %dma_wait3A_58] : memref<10008x128xf32, #tpu.memory_space<vmem_shared>> -> memref<10008x128xf32, #tpu.memory_space<vmem_shared>>
        tpu.wait_indirect_dma semaphore(%run_scoped3A : memref<!tpu.dma_semaphore, #tpu.memory_space<semaphore_mem>>) src(%arg12 : memref<128x128xf32, #tpu.memory_space<vmem>>) dst(%dma_wait3A_59 : memref<10008x128xf32, #tpu.memory_space<vmem_shared>>)
        tpu.yield
      }) : () -> ()
    }
    %scan3A_13 = arith.constant 40 : i32
    %barrier3A_14 = arith.constant 0 : index
    tpu.barrier barrier_id(%barrier3A_14)
    "tpu.region"() ({
      %run_scoped3A = tpu.sem_alloc : memref<!tpu.dma_semaphore, #tpu.memory_space<semaphore_mem>>
      %dma_start3A = arith.constant 0 : i32
      %dma_start3A_20 = tpu.memref_slice %arg6[%arg0, %mul3A_2, %dma_start3A] : memref<2x10000x128xf32, #tpu.memory_space<hbm>> -> memref<1x624x128xf32, #tpu.memory_space<hbm>>
      %dma_start3A_21 = tpu.memref_squeeze %dma_start3A_20 : memref<1x624x128xf32, #tpu.memory_space<hbm>> -> memref<624x128xf32, #tpu.memory_space<hbm>>
      %dma_start3A_22 = arith.constant 0 : i32
      %dma_start3A_23 = tpu.memref_slice %arg7[%mul3A_2, %dma_start3A_22] : memref<10008x128xf32, #tpu.memory_space<vmem_shared>> -> memref<624x128xf32, #tpu.memory_space<vmem_shared>>
      tpu.enqueue_dma source(%dma_start3A_23 : memref<624x128xf32, #tpu.memory_space<vmem_shared>>) target(%dma_start3A_21 : memref<624x128xf32, #tpu.memory_space<hbm>>) target_semaphore(%run_scoped3A : memref<!tpu.dma_semaphore, #tpu.memory_space<semaphore_mem>>)
      %dma_wait3A = arith.constant 0 : i32
      %dma_wait3A_24 = tpu.memref_slice %arg6[%arg0, %mul3A_2, %dma_wait3A] : memref<2x10000x128xf32, #tpu.memory_space<hbm>> -> memref<1x624x128xf32, #tpu.memory_space<hbm>>
      %dma_wait3A_25 = tpu.memref_squeeze %dma_wait3A_24 : memref<1x624x128xf32, #tpu.memory_space<hbm>> -> memref<624x128xf32, #tpu.memory_space<hbm>>
      %dma_wait3A_26 = arith.constant 0 : i32
      %dma_wait3A_27 = tpu.memref_slice %arg7[%mul3A_2, %dma_wait3A_26] : memref<10008x128xf32, #tpu.memory_space<vmem_shared>> -> memref<624x128xf32, #tpu.memory_space<vmem_shared>>
      tpu.wait_dma2 semaphore(%run_scoped3A : memref<!tpu.dma_semaphore, #tpu.memory_space<semaphore_mem>>) src(%dma_wait3A_27 : memref<624x128xf32, #tpu.memory_space<vmem_shared>>) dst(%dma_wait3A_25 : memref<624x128xf32, #tpu.memory_space<hbm>>)
      tpu.yield
    }) : () -> ()
    %eq3A_15 = arith.constant 0 : i32
    %eq3A_16 = arith.cmpi eq, %arg1, %eq3A_15 : i32
    %convert_element_type3A_17 = arith.extui %eq3A_16 : i1 to i32
    %cond3A_18 = arith.constant 0 : i32
    %cond3A_19 = arith.cmpi ne, %convert_element_type3A_17, %cond3A_18 : i32
    scf.if %cond3A_19 {
      "tpu.region"() ({
        %run_scoped3A = tpu.sem_alloc : memref<!tpu.dma_semaphore, #tpu.memory_space<semaphore_mem>>
        %dma_start3A = arith.constant 9984 : i32
        %dma_start3A_20 = arith.constant 0 : i32
        %dma_start3A_21 = tpu.memref_slice %arg6[%arg0, %dma_start3A, %dma_start3A_20] : memref<2x10000x128xf32, #tpu.memory_space<hbm>> -> memref<1x16x128xf32, #tpu.memory_space<hbm>>
        %dma_start3A_22 = tpu.memref_squeeze %dma_start3A_21 : memref<1x16x128xf32, #tpu.memory_space<hbm>> -> memref<16x128xf32, #tpu.memory_space<hbm>>
        %dma_start3A_23 = arith.constant 9984 : i32
        %dma_start3A_24 = arith.constant 0 : i32
        %dma_start3A_25 = tpu.memref_slice %arg7[%dma_start3A_23, %dma_start3A_24] : memref<10008x128xf32, #tpu.memory_space<vmem_shared>> -> memref<16x128xf32, #tpu.memory_space<vmem_shared>>
        tpu.enqueue_dma source(%dma_start3A_25 : memref<16x128xf32, #tpu.memory_space<vmem_shared>>) target(%dma_start3A_22 : memref<16x128xf32, #tpu.memory_space<hbm>>) target_semaphore(%run_scoped3A : memref<!tpu.dma_semaphore, #tpu.memory_space<semaphore_mem>>)
        %dma_wait3A = arith.constant 9984 : i32
        %dma_wait3A_26 = arith.constant 0 : i32
        %dma_wait3A_27 = tpu.memref_slice %arg6[%arg0, %dma_wait3A, %dma_wait3A_26] : memref<2x10000x128xf32, #tpu.memory_space<hbm>> -> memref<1x16x128xf32, #tpu.memory_space<hbm>>
        %dma_wait3A_28 = tpu.memref_squeeze %dma_wait3A_27 : memref<1x16x128xf32, #tpu.memory_space<hbm>> -> memref<16x128xf32, #tpu.memory_space<hbm>>
        %dma_wait3A_29 = arith.constant 9984 : i32
        %dma_wait3A_30 = arith.constant 0 : i32
        %dma_wait3A_31 = tpu.memref_slice %arg7[%dma_wait3A_29, %dma_wait3A_30] : memref<10008x128xf32, #tpu.memory_space<vmem_shared>> -> memref<16x128xf32, #tpu.memory_space<vmem_shared>>
        tpu.wait_dma2 semaphore(%run_scoped3A : memref<!tpu.dma_semaphore, #tpu.memory_space<semaphore_mem>>) src(%dma_wait3A_31 : memref<16x128xf32, #tpu.memory_space<vmem_shared>>) dst(%dma_wait3A_28 : memref<16x128xf32, #tpu.memory_space<hbm>>)
        tpu.yield
      }) : () -> ()
    } else {
    }
    return
  }
}

#map = affine_map<(d0, d1) -> (0, 0)>
#map1 = affine_map<(d0, d1) -> (0)>
#map2 = affine_map<(d0, d1) -> (0, 0, 0)>
module attributes {stable_mosaic.version = 14 : i64} {
  func.func @_spmv_body(%arg0: i32, %arg1: i32, %arg2: memref<10000x128xf32, #tpu.memory_space<hbm>>, %arg3: memref<327680xi32, #tpu.memory_space<hbm>>, %arg4: memref<327680xi32, #tpu.memory_space<hbm>>, %arg5: memref<624x128xf32, #tpu.memory_space<hbm>>, %arg6: memref<2x10000x128xf32, #tpu.memory_space<hbm>>, %arg7: memref<10008x128xf32, #tpu.memory_space<vmem_shared>>, %arg8: memref<128xi32, #tpu.memory_space<vmem>>, %arg9: memref<128xi32, #tpu.memory_space<vmem>>, %arg10: memref<128xi32, #tpu.memory_space<vmem>>, %arg11: memref<128xi32, #tpu.memory_space<vmem>>, %arg12: memref<128x128xf32, #tpu.memory_space<vmem>>, %arg13: memref<!tpu.dma_semaphore, #tpu.memory_space<semaphore_mem>>, %arg14: memref<!tpu.dma_semaphore, #tpu.memory_space<semaphore_mem>>, %arg15: memref<!tpu.dma_semaphore, #tpu.memory_space<semaphore_mem>>, %arg16: memref<!tpu.dma_semaphore, #tpu.memory_space<semaphore_mem>>) attributes {dimension_semantics = [#tpu.dimension_semantics<core_parallel>, #tpu.dimension_semantics<subcore_parallel>], iteration_bounds = array<i64: 2, 16>, scalar_prefetch = 0 : i64, scratch_operands = 10 : i64, tpu.core_type = #tpu.core_type<sc_vector_subcore>, window_params = [{transform_indices = #map}, {transform_indices = #map1}, {transform_indices = #map1}, {transform_indices = #map}, {transform_indices = #map2}]} {
    %mul3A = arith.constant 2 : i32
    %mul3A_0 = arith.muli %arg1, %mul3A : i32
    %add3A = arith.addi %mul3A_0, %arg0 : i32
    %mul3A_1 = arith.constant 624 : i32
    %mul3A_2 = arith.muli %arg1, %mul3A_1 : i32
    "tpu.region"() ({
      %run_scoped3A = tpu.sem_alloc : memref<!tpu.dma_semaphore, #tpu.memory_space<semaphore_mem>>
      %dma_start3A = arith.constant 0 : i32
      %dma_start3A_20 = tpu.memref_slice %arg7[%mul3A_2, %dma_start3A] : memref<10008x128xf32, #tpu.memory_space<vmem_shared>> -> memref<624x128xf32, #tpu.memory_space<vmem_shared>>
      %dma_start3A_21 = arith.constant 0 : i32
      %dma_start3A_22 = arith.constant 0 : i32
      %dma_start3A_23 = tpu.memref_slice %arg5[%dma_start3A_21, %dma_start3A_22] : memref<624x128xf32, #tpu.memory_space<hbm>> -> memref<624x128xf32, #tpu.memory_space<hbm>>
      tpu.enqueue_dma source(%dma_start3A_23 : memref<624x128xf32, #tpu.memory_space<hbm>>) target(%dma_start3A_20 : memref<624x128xf32, #tpu.memory_space<vmem_shared>>) target_semaphore(%run_scoped3A : memref<!tpu.dma_semaphore, #tpu.memory_space<semaphore_mem>>)
      %dma_wait3A = arith.constant 0 : i32
      %dma_wait3A_24 = tpu.memref_slice %arg7[%mul3A_2, %dma_wait3A] : memref<10008x128xf32, #tpu.memory_space<vmem_shared>> -> memref<624x128xf32, #tpu.memory_space<vmem_shared>>
      %dma_wait3A_25 = arith.constant 0 : i32
      %dma_wait3A_26 = arith.constant 0 : i32
      %dma_wait3A_27 = tpu.memref_slice %arg5[%dma_wait3A_25, %dma_wait3A_26] : memref<624x128xf32, #tpu.memory_space<hbm>> -> memref<624x128xf32, #tpu.memory_space<hbm>>
      tpu.wait_dma2 semaphore(%run_scoped3A : memref<!tpu.dma_semaphore, #tpu.memory_space<semaphore_mem>>) src(%dma_wait3A_27 : memref<624x128xf32, #tpu.memory_space<hbm>>) dst(%dma_wait3A_24 : memref<624x128xf32, #tpu.memory_space<vmem_shared>>)
      tpu.yield
    }) : () -> ()
    %eq3A = arith.constant 0 : i32
    %eq3A_3 = arith.cmpi eq, %arg1, %eq3A : i32
    %convert_element_type3A = arith.extui %eq3A_3 : i1 to i32
    %cond3A = arith.constant 0 : i32
    %cond3A_4 = arith.cmpi ne, %convert_element_type3A, %cond3A : i32
    scf.if %cond3A_4 {
      "tpu.region"() ({
        %run_scoped3A = tpu.sem_alloc : memref<!tpu.dma_semaphore, #tpu.memory_space<semaphore_mem>>
        %dma_start3A = arith.constant 9984 : i32
        %dma_start3A_20 = arith.constant 0 : i32
        %dma_start3A_21 = tpu.memref_slice %arg7[%dma_start3A, %dma_start3A_20] : memref<10008x128xf32, #tpu.memory_space<vmem_shared>> -> memref<16x128xf32, #tpu.memory_space<vmem_shared>>
        %dma_start3A_22 = arith.constant 0 : i32
        %dma_start3A_23 = arith.constant 0 : i32
        %dma_start3A_24 = tpu.memref_slice %arg5[%dma_start3A_22, %dma_start3A_23] : memref<624x128xf32, #tpu.memory_space<hbm>> -> memref<16x128xf32, #tpu.memory_space<hbm>>
        tpu.enqueue_dma source(%dma_start3A_24 : memref<16x128xf32, #tpu.memory_space<hbm>>) target(%dma_start3A_21 : memref<16x128xf32, #tpu.memory_space<vmem_shared>>) target_semaphore(%run_scoped3A : memref<!tpu.dma_semaphore, #tpu.memory_space<semaphore_mem>>)
        %dma_wait3A = arith.constant 9984 : i32
        %dma_wait3A_25 = arith.constant 0 : i32
        %dma_wait3A_26 = tpu.memref_slice %arg7[%dma_wait3A, %dma_wait3A_25] : memref<10008x128xf32, #tpu.memory_space<vmem_shared>> -> memref<16x128xf32, #tpu.memory_space<vmem_shared>>
        %dma_wait3A_27 = arith.constant 0 : i32
        %dma_wait3A_28 = arith.constant 0 : i32
        %dma_wait3A_29 = tpu.memref_slice %arg5[%dma_wait3A_27, %dma_wait3A_28] : memref<624x128xf32, #tpu.memory_space<hbm>> -> memref<16x128xf32, #tpu.memory_space<hbm>>
        tpu.wait_dma2 semaphore(%run_scoped3A : memref<!tpu.dma_semaphore, #tpu.memory_space<semaphore_mem>>) src(%dma_wait3A_29 : memref<16x128xf32, #tpu.memory_space<hbm>>) dst(%dma_wait3A_26 : memref<16x128xf32, #tpu.memory_space<vmem_shared>>)
        tpu.yield
      }) : () -> ()
    } else {
    }
    %barrier3A = arith.constant 0 : index
    tpu.barrier barrier_id(%barrier3A)
    %mul3A_5 = arith.constant 80 : i32
    %mul3A_6 = arith.muli %add3A, %mul3A_5 : i32
    %mul3A_7 = arith.constant 128 : i32
    %mul3A_8 = arith.muli %mul3A_6, %mul3A_7 : i32
    %scan3A = arith.constant 0 : i32
    %scan3A_9 = arith.constant 0 : i32
    %scan3A_10 = arith.constant 40 : i32
    %scan3A_11 = arith.addi %scan3A_9, %scan3A_10 : i32
    %scan3A_12 = arith.constant 1 : i32
    scf.for %scan3A_20 = %scan3A_9 to %scan3A_11 step %scan3A_12  : i32 {
      %mul3A_21 = arith.constant 2 : i32
      %mul3A_22 = arith.muli %mul3A_21, %scan3A_20 : i32
      %mul3A_23 = arith.constant 128 : i32
      %mul3A_24 = arith.muli %mul3A_22, %mul3A_23 : i32
      %add3A_25 = arith.addi %mul3A_8, %mul3A_24 : i32
      %add3A_26 = arith.constant 128 : i32
      %add3A_27 = arith.addi %add3A_25, %add3A_26 : i32
      %dma_start3A = tpu.memref_slice %arg3[%add3A_25] : memref<327680xi32, #tpu.memory_space<hbm>> -> memref<128xi32, #tpu.memory_space<hbm>>
      %dma_start3A_28 = tpu.memref_slice %arg3[%add3A_25] : memref<327680xi32, #tpu.memory_space<hbm>> -> memref<128xi32, #tpu.memory_space<hbm>>
      tpu.enqueue_dma source(%dma_start3A_28 : memref<128xi32, #tpu.memory_space<hbm>>) target(%arg8 : memref<128xi32, #tpu.memory_space<vmem>>) target_semaphore(%arg14 : memref<!tpu.dma_semaphore, #tpu.memory_space<semaphore_mem>>)
      %dma_start3A_29 = tpu.memref_slice %arg4[%add3A_25] : memref<327680xi32, #tpu.memory_space<hbm>> -> memref<128xi32, #tpu.memory_space<hbm>>
      %dma_start3A_30 = tpu.memref_slice %arg4[%add3A_25] : memref<327680xi32, #tpu.memory_space<hbm>> -> memref<128xi32, #tpu.memory_space<hbm>>
      tpu.enqueue_dma source(%dma_start3A_30 : memref<128xi32, #tpu.memory_space<hbm>>) target(%arg9 : memref<128xi32, #tpu.memory_space<vmem>>) target_semaphore(%arg15 : memref<!tpu.dma_semaphore, #tpu.memory_space<semaphore_mem>>)
      %dma_start3A_31 = tpu.memref_slice %arg3[%add3A_27] : memref<327680xi32, #tpu.memory_space<hbm>> -> memref<128xi32, #tpu.memory_space<hbm>>
      %dma_start3A_32 = tpu.memref_slice %arg3[%add3A_27] : memref<327680xi32, #tpu.memory_space<hbm>> -> memref<128xi32, #tpu.memory_space<hbm>>
      tpu.enqueue_dma source(%dma_start3A_32 : memref<128xi32, #tpu.memory_space<hbm>>) target(%arg10 : memref<128xi32, #tpu.memory_space<vmem>>) target_semaphore(%arg16 : memref<!tpu.dma_semaphore, #tpu.memory_space<semaphore_mem>>)
      %dma_start3A_33 = tpu.memref_slice %arg4[%add3A_27] : memref<327680xi32, #tpu.memory_space<hbm>> -> memref<128xi32, #tpu.memory_space<hbm>>
      %dma_start3A_34 = tpu.memref_slice %arg4[%add3A_27] : memref<327680xi32, #tpu.memory_space<hbm>> -> memref<128xi32, #tpu.memory_space<hbm>>
      tpu.enqueue_dma source(%dma_start3A_34 : memref<128xi32, #tpu.memory_space<hbm>>) target(%arg11 : memref<128xi32, #tpu.memory_space<vmem>>) target_semaphore(%arg13 : memref<!tpu.dma_semaphore, #tpu.memory_space<semaphore_mem>>)
      %dma_wait3A = tpu.memref_slice %arg3[%add3A_25] : memref<327680xi32, #tpu.memory_space<hbm>> -> memref<128xi32, #tpu.memory_space<hbm>>
      %dma_wait3A_35 = tpu.memref_slice %arg3[%add3A_25] : memref<327680xi32, #tpu.memory_space<hbm>> -> memref<128xi32, #tpu.memory_space<hbm>>
      tpu.wait_dma2 semaphore(%arg14 : memref<!tpu.dma_semaphore, #tpu.memory_space<semaphore_mem>>) src(%dma_wait3A_35 : memref<128xi32, #tpu.memory_space<hbm>>) dst(%arg8 : memref<128xi32, #tpu.memory_space<vmem>>)
      %dma_wait3A_36 = tpu.memref_slice %arg4[%add3A_25] : memref<327680xi32, #tpu.memory_space<hbm>> -> memref<128xi32, #tpu.memory_space<hbm>>
      %dma_wait3A_37 = tpu.memref_slice %arg4[%add3A_25] : memref<327680xi32, #tpu.memory_space<hbm>> -> memref<128xi32, #tpu.memory_space<hbm>>
      tpu.wait_dma2 semaphore(%arg15 : memref<!tpu.dma_semaphore, #tpu.memory_space<semaphore_mem>>) src(%dma_wait3A_37 : memref<128xi32, #tpu.memory_space<hbm>>) dst(%arg9 : memref<128xi32, #tpu.memory_space<vmem>>)
      %dma_start3A_38 = arith.constant 0 : i32
      %dma_start3A_39 = arith.constant 0 : i32
      %dma_start3A_40 = tpu.memref_slice %arg2[%dma_start3A_38, %dma_start3A_39] : memref<10000x128xf32, #tpu.memory_space<hbm>> -> memref<10000x128xf32, #tpu.memory_space<hbm>>
      tpu.enqueue_indirect_dma source(%dma_start3A_40 : memref<10000x128xf32, #tpu.memory_space<hbm>>) target(%arg12 : memref<128x128xf32, #tpu.memory_space<vmem>>) offsets(%arg8 : memref<128xi32, #tpu.memory_space<vmem>>) semaphore(%arg13 : memref<!tpu.dma_semaphore, #tpu.memory_space<semaphore_mem>>)
      %dma_wait3A_41 = arith.constant 0 : i32
      %dma_wait3A_42 = arith.constant 0 : i32
      %dma_wait3A_43 = tpu.memref_slice %arg2[%dma_wait3A_41, %dma_wait3A_42] : memref<10000x128xf32, #tpu.memory_space<hbm>> -> memref<10000x128xf32, #tpu.memory_space<hbm>>
      tpu.wait_indirect_dma semaphore(%arg13 : memref<!tpu.dma_semaphore, #tpu.memory_space<semaphore_mem>>) src(%dma_wait3A_43 : memref<10000x128xf32, #tpu.memory_space<hbm>>) dst(%arg12 : memref<128x128xf32, #tpu.memory_space<vmem>>)
      "tpu.region"() ({
        %run_scoped3A = tpu.sem_alloc : memref<!tpu.dma_semaphore, #tpu.memory_space<semaphore_mem>>
        %dma_start3A_54 = arith.constant 0 : i32
        %dma_start3A_55 = arith.constant 0 : i32
        %dma_start3A_56 = tpu.memref_slice %arg7[%dma_start3A_54, %dma_start3A_55] : memref<10008x128xf32, #tpu.memory_space<vmem_shared>> -> memref<10008x128xf32, #tpu.memory_space<vmem_shared>>
        tpu.enqueue_indirect_dma source(%arg12 : memref<128x128xf32, #tpu.memory_space<vmem>>) target(%dma_start3A_56 : memref<10008x128xf32, #tpu.memory_space<vmem_shared>>) offsets(%arg9 : memref<128xi32, #tpu.memory_space<vmem>>) semaphore(%run_scoped3A : memref<!tpu.dma_semaphore, #tpu.memory_space<semaphore_mem>>) {add = true}
        %dma_wait3A_57 = arith.constant 0 : i32
        %dma_wait3A_58 = arith.constant 0 : i32
        %dma_wait3A_59 = tpu.memref_slice %arg7[%dma_wait3A_57, %dma_wait3A_58] : memref<10008x128xf32, #tpu.memory_space<vmem_shared>> -> memref<10008x128xf32, #tpu.memory_space<vmem_shared>>
        tpu.wait_indirect_dma semaphore(%run_scoped3A : memref<!tpu.dma_semaphore, #tpu.memory_space<semaphore_mem>>) src(%arg12 : memref<128x128xf32, #tpu.memory_space<vmem>>) dst(%dma_wait3A_59 : memref<10008x128xf32, #tpu.memory_space<vmem_shared>>)
        tpu.yield
      }) : () -> ()
      %dma_wait3A_44 = tpu.memref_slice %arg3[%add3A_27] : memref<327680xi32, #tpu.memory_space<hbm>> -> memref<128xi32, #tpu.memory_space<hbm>>
      %dma_wait3A_45 = tpu.memref_slice %arg3[%add3A_27] : memref<327680xi32, #tpu.memory_space<hbm>> -> memref<128xi32, #tpu.memory_space<hbm>>
      tpu.wait_dma2 semaphore(%arg16 : memref<!tpu.dma_semaphore, #tpu.memory_space<semaphore_mem>>) src(%dma_wait3A_45 : memref<128xi32, #tpu.memory_space<hbm>>) dst(%arg10 : memref<128xi32, #tpu.memory_space<vmem>>)
      %dma_wait3A_46 = tpu.memref_slice %arg4[%add3A_27] : memref<327680xi32, #tpu.memory_space<hbm>> -> memref<128xi32, #tpu.memory_space<hbm>>
      %dma_wait3A_47 = tpu.memref_slice %arg4[%add3A_27] : memref<327680xi32, #tpu.memory_space<hbm>> -> memref<128xi32, #tpu.memory_space<hbm>>
      tpu.wait_dma2 semaphore(%arg13 : memref<!tpu.dma_semaphore, #tpu.memory_space<semaphore_mem>>) src(%dma_wait3A_47 : memref<128xi32, #tpu.memory_space<hbm>>) dst(%arg11 : memref<128xi32, #tpu.memory_space<vmem>>)
      %dma_start3A_48 = arith.constant 0 : i32
      %dma_start3A_49 = arith.constant 0 : i32
      %dma_start3A_50 = tpu.memref_slice %arg2[%dma_start3A_48, %dma_start3A_49] : memref<10000x128xf32, #tpu.memory_space<hbm>> -> memref<10000x128xf32, #tpu.memory_space<hbm>>
      tpu.enqueue_indirect_dma source(%dma_start3A_50 : memref<10000x128xf32, #tpu.memory_space<hbm>>) target(%arg12 : memref<128x128xf32, #tpu.memory_space<vmem>>) offsets(%arg10 : memref<128xi32, #tpu.memory_space<vmem>>) semaphore(%arg13 : memref<!tpu.dma_semaphore, #tpu.memory_space<semaphore_mem>>)
      %dma_wait3A_51 = arith.constant 0 : i32
      %dma_wait3A_52 = arith.constant 0 : i32
      %dma_wait3A_53 = tpu.memref_slice %arg2[%dma_wait3A_51, %dma_wait3A_52] : memref<10000x128xf32, #tpu.memory_space<hbm>> -> memref<10000x128xf32, #tpu.memory_space<hbm>>
      tpu.wait_indirect_dma semaphore(%arg13 : memref<!tpu.dma_semaphore, #tpu.memory_space<semaphore_mem>>) src(%dma_wait3A_53 : memref<10000x128xf32, #tpu.memory_space<hbm>>) dst(%arg12 : memref<128x128xf32, #tpu.memory_space<vmem>>)
      "tpu.region"() ({
        %run_scoped3A = tpu.sem_alloc : memref<!tpu.dma_semaphore, #tpu.memory_space<semaphore_mem>>
        %dma_start3A_54 = arith.constant 0 : i32
        %dma_start3A_55 = arith.constant 0 : i32
        %dma_start3A_56 = tpu.memref_slice %arg7[%dma_start3A_54, %dma_start3A_55] : memref<10008x128xf32, #tpu.memory_space<vmem_shared>> -> memref<10008x128xf32, #tpu.memory_space<vmem_shared>>
        tpu.enqueue_indirect_dma source(%arg12 : memref<128x128xf32, #tpu.memory_space<vmem>>) target(%dma_start3A_56 : memref<10008x128xf32, #tpu.memory_space<vmem_shared>>) offsets(%arg11 : memref<128xi32, #tpu.memory_space<vmem>>) semaphore(%run_scoped3A : memref<!tpu.dma_semaphore, #tpu.memory_space<semaphore_mem>>) {add = true}
        %dma_wait3A_57 = arith.constant 0 : i32
        %dma_wait3A_58 = arith.constant 0 : i32
        %dma_wait3A_59 = tpu.memref_slice %arg7[%dma_wait3A_57, %dma_wait3A_58] : memref<10008x128xf32, #tpu.memory_space<vmem_shared>> -> memref<10008x128xf32, #tpu.memory_space<vmem_shared>>
        tpu.wait_indirect_dma semaphore(%run_scoped3A : memref<!tpu.dma_semaphore, #tpu.memory_space<semaphore_mem>>) src(%arg12 : memref<128x128xf32, #tpu.memory_space<vmem>>) dst(%dma_wait3A_59 : memref<10008x128xf32, #tpu.memory_space<vmem_shared>>)
        tpu.yield
      }) : () -> ()
    }
    %scan3A_13 = arith.constant 40 : i32
    %barrier3A_14 = arith.constant 0 : index
    tpu.barrier barrier_id(%barrier3A_14)
    "tpu.region"() ({
      %run_scoped3A = tpu.sem_alloc : memref<!tpu.dma_semaphore, #tpu.memory_space<semaphore_mem>>
      %dma_start3A = arith.constant 0 : i32
      %dma_start3A_20 = tpu.memref_slice %arg6[%arg0, %mul3A_2, %dma_start3A] : memref<2x10000x128xf32, #tpu.memory_space<hbm>> -> memref<1x624x128xf32, #tpu.memory_space<hbm>>
      %dma_start3A_21 = tpu.memref_squeeze %dma_start3A_20 : memref<1x624x128xf32, #tpu.memory_space<hbm>> -> memref<624x128xf32, #tpu.memory_space<hbm>>
      %dma_start3A_22 = arith.constant 0 : i32
      %dma_start3A_23 = tpu.memref_slice %arg7[%mul3A_2, %dma_start3A_22] : memref<10008x128xf32, #tpu.memory_space<vmem_shared>> -> memref<624x128xf32, #tpu.memory_space<vmem_shared>>
      tpu.enqueue_dma source(%dma_start3A_23 : memref<624x128xf32, #tpu.memory_space<vmem_shared>>) target(%dma_start3A_21 : memref<624x128xf32, #tpu.memory_space<hbm>>) target_semaphore(%run_scoped3A : memref<!tpu.dma_semaphore, #tpu.memory_space<semaphore_mem>>)
      %dma_wait3A = arith.constant 0 : i32
      %dma_wait3A_24 = tpu.memref_slice %arg6[%arg0, %mul3A_2, %dma_wait3A] : memref<2x10000x128xf32, #tpu.memory_space<hbm>> -> memref<1x624x128xf32, #tpu.memory_space<hbm>>
      %dma_wait3A_25 = tpu.memref_squeeze %dma_wait3A_24 : memref<1x624x128xf32, #tpu.memory_space<hbm>> -> memref<624x128xf32, #tpu.memory_space<hbm>>
      %dma_wait3A_26 = arith.constant 0 : i32
      %dma_wait3A_27 = tpu.memref_slice %arg7[%mul3A_2, %dma_wait3A_26] : memref<10008x128xf32, #tpu.memory_space<vmem_shared>> -> memref<624x128xf32, #tpu.memory_space<vmem_shared>>
      tpu.wait_dma2 semaphore(%run_scoped3A : memref<!tpu.dma_semaphore, #tpu.memory_space<semaphore_mem>>) src(%dma_wait3A_27 : memref<624x128xf32, #tpu.memory_space<vmem_shared>>) dst(%dma_wait3A_25 : memref<624x128xf32, #tpu.memory_space<hbm>>)
      tpu.yield
    }) : () -> ()
    %eq3A_15 = arith.constant 0 : i32
    %eq3A_16 = arith.cmpi eq, %arg1, %eq3A_15 : i32
    %convert_element_type3A_17 = arith.extui %eq3A_16 : i1 to i32
    %cond3A_18 = arith.constant 0 : i32
    %cond3A_19 = arith.cmpi ne, %convert_element_type3A_17, %cond3A_18 : i32
    scf.if %cond3A_19 {
      "tpu.region"() ({
        %run_scoped3A = tpu.sem_alloc : memref<!tpu.dma_semaphore, #tpu.memory_space<semaphore_mem>>
        %dma_start3A = arith.constant 9984 : i32
        %dma_start3A_20 = arith.constant 0 : i32
        %dma_start3A_21 = tpu.memref_slice %arg6[%arg0, %dma_start3A, %dma_start3A_20] : memref<2x10000x128xf32, #tpu.memory_space<hbm>> -> memref<1x16x128xf32, #tpu.memory_space<hbm>>
        %dma_start3A_22 = tpu.memref_squeeze %dma_start3A_21 : memref<1x16x128xf32, #tpu.memory_space<hbm>> -> memref<16x128xf32, #tpu.memory_space<hbm>>
        %dma_start3A_23 = arith.constant 9984 : i32
        %dma_start3A_24 = arith.constant 0 : i32
        %dma_start3A_25 = tpu.memref_slice %arg7[%dma_start3A_23, %dma_start3A_24] : memref<10008x128xf32, #tpu.memory_space<vmem_shared>> -> memref<16x128xf32, #tpu.memory_space<vmem_shared>>
        tpu.enqueue_dma source(%dma_start3A_25 : memref<16x128xf32, #tpu.memory_space<vmem_shared>>) target(%dma_start3A_22 : memref<16x128xf32, #tpu.memory_space<hbm>>) target_semaphore(%run_scoped3A : memref<!tpu.dma_semaphore, #tpu.memory_space<semaphore_mem>>)
        %dma_wait3A = arith.constant 9984 : i32
        %dma_wait3A_26 = arith.constant 0 : i32
        %dma_wait3A_27 = tpu.memref_slice %arg6[%arg0, %dma_wait3A, %dma_wait3A_26] : memref<2x10000x128xf32, #tpu.memory_space<hbm>> -> memref<1x16x128xf32, #tpu.memory_space<hbm>>
        %dma_wait3A_28 = tpu.memref_squeeze %dma_wait3A_27 : memref<1x16x128xf32, #tpu.memory_space<hbm>> -> memref<16x128xf32, #tpu.memory_space<hbm>>
        %dma_wait3A_29 = arith.constant 9984 : i32
        %dma_wait3A_30 = arith.constant 0 : i32
        %dma_wait3A_31 = tpu.memref_slice %arg7[%dma_wait3A_29, %dma_wait3A_30] : memref<10008x128xf32, #tpu.memory_space<vmem_shared>> -> memref<16x128xf32, #tpu.memory_space<vmem_shared>>
        tpu.wait_dma2 semaphore(%run_scoped3A : memref<!tpu.dma_semaphore, #tpu.memory_space<semaphore_mem>>) src(%dma_wait3A_31 : memref<16x128xf32, #tpu.memory_space<vmem_shared>>) dst(%dma_wait3A_28 : memref<16x128xf32, #tpu.memory_space<hbm>>)
        tpu.yield
      }) : () -> ()
    } else {
    }
    return
  }
}

module attributes {stable_mosaic.version = 14 : i64} {
  func.func @_combine_body(%arg0: i32, %arg1: memref<2x1000x128xf32, #tpu.memory_space<vmem>>, %arg2: memref<1000x128xf32, #tpu.memory_space<vmem>>, %arg3: memref<1000x128xf32, #tpu.memory_space<vmem>>) attributes {dimension_semantics = [#tpu.dimension_semantics<arbitrary>], iteration_bounds = array<i64: 10>, scalar_prefetch = 0 : i64, scratch_operands = 0 : i64, tpu.core_type = #tpu.core_type<tc>, window_params = [{transform_indices = @transform_0, window_bounds = array<i64: 2, 1000, 128>}, {transform_indices = @transform_1, window_bounds = array<i64: 1000, 128>}, {transform_indices = @transform_2, window_bounds = array<i64: 1000, 128>}]} {
    %get3A = arith.constant 0 : index
    %get3A_0 = arith.constant 0 : index
    %get3A_1 = arith.constant 0 : index
    %get3A_2 = vector.load %arg1[%get3A, %get3A_0, %get3A_1] : memref<2x1000x128xf32, #tpu.memory_space<vmem>>, vector<1x1000x128xf32>
    %get3A_3 = vector.shape_cast %get3A_2 : vector<1x1000x128xf32> to vector<1000x128xf32>
    %get3A_4 = arith.constant 1 : index
    %get3A_5 = arith.constant 0 : index
    %get3A_6 = arith.constant 0 : index
    %get3A_7 = vector.load %arg1[%get3A_4, %get3A_5, %get3A_6] : memref<2x1000x128xf32, #tpu.memory_space<vmem>>, vector<1x1000x128xf32>
    %get3A_8 = vector.shape_cast %get3A_7 : vector<1x1000x128xf32> to vector<1000x128xf32>
    %add3A = arith.addf %get3A_3, %get3A_8 : vector<1000x128xf32>
    %get3A_9 = arith.constant 0 : index
    %get3A_10 = arith.constant 0 : index
    %get3A_11 = vector.load %arg2[%get3A_9, %get3A_10] : memref<1000x128xf32, #tpu.memory_space<vmem>>, vector<1000x1xf32>
    %max3A = arith.constant 1.000000e+00 : f32
    %max3A_12 = vector.broadcast %max3A : f32 to vector<1000x1xf32>
    %max3A_13 = arith.maximumf %get3A_11, %max3A_12 : vector<1000x1xf32>
    %div3A = vector.broadcast %max3A_13 : vector<1000x1xf32> to vector<1000x128xf32>
    %div3A_14 = arith.divf %add3A, %div3A : vector<1000x128xf32>
    %swap3A = arith.constant 0 : index
    %swap3A_15 = arith.constant 0 : index
    %swap3A_16 = vector.load %arg3[%swap3A, %swap3A_15] : memref<1000x128xf32, #tpu.memory_space<vmem>>, vector<1000x128xf32>
    tpu.vector_store %arg3[%swap3A, %swap3A_15], %div3A_14 {strides = array<i32>} : memref<1000x128xf32, #tpu.memory_space<vmem>>, vector<1000x128xf32>,
    return
  }
  func.func @transform_0(%arg0: i32) -> (i32, i32, i32) {
    %c0_i32 = arith.constant 0 : i32
    %c0_i32_0 = arith.constant 0 : i32
    %c0_i32_1 = arith.constant 0 : i32
    return %c0_i32, %arg0, %c0_i32_0 : i32, i32, i32
  }
  func.func @transform_1(%arg0: i32) -> (i32, i32) {
    %c0_i32 = arith.constant 0 : i32
    %c0_i32_0 = arith.constant 0 : i32
    return %arg0, %c0_i32 : i32, i32
  }
  func.func @transform_2(%arg0: i32) -> (i32, i32) {
    %c0_i32 = arith.constant 0 : i32
    %c0_i32_0 = arith.constant 0 : i32
    return %arg0, %c0_i32 : i32, i32
  }
}

</mosaic_0001>

<sc_bundles>
// kernel: kernel.19.cloned.1.call-start
scs
__scs_entry_jumppad:
0x0: {  	(pc) =	sbr.rel $0x88, $3  }
0x1: {  	(tag) =	ssettag $0x0;
	lr =	simm.s32 $0x1  }
0x2: {  	[smem:$0x3F9E] =	sst lr;
	_ =	strace $0xD0000000  }
0x3: {  	_ = 	snop  }
0x4: {  	_ = 	snop  }
0x5: {  	_ = 	snop  }
0x6: {  	_ = 	snop  }
0x7: {  	_ = 	snop  }
__scs_overlays_trampoline_lowered:
0x8: {  	[smem:$0x3FAD] =	sst s0  }
0x9: {  	[smem:$0x3FAE] =	sst s1  }
0xa: {  	[smem:$0x3FAF] =	sst s2  }
0xb: {  	[smem:$0x3FB0] =	sst s3  }
0xc: {  	[smem:$0x3FB1] =	sst s4  }
0xd: {  	[smem:$0x3FB2] =	sst s5  }
0xe: {  	[smem:$0x3FB3] =	sst s6  }
0xf: {  	[smem:$0x3FB4] =	sst s7  }
0x10: {  	[smem:$0x3FB5] =	sst s8  }
0x11: {  	[smem:$0x3FB6] =	sst s9;
	s0 =	simm.s32 @!p0 $0x0  }
0x12: {  	s1 =	sld [smem:$0x3F9C];
	s0 =	simm.s32 @p0 $0x1  }
0x13: {  	[smem:$0x3FB7] =	sst s0;
	s0 =	simm.s32 @!p1 $0x0  }
0x14: {  	s2 =	sld [smem:$0x3F9B];
	s0 =	simm.s32 @p1 $0x1  }
0x15: {  	[smem:$0x3FB8] =	sst s0;
	s0 =	simm.s32 @!p2 $0x0  }
0x16: {  	s3 =	sld [smem:$0x3FDB];
	s0 =	simm.s32 @p2 $0x1  }
0x17: {  	s4 =	simm.s32 $0x1BF5;
	[smem:$0x3FBA] =	sst s0  }
0x18: {  	s0 =	sld [smem:$0x3F9D];
	_ =	swait.ge [sflag:s4], $0x0  }
0x19: {  	s7 =	sld [smem:$0x3F9E]  }
0x1a: {  	s8 =	sadd.s32 $0xFFFFE003, lr  }
0x1b: {  	s9 =	sadd.s32 $0xFFFFFEF7, lr;
	s5 =	simm.s32 $0xFFFFFFFF;
	p2 =	slt.u32 s8, $0xFFFFF086  }
0x1c: {  	p1 =	slt.u32 s9, $0xF7A;
	s5 =	simm.s32 @!p2 $0x0  }
0x1d: {  	s5 =	simm.s32 @p1 $0x1;
	p0 =	seq.s32 s7, s2  }
0x1e: {  	s7 =	smul.u32 @!p0 $0xF7A, s2;
	p2 =	seq.s32 @!p0 s5, $0x0  }
0x1f: {  	s9 =	smul.u32 $0xF7A, s1;
	s8 =	simm.s32 @!p0 $0x1BF5;
	p2 =	por !p2, p0  }
0x20: {  	[sflag:s8] =	ssyncset.s32 @!p0 $0xFFFFF086;
	s6 =	sadd.s32 @!p0 s3, s7;
	s7 =	simm.s32 @!p0 $0x108  }
0x21: {  	s3 =	sadd.s32 s3, s9;
	s6 =	sadd.s32 @!p0 $0x88, s6;
	s7 =	simm.s32 @p2 $0x1082  }
0x22: {  	[simem:s7], [sflag:s8] =	dma.local @!p0 [hbm:s6], $0xF7A  }
0x23: {  	s9 =	sor.u32 $0xD0000000, s2;
	s6 =	simm.s32 $0x108;
	_ =	swait.ge @!p0 [sflag:s8], $0x0  }
0x24: {  	s3 =	sadd.s32 $0x88, s3;
	s6 =	simm.s32 @!p1 $0x1082;
	[sflag:s4] =	ssyncset.s32 $0xFFFFF086  }
0x25: {  	[simem:s6], [sflag:s4] =	dma.local [hbm:s3], $0xF7A  }
0x26: {  	[smem:$0x3F9E] =	sst s1;
	(tag) =	ssettag s2;
	_ =	strace s9  }
0x27: {  	s1 =	sld [smem:$0x3FAE]  }
0x28: {  	s2 =	sld [smem:$0x3FAF]  }
0x29: {  	s4 =	sld [smem:$0x3FB1]  }
0x2a: {  	p0 =	seq.s32 s5, $0x0;
	s5 =	sld [smem:$0x3FB2]  }
0x2b: {  	s6 =	sld [smem:$0x3FB3]  }
0x2c: {  	s7 =	sld [smem:$0x3FB4]  }
0x2d: {  	s3 =	simm.s32 $0x108;
	s8 =	sld [smem:$0x3FB5]  }
0x2e: {  	s3 =	simm.s32 @!p0 $0x1082;
	s9 =	sld [smem:$0x3FB6]  }
0x2f: {  	lr =	sadd.s32 s0, s3;
	s0 =	sld [smem:$0x3FAD]  }
0x30: {  	s3 =	sld [smem:$0x3FB0]  }
0x31: {  	[smem:$0x3FB9] =	sst s10  }
0x32: {  	s10 =	sld [smem:$0x3FB7];
	_ =	sdelay $0x3  }
0x33: {  	p0 =	seq.s32 s10, $0x1;
	s10 =	sld [smem:$0x3FB9];
	_ =	sdelay $0x3  }
0x34: {  	[smem:$0x3FB9] =	sst s10  }
0x35: {  	s10 =	sld [smem:$0x3FB8];
	_ =	sdelay $0x3  }
0x36: {  	p1 =	seq.s32 s10, $0x1;
	s10 =	sld [smem:$0x3FB9];
	_ =	sdelay $0x3  }
0x37: {  	[smem:$0x3FB9] =	sst s10  }
0x38: {  	s10 =	sld [smem:$0x3FBA]  }
0x39: {  	_ = 	snop;
	(pc) =	sbr.ind lr, $3  }
0x3a: {  	_ = 	snop  }
0x3b: {  	_ = 	snop  }
0x3c: {  	p2 =	seq.s32 s10, $0x1;
	s10 =	sld [smem:$0x3FB9]  }
0x3d: {  	_ =	shalt  }
0x3e: {  	_ =	shalt  }
0x3f: {  	_ =	shalt  }
0x40: {  	_ =	shalt  }
0x41: {  	_ =	shalt  }
0x42: {  	_ =	shalt  }
0x43: {  	_ =	shalt  }
0x44: {  	_ =	shalt  }
0x45: {  	_ =	shalt  }
0x46: {  	_ =	shalt  }
0x47: {  	_ =	shalt  }
0x48: {  	_ =	shalt  }
0x49: {  	_ =	shalt  }
0x4a: {  	_ =	shalt  }
0x4b: {  	_ =	shalt  }
0x4c: {  	_ =	shalt  }
0x4d: {  	_ =	shalt  }
0x4e: {  	_ =	shalt  }
0x4f: {  	_ =	shalt  }
0x50: {  	_ =	shalt  }
0x51: {  	_ =	shalt  }
0x52: {  	_ =	shalt  }
0x53: {  	_ =	shalt  }
0x54: {  	_ =	shalt  }
0x55: {  	_ =	shalt  }
0x56: {  	_ =	shalt  }
0x57: {  	_ =	shalt  }
0x58: {  	_ =	shalt  }
0x59: {  	_ =	shalt  }
0x5a: {  	_ =	shalt  }
0x5b: {  	_ =	shalt  }
0x5c: {  	_ =	shalt  }
0x5d: {  	_ =	shalt  }
0x5e: {  	_ =	shalt  }
0x5f: {  	_ =	shalt  }
0x60: {  	_ =	shalt  }
0x61: {  	_ =	shalt  }
0x62: {  	_ =	shalt  }
0x63: {  	_ =	shalt  }
0x64: {  	_ =	shalt  }
0x65: {  	_ =	shalt  }
0x66: {  	_ =	shalt  }
0x67: {  	_ =	shalt  }
0x68: {  	_ =	shalt  }
0x69: {  	_ =	shalt  }
0x6a: {  	_ =	shalt  }
0x6b: {  	_ =	shalt  }
0x6c: {  	_ =	shalt  }
0x6d: {  	_ =	shalt  }
0x6e: {  	_ =	shalt  }
0x6f: {  	_ =	shalt  }
0x70: {  	_ =	shalt  }
0x71: {  	_ =	shalt  }
0x72: {  	_ =	shalt  }
0x73: {  	_ =	shalt  }
0x74: {  	_ =	shalt  }
0x75: {  	_ =	shalt  }
0x76: {  	_ =	shalt  }
0x77: {  	_ =	shalt  }
0x78: {  	_ =	shalt  }
0x79: {  	_ =	shalt  }
0x7a: {  	_ =	shalt  }
0x7b: {  	_ =	shalt  }
0x7c: {  	_ =	shalt  }
0x7d: {  	_ =	shalt  }
0x7e: {  	_ =	shalt  }
0x7f: {  	_ =	shalt  }
0x80: {  	_ =	shalt  }
0x81: {  	_ =	shalt  }
0x82: {  	_ =	shalt  }
0x83: {  	_ =	shalt  }
0x84: {  	_ =	shalt  }
0x85: {  	_ =	shalt  }
0x86: {  	_ =	shalt  }
0x87: {  	_ =	shalt  }
.Lfunc_end0:
.L_simem_size_0:
called_computation_lowered:
.L_overlay_start_0:
0x88: {  	s2 =	sld [smem:$0x3FD9]  }
0x89: {  	s3 =	sld [smem:$0x3FFE];
	_ =	sdelay $0x1  }
0x8a: {  	s1 =	srdreg.scid  }
0x8b: {  	s0 =	sand.u32 $0x1, s1  }
0x8c: {  	s16 =	sshll.u32 s0, $0xA;
	s2 =	sadd.s32 s3, s2  }
0x8d: {  	s2 =	sadd.s32 s2, s16  }
0x8e: {  	[smem:$0x3FC5] =	sst s2  }
0x8f: {  	_ = 	snop  }
0x90: {  	(tm) =	ssettm $0x1  }
0x91: {  	s17 =	sld [smem:$0x3FFB];
	_ =	sdelay $0x3  }
0x92: {  	_ =	strace s17  }
0x93: {  	s2 =	sld [smem:$0x3FFC];
	_ =	sdelay $0x3  }
0x94: {  	_ =	strace s2  }
0x95: {  	s2 =	sld [smem:$0x3FFD];
	_ =	sdelay $0x3  }
0x96: {  	_ =	strace s2  }
0x97: {  	_ =	strace $0x8FFFFFFF  }
0x98: {  	s18 =	sld [smem:$0x3FDB];
	_ =	sdelay $0x1  }
0x99: {  	s19 =	simm.s32 $_scs_section_size  }
0x9a: {  	s4 =	simm.s32 $_size__tile_overlayer_lowered;
	s5 =	simm.s32 $_tile_overlayer_lowered  }
0x9b: {  	s22 =	simm.s32 $0x1BFF;
	s21 =	sshll.u32 s5, $0x1;
	s2 =	sadd.s32 s19, s18  }
0x9c: {  	s6 =	simm.s32 $0x0;
	s20 =	sshll.u32 s4, $0x1;
	s4 =	sadd.s32 s21, s2  }
0x9d: {  	[timem:s6], [sflag:s22] =	dma.local [hbm:s4], s20  }
0x9e: {  	_ =	swait.ge [sflag:s22], s20  }
0x9f: {  	s3 =	ssub.s32 $0x0, s20;
	[sflag:s22] =	ssyncset.done $0x0  }
0xa0: {  	[sflag:s22] =	ssyncadd.s32 s3;
	_ =	sdelay $0x1  }
0xa1: {  	s23 =	simm.s32 $0x1B8B  }
0xa2: {  	_ =	swait.ge [sflag:s23], $0x1  }
0xa3: {  	[sflag:s23] =	ssyncset.done $0x0  }
0xa4: {  	s25 =	simm.s32 $0x1B8E;
	s24 =	sld [smem:$0x3FFE];
	[sflag:s23] =	ssyncadd.s32 $0xFFFFFFFF  }
0xa5: {  	s26 =	simm.s32 $execute0_lowered;
	[smem:$0x3FD2] =	sst s25  }
0xa6: {  	s4 =	sshll.u32 s26, $0x1;
	_ =	strace $0x80000046;
	[dreg:$0x1] =	wrdreg $0xFFFFFFFF  }
0xa7: {  	s28 =	simm.s32 $_size_execute0_lowered;
	s2 =	sadd.s32 s2, s4;
	[dreg:$0x0] =	wrdreg $0x0  }
0xa8: {  	s4 =	sshll.u32 s28, $0x1;
	[dreg:$0x2] =	wrdreg s2  }
0xa9: {  	[dreg:$0x3] =	wrdreg s4  }
0xaa: {  	[dreg:$0x4] =	wrdreg $0xC0  }
0xab: {  	_ =	task [dreg:s6], $0x5FFFF  }
0xac: {  	[dreg:$0x1] =	wrdreg $0xFFFFFFFF  }
0xad: {  	[dreg:$0x0] =	wrdreg $0x60  }
0xae: {  	[dreg:$0x2] =	wrdreg s24  }
0xaf: {  	[dreg:$0x3] =	wrdreg $0x0  }
0xb0: {  	[dreg:$0x4] =	wrdreg $0xA  }
0xb1: {  	_ =	task.clear_ibuf [dreg:s6], $0x5FFFF;
	_ =	strace $0x90000046  }
0xb2: {  	s29 =	simm.s32 $0xA;
	_ =	strace $0x80000048  }
0xb3: {  	_ =	swait.ge [sflag:s29], $0x1  }
0xb4: {  	[sflag:s29] =	ssyncadd.s32 $0xFFFFFFFF  }
0xb5: {  	_ =	strace $0x90000048  }
0xb6: {  	_ =	sfence  }
0xb7: {  	s30 =	sld [smem:$0x0];
	_ =	sdelay $0x2  }
0xb8: {  	s31 =	sshll.u32 s1, $0xD;
	s1 =	sshrl.u32 s1, $0x2  }
0xb9: {  	s3 =	sand.u32 $0x4000, s31;
	s1 =	sadd.s32 s1, s30  }
0xba: {  	s0 =	sor.u32 s3, s0;
	s1 =	sshll.u32 s1, $0x11  }
0xbb: {  	s0 =	sor.u32 s1, s0  }
0xbc: {  	s0 =	sadd.s32 $0x8F2B, s0  }
0xbd: {  	[sflag:s0] =	ssyncadd.remote.s32 $0x1  }
0xbe: {  	_ =	sfence.sel $0xFFFF  }
0xbf: {  	[dreg:$0x0] =	wrdreg $0xFFFFFFFF;
	(pc) =	sbr.abs _section_cstart, $3  }
0xc0: {  	[dreg:$0x1] =	wrdreg $0xFFFFFFFF  }
0xc1: {  	_ =	task.clear_ibuf [dreg:s6], $0x2FFFF;
	_ =	strace $0x9FFFFFFF  }
0xc2: {  	(tm) =	ssettm $0x7FFFFFFF  }
0xc3: {  	_ =	shalt  }
tec
execute0_lowered:
.L_overlay_start_1:
0x0: {  	(tag) =	ssettag $0x1  }
0x1: {  	s8 =	rddreg [dreg:$0x0]  }
0x2: {  	s1 =	rddreg [dreg:$0x1]  }
0x3: {  	s0 =	rddreg [dreg:$0x2]  }
0x4: {  	s2 =	simm.s32 $0x0;
	s3 =	srdreg.scid;
	s12 =	stileid.u32  }
0x5: {  	s16 =	simm.s32 $0x1;
	s17 =	simm.s32 $0x0;
	[smem:$0x7FF] =	sst s2  }
0x6: {  	s5 =	sand.u32 $0x1, s3;
	s3 =	sadd.s32 $0x3FC00, s8;
	s7 =	smul.u32 $0x4E000, s12  }
0x7: {  	s4 =	sadd.s32 $0x40400, s8;
	s11 =	sadd.s32 $0x42C00, s8;
	s28 =	smul.u32 $0x13800, s12  }
0x8: {  	s13 =	smul.u32 $0xA00, s12;
	s15 =	sadd.s32 $0x138000, s1;
	s6 =	ssub.s32 $0x2, s5  }
0x9: {  	_ =	strace $0x80000047;
	s10 =	smul.u32 $0x138800, s5;
	s9 =	sshrl.u32 s6, $0x1  }
0xa: {  	p0 =	seq.s32 s5, $0x1;
	s29 =	sshrl.u32 s7, $0x2;
	s9 =	ssub.s32 s6, s9  }
0xb: {  	s14 =	sadd.s32 s29, s1;
	s30 =	sadd.s32 s28, s10;
	s31 =	sshrl.u32 s10, $0x3  }
0xc: {  	s10 =	simm.s32 $0x3C00;
	s5 =	sshrl.u32 s30, $0x3;
	s6 =	sadd.s32 s11, s31  }
0xd: {  	s10 =	simm.s32 @!p0 $0xDC00;
	s7 =	smax.u32 s9, $0x1;
	p0 =	sne.s32 s12, $0x0  }
0xe: {  	s9 =	simm.s32 $0x138C0;
	s12 =	sshll.u32 s12, $0x6;
	s5 =	sadd.s32 s11, s5  }
0xf: {  	s6 =	sadd.s32 $0x27000, s6;
	s8 =	sadd.s32 s10, s8;
	s10 =	simm.s32 $0x2  }
0x10: {  	s11 =	simm.s32 $0x188C0;
	s12 =	sor.u32 $0x1C02, s12;
	s8 =	sadd.s32 s8, s13  }
0x11: {  	s13 =	sshrl.u32 s14, $0x3;
	s14 =	sshrl.u32 @!p0 s15, $0x3;
	s15 =	simm.s32 $0x80  }
.LBB2_1:
0x12: {  	[tilespmem:s9], [sflag:$0x2] =	stream.linear.gather [hbm4b:s8+s2], $0x5000, $0x38;
	[tilespmem:$0x1C8C0] =	vst v63  }
0x13: {  	_ =	swait.ge [sflag:s10], $0x5000  }
0x14: {  	[sflag:s10] =	ssyncset.done $0x0  }
0x15: {  	[sflag:s10] =	ssyncadd.s32 $0xFFFFB000  }
0x16: {  	[tilespmem:s11], [sflag:$0x2] =	stream.linear.gather [hbm4b:s3+s2], $0x4000, $0x38;
	[tilespmem:$0x1C8C0] =	vst v63  }
0x17: {  	_ =	swait.ge [sflag:s10], $0x4000  }
0x18: {  	[sflag:s10] =	ssyncset.done $0x0  }
0x19: {  	[sflag:s10] =	ssyncadd.s32 $0xFFFFC000  }
0x1a: {  	[spmem:s13], [sflag:s12] =	dma.local [hbm:s4], $0x2700  }
0x1b: {  	_ =	swait.ge [sflag:s10], $0x2700  }
0x1c: {  	[sflag:s10] =	ssyncset.done $0x0  }
0x1d: {  	s18 =	simm.s32 @!p0 $0x2;
	[sflag:s10] =	ssyncadd.s32 $0xFFFFD900  }
0x1e: {  	[spmem:s14], [sflag:s12] =	dma.local @!p0 [hbm:s4], $0x100  }
0x1f: {  	_ =	swait.ge @!p0 [sflag:s18], $0x100  }
0x20: {  	[sflag:s18] =	ssyncset.done @!p0 $0x0  }
0x21: {  	[sflag:s18] =	ssyncadd.s32 @!p0 $0xFFFFFF00  }
0x22: {  	s18 =	simm.s32 $0x0;
	[bflag:$0x0] =	sbarrier.arrive $0xFFFF  }
.LBB2_2:
0x23: {  	p1 =	sne.s32 s18, $0x13E00  }
.Ltmp0:
0x24: {  	_ = 	snop;
	(pc) =	sbr.rel @p1 .LBB2_2-.Ltmp0, $4  }
0x25: {  	_ = 	snop  }
0x26: {  	s19 =	sshra.s32 s18, $0x2  }
0x27: {  	s18 =	sadd.s32 $0x200, s18;
	s19 =	sadd.s32 $0x138C0, s19  }
0x28: {  	[spmem:s1] =	stream.indirect.scatter.add.f32 [tilespmem:s11], [sflag:$0x1], $0x80, s19, s15, $0xb8;
	[tilespmem:$0x1C8C0] =	vst v63  }
0x29: {  	_ =	swait.ge [sflag:s16], $0x4000  }
0x2a: {  	s18 =	simm.s32 $0x9F;
	[sflag:s16] =	ssyncset.done $0x0  }
.LBB2_4:
0x2b: {  	p1 =	sne.s32 s18, $0x1;
	s18 =	sadd.s32 $0xFFFFFFFF, s18;
	[sflag:s16] =	ssyncadd.s32 $0xFFFFC000  }
.Ltmp1:
0x2c: {  	(pc) =	sbr.rel @p1 .LBB2_4-.Ltmp1, $3  }
0x2d: {  	_ =	sdelay $0x1  }
0x2e: {  	_ =	swait.ge [sflag:s16], $0x4000  }
0x2f: {  	[sflag:s16] =	ssyncset.done $0x0  }
0x30: {  	[sflag:s16] =	ssyncadd.s32 $0xFFFFC000  }
0x31: {  	[bflag:$0x0] =	sbarrier.arrive $0xFFFF  }
0x32: {  	[hbm:s5], [sflag:s12] =	dma.local [spmem:s13], $0x2700  }
0x33: {  	s17 =	sadd.s32 $0x1, s17;
	_ =	swait.ge [sflag:s10], $0x2700  }
0x34: {  	p1 =	sne.s32 s17, s7;
	[sflag:s10] =	ssyncset.done $0x0  }
.Ltmp2:
0x35: {  	s18 =	simm.s32 @!p0 $0x2;
	[sflag:s10] =	ssyncadd.s32 $0xFFFFD900;
	(pc) =	sbr.rel @p1 .LBB2_1-.Ltmp2, $4  }
0x36: {  	[hbm:s6], [sflag:s12] =	dma.local @!p0 [spmem:s14], $0x100  }
0x37: {  	_ =	swait.ge @!p0 [sflag:s18], $0x100  }
0x38: {  	[sflag:s18] =	ssyncset.done @!p0 $0x0  }
0x39: {  	[sflag:s18] =	ssyncadd.s32 @!p0 $0xFFFFFF00  }
0x3a: {  	_ =	sfence.sel $0x180000  }
0x3b: {  	[bflag:$0x0] =	sbarrier.arrive $0xFFFF  }
0x3c: {  	_ =	strace $0x90000047  }
0x3d: {  	s0 =	sadd.s32 @!p0 $0x100000, s0;
	[bflag:$0x2] =	sbarrier.arrive $0xFFFF  }
0x3e: {  	[sflag:s0] =	ssyncadd.tile.s32 @!p0 $0x1;
	_ =	shalt  }
.Lfunc_end2:
_tile_overlayer_lowered:
.L_overlay_start_2:
0x3f: {  	(tag) =	ssettag $0x2  }
0x40: {  	s0 =	rddreg [dreg:$0x0];
	s2 =	stileid.u32  }
0x41: {  	s1 =	rddreg [dreg:$0x1];
	p0 =	sne.s32 s2, $0x0  }
0x42: {  	s3 =	rddreg [dreg:$0x2];
	[bflag:$0x3] =	sbarrier.arrive $0xFFFF;
	s2 =	simm.s32 @!p0 $0x1C02  }
0x43: {  	[timem:s3], [sflag:s2] =	dma.local @!p0 [hbm:s0], s1  }
0x44: {  	s0 =	simm.s32 @!p0 $0x2  }
0x45: {  	_ =	swait.ge @!p0 [sflag:s0], s1  }
0x46: {  	s1 =	ssub.s32 @!p0 $0x0, s1;
	[sflag:s0] =	ssyncset.done @!p0 $0x0  }
0x47: {  	[sflag:s0] =	ssyncadd.s32 @!p0 s1  }
0x48: {  	[bflag:$0x3] =	sbarrier.arrive $0xFFFF  }
0x49: {  	_ =	shalt  }

// kernel: kernel.22.cloned.1.call-start
scs
__scs_entry_jumppad:
0x0: {  	(pc) =	sbr.rel $0x88, $3  }
0x1: {  	(tag) =	ssettag $0x0;
	lr =	simm.s32 $0x1  }
0x2: {  	[smem:$0x3F9E] =	sst lr;
	_ =	strace $0xD0000000  }
0x3: {  	_ = 	snop  }
0x4: {  	_ = 	snop  }
0x5: {  	_ = 	snop  }
0x6: {  	_ = 	snop  }
0x7: {  	_ = 	snop  }
__scs_overlays_trampoline_lowered:
0x8: {  	[smem:$0x3FAD] =	sst s0  }
0x9: {  	[smem:$0x3FAE] =	sst s1  }
0xa: {  	[smem:$0x3FAF] =	sst s2  }
0xb: {  	[smem:$0x3FB0] =	sst s3  }
0xc: {  	[smem:$0x3FB1] =	sst s4  }
0xd: {  	[smem:$0x3FB2] =	sst s5  }
0xe: {  	[smem:$0x3FB3] =	sst s6  }
0xf: {  	[smem:$0x3FB4] =	sst s7  }
0x10: {  	[smem:$0x3FB5] =	sst s8  }
0x11: {  	[smem:$0x3FB6] =	sst s9;
	s0 =	simm.s32 @!p0 $0x0  }
0x12: {  	s1 =	sld [smem:$0x3F9C];
	s0 =	simm.s32 @p0 $0x1  }
0x13: {  	[smem:$0x3FB7] =	sst s0;
	s0 =	simm.s32 @!p1 $0x0  }
0x14: {  	s2 =	sld [smem:$0x3F9B];
	s0 =	simm.s32 @p1 $0x1  }
0x15: {  	[smem:$0x3FB8] =	sst s0;
	s0 =	simm.s32 @!p2 $0x0  }
0x16: {  	s3 =	sld [smem:$0x3FDB];
	s0 =	simm.s32 @p2 $0x1  }
0x17: {  	s4 =	simm.s32 $0x1BF5;
	[smem:$0x3FBA] =	sst s0  }
0x18: {  	s0 =	sld [smem:$0x3F9D];
	_ =	swait.ge [sflag:s4], $0x0  }
0x19: {  	s7 =	sld [smem:$0x3F9E]  }
0x1a: {  	s8 =	sadd.s32 $0xFFFFE003, lr  }
0x1b: {  	s9 =	sadd.s32 $0xFFFFFEF7, lr;
	s5 =	simm.s32 $0xFFFFFFFF;
	p2 =	slt.u32 s8, $0xFFFFF086  }
0x1c: {  	p1 =	slt.u32 s9, $0xF7A;
	s5 =	simm.s32 @!p2 $0x0  }
0x1d: {  	s5 =	simm.s32 @p1 $0x1;
	p0 =	seq.s32 s7, s2  }
0x1e: {  	s7 =	smul.u32 @!p0 $0xF7A, s2;
	p2 =	seq.s32 @!p0 s5, $0x0  }
0x1f: {  	s9 =	smul.u32 $0xF7A, s1;
	s8 =	simm.s32 @!p0 $0x1BF5;
	p2 =	por !p2, p0  }
0x20: {  	[sflag:s8] =	ssyncset.s32 @!p0 $0xFFFFF086;
	s6 =	sadd.s32 @!p0 s3, s7;
	s7 =	simm.s32 @!p0 $0x108  }
0x21: {  	s3 =	sadd.s32 s3, s9;
	s6 =	sadd.s32 @!p0 $0x88, s6;
	s7 =	simm.s32 @p2 $0x1082  }
0x22: {  	[simem:s7], [sflag:s8] =	dma.local @!p0 [hbm:s6], $0xF7A  }
0x23: {  	s9 =	sor.u32 $0xD0000000, s2;
	s6 =	simm.s32 $0x108;
	_ =	swait.ge @!p0 [sflag:s8], $0x0  }
0x24: {  	s3 =	sadd.s32 $0x88, s3;
	s6 =	simm.s32 @!p1 $0x1082;
	[sflag:s4] =	ssyncset.s32 $0xFFFFF086  }
0x25: {  	[simem:s6], [sflag:s4] =	dma.local [hbm:s3], $0xF7A  }
0x26: {  	[smem:$0x3F9E] =	sst s1;
	(tag) =	ssettag s2;
	_ =	strace s9  }
0x27: {  	s1 =	sld [smem:$0x3FAE]  }
0x28: {  	s2 =	sld [smem:$0x3FAF]  }
0x29: {  	s4 =	sld [smem:$0x3FB1]  }
0x2a: {  	p0 =	seq.s32 s5, $0x0;
	s5 =	sld [smem:$0x3FB2]  }
0x2b: {  	s6 =	sld [smem:$0x3FB3]  }
0x2c: {  	s7 =	sld [smem:$0x3FB4]  }
0x2d: {  	s3 =	simm.s32 $0x108;
	s8 =	sld [smem:$0x3FB5]  }
0x2e: {  	s3 =	simm.s32 @!p0 $0x1082;
	s9 =	sld [smem:$0x3FB6]  }
0x2f: {  	lr =	sadd.s32 s0, s3;
	s0 =	sld [smem:$0x3FAD]  }
0x30: {  	s3 =	sld [smem:$0x3FB0]  }
0x31: {  	[smem:$0x3FB9] =	sst s10  }
0x32: {  	s10 =	sld [smem:$0x3FB7];
	_ =	sdelay $0x3  }
0x33: {  	p0 =	seq.s32 s10, $0x1;
	s10 =	sld [smem:$0x3FB9];
	_ =	sdelay $0x3  }
0x34: {  	[smem:$0x3FB9] =	sst s10  }
0x35: {  	s10 =	sld [smem:$0x3FB8];
	_ =	sdelay $0x3  }
0x36: {  	p1 =	seq.s32 s10, $0x1;
	s10 =	sld [smem:$0x3FB9];
	_ =	sdelay $0x3  }
0x37: {  	[smem:$0x3FB9] =	sst s10  }
0x38: {  	s10 =	sld [smem:$0x3FBA]  }
0x39: {  	_ = 	snop;
	(pc) =	sbr.ind lr, $3  }
0x3a: {  	_ = 	snop  }
0x3b: {  	_ = 	snop  }
0x3c: {  	p2 =	seq.s32 s10, $0x1;
	s10 =	sld [smem:$0x3FB9]  }
0x3d: {  	_ =	shalt  }
0x3e: {  	_ =	shalt  }
0x3f: {  	_ =	shalt  }
0x40: {  	_ =	shalt  }
0x41: {  	_ =	shalt  }
0x42: {  	_ =	shalt  }
0x43: {  	_ =	shalt  }
0x44: {  	_ =	shalt  }
0x45: {  	_ =	shalt  }
0x46: {  	_ =	shalt  }
0x47: {  	_ =	shalt  }
0x48: {  	_ =	shalt  }
0x49: {  	_ =	shalt  }
0x4a: {  	_ =	shalt  }
0x4b: {  	_ =	shalt  }
0x4c: {  	_ =	shalt  }
0x4d: {  	_ =	shalt  }
0x4e: {  	_ =	shalt  }
0x4f: {  	_ =	shalt  }
0x50: {  	_ =	shalt  }
0x51: {  	_ =	shalt  }
0x52: {  	_ =	shalt  }
0x53: {  	_ =	shalt  }
0x54: {  	_ =	shalt  }
0x55: {  	_ =	shalt  }
0x56: {  	_ =	shalt  }
0x57: {  	_ =	shalt  }
0x58: {  	_ =	shalt  }
0x59: {  	_ =	shalt  }
0x5a: {  	_ =	shalt  }
0x5b: {  	_ =	shalt  }
0x5c: {  	_ =	shalt  }
0x5d: {  	_ =	shalt  }
0x5e: {  	_ =	shalt  }
0x5f: {  	_ =	shalt  }
0x60: {  	_ =	shalt  }
0x61: {  	_ =	shalt  }
0x62: {  	_ =	shalt  }
0x63: {  	_ =	shalt  }
0x64: {  	_ =	shalt  }
0x65: {  	_ =	shalt  }
0x66: {  	_ =	shalt  }
0x67: {  	_ =	shalt  }
0x68: {  	_ =	shalt  }
0x69: {  	_ =	shalt  }
0x6a: {  	_ =	shalt  }
0x6b: {  	_ =	shalt  }
0x6c: {  	_ =	shalt  }
0x6d: {  	_ =	shalt  }
0x6e: {  	_ =	shalt  }
0x6f: {  	_ =	shalt  }
0x70: {  	_ =	shalt  }
0x71: {  	_ =	shalt  }
0x72: {  	_ =	shalt  }
0x73: {  	_ =	shalt  }
0x74: {  	_ =	shalt  }
0x75: {  	_ =	shalt  }
0x76: {  	_ =	shalt  }
0x77: {  	_ =	shalt  }
0x78: {  	_ =	shalt  }
0x79: {  	_ =	shalt  }
0x7a: {  	_ =	shalt  }
0x7b: {  	_ =	shalt  }
0x7c: {  	_ =	shalt  }
0x7d: {  	_ =	shalt  }
0x7e: {  	_ =	shalt  }
0x7f: {  	_ =	shalt  }
0x80: {  	_ =	shalt  }
0x81: {  	_ =	shalt  }
0x82: {  	_ =	shalt  }
0x83: {  	_ =	shalt  }
0x84: {  	_ =	shalt  }
0x85: {  	_ =	shalt  }
0x86: {  	_ =	shalt  }
0x87: {  	_ =	shalt  }
.Lfunc_end0:
.L_simem_size_0:
called_computation.1_lowered:
.L_overlay_start_0:
0x88: {  	s2 =	sld [smem:$0x3FD9]  }
0x89: {  	s3 =	sld [smem:$0x3FFE];
	_ =	sdelay $0x1  }
0x8a: {  	s1 =	srdreg.scid  }
0x8b: {  	s0 =	sand.u32 $0x1, s1  }
0x8c: {  	s17 =	sshll.u32 s0, $0xA;
	s2 =	sadd.s32 s3, s2  }
0x8d: {  	s2 =	sadd.s32 s2, s17  }
0x8e: {  	[smem:$0x3FC5] =	sst s2  }
0x8f: {  	_ = 	snop  }
0x90: {  	s18 =	sld [smem:$0x3FC9];
	(tm) =	ssettm $0x1  }
0x91: {  	s19 =	sld [smem:$0x3FFB];
	_ =	sdelay $0x3  }
0x92: {  	_ =	strace s19  }
0x93: {  	s2 =	sld [smem:$0x3FFC];
	_ =	sdelay $0x3  }
0x94: {  	_ =	strace s2  }
0x95: {  	s2 =	sld [smem:$0x3FFD];
	_ =	sdelay $0x3  }
0x96: {  	_ =	strace s2  }
0x97: {  	_ =	strace $0x8FFFFFFF  }
0x98: {  	s20 =	sld [smem:$0x3FDB];
	_ =	sdelay $0x1  }
0x99: {  	s4 =	simm.s32 $_scs_section_size  }
0x9a: {  	s5 =	simm.s32 $_size__tile_overlayer_lowered;
	s6 =	simm.s32 $_tile_overlayer_lowered  }
0x9b: {  	s7 =	simm.s32 $0x1BFF;
	s21 =	sshll.u32 s6, $0x1;
	s4 =	sadd.s32 s4, s20  }
0x9c: {  	s22 =	simm.s32 $0x0;
	s5 =	sshll.u32 s5, $0x1;
	s6 =	sadd.s32 s21, s4  }
0x9d: {  	[timem:s22], [sflag:s7] =	dma.local [hbm:s6], s5  }
0x9e: {  	_ =	swait.ge [sflag:s7], s5  }
0x9f: {  	s5 =	ssub.s32 $0x0, s5;
	[sflag:s7] =	ssyncset.done $0x0  }
0xa0: {  	[sflag:s7] =	ssyncadd.s32 s5;
	_ =	sdelay $0x1  }
0xa1: {  	s23 =	simm.s32 $0x1B8B  }
0xa2: {  	_ =	swait.ge [sflag:s23], $0x1  }
0xa3: {  	[sflag:s23] =	ssyncset.done $0x0  }
0xa4: {  	[sflag:s23] =	ssyncadd.s32 $0xFFFFFFFF  }
0xa5: {  	s5 =	sld [smem:$0x0]  }
0xa6: {  	s6 =	sand.u32 $0xFFFFFFFE, s1  }
0xa7: {  	p0 =	sne.s32 s1, s6  }
0xa8: {  	s6 =	sshll.u32 @p0 s6, $0xE  }
0xa9: {  	s6 =	sadd.s32 @p0 $0x11B8D, s6;
	s7 =	sshll.u32 @p0 s5, $0x11  }
0xaa: {  	s6 =	sor.u32 @p0 s7, s6  }
0xab: {  	[sflag:s6] =	ssyncadd.remote.s32 @p0 $0x1;
	_ =	sdelay $0x1  }
0xac: {  	s6 =	simm.s32 @p0 $0x1B8D  }
0xad: {  	_ =	swait.eq @p0 [sflag:s6], $0x1  }
0xae: {  	[sflag:s6] =	ssyncadd.s32 @p0 $0xFFFFFFFF  }
0xaf: {  	s7 =	sshll.u32 @!p0 s1, $0xE  }
0xb0: {  	s7 =	sor.u32 @!p0 $0x4000, s7;
	s6 =	simm.s32 @!p0 $0x1B8D  }
0xb1: {  	s5 =	sshll.u32 @!p0 s5, $0x11;
	s7 =	sadd.s32 @!p0 $0x11B8D, s7;
	_ =	swait.eq @!p0 [sflag:s6], $0x1  }
0xb2: {  	s5 =	sor.u32 @!p0 s5, s7;
	[sflag:s6] =	ssyncadd.s32 @!p0 $0xFFFFFFFF  }
0xb3: {  	s25 =	simm.s32 $0x1B8E;
	s24 =	sld [smem:$0x3FFE];
	[sflag:s5] =	ssyncadd.remote.s32 @!p0 $0x1  }
0xb4: {  	s26 =	simm.s32 $execute0_lowered;
	[smem:$0x3FD2] =	sst s25  }
0xb5: {  	s6 =	sshll.u32 s26, $0x1;
	_ =	strace $0x80000049;
	[dreg:$0x1] =	wrdreg $0xFFFFFFFF  }
0xb6: {  	s28 =	simm.s32 $_size_execute0_lowered;
	s4 =	sadd.s32 s4, s6;
	[dreg:$0x0] =	wrdreg $0x0  }
0xb7: {  	s6 =	sshll.u32 s28, $0x1;
	[dreg:$0x2] =	wrdreg s4  }
0xb8: {  	[dreg:$0x3] =	wrdreg s6  }
0xb9: {  	[dreg:$0x4] =	wrdreg $0xC0  }
0xba: {  	_ =	task [dreg:s22], $0x5FFFF  }
0xbb: {  	[dreg:$0x1] =	wrdreg $0xFFFFFFFF  }
0xbc: {  	[dreg:$0x0] =	wrdreg $0x60  }
0xbd: {  	[dreg:$0x2] =	wrdreg s18  }
0xbe: {  	[dreg:$0x3] =	wrdreg s24  }
0xbf: {  	[dreg:$0x4] =	wrdreg $0x0  }
0xc0: {  	[dreg:$0x5] =	wrdreg $0xB  }
0xc1: {  	_ =	task.clear_ibuf [dreg:s22], $0x6FFFF;
	_ =	strace $0x90000049  }
0xc2: {  	s29 =	simm.s32 $0xB;
	_ =	strace $0x8000004B  }
0xc3: {  	_ =	swait.ge [sflag:s29], $0x1  }
0xc4: {  	[sflag:s29] =	ssyncadd.s32 $0xFFFFFFFF  }
0xc5: {  	_ =	strace $0x9000004B  }
0xc6: {  	_ =	sfence  }
0xc7: {  	s30 =	sld [smem:$0x0];
	_ =	sdelay $0x2  }
0xc8: {  	s31 =	sshll.u32 s1, $0xD;
	s1 =	sshrl.u32 s1, $0x2  }
0xc9: {  	s4 =	sand.u32 $0x4000, s31;
	s1 =	sadd.s32 s1, s30  }
0xca: {  	s0 =	sor.u32 s4, s0;
	s1 =	sshll.u32 s1, $0x11  }
0xcb: {  	s0 =	sor.u32 s1, s0  }
0xcc: {  	s0 =	sadd.s32 $0x8F2B, s0  }
0xcd: {  	[sflag:s0] =	ssyncadd.remote.s32 $0x1  }
0xce: {  	_ =	sfence.sel $0xFFFF  }
0xcf: {  	[dreg:$0x0] =	wrdreg $0xFFFFFFFF;
	(pc) =	sbr.abs _section_cstart, $3  }
0xd0: {  	[dreg:$0x1] =	wrdreg $0xFFFFFFFF  }
0xd1: {  	_ =	task.clear_ibuf [dreg:s22], $0x2FFFF;
	_ =	strace $0x9FFFFFFF  }
0xd2: {  	(tm) =	ssettm $0x7FFFFFFF  }
0xd3: {  	_ =	shalt  }
tec
execute0_lowered:
.L_overlay_start_1:
0x0: {  	(tag) =	ssettag $0x1  }
0x1: {  	s1 =	srdreg.scid;
	s0 =	rddreg [dreg:$0x0]  }
0x2: {  	s11 =	stileid.u32;
	s6 =	rddreg [dreg:$0x1]  }
0x3: {  	s2 =	rddreg [dreg:$0x2];
	s3 =	simm.s32 $0x0;
	s15 =	simm.s32 $0x13940  }
0x4: {  	s16 =	simm.s32 $0x139C0;
	s17 =	simm.s32 $0x13A40;
	s18 =	simm.s32 $0x2  }
0x5: {  	s19 =	simm.s32 $0x3;
	s20 =	simm.s32 $0x80;
	s21 =	simm.s32 $0x13AC0  }
0x6: {  	s22 =	simm.s32 $0x1;
	s23 =	simm.s32 $0x4;
	s4 =	smul.u32 $0x5000, s11  }
0x7: {  	s5 =	sand.u32 $0x1, s1;
	s1 =	rddreg [dreg:$0x3];
	s25 =	smul.u32 $0x4E000, s11  }
0x8: {  	s24 =	simm.s32 $0x0;
	[smem:$0x7FF] =	sst s3;
	s12 =	smul.u32 $0x13800, s11  }
0x9: {  	s26 =	sshll.u32 s11, $0x6;
	s14 =	sadd.s32 $0x138000, s2;
	s7 =	smul.u32 $0x2800, s5  }
0xa: {  	p0 =	sne.s32 s11, $0x0;
	s8 =	ssub.s32 $0x2, s5;
	s5 =	smul.u32 $0x138800, s5  }
0xb: {  	_ =	strace $0x8000004A;
	s9 =	sshrl.u32 s8, $0x1;
	s4 =	sadd.s32 s7, s4  }
0xc: {  	s7 =	sshrl.u32 s25, $0x2;
	s8 =	ssub.s32 s8, s9;
	s28 =	sadd.s32 s12, s5  }
0xd: {  	s29 =	sshrl.u32 s5, $0x3;
	s5 =	sor.u32 $0x1C05, s26;
	s12 =	simm.s32 $0x5  }
0xe: {  	s4 =	sshrl.u32 s4, $0x3;
	s13 =	sadd.s32 s7, s2;
	s30 =	sshrl.u32 s28, $0x3  }
0xf: {  	s8 =	smax.u32 s8, $0x1;
	s10 =	sadd.s32 s4, s6;
	s4 =	sadd.s32 $0x40400, s6  }
0x10: {  	s6 =	sadd.s32 $0x90E00, s6;
	s11 =	sshrl.u32 s13, $0x3;
	s13 =	sshrl.u32 @!p0 s14, $0x3  }
0x11: {  	s14 =	simm.s32 $0x138C0;
	s31 =	sadd.s32 s6, s29;
	s6 =	sadd.s32 s6, s30  }
0x12: {  	s9 =	sadd.s32 $0x35C00, s10;
	s10 =	sadd.s32 $0x2BC00, s10;
	s7 =	sadd.s32 $0x27000, s31  }
.LBB2_1:
0x13: {  	[spmem:s11], [sflag:s5] =	dma.local [hbm:s4], $0x2700  }
0x14: {  	_ =	swait.ge [sflag:s12], $0x2700  }
0x15: {  	[sflag:s12] =	ssyncset.done $0x0  }
0x16: {  	s25 =	simm.s32 @!p0 $0x5;
	[sflag:s12] =	ssyncadd.s32 $0xFFFFD900  }
0x17: {  	[spmem:s13], [sflag:s5] =	dma.local @!p0 [hbm:s4], $0x100  }
0x18: {  	_ =	swait.ge @!p0 [sflag:s25], $0x100  }
0x19: {  	[sflag:s25] =	ssyncset.done @!p0 $0x0  }
0x1a: {  	[sflag:s25] =	ssyncadd.s32 @!p0 $0xFFFFFF00  }
0x1b: {  	s30 =	sadd.s32 $0x0, s9;
	[bflag:$0x0] =	sbarrier.arrive $0xFFFF  }
0x1c: {  	[tilespmem:s14], [sflag:$0x2] =	stream.linear.gather [hbm4b:s30+s3], $0x80, $0x38;
	[tilespmem:$0x17AC0] =	vst v63  }
0x1d: {  	s26 =	sadd.s32 $0x0, s10  }
0x1e: {  	[tilespmem:s15], [sflag:$0x3] =	stream.linear.gather [hbm4b:s26+s3], $0x80, $0x38;
	[tilespmem:$0x17AC0] =	vst v63  }
0x1f: {  	s25 =	sadd.s32 $0x10, s30  }
0x20: {  	[tilespmem:s16], [sflag:$0x4] =	stream.linear.gather [hbm4b:s25+s3], $0x80, $0x38;
	[tilespmem:$0x17AC0] =	vst v63  }
0x21: {  	s31 =	sadd.s32 $0x10, s26  }
0x22: {  	[tilespmem:s17], [sflag:$0x1] =	stream.linear.gather [hbm4b:s31+s3], $0x80, $0x38;
	[tilespmem:$0x17AC0] =	vst v63  }
0x23: {  	_ =	swait.ge [sflag:s18], $0x80  }
0x24: {  	[sflag:s18] =	ssyncset.done $0x0  }
0x25: {  	[sflag:s18] =	ssyncadd.s32 $0xFFFFFF80  }
0x26: {  	_ =	swait.ge [sflag:s19], $0x80  }
0x27: {  	[sflag:s19] =	ssyncset.done $0x0  }
0x28: {  	[sflag:s19] =	ssyncadd.s32 $0xFFFFFF80  }
0x29: {  	[tilespmem:s21], [sflag:$0x1] =	stream.indirect.gather [hbm4b:s0+s20], $0x80, s14, s20, $0xb8;
	[tilespmem:$0x17AC0] =	vst v63  }
0x2a: {  	_ =	swait.ge [sflag:s22], $0x4000  }
0x2b: {  	[sflag:s22] =	ssyncset.done $0x0  }
0x2c: {  	[sflag:s22] =	ssyncadd.s32 $0xFFFFC000  }
0x2d: {  	[spmem:s2] =	stream.indirect.scatter.add.f32 [tilespmem:s21], [sflag:$0x5], $0x80, s15, s20, $0xb8;
	[tilespmem:$0x17AC0] =	vst v63  }
0x2e: {  	_ =	swait.ge [sflag:s12], $0x4000  }
0x2f: {  	[sflag:s12] =	ssyncset.done $0x0  }
0x30: {  	[sflag:s12] =	ssyncadd.s32 $0xFFFFC000  }
0x31: {  	_ =	swait.ge [sflag:s23], $0x80  }
0x32: {  	[sflag:s23] =	ssyncset.done $0x0  }
0x33: {  	[sflag:s23] =	ssyncadd.s32 $0xFFFFFF80  }
0x34: {  	_ =	swait.ge [sflag:s22], $0x80  }
0x35: {  	[sflag:s22] =	ssyncset.done $0x0  }
0x36: {  	[sflag:s22] =	ssyncadd.s32 $0xFFFFFF80  }
0x37: {  	[tilespmem:s21], [sflag:$0x1] =	stream.indirect.gather [hbm4b:s0+s20], $0x80, s16, s20, $0xb8;
	[tilespmem:$0x17AC0] =	vst v63  }
0x38: {  	_ =	swait.ge [sflag:s22], $0x4000  }
0x39: {  	[sflag:s22] =	ssyncset.done $0x0  }
0x3a: {  	[sflag:s22] =	ssyncadd.s32 $0xFFFFC000  }
0x3b: {  	[spmem:s2] =	stream.indirect.scatter.add.f32 [tilespmem:s21], [sflag:$0x5], $0x80, s17, s20, $0xb8;
	[tilespmem:$0x17AC0] =	vst v63  }
0x3c: {  	_ =	swait.ge [sflag:s12], $0x4000  }
0x3d: {  	s28 =	simm.s32 $0x40;
	s25 =	simm.s32 $0x20;
	[sflag:s12] =	ssyncset.done $0x0  }
.LBB2_2:
0x3e: {  	s29 =	sadd.s32 s25, s9  }
0x3f: {  	[sflag:s12] =	ssyncadd.s32 $0xFFFFC000;
	s30 =	smov.u32 s28;
	s26 =	sadd.s32 $0x20, s28  }
0x40: {  	[tilespmem:s14], [sflag:$0x2] =	stream.linear.gather [hbm4b:s29+s3], $0x80, $0x38;
	[tilespmem:$0x17AC0] =	vst v63  }
0x41: {  	p1 =	sne.s32 s28, $0x4E0;
	s28 =	sadd.s32 s25, s10;
	s25 =	smov.u32 s30  }
0x42: {  	[tilespmem:s15], [sflag:$0x3] =	stream.linear.gather [hbm4b:s28+s3], $0x80, $0x38;
	[tilespmem:$0x17AC0] =	vst v63  }
0x43: {  	s29 =	sadd.s32 $0x10, s29  }
0x44: {  	[tilespmem:s16], [sflag:$0x4] =	stream.linear.gather [hbm4b:s29+s3], $0x80, $0x38;
	[tilespmem:$0x17AC0] =	vst v63  }
0x45: {  	s28 =	sadd.s32 $0x10, s28  }
0x46: {  	[tilespmem:s17], [sflag:$0x1] =	stream.linear.gather [hbm4b:s28+s3], $0x80, $0x38;
	[tilespmem:$0x17AC0] =	vst v63  }
0x47: {  	_ =	swait.ge [sflag:s18], $0x80  }
0x48: {  	[sflag:s18] =	ssyncset.done $0x0  }
0x49: {  	[sflag:s18] =	ssyncadd.s32 $0xFFFFFF80  }
0x4a: {  	_ =	swait.ge [sflag:s19], $0x80  }
0x4b: {  	[sflag:s19] =	ssyncset.done $0x0  }
0x4c: {  	[sflag:s19] =	ssyncadd.s32 $0xFFFFFF80  }
0x4d: {  	[tilespmem:s21], [sflag:$0x1] =	stream.indirect.gather [hbm4b:s0+s20], $0x80, s14, s20, $0xb8;
	[tilespmem:$0x17AC0] =	vst v63  }
0x4e: {  	_ =	swait.ge [sflag:s22], $0x4000  }
0x4f: {  	[sflag:s22] =	ssyncset.done $0x0  }
0x50: {  	[sflag:s22] =	ssyncadd.s32 $0xFFFFC000  }
0x51: {  	[spmem:s2] =	stream.indirect.scatter.add.f32 [tilespmem:s21], [sflag:$0x5], $0x80, s15, s20, $0xb8;
	[tilespmem:$0x17AC0] =	vst v63  }
0x52: {  	_ =	swait.ge [sflag:s12], $0x4000  }
0x53: {  	[sflag:s12] =	ssyncset.done $0x0  }
0x54: {  	[sflag:s12] =	ssyncadd.s32 $0xFFFFC000  }
0x55: {  	_ =	swait.ge [sflag:s23], $0x80  }
0x56: {  	[sflag:s23] =	ssyncset.done $0x0  }
0x57: {  	[sflag:s23] =	ssyncadd.s32 $0xFFFFFF80  }
0x58: {  	_ =	swait.ge [sflag:s22], $0x80  }
0x59: {  	[sflag:s22] =	ssyncset.done $0x0  }
0x5a: {  	[sflag:s22] =	ssyncadd.s32 $0xFFFFFF80  }
0x5b: {  	[tilespmem:s21], [sflag:$0x1] =	stream.indirect.gather [hbm4b:s0+s20], $0x80, s16, s20, $0xb8;
	[tilespmem:$0x17AC0] =	vst v63  }
0x5c: {  	_ =	swait.ge [sflag:s22], $0x4000  }
.Ltmp0:
0x5d: {  	[sflag:s22] =	ssyncset.done $0x0;
	(pc) =	sbr.rel @p1 .LBB2_2-.Ltmp0, $4  }
0x5e: {  	[sflag:s22] =	ssyncadd.s32 $0xFFFFC000  }
0x5f: {  	[spmem:s2] =	stream.indirect.scatter.add.f32 [tilespmem:s21], [sflag:$0x5], $0x80, s17, s20, $0xb8;
	[tilespmem:$0x17AC0] =	vst v63  }
0x60: {  	_ =	swait.ge [sflag:s12], $0x4000  }
0x61: {  	s28 =	smov.u32 s26;
	[sflag:s12] =	ssyncset.done $0x0  }
0x62: {  	s26 =	sadd.s32 s25, s9;
	[sflag:s12] =	ssyncadd.s32 $0xFFFFC000  }
0x63: {  	[tilespmem:s14], [sflag:$0x2] =	stream.linear.gather [hbm4b:s26+s3], $0x80, $0x38;
	[tilespmem:$0x17AC0] =	vst v63  }
0x64: {  	s31 =	sadd.s32 s25, s10  }
0x65: {  	[tilespmem:s15], [sflag:$0x3] =	stream.linear.gather [hbm4b:s31+s3], $0x80, $0x38;
	[tilespmem:$0x17AC0] =	vst v63  }
0x66: {  	s26 =	sadd.s32 $0x10, s26  }
0x67: {  	[tilespmem:s16], [sflag:$0x4] =	stream.linear.gather [hbm4b:s26+s3], $0x80, $0x38;
	[tilespmem:$0x17AC0] =	vst v63  }
0x68: {  	s25 =	sadd.s32 $0x10, s31  }
0x69: {  	[tilespmem:s17], [sflag:$0x1] =	stream.linear.gather [hbm4b:s25+s3], $0x80, $0x38;
	[tilespmem:$0x17AC0] =	vst v63  }
0x6a: {  	_ =	swait.ge [sflag:s18], $0x80  }
0x6b: {  	[sflag:s18] =	ssyncset.done $0x0  }
0x6c: {  	[sflag:s18] =	ssyncadd.s32 $0xFFFFFF80  }
0x6d: {  	_ =	swait.ge [sflag:s19], $0x80  }
0x6e: {  	[sflag:s19] =	ssyncset.done $0x0  }
0x6f: {  	[sflag:s19] =	ssyncadd.s32 $0xFFFFFF80  }
0x70: {  	[tilespmem:s21], [sflag:$0x1] =	stream.indirect.gather [hbm4b:s0+s20], $0x80, s14, s20, $0xb8;
	[tilespmem:$0x17AC0] =	vst v63  }
0x71: {  	_ =	swait.ge [sflag:s22], $0x4000  }
0x72: {  	[sflag:s22] =	ssyncset.done $0x0  }
0x73: {  	[sflag:s22] =	ssyncadd.s32 $0xFFFFC000  }
0x74: {  	[spmem:s2] =	stream.indirect.scatter.add.f32 [tilespmem:s21], [sflag:$0x5], $0x80, s15, s20, $0xb8;
	[tilespmem:$0x17AC0] =	vst v63  }
0x75: {  	_ =	swait.ge [sflag:s12], $0x4000  }
0x76: {  	[sflag:s12] =	ssyncset.done $0x0  }
0x77: {  	[sflag:s12] =	ssyncadd.s32 $0xFFFFC000  }
0x78: {  	_ =	swait.ge [sflag:s23], $0x80  }
0x79: {  	[sflag:s23] =	ssyncset.done $0x0  }
0x7a: {  	[sflag:s23] =	ssyncadd.s32 $0xFFFFFF80  }
0x7b: {  	_ =	swait.ge [sflag:s22], $0x80  }
0x7c: {  	[sflag:s22] =	ssyncset.done $0x0  }
0x7d: {  	[sflag:s22] =	ssyncadd.s32 $0xFFFFFF80  }
0x7e: {  	[tilespmem:s21], [sflag:$0x1] =	stream.indirect.gather [hbm4b:s0+s20], $0x80, s16, s20, $0xb8;
	[tilespmem:$0x17AC0] =	vst v63  }
0x7f: {  	_ =	swait.ge [sflag:s22], $0x4000  }
0x80: {  	[sflag:s22] =	ssyncset.done $0x0  }
0x81: {  	[sflag:s22] =	ssyncadd.s32 $0xFFFFC000  }
0x82: {  	[spmem:s2] =	stream.indirect.scatter.add.f32 [tilespmem:s21], [sflag:$0x5], $0x80, s17, s20, $0xb8;
	[tilespmem:$0x17AC0] =	vst v63  }
0x83: {  	_ =	swait.ge [sflag:s12], $0x4000  }
0x84: {  	[sflag:s12] =	ssyncset.done $0x0  }
0x85: {  	[sflag:s12] =	ssyncadd.s32 $0xFFFFC000  }
0x86: {  	[bflag:$0x0] =	sbarrier.arrive $0xFFFF  }
0x87: {  	[hbm:s6], [sflag:s5] =	dma.local [spmem:s11], $0x2700  }
0x88: {  	s24 =	sadd.s32 $0x1, s24;
	_ =	swait.ge [sflag:s12], $0x2700  }
0x89: {  	p1 =	sne.s32 s24, s8;
	[sflag:s12] =	ssyncset.done $0x0  }
.Ltmp1:
0x8a: {  	s25 =	simm.s32 @!p0 $0x5;
	[sflag:s12] =	ssyncadd.s32 $0xFFFFD900;
	(pc) =	sbr.rel @p1 .LBB2_1-.Ltmp1, $4  }
0x8b: {  	[hbm:s7], [sflag:s5] =	dma.local @!p0 [spmem:s13], $0x100  }
0x8c: {  	_ =	swait.ge @!p0 [sflag:s25], $0x100  }
0x8d: {  	[sflag:s25] =	ssyncset.done @!p0 $0x0  }
0x8e: {  	[sflag:s25] =	ssyncadd.s32 @!p0 $0xFFFFFF00  }
0x8f: {  	_ =	sfence.sel $0x180000  }
0x90: {  	[bflag:$0x0] =	sbarrier.arrive $0xFFFF  }
0x91: {  	_ =	strace $0x9000004A  }
0x92: {  	s0 =	sadd.s32 @!p0 $0x100000, s1;
	[bflag:$0x2] =	sbarrier.arrive $0xFFFF  }
0x93: {  	[sflag:s0] =	ssyncadd.tile.s32 @!p0 $0x1;
	_ =	shalt  }
.Lfunc_end2:
_tile_overlayer_lowered:
.L_overlay_start_2:
0x94: {  	(tag) =	ssettag $0x2  }
0x95: {  	s0 =	rddreg [dreg:$0x0];
	s2 =	stileid.u32  }
0x96: {  	s1 =	rddreg [dreg:$0x1];
	p0 =	sne.s32 s2, $0x0  }
0x97: {  	s3 =	rddreg [dreg:$0x2];
	[bflag:$0x3] =	sbarrier.arrive $0xFFFF;
	s2 =	simm.s32 @!p0 $0x1C05  }
0x98: {  	[timem:s3], [sflag:s2] =	dma.local @!p0 [hbm:s0], s1  }
0x99: {  	s0 =	simm.s32 @!p0 $0x5  }
0x9a: {  	_ =	swait.ge @!p0 [sflag:s0], s1  }
0x9b: {  	s1 =	ssub.s32 @!p0 $0x0, s1;
	[sflag:s0] =	ssyncset.done @!p0 $0x0  }
0x9c: {  	[sflag:s0] =	ssyncadd.s32 @!p0 s1  }
0x9d: {  	[bflag:$0x3] =	sbarrier.arrive $0xFFFF  }
0x9e: {  	_ =	shalt  }

// kernel: kernel.25.cloned.1.call-start
scs
__scs_entry_jumppad:
0x0: {  	(pc) =	sbr.rel $0x88, $3  }
0x1: {  	(tag) =	ssettag $0x0;
	lr =	simm.s32 $0x1  }
0x2: {  	[smem:$0x3F9E] =	sst lr;
	_ =	strace $0xD0000000  }
0x3: {  	_ = 	snop  }
0x4: {  	_ = 	snop  }
0x5: {  	_ = 	snop  }
0x6: {  	_ = 	snop  }
0x7: {  	_ = 	snop  }
__scs_overlays_trampoline_lowered:
0x8: {  	[smem:$0x3FAD] =	sst s0  }
0x9: {  	[smem:$0x3FAE] =	sst s1  }
0xa: {  	[smem:$0x3FAF] =	sst s2  }
0xb: {  	[smem:$0x3FB0] =	sst s3  }
0xc: {  	[smem:$0x3FB1] =	sst s4  }
0xd: {  	[smem:$0x3FB2] =	sst s5  }
0xe: {  	[smem:$0x3FB3] =	sst s6  }
0xf: {  	[smem:$0x3FB4] =	sst s7  }
0x10: {  	[smem:$0x3FB5] =	sst s8  }
0x11: {  	[smem:$0x3FB6] =	sst s9;
	s0 =	simm.s32 @!p0 $0x0  }
0x12: {  	s1 =	sld [smem:$0x3F9C];
	s0 =	simm.s32 @p0 $0x1  }
0x13: {  	[smem:$0x3FB7] =	sst s0;
	s0 =	simm.s32 @!p1 $0x0  }
0x14: {  	s2 =	sld [smem:$0x3F9B];
	s0 =	simm.s32 @p1 $0x1  }
0x15: {  	[smem:$0x3FB8] =	sst s0;
	s0 =	simm.s32 @!p2 $0x0  }
0x16: {  	s3 =	sld [smem:$0x3FDB];
	s0 =	simm.s32 @p2 $0x1  }
0x17: {  	s4 =	simm.s32 $0x1BF5;
	[smem:$0x3FBA] =	sst s0  }
0x18: {  	s0 =	sld [smem:$0x3F9D];
	_ =	swait.ge [sflag:s4], $0x0  }
0x19: {  	s7 =	sld [smem:$0x3F9E]  }
0x1a: {  	s8 =	sadd.s32 $0xFFFFE003, lr  }
0x1b: {  	s9 =	sadd.s32 $0xFFFFFEF7, lr;
	s5 =	simm.s32 $0xFFFFFFFF;
	p2 =	slt.u32 s8, $0xFFFFF086  }
0x1c: {  	p1 =	slt.u32 s9, $0xF7A;
	s5 =	simm.s32 @!p2 $0x0  }
0x1d: {  	s5 =	simm.s32 @p1 $0x1;
	p0 =	seq.s32 s7, s2  }
0x1e: {  	s7 =	smul.u32 @!p0 $0xF7A, s2;
	p2 =	seq.s32 @!p0 s5, $0x0  }
0x1f: {  	s9 =	smul.u32 $0xF7A, s1;
	s8 =	simm.s32 @!p0 $0x1BF5;
	p2 =	por !p2, p0  }
0x20: {  	[sflag:s8] =	ssyncset.s32 @!p0 $0xFFFFF086;
	s6 =	sadd.s32 @!p0 s3, s7;
	s7 =	simm.s32 @!p0 $0x108  }
0x21: {  	s3 =	sadd.s32 s3, s9;
	s6 =	sadd.s32 @!p0 $0x88, s6;
	s7 =	simm.s32 @p2 $0x1082  }
0x22: {  	[simem:s7], [sflag:s8] =	dma.local @!p0 [hbm:s6], $0xF7A  }
0x23: {  	s9 =	sor.u32 $0xD0000000, s2;
	s6 =	simm.s32 $0x108;
	_ =	swait.ge @!p0 [sflag:s8], $0x0  }
0x24: {  	s3 =	sadd.s32 $0x88, s3;
	s6 =	simm.s32 @!p1 $0x1082;
	[sflag:s4] =	ssyncset.s32 $0xFFFFF086  }
0x25: {  	[simem:s6], [sflag:s4] =	dma.local [hbm:s3], $0xF7A  }
0x26: {  	[smem:$0x3F9E] =	sst s1;
	(tag) =	ssettag s2;
	_ =	strace s9  }
0x27: {  	s1 =	sld [smem:$0x3FAE]  }
0x28: {  	s2 =	sld [smem:$0x3FAF]  }
0x29: {  	s4 =	sld [smem:$0x3FB1]  }
0x2a: {  	p0 =	seq.s32 s5, $0x0;
	s5 =	sld [smem:$0x3FB2]  }
0x2b: {  	s6 =	sld [smem:$0x3FB3]  }
0x2c: {  	s7 =	sld [smem:$0x3FB4]  }
0x2d: {  	s3 =	simm.s32 $0x108;
	s8 =	sld [smem:$0x3FB5]  }
0x2e: {  	s3 =	simm.s32 @!p0 $0x1082;
	s9 =	sld [smem:$0x3FB6]  }
0x2f: {  	lr =	sadd.s32 s0, s3;
	s0 =	sld [smem:$0x3FAD]  }
0x30: {  	s3 =	sld [smem:$0x3FB0]  }
0x31: {  	[smem:$0x3FB9] =	sst s10  }
0x32: {  	s10 =	sld [smem:$0x3FB7];
	_ =	sdelay $0x3  }
0x33: {  	p0 =	seq.s32 s10, $0x1;
	s10 =	sld [smem:$0x3FB9];
	_ =	sdelay $0x3  }
0x34: {  	[smem:$0x3FB9] =	sst s10  }
0x35: {  	s10 =	sld [smem:$0x3FB8];
	_ =	sdelay $0x3  }
0x36: {  	p1 =	seq.s32 s10, $0x1;
	s10 =	sld [smem:$0x3FB9];
	_ =	sdelay $0x3  }
0x37: {  	[smem:$0x3FB9] =	sst s10  }
0x38: {  	s10 =	sld [smem:$0x3FBA]  }
0x39: {  	_ = 	snop;
	(pc) =	sbr.ind lr, $3  }
0x3a: {  	_ = 	snop  }
0x3b: {  	_ = 	snop  }
0x3c: {  	p2 =	seq.s32 s10, $0x1;
	s10 =	sld [smem:$0x3FB9]  }
0x3d: {  	_ =	shalt  }
0x3e: {  	_ =	shalt  }
0x3f: {  	_ =	shalt  }
0x40: {  	_ =	shalt  }
0x41: {  	_ =	shalt  }
0x42: {  	_ =	shalt  }
0x43: {  	_ =	shalt  }
0x44: {  	_ =	shalt  }
0x45: {  	_ =	shalt  }
0x46: {  	_ =	shalt  }
0x47: {  	_ =	shalt  }
0x48: {  	_ =	shalt  }
0x49: {  	_ =	shalt  }
0x4a: {  	_ =	shalt  }
0x4b: {  	_ =	shalt  }
0x4c: {  	_ =	shalt  }
0x4d: {  	_ =	shalt  }
0x4e: {  	_ =	shalt  }
0x4f: {  	_ =	shalt  }
0x50: {  	_ =	shalt  }
0x51: {  	_ =	shalt  }
0x52: {  	_ =	shalt  }
0x53: {  	_ =	shalt  }
0x54: {  	_ =	shalt  }
0x55: {  	_ =	shalt  }
0x56: {  	_ =	shalt  }
0x57: {  	_ =	shalt  }
0x58: {  	_ =	shalt  }
0x59: {  	_ =	shalt  }
0x5a: {  	_ =	shalt  }
0x5b: {  	_ =	shalt  }
0x5c: {  	_ =	shalt  }
0x5d: {  	_ =	shalt  }
0x5e: {  	_ =	shalt  }
0x5f: {  	_ =	shalt  }
0x60: {  	_ =	shalt  }
0x61: {  	_ =	shalt  }
0x62: {  	_ =	shalt  }
0x63: {  	_ =	shalt  }
0x64: {  	_ =	shalt  }
0x65: {  	_ =	shalt  }
0x66: {  	_ =	shalt  }
0x67: {  	_ =	shalt  }
0x68: {  	_ =	shalt  }
0x69: {  	_ =	shalt  }
0x6a: {  	_ =	shalt  }
0x6b: {  	_ =	shalt  }
0x6c: {  	_ =	shalt  }
0x6d: {  	_ =	shalt  }
0x6e: {  	_ =	shalt  }
0x6f: {  	_ =	shalt  }
0x70: {  	_ =	shalt  }
0x71: {  	_ =	shalt  }
0x72: {  	_ =	shalt  }
0x73: {  	_ =	shalt  }
0x74: {  	_ =	shalt  }
0x75: {  	_ =	shalt  }
0x76: {  	_ =	shalt  }
0x77: {  	_ =	shalt  }
0x78: {  	_ =	shalt  }
0x79: {  	_ =	shalt  }
0x7a: {  	_ =	shalt  }
0x7b: {  	_ =	shalt  }
0x7c: {  	_ =	shalt  }
0x7d: {  	_ =	shalt  }
0x7e: {  	_ =	shalt  }
0x7f: {  	_ =	shalt  }
0x80: {  	_ =	shalt  }
0x81: {  	_ =	shalt  }
0x82: {  	_ =	shalt  }
0x83: {  	_ =	shalt  }
0x84: {  	_ =	shalt  }
0x85: {  	_ =	shalt  }
0x86: {  	_ =	shalt  }
0x87: {  	_ =	shalt  }
.Lfunc_end0:
.L_simem_size_0:
called_computation.2_lowered:
.L_overlay_start_0:
0x88: {  	s2 =	sld [smem:$0x3FD9]  }
0x89: {  	s3 =	sld [smem:$0x3FFE];
	_ =	sdelay $0x1  }
0x8a: {  	s1 =	srdreg.scid  }
0x8b: {  	s0 =	sand.u32 $0x1, s1  }
0x8c: {  	s17 =	sshll.u32 s0, $0xA;
	s2 =	sadd.s32 s3, s2  }
0x8d: {  	s2 =	sadd.s32 s2, s17  }
0x8e: {  	[smem:$0x3FC5] =	sst s2  }
0x8f: {  	_ = 	snop  }
0x90: {  	(tm) =	ssettm $0x1  }
0x91: {  	s18 =	sld [smem:$0x3FFB];
	_ =	sdelay $0x3  }
0x92: {  	_ =	strace s18  }
0x93: {  	s2 =	sld [smem:$0x3FFC];
	_ =	sdelay $0x3  }
0x94: {  	_ =	strace s2  }
0x95: {  	s2 =	sld [smem:$0x3FFD];
	_ =	sdelay $0x3  }
0x96: {  	_ =	strace s2  }
0x97: {  	_ =	strace $0x8FFFFFFF  }
0x98: {  	s19 =	sld [smem:$0x3FDB];
	_ =	sdelay $0x1  }
0x99: {  	s20 =	simm.s32 $_scs_section_size  }
0x9a: {  	s4 =	simm.s32 $_size__tile_overlayer_lowered;
	s5 =	simm.s32 $_tile_overlayer_lowered  }
0x9b: {  	s6 =	simm.s32 $0x1BFF;
	s21 =	sshll.u32 s5, $0x1;
	s3 =	sadd.s32 s20, s19  }
0x9c: {  	s22 =	simm.s32 $0x0;
	s4 =	sshll.u32 s4, $0x1;
	s5 =	sadd.s32 s21, s3  }
0x9d: {  	[timem:s22], [sflag:s6] =	dma.local [hbm:s5], s4  }
0x9e: {  	_ =	swait.ge [sflag:s6], s4  }
0x9f: {  	s4 =	ssub.s32 $0x0, s4;
	[sflag:s6] =	ssyncset.done $0x0  }
0xa0: {  	[sflag:s6] =	ssyncadd.s32 s4;
	_ =	sdelay $0x1  }
0xa1: {  	s23 =	simm.s32 $0x1B8B  }
0xa2: {  	_ =	swait.ge [sflag:s23], $0x1  }
0xa3: {  	[sflag:s23] =	ssyncset.done $0x0  }
0xa4: {  	[sflag:s23] =	ssyncadd.s32 $0xFFFFFFFF  }
0xa5: {  	s4 =	sld [smem:$0x0]  }
0xa6: {  	s5 =	sand.u32 $0xFFFFFFFE, s1  }
0xa7: {  	p0 =	sne.s32 s1, s5  }
0xa8: {  	s5 =	sshll.u32 @p0 s5, $0xE  }
0xa9: {  	s5 =	sadd.s32 @p0 $0x11B8D, s5;
	s6 =	sshll.u32 @p0 s4, $0x11  }
0xaa: {  	s5 =	sor.u32 @p0 s6, s5  }
0xab: {  	[sflag:s5] =	ssyncadd.remote.s32 @p0 $0x1;
	_ =	sdelay $0x1  }
0xac: {  	s5 =	simm.s32 @p0 $0x1B8D  }
0xad: {  	_ =	swait.eq @p0 [sflag:s5], $0x1  }
0xae: {  	[sflag:s5] =	ssyncadd.s32 @p0 $0xFFFFFFFF  }
0xaf: {  	s6 =	sshll.u32 @!p0 s1, $0xE  }
0xb0: {  	s6 =	sor.u32 @!p0 $0x4000, s6;
	s5 =	simm.s32 @!p0 $0x1B8D  }
0xb1: {  	s4 =	sshll.u32 @!p0 s4, $0x11;
	s6 =	sadd.s32 @!p0 $0x11B8D, s6;
	_ =	swait.eq @!p0 [sflag:s5], $0x1  }
0xb2: {  	s4 =	sor.u32 @!p0 s4, s6;
	[sflag:s5] =	ssyncadd.s32 @!p0 $0xFFFFFFFF  }
0xb3: {  	s25 =	simm.s32 $0x1B8E;
	s24 =	sld [smem:$0x3FFE];
	[sflag:s4] =	ssyncadd.remote.s32 @!p0 $0x1  }
0xb4: {  	s26 =	simm.s32 $execute0_lowered;
	[smem:$0x3FD2] =	sst s25  }
0xb5: {  	s5 =	sshll.u32 s26, $0x1;
	_ =	strace $0x8000004F;
	[dreg:$0x1] =	wrdreg $0xFFFFFFFF  }
0xb6: {  	s28 =	simm.s32 $_size_execute0_lowered;
	s3 =	sadd.s32 s3, s5;
	[dreg:$0x0] =	wrdreg $0x0  }
0xb7: {  	s5 =	sshll.u32 s28, $0x1;
	[dreg:$0x2] =	wrdreg s3  }
0xb8: {  	[dreg:$0x3] =	wrdreg s5  }
0xb9: {  	[dreg:$0x4] =	wrdreg $0xC0  }
0xba: {  	_ =	task [dreg:s22], $0x5FFFF  }
0xbb: {  	[dreg:$0x1] =	wrdreg $0xFFFFFFFF  }
0xbc: {  	[dreg:$0x0] =	wrdreg $0x60  }
0xbd: {  	[dreg:$0x2] =	wrdreg s24  }
0xbe: {  	[dreg:$0x3] =	wrdreg $0x0  }
0xbf: {  	[dreg:$0x4] =	wrdreg $0xA  }
0xc0: {  	_ =	task.clear_ibuf [dreg:s22], $0x5FFFF;
	_ =	strace $0x9000004F  }
0xc1: {  	s29 =	simm.s32 $0xA;
	_ =	strace $0x80000051  }
0xc2: {  	_ =	swait.ge [sflag:s29], $0x1  }
0xc3: {  	[sflag:s29] =	ssyncadd.s32 $0xFFFFFFFF  }
0xc4: {  	_ =	strace $0x90000051  }
0xc5: {  	_ =	sfence  }
0xc6: {  	s30 =	sld [smem:$0x0];
	_ =	sdelay $0x2  }
0xc7: {  	s31 =	sshll.u32 s1, $0xD;
	s1 =	sshrl.u32 s1, $0x2  }
0xc8: {  	s4 =	sand.u32 $0x4000, s31;
	s1 =	sadd.s32 s1, s30  }
0xc9: {  	s0 =	sor.u32 s4, s0;
	s1 =	sshll.u32 s1, $0x11  }
0xca: {  	s0 =	sor.u32 s1, s0  }
0xcb: {  	s0 =	sadd.s32 $0x8F2B, s0  }
0xcc: {  	[sflag:s0] =	ssyncadd.remote.s32 $0x1  }
0xcd: {  	_ =	sfence.sel $0xFFFF  }
0xce: {  	[dreg:$0x0] =	wrdreg $0xFFFFFFFF;
	(pc) =	sbr.abs _section_cstart, $3  }
0xcf: {  	[dreg:$0x1] =	wrdreg $0xFFFFFFFF  }
0xd0: {  	_ =	task.clear_ibuf [dreg:s22], $0x2FFFF;
	_ =	strace $0x9FFFFFFF  }
0xd1: {  	(tm) =	ssettm $0x7FFFFFFF  }
tec
execute0_lowered:
.L_overlay_start_1:
0x0: {  	(tag) =	ssettag $0x1  }
0x1: {  	s0 =	srdreg.scid;
	s5 =	rddreg [dreg:$0x0]  }
0x2: {  	s11 =	stileid.u32;
	s1 =	rddreg [dreg:$0x1]  }
0x3: {  	s2 =	simm.s32 $0x0;
	s16 =	simm.s32 $0x139C0;
	s17 =	simm.s32 $0x13A40  }
0x4: {  	s18 =	simm.s32 $0x2;
	s19 =	simm.s32 $0x3;
	s20 =	simm.s32 $0x80  }
0x5: {  	s21 =	simm.s32 $0x13AC0;
	s22 =	simm.s32 $0x1;
	s23 =	simm.s32 $0x4  }
0x6: {  	s6 =	sand.u32 $0x1, s0;
	s3 =	smul.u32 $0x5000, s11;
	s0 =	rddreg [dreg:$0x2]  }
0x7: {  	s24 =	simm.s32 $0x0;
	[smem:$0x7FF] =	sst s2;
	s7 =	smul.u32 $0x4E000, s11  }
0x8: {  	s12 =	smul.u32 $0x13800, s11;
	s13 =	sadd.s32 $0x69E00, s5;
	s29 =	sshll.u32 s11, $0x6  }
0x9: {  	s15 =	sadd.s32 $0x138000, s1;
	p0 =	sne.s32 s11, $0x0;
	s4 =	smul.u32 $0x2800, s6  }
0xa: {  	_ =	strace $0x80000050;
	s8 =	ssub.s32 $0x2, s6;
	s6 =	smul.u32 $0x138800, s6  }
0xb: {  	s9 =	sshrl.u32 s8, $0x1;
	s7 =	sshrl.u32 s7, $0x2;
	s3 =	sadd.s32 s4, s3  }
0xc: {  	s8 =	ssub.s32 s8, s9;
	s14 =	sadd.s32 s7, s1;
	s30 =	sadd.s32 s12, s6  }
0xd: {  	s6 =	sshrl.u32 s6, $0x3;
	s12 =	simm.s32 $0x5;
	s4 =	sshrl.u32 s3, $0x3  }
0xe: {  	s3 =	sadd.s32 $0x42C00, s5;
	s7 =	sshrl.u32 s30, $0x3;
	s31 =	sadd.s32 s13, s6  }
0xf: {  	s8 =	smax.u32 s8, $0x1;
	s11 =	sshrl.u32 s14, $0x3;
	s14 =	simm.s32 $0x138C0  }
0x10: {  	s10 =	sadd.s32 s4, s5;
	s4 =	sadd.s32 $0x40400, s5;
	s5 =	sor.u32 $0x1C05, s29  }
0x11: {  	s6 =	sadd.s32 s13, s7;
	s7 =	sadd.s32 $0x27000, s31;
	s13 =	sshrl.u32 @!p0 s15, $0x3  }
0x12: {  	s15 =	simm.s32 $0x13940;
	s9 =	sadd.s32 $0x17C00, s10;
	s10 =	sadd.s32 $0x21C00, s10  }
.LBB2_1:
0x13: {  	[spmem:s11], [sflag:s5] =	dma.local [hbm:s4], $0x2700  }
0x14: {  	_ =	swait.ge [sflag:s12], $0x2700  }
0x15: {  	[sflag:s12] =	ssyncset.done $0x0  }
0x16: {  	s25 =	simm.s32 @!p0 $0x5;
	[sflag:s12] =	ssyncadd.s32 $0xFFFFD900  }
0x17: {  	[spmem:s13], [sflag:s5] =	dma.local @!p0 [hbm:s4], $0x100  }
0x18: {  	_ =	swait.ge @!p0 [sflag:s25], $0x100  }
0x19: {  	[sflag:s25] =	ssyncset.done @!p0 $0x0  }
0x1a: {  	[sflag:s25] =	ssyncadd.s32 @!p0 $0xFFFFFF00  }
0x1b: {  	s30 =	sadd.s32 $0x0, s9;
	[bflag:$0x0] =	sbarrier.arrive $0xFFFF  }
0x1c: {  	[tilespmem:s14], [sflag:$0x2] =	stream.linear.gather [hbm4b:s30+s2], $0x80, $0x38;
	[tilespmem:$0x17AC0] =	vst v63  }
0x1d: {  	s26 =	sadd.s32 $0x0, s10  }
0x1e: {  	[tilespmem:s15], [sflag:$0x3] =	stream.linear.gather [hbm4b:s26+s2], $0x80, $0x38;
	[tilespmem:$0x17AC0] =	vst v63  }
0x1f: {  	s25 =	sadd.s32 $0x10, s30  }
0x20: {  	[tilespmem:s16], [sflag:$0x4] =	stream.linear.gather [hbm4b:s25+s2], $0x80, $0x38;
	[tilespmem:$0x17AC0] =	vst v63  }
0x21: {  	s31 =	sadd.s32 $0x10, s26  }
0x22: {  	[tilespmem:s17], [sflag:$0x1] =	stream.linear.gather [hbm4b:s31+s2], $0x80, $0x38;
	[tilespmem:$0x17AC0] =	vst v63  }
0x23: {  	_ =	swait.ge [sflag:s18], $0x80  }
0x24: {  	[sflag:s18] =	ssyncset.done $0x0  }
0x25: {  	[sflag:s18] =	ssyncadd.s32 $0xFFFFFF80  }
0x26: {  	_ =	swait.ge [sflag:s19], $0x80  }
0x27: {  	[sflag:s19] =	ssyncset.done $0x0  }
0x28: {  	[sflag:s19] =	ssyncadd.s32 $0xFFFFFF80  }
0x29: {  	[tilespmem:s21], [sflag:$0x1] =	stream.indirect.gather [hbm4b:s3+s20], $0x80, s14, s20, $0xb8;
	[tilespmem:$0x17AC0] =	vst v63  }
0x2a: {  	_ =	swait.ge [sflag:s22], $0x4000  }
0x2b: {  	[sflag:s22] =	ssyncset.done $0x0  }
0x2c: {  	[sflag:s22] =	ssyncadd.s32 $0xFFFFC000  }
0x2d: {  	[spmem:s1] =	stream.indirect.scatter.add.f32 [tilespmem:s21], [sflag:$0x5], $0x80, s15, s20, $0xb8;
	[tilespmem:$0x17AC0] =	vst v63  }
0x2e: {  	_ =	swait.ge [sflag:s12], $0x4000  }
0x2f: {  	[sflag:s12] =	ssyncset.done $0x0  }
0x30: {  	[sflag:s12] =	ssyncadd.s32 $0xFFFFC000  }
0x31: {  	_ =	swait.ge [sflag:s23], $0x80  }
0x32: {  	[sflag:s23] =	ssyncset.done $0x0  }
0x33: {  	[sflag:s23] =	ssyncadd.s32 $0xFFFFFF80  }
0x34: {  	_ =	swait.ge [sflag:s22], $0x80  }
0x35: {  	[sflag:s22] =	ssyncset.done $0x0  }
0x36: {  	[sflag:s22] =	ssyncadd.s32 $0xFFFFFF80  }
0x37: {  	[tilespmem:s21], [sflag:$0x1] =	stream.indirect.gather [hbm4b:s3+s20], $0x80, s16, s20, $0xb8;
	[tilespmem:$0x17AC0] =	vst v63  }
0x38: {  	_ =	swait.ge [sflag:s22], $0x4000  }
0x39: {  	[sflag:s22] =	ssyncset.done $0x0  }
0x3a: {  	[sflag:s22] =	ssyncadd.s32 $0xFFFFC000  }
0x3b: {  	[spmem:s1] =	stream.indirect.scatter.add.f32 [tilespmem:s21], [sflag:$0x5], $0x80, s17, s20, $0xb8;
	[tilespmem:$0x17AC0] =	vst v63  }
0x3c: {  	_ =	swait.ge [sflag:s12], $0x4000  }
0x3d: {  	s28 =	simm.s32 $0x40;
	s25 =	simm.s32 $0x20;
	[sflag:s12] =	ssyncset.done $0x0  }
.LBB2_2:
0x3e: {  	s29 =	sadd.s32 s25, s9  }
0x3f: {  	[sflag:s12] =	ssyncadd.s32 $0xFFFFC000;
	s30 =	smov.u32 s28;
	s26 =	sadd.s32 $0x20, s28  }
0x40: {  	[tilespmem:s14], [sflag:$0x2] =	stream.linear.gather [hbm4b:s29+s2], $0x80, $0x38;
	[tilespmem:$0x17AC0] =	vst v63  }
0x41: {  	p1 =	sne.s32 s28, $0x4E0;
	s28 =	sadd.s32 s25, s10;
	s25 =	smov.u32 s30  }
0x42: {  	[tilespmem:s15], [sflag:$0x3] =	stream.linear.gather [hbm4b:s28+s2], $0x80, $0x38;
	[tilespmem:$0x17AC0] =	vst v63  }
0x43: {  	s29 =	sadd.s32 $0x10, s29  }
0x44: {  	[tilespmem:s16], [sflag:$0x4] =	stream.linear.gather [hbm4b:s29+s2], $0x80, $0x38;
	[tilespmem:$0x17AC0] =	vst v63  }
0x45: {  	s28 =	sadd.s32 $0x10, s28  }
0x46: {  	[tilespmem:s17], [sflag:$0x1] =	stream.linear.gather [hbm4b:s28+s2], $0x80, $0x38;
	[tilespmem:$0x17AC0] =	vst v63  }
0x47: {  	_ =	swait.ge [sflag:s18], $0x80  }
0x48: {  	[sflag:s18] =	ssyncset.done $0x0  }
0x49: {  	[sflag:s18] =	ssyncadd.s32 $0xFFFFFF80  }
0x4a: {  	_ =	swait.ge [sflag:s19], $0x80  }
0x4b: {  	[sflag:s19] =	ssyncset.done $0x0  }
0x4c: {  	[sflag:s19] =	ssyncadd.s32 $0xFFFFFF80  }
0x4d: {  	[tilespmem:s21], [sflag:$0x1] =	stream.indirect.gather [hbm4b:s3+s20], $0x80, s14, s20, $0xb8;
	[tilespmem:$0x17AC0] =	vst v63  }
0x4e: {  	_ =	swait.ge [sflag:s22], $0x4000  }
0x4f: {  	[sflag:s22] =	ssyncset.done $0x0  }
0x50: {  	[sflag:s22] =	ssyncadd.s32 $0xFFFFC000  }
0x51: {  	[spmem:s1] =	stream.indirect.scatter.add.f32 [tilespmem:s21], [sflag:$0x5], $0x80, s15, s20, $0xb8;
	[tilespmem:$0x17AC0] =	vst v63  }
0x52: {  	_ =	swait.ge [sflag:s12], $0x4000  }
0x53: {  	[sflag:s12] =	ssyncset.done $0x0  }
0x54: {  	[sflag:s12] =	ssyncadd.s32 $0xFFFFC000  }
0x55: {  	_ =	swait.ge [sflag:s23], $0x80  }
0x56: {  	[sflag:s23] =	ssyncset.done $0x0  }
0x57: {  	[sflag:s23] =	ssyncadd.s32 $0xFFFFFF80  }
0x58: {  	_ =	swait.ge [sflag:s22], $0x80  }
0x59: {  	[sflag:s22] =	ssyncset.done $0x0  }
0x5a: {  	[sflag:s22] =	ssyncadd.s32 $0xFFFFFF80  }
0x5b: {  	[tilespmem:s21], [sflag:$0x1] =	stream.indirect.gather [hbm4b:s3+s20], $0x80, s16, s20, $0xb8;
	[tilespmem:$0x17AC0] =	vst v63  }
0x5c: {  	_ =	swait.ge [sflag:s22], $0x4000  }
.Ltmp0:
0x5d: {  	[sflag:s22] =	ssyncset.done $0x0;
	(pc) =	sbr.rel @p1 .LBB2_2-.Ltmp0, $4  }
0x5e: {  	[sflag:s22] =	ssyncadd.s32 $0xFFFFC000  }
0x5f: {  	[spmem:s1] =	stream.indirect.scatter.add.f32 [tilespmem:s21], [sflag:$0x5], $0x80, s17, s20, $0xb8;
	[tilespmem:$0x17AC0] =	vst v63  }
0x60: {  	_ =	swait.ge [sflag:s12], $0x4000  }
0x61: {  	s28 =	smov.u32 s26;
	[sflag:s12] =	ssyncset.done $0x0  }
0x62: {  	s26 =	sadd.s32 s25, s9;
	[sflag:s12] =	ssyncadd.s32 $0xFFFFC000  }
0x63: {  	[tilespmem:s14], [sflag:$0x2] =	stream.linear.gather [hbm4b:s26+s2], $0x80, $0x38;
	[tilespmem:$0x17AC0] =	vst v63  }
0x64: {  	s31 =	sadd.s32 s25, s10  }
0x65: {  	[tilespmem:s15], [sflag:$0x3] =	stream.linear.gather [hbm4b:s31+s2], $0x80, $0x38;
	[tilespmem:$0x17AC0] =	vst v63  }
0x66: {  	s26 =	sadd.s32 $0x10, s26  }
0x67: {  	[tilespmem:s16], [sflag:$0x4] =	stream.linear.gather [hbm4b:s26+s2], $0x80, $0x38;
	[tilespmem:$0x17AC0] =	vst v63  }
0x68: {  	s25 =	sadd.s32 $0x10, s31  }
0x69: {  	[tilespmem:s17], [sflag:$0x1] =	stream.linear.gather [hbm4b:s25+s2], $0x80, $0x38;
	[tilespmem:$0x17AC0] =	vst v63  }
0x6a: {  	_ =	swait.ge [sflag:s18], $0x80  }
0x6b: {  	[sflag:s18] =	ssyncset.done $0x0  }
0x6c: {  	[sflag:s18] =	ssyncadd.s32 $0xFFFFFF80  }
0x6d: {  	_ =	swait.ge [sflag:s19], $0x80  }
0x6e: {  	[sflag:s19] =	ssyncset.done $0x0  }
0x6f: {  	[sflag:s19] =	ssyncadd.s32 $0xFFFFFF80  }
0x70: {  	[tilespmem:s21], [sflag:$0x1] =	stream.indirect.gather [hbm4b:s3+s20], $0x80, s14, s20, $0xb8;
	[tilespmem:$0x17AC0] =	vst v63  }
0x71: {  	_ =	swait.ge [sflag:s22], $0x4000  }
0x72: {  	[sflag:s22] =	ssyncset.done $0x0  }
0x73: {  	[sflag:s22] =	ssyncadd.s32 $0xFFFFC000  }
0x74: {  	[spmem:s1] =	stream.indirect.scatter.add.f32 [tilespmem:s21], [sflag:$0x5], $0x80, s15, s20, $0xb8;
	[tilespmem:$0x17AC0] =	vst v63  }
0x75: {  	_ =	swait.ge [sflag:s12], $0x4000  }
0x76: {  	[sflag:s12] =	ssyncset.done $0x0  }
0x77: {  	[sflag:s12] =	ssyncadd.s32 $0xFFFFC000  }
0x78: {  	_ =	swait.ge [sflag:s23], $0x80  }
0x79: {  	[sflag:s23] =	ssyncset.done $0x0  }
0x7a: {  	[sflag:s23] =	ssyncadd.s32 $0xFFFFFF80  }
0x7b: {  	_ =	swait.ge [sflag:s22], $0x80  }
0x7c: {  	[sflag:s22] =	ssyncset.done $0x0  }
0x7d: {  	[sflag:s22] =	ssyncadd.s32 $0xFFFFFF80  }
0x7e: {  	[tilespmem:s21], [sflag:$0x1] =	stream.indirect.gather [hbm4b:s3+s20], $0x80, s16, s20, $0xb8;
	[tilespmem:$0x17AC0] =	vst v63  }
0x7f: {  	_ =	swait.ge [sflag:s22], $0x4000  }
0x80: {  	[sflag:s22] =	ssyncset.done $0x0  }
0x81: {  	[sflag:s22] =	ssyncadd.s32 $0xFFFFC000  }
0x82: {  	[spmem:s1] =	stream.indirect.scatter.add.f32 [tilespmem:s21], [sflag:$0x5], $0x80, s17, s20, $0xb8;
	[tilespmem:$0x17AC0] =	vst v63  }
0x83: {  	_ =	swait.ge [sflag:s12], $0x4000  }
0x84: {  	[sflag:s12] =	ssyncset.done $0x0  }
0x85: {  	[sflag:s12] =	ssyncadd.s32 $0xFFFFC000  }
0x86: {  	[bflag:$0x0] =	sbarrier.arrive $0xFFFF  }
0x87: {  	[hbm:s6], [sflag:s5] =	dma.local [spmem:s11], $0x2700  }
0x88: {  	s24 =	sadd.s32 $0x1, s24;
	_ =	swait.ge [sflag:s12], $0x2700  }
0x89: {  	p1 =	sne.s32 s24, s8;
	[sflag:s12] =	ssyncset.done $0x0  }
.Ltmp1:
0x8a: {  	s25 =	simm.s32 @!p0 $0x5;
	[sflag:s12] =	ssyncadd.s32 $0xFFFFD900;
	(pc) =	sbr.rel @p1 .LBB2_1-.Ltmp1, $4  }
0x8b: {  	[hbm:s7], [sflag:s5] =	dma.local @!p0 [spmem:s13], $0x100  }
0x8c: {  	_ =	swait.ge @!p0 [sflag:s25], $0x100  }
0x8d: {  	[sflag:s25] =	ssyncset.done @!p0 $0x0  }
0x8e: {  	[sflag:s25] =	ssyncadd.s32 @!p0 $0xFFFFFF00  }
0x8f: {  	_ =	sfence.sel $0x180000  }
0x90: {  	[bflag:$0x0] =	sbarrier.arrive $0xFFFF  }
0x91: {  	_ =	strace $0x90000050  }
0x92: {  	s0 =	sadd.s32 @!p0 $0x100000, s0;
	[bflag:$0x2] =	sbarrier.arrive $0xFFFF  }
0x93: {  	[sflag:s0] =	ssyncadd.tile.s32 @!p0 $0x1;
	_ =	shalt  }
.Lfunc_end2:
_tile_overlayer_lowered:
.L_overlay_start_2:
0x94: {  	(tag) =	ssettag $0x2  }
0x95: {  	s0 =	rddreg [dreg:$0x0];
	s2 =	stileid.u32  }
0x96: {  	s1 =	rddreg [dreg:$0x1];
	p0 =	sne.s32 s2, $0x0  }
0x97: {  	s3 =	rddreg [dreg:$0x2];
	[bflag:$0x3] =	sbarrier.arrive $0xFFFF;
	s2 =	simm.s32 @!p0 $0x1C05  }
0x98: {  	[timem:s3], [sflag:s2] =	dma.local @!p0 [hbm:s0], s1  }
0x99: {  	s0 =	simm.s32 @!p0 $0x5  }
0x9a: {  	_ =	swait.ge @!p0 [sflag:s0], s1  }
0x9b: {  	s1 =	ssub.s32 @!p0 $0x0, s1;
	[sflag:s0] =	ssyncset.done @!p0 $0x0  }
0x9c: {  	[sflag:s0] =	ssyncadd.s32 @!p0 s1  }
0x9d: {  	[bflag:$0x3] =	sbarrier.arrive $0xFFFF  }
0x9e: {  	_ =	shalt  }

// kernel: kernel.28.cloned.1.call-start
scs
__scs_entry_jumppad:
0x0: {  	(pc) =	sbr.rel $0x88, $3  }
0x1: {  	(tag) =	ssettag $0x0;
	lr =	simm.s32 $0x1  }
0x2: {  	[smem:$0x3F9E] =	sst lr;
	_ =	strace $0xD0000000  }
0x3: {  	_ = 	snop  }
0x4: {  	_ = 	snop  }
0x5: {  	_ = 	snop  }
0x6: {  	_ = 	snop  }
0x7: {  	_ = 	snop  }
__scs_overlays_trampoline_lowered:
0x8: {  	[smem:$0x3FAD] =	sst s0  }
0x9: {  	[smem:$0x3FAE] =	sst s1  }
0xa: {  	[smem:$0x3FAF] =	sst s2  }
0xb: {  	[smem:$0x3FB0] =	sst s3  }
0xc: {  	[smem:$0x3FB1] =	sst s4  }
0xd: {  	[smem:$0x3FB2] =	sst s5  }
0xe: {  	[smem:$0x3FB3] =	sst s6  }
0xf: {  	[smem:$0x3FB4] =	sst s7  }
0x10: {  	[smem:$0x3FB5] =	sst s8  }
0x11: {  	[smem:$0x3FB6] =	sst s9;
	s0 =	simm.s32 @!p0 $0x0  }
0x12: {  	s1 =	sld [smem:$0x3F9C];
	s0 =	simm.s32 @p0 $0x1  }
0x13: {  	[smem:$0x3FB7] =	sst s0;
	s0 =	simm.s32 @!p1 $0x0  }
0x14: {  	s2 =	sld [smem:$0x3F9B];
	s0 =	simm.s32 @p1 $0x1  }
0x15: {  	[smem:$0x3FB8] =	sst s0;
	s0 =	simm.s32 @!p2 $0x0  }
0x16: {  	s3 =	sld [smem:$0x3FDB];
	s0 =	simm.s32 @p2 $0x1  }
0x17: {  	s4 =	simm.s32 $0x1BF5;
	[smem:$0x3FBA] =	sst s0  }
0x18: {  	s0 =	sld [smem:$0x3F9D];
	_ =	swait.ge [sflag:s4], $0x0  }
0x19: {  	s7 =	sld [smem:$0x3F9E]  }
0x1a: {  	s8 =	sadd.s32 $0xFFFFE003, lr  }
0x1b: {  	s9 =	sadd.s32 $0xFFFFFEF7, lr;
	s5 =	simm.s32 $0xFFFFFFFF;
	p2 =	slt.u32 s8, $0xFFFFF086  }
0x1c: {  	p1 =	slt.u32 s9, $0xF7A;
	s5 =	simm.s32 @!p2 $0x0  }
0x1d: {  	s5 =	simm.s32 @p1 $0x1;
	p0 =	seq.s32 s7, s2  }
0x1e: {  	s7 =	smul.u32 @!p0 $0xF7A, s2;
	p2 =	seq.s32 @!p0 s5, $0x0  }
0x1f: {  	s9 =	smul.u32 $0xF7A, s1;
	s8 =	simm.s32 @!p0 $0x1BF5;
	p2 =	por !p2, p0  }
0x20: {  	[sflag:s8] =	ssyncset.s32 @!p0 $0xFFFFF086;
	s6 =	sadd.s32 @!p0 s3, s7;
	s7 =	simm.s32 @!p0 $0x108  }
0x21: {  	s3 =	sadd.s32 s3, s9;
	s6 =	sadd.s32 @!p0 $0x88, s6;
	s7 =	simm.s32 @p2 $0x1082  }
0x22: {  	[simem:s7], [sflag:s8] =	dma.local @!p0 [hbm:s6], $0xF7A  }
0x23: {  	s9 =	sor.u32 $0xD0000000, s2;
	s6 =	simm.s32 $0x108;
	_ =	swait.ge @!p0 [sflag:s8], $0x0  }
0x24: {  	s3 =	sadd.s32 $0x88, s3;
	s6 =	simm.s32 @!p1 $0x1082;
	[sflag:s4] =	ssyncset.s32 $0xFFFFF086  }
0x25: {  	[simem:s6], [sflag:s4] =	dma.local [hbm:s3], $0xF7A  }
0x26: {  	[smem:$0x3F9E] =	sst s1;
	(tag) =	ssettag s2;
	_ =	strace s9  }
0x27: {  	s1 =	sld [smem:$0x3FAE]  }
0x28: {  	s2 =	sld [smem:$0x3FAF]  }
0x29: {  	s4 =	sld [smem:$0x3FB1]  }
0x2a: {  	p0 =	seq.s32 s5, $0x0;
	s5 =	sld [smem:$0x3FB2]  }
0x2b: {  	s6 =	sld [smem:$0x3FB3]  }
0x2c: {  	s7 =	sld [smem:$0x3FB4]  }
0x2d: {  	s3 =	simm.s32 $0x108;
	s8 =	sld [smem:$0x3FB5]  }
0x2e: {  	s3 =	simm.s32 @!p0 $0x1082;
	s9 =	sld [smem:$0x3FB6]  }
0x2f: {  	lr =	sadd.s32 s0, s3;
	s0 =	sld [smem:$0x3FAD]  }
0x30: {  	s3 =	sld [smem:$0x3FB0]  }
0x31: {  	[smem:$0x3FB9] =	sst s10  }
0x32: {  	s10 =	sld [smem:$0x3FB7];
	_ =	sdelay $0x3  }
0x33: {  	p0 =	seq.s32 s10, $0x1;
	s10 =	sld [smem:$0x3FB9];
	_ =	sdelay $0x3  }
0x34: {  	[smem:$0x3FB9] =	sst s10  }
0x35: {  	s10 =	sld [smem:$0x3FB8];
	_ =	sdelay $0x3  }
0x36: {  	p1 =	seq.s32 s10, $0x1;
	s10 =	sld [smem:$0x3FB9];
	_ =	sdelay $0x3  }
0x37: {  	[smem:$0x3FB9] =	sst s10  }
0x38: {  	s10 =	sld [smem:$0x3FBA]  }
0x39: {  	_ = 	snop;
	(pc) =	sbr.ind lr, $3  }
0x3a: {  	_ = 	snop  }
0x3b: {  	_ = 	snop  }
0x3c: {  	p2 =	seq.s32 s10, $0x1;
	s10 =	sld [smem:$0x3FB9]  }
0x3d: {  	_ =	shalt  }
0x3e: {  	_ =	shalt  }
0x3f: {  	_ =	shalt  }
0x40: {  	_ =	shalt  }
0x41: {  	_ =	shalt  }
0x42: {  	_ =	shalt  }
0x43: {  	_ =	shalt  }
0x44: {  	_ =	shalt  }
0x45: {  	_ =	shalt  }
0x46: {  	_ =	shalt  }
0x47: {  	_ =	shalt  }
0x48: {  	_ =	shalt  }
0x49: {  	_ =	shalt  }
0x4a: {  	_ =	shalt  }
0x4b: {  	_ =	shalt  }
0x4c: {  	_ =	shalt  }
0x4d: {  	_ =	shalt  }
0x4e: {  	_ =	shalt  }
0x4f: {  	_ =	shalt  }
0x50: {  	_ =	shalt  }
0x51: {  	_ =	shalt  }
0x52: {  	_ =	shalt  }
0x53: {  	_ =	shalt  }
0x54: {  	_ =	shalt  }
0x55: {  	_ =	shalt  }
0x56: {  	_ =	shalt  }
0x57: {  	_ =	shalt  }
0x58: {  	_ =	shalt  }
0x59: {  	_ =	shalt  }
0x5a: {  	_ =	shalt  }
0x5b: {  	_ =	shalt  }
0x5c: {  	_ =	shalt  }
0x5d: {  	_ =	shalt  }
0x5e: {  	_ =	shalt  }
0x5f: {  	_ =	shalt  }
0x60: {  	_ =	shalt  }
0x61: {  	_ =	shalt  }
0x62: {  	_ =	shalt  }
0x63: {  	_ =	shalt  }
0x64: {  	_ =	shalt  }
0x65: {  	_ =	shalt  }
0x66: {  	_ =	shalt  }
0x67: {  	_ =	shalt  }
0x68: {  	_ =	shalt  }
0x69: {  	_ =	shalt  }
0x6a: {  	_ =	shalt  }
0x6b: {  	_ =	shalt  }
0x6c: {  	_ =	shalt  }
0x6d: {  	_ =	shalt  }
0x6e: {  	_ =	shalt  }
0x6f: {  	_ =	shalt  }
0x70: {  	_ =	shalt  }
0x71: {  	_ =	shalt  }
0x72: {  	_ =	shalt  }
0x73: {  	_ =	shalt  }
0x74: {  	_ =	shalt  }
0x75: {  	_ =	shalt  }
0x76: {  	_ =	shalt  }
0x77: {  	_ =	shalt  }
0x78: {  	_ =	shalt  }
0x79: {  	_ =	shalt  }
0x7a: {  	_ =	shalt  }
0x7b: {  	_ =	shalt  }
0x7c: {  	_ =	shalt  }
0x7d: {  	_ =	shalt  }
0x7e: {  	_ =	shalt  }
0x7f: {  	_ =	shalt  }
0x80: {  	_ =	shalt  }
0x81: {  	_ =	shalt  }
0x82: {  	_ =	shalt  }
0x83: {  	_ =	shalt  }
0x84: {  	_ =	shalt  }
0x85: {  	_ =	shalt  }
0x86: {  	_ =	shalt  }
0x87: {  	_ =	shalt  }
.Lfunc_end0:
.L_simem_size_0:
called_computation.3_lowered:
.L_overlay_start_0:
0x88: {  	s2 =	sld [smem:$0x3FD9]  }
0x89: {  	s3 =	sld [smem:$0x3FFE];
	_ =	sdelay $0x1  }
0x8a: {  	s1 =	srdreg.scid  }
0x8b: {  	s0 =	sand.u32 $0x1, s1  }
0x8c: {  	s17 =	sshll.u32 s0, $0xA;
	s2 =	sadd.s32 s3, s2  }
0x8d: {  	s2 =	sadd.s32 s2, s17  }
0x8e: {  	[smem:$0x3FC5] =	sst s2  }
0x8f: {  	_ = 	snop  }
0x90: {  	s4 =	sld [smem:$0x3FC8]  }
0x91: {  	s18 =	sld [smem:$0x3FD0];
	(tm) =	ssettm $0x1  }
0x92: {  	s19 =	sld [smem:$0x3FFB];
	_ =	sdelay $0x3  }
0x93: {  	_ =	strace s19  }
0x94: {  	s2 =	sld [smem:$0x3FFC];
	_ =	sdelay $0x3  }
0x95: {  	_ =	strace s2  }
0x96: {  	s2 =	sld [smem:$0x3FFD];
	_ =	sdelay $0x3  }
0x97: {  	_ =	strace s2  }
0x98: {  	_ =	strace $0x8FFFFFFF  }
0x99: {  	s20 =	sld [smem:$0x3FDB];
	_ =	sdelay $0x1  }
0x9a: {  	s5 =	simm.s32 $_scs_section_size  }
0x9b: {  	s6 =	simm.s32 $_size__tile_overlayer_lowered;
	s7 =	simm.s32 $_tile_overlayer_lowered  }
0x9c: {  	s8 =	simm.s32 $0x1BFF;
	s21 =	sshll.u32 s7, $0x1;
	s5 =	sadd.s32 s5, s20  }
0x9d: {  	s22 =	simm.s32 $0x0;
	s6 =	sshll.u32 s6, $0x1;
	s7 =	sadd.s32 s21, s5  }
0x9e: {  	[timem:s22], [sflag:s8] =	dma.local [hbm:s7], s6  }
0x9f: {  	_ =	swait.ge [sflag:s8], s6  }
0xa0: {  	s6 =	ssub.s32 $0x0, s6;
	[sflag:s8] =	ssyncset.done $0x0  }
0xa1: {  	[sflag:s8] =	ssyncadd.s32 s6;
	_ =	sdelay $0x1  }
0xa2: {  	s23 =	simm.s32 $0x1B8B  }
0xa3: {  	_ =	swait.ge [sflag:s23], $0x1  }
0xa4: {  	[sflag:s23] =	ssyncset.done $0x0  }
0xa5: {  	[sflag:s23] =	ssyncadd.s32 $0xFFFFFFFF  }
0xa6: {  	s6 =	sld [smem:$0x0]  }
0xa7: {  	s7 =	sand.u32 $0xFFFFFFFE, s1  }
0xa8: {  	p0 =	sne.s32 s1, s7  }
0xa9: {  	s7 =	sshll.u32 @p0 s7, $0xE  }
0xaa: {  	s7 =	sadd.s32 @p0 $0x11B8D, s7;
	s8 =	sshll.u32 @p0 s6, $0x11  }
0xab: {  	s7 =	sor.u32 @p0 s8, s7  }
0xac: {  	[sflag:s7] =	ssyncadd.remote.s32 @p0 $0x1;
	_ =	sdelay $0x1  }
0xad: {  	s7 =	simm.s32 @p0 $0x1B8D  }
0xae: {  	_ =	swait.eq @p0 [sflag:s7], $0x1  }
0xaf: {  	[sflag:s7] =	ssyncadd.s32 @p0 $0xFFFFFFFF  }
0xb0: {  	s8 =	sshll.u32 @!p0 s1, $0xE  }
0xb1: {  	s8 =	sor.u32 @!p0 $0x4000, s8;
	s7 =	simm.s32 @!p0 $0x1B8D  }
0xb2: {  	s6 =	sshll.u32 @!p0 s6, $0x11;
	s8 =	sadd.s32 @!p0 $0x11B8D, s8;
	_ =	swait.eq @!p0 [sflag:s7], $0x1  }
0xb3: {  	s6 =	sor.u32 @!p0 s6, s8;
	[sflag:s7] =	ssyncadd.s32 @!p0 $0xFFFFFFFF  }
0xb4: {  	s25 =	simm.s32 $0x1B8E;
	s24 =	sld [smem:$0x3FFE];
	[sflag:s6] =	ssyncadd.remote.s32 @!p0 $0x1  }
0xb5: {  	s26 =	simm.s32 $execute0_lowered;
	[smem:$0x3FD2] =	sst s25  }
0xb6: {  	s7 =	sshll.u32 s26, $0x1;
	_ =	strace $0x8000004C;
	[dreg:$0x1] =	wrdreg $0xFFFFFFFF  }
0xb7: {  	s28 =	simm.s32 $_size_execute0_lowered;
	s5 =	sadd.s32 s5, s7;
	[dreg:$0x0] =	wrdreg $0x0  }
0xb8: {  	s7 =	sshll.u32 s28, $0x1;
	[dreg:$0x2] =	wrdreg s5  }
0xb9: {  	[dreg:$0x3] =	wrdreg s7  }
0xba: {  	[dreg:$0x4] =	wrdreg $0xC0  }
0xbb: {  	_ =	task [dreg:s22], $0x5FFFF  }
0xbc: {  	[dreg:$0x1] =	wrdreg $0xFFFFFFFF  }
0xbd: {  	[dreg:$0x0] =	wrdreg $0x60  }
0xbe: {  	[dreg:$0x2] =	wrdreg s4  }
0xbf: {  	[dreg:$0x3] =	wrdreg s24  }
0xc0: {  	[dreg:$0x4] =	wrdreg s18  }
0xc1: {  	[dreg:$0x5] =	wrdreg $0x0  }
0xc2: {  	[dreg:$0x6] =	wrdreg $0x9  }
0xc3: {  	_ =	task.clear_ibuf [dreg:s22], $0x7FFFF;
	_ =	strace $0x9000004C  }
0xc4: {  	s29 =	simm.s32 $0x9;
	_ =	strace $0x8000004E  }
0xc5: {  	_ =	swait.ge [sflag:s29], $0x1  }
0xc6: {  	[sflag:s29] =	ssyncadd.s32 $0xFFFFFFFF  }
0xc7: {  	_ =	strace $0x9000004E  }
0xc8: {  	_ =	sfence  }
0xc9: {  	s30 =	sld [smem:$0x0];
	_ =	sdelay $0x2  }
0xca: {  	s31 =	sshll.u32 s1, $0xD;
	s1 =	sshrl.u32 s1, $0x2  }
0xcb: {  	s4 =	sand.u32 $0x4000, s31;
	s1 =	sadd.s32 s1, s30  }
0xcc: {  	s0 =	sor.u32 s4, s0;
	s1 =	sshll.u32 s1, $0x11  }
0xcd: {  	s0 =	sor.u32 s1, s0  }
0xce: {  	s0 =	sadd.s32 $0x8F2B, s0  }
0xcf: {  	[sflag:s0] =	ssyncadd.remote.s32 $0x1  }
0xd0: {  	_ =	sfence.sel $0xFFFF  }
0xd1: {  	[dreg:$0x0] =	wrdreg $0xFFFFFFFF;
	(pc) =	sbr.abs _section_cstart, $3  }
0xd2: {  	[dreg:$0x1] =	wrdreg $0xFFFFFFFF  }
0xd3: {  	_ =	task.clear_ibuf [dreg:s22], $0x2FFFF;
	_ =	strace $0x9FFFFFFF  }
0xd4: {  	(tm) =	ssettm $0x7FFFFFFF  }
0xd5: {  	_ =	shalt  }
tec
execute0_lowered:
.L_overlay_start_1:
0x0: {  	(tag) =	ssettag $0x1  }
0x1: {  	s0 =	rddreg [dreg:$0x0]  }
0x2: {  	s4 =	rddreg [dreg:$0x1]  }
0x3: {  	s1 =	srdreg.scid;
	s6 =	rddreg [dreg:$0x2]  }
0x4: {  	s11 =	stileid.u32;
	s2 =	rddreg [dreg:$0x3];
	s3 =	simm.s32 $0x0  }
0x5: {  	s15 =	simm.s32 $0x13940;
	s16 =	simm.s32 $0x139C0;
	s17 =	simm.s32 $0x13A40  }
0x6: {  	s18 =	simm.s32 $0x2;
	s19 =	simm.s32 $0x3;
	s20 =	simm.s32 $0x80  }
0x7: {  	s21 =	simm.s32 $0x13AC0;
	s22 =	simm.s32 $0x1;
	s7 =	smul.u32 $0x5000, s11  }
0x8: {  	s5 =	sand.u32 $0x1, s1;
	s1 =	rddreg [dreg:$0x4];
	s24 =	smul.u32 $0x4E000, s11  }
0x9: {  	s23 =	simm.s32 $0x4;
	[smem:$0x7FF] =	sst s3;
	s12 =	smul.u32 $0x13800, s11  }
0xa: {  	s26 =	sshll.u32 s11, $0x6;
	s14 =	sadd.s32 $0x138000, s2;
	s8 =	smul.u32 $0x2800, s5  }
0xb: {  	p0 =	sne.s32 s11, $0x0;
	s25 =	ssub.s32 $0x2, s5;
	s5 =	smul.u32 $0x138800, s5  }
0xc: {  	_ =	strace $0x8000004D;
	s9 =	sshrl.u32 s25, $0x1;
	s7 =	sadd.s32 s8, s7  }
0xd: {  	s8 =	sshrl.u32 s24, $0x2;
	s9 =	ssub.s32 s25, s9;
	s28 =	sadd.s32 s12, s5  }
0xe: {  	s29 =	sshrl.u32 s5, $0x3;
	s5 =	sor.u32 $0x1C05, s26;
	s12 =	simm.s32 $0x5  }
0xf: {  	s24 =	simm.s32 $0x0;
	s7 =	sshrl.u32 s7, $0x3;
	s13 =	sadd.s32 s8, s2  }
0x10: {  	s30 =	sshrl.u32 s28, $0x3;
	s31 =	sadd.s32 s6, s29;
	s8 =	smax.u32 s9, $0x1  }
0x11: {  	s10 =	sadd.s32 s7, s4;
	s4 =	sadd.s32 $0x40400, s4;
	s6 =	sadd.s32 s6, s30  }
0x12: {  	s7 =	sadd.s32 $0x27000, s31;
	s11 =	sshrl.u32 s13, $0x3;
	s13 =	sshrl.u32 @!p0 s14, $0x3  }
0x13: {  	s14 =	simm.s32 $0x138C0;
	s9 =	sadd.s32 $0x17C00, s10;
	s10 =	sadd.s32 $0x21C00, s10  }
.LBB2_1:
0x14: {  	[spmem:s11], [sflag:s5] =	dma.local [hbm:s4], $0x2700  }
0x15: {  	_ =	swait.ge [sflag:s12], $0x2700  }
0x16: {  	[sflag:s12] =	ssyncset.done $0x0  }
0x17: {  	s25 =	simm.s32 @!p0 $0x5;
	[sflag:s12] =	ssyncadd.s32 $0xFFFFD900  }
0x18: {  	[spmem:s13], [sflag:s5] =	dma.local @!p0 [hbm:s4], $0x100  }
0x19: {  	_ =	swait.ge @!p0 [sflag:s25], $0x100  }
0x1a: {  	[sflag:s25] =	ssyncset.done @!p0 $0x0  }
0x1b: {  	[sflag:s25] =	ssyncadd.s32 @!p0 $0xFFFFFF00  }
0x1c: {  	s30 =	sadd.s32 $0x0, s9;
	[bflag:$0x0] =	sbarrier.arrive $0xFFFF  }
0x1d: {  	[tilespmem:s14], [sflag:$0x2] =	stream.linear.gather [hbm4b:s30+s3], $0x80, $0x38;
	[tilespmem:$0x17AC0] =	vst v63  }
0x1e: {  	s26 =	sadd.s32 $0x0, s10  }
0x1f: {  	[tilespmem:s15], [sflag:$0x3] =	stream.linear.gather [hbm4b:s26+s3], $0x80, $0x38;
	[tilespmem:$0x17AC0] =	vst v63  }
0x20: {  	s25 =	sadd.s32 $0x10, s30  }
0x21: {  	[tilespmem:s16], [sflag:$0x4] =	stream.linear.gather [hbm4b:s25+s3], $0x80, $0x38;
	[tilespmem:$0x17AC0] =	vst v63  }
0x22: {  	s31 =	sadd.s32 $0x10, s26  }
0x23: {  	[tilespmem:s17], [sflag:$0x1] =	stream.linear.gather [hbm4b:s31+s3], $0x80, $0x38;
	[tilespmem:$0x17AC0] =	vst v63  }
0x24: {  	_ =	swait.ge [sflag:s18], $0x80  }
0x25: {  	[sflag:s18] =	ssyncset.done $0x0  }
0x26: {  	[sflag:s18] =	ssyncadd.s32 $0xFFFFFF80  }
0x27: {  	_ =	swait.ge [sflag:s19], $0x80  }
0x28: {  	[sflag:s19] =	ssyncset.done $0x0  }
0x29: {  	[sflag:s19] =	ssyncadd.s32 $0xFFFFFF80  }
0x2a: {  	[tilespmem:s21], [sflag:$0x1] =	stream.indirect.gather [hbm4b:s0+s20], $0x80, s14, s20, $0xb8;
	[tilespmem:$0x17AC0] =	vst v63  }
0x2b: {  	_ =	swait.ge [sflag:s22], $0x4000  }
0x2c: {  	[sflag:s22] =	ssyncset.done $0x0  }
0x2d: {  	[sflag:s22] =	ssyncadd.s32 $0xFFFFC000  }
0x2e: {  	[spmem:s2] =	stream.indirect.scatter.add.f32 [tilespmem:s21], [sflag:$0x5], $0x80, s15, s20, $0xb8;
	[tilespmem:$0x17AC0] =	vst v63  }
0x2f: {  	_ =	swait.ge [sflag:s12], $0x4000  }
0x30: {  	[sflag:s12] =	ssyncset.done $0x0  }
0x31: {  	[sflag:s12] =	ssyncadd.s32 $0xFFFFC000  }
0x32: {  	_ =	swait.ge [sflag:s23], $0x80  }
0x33: {  	[sflag:s23] =	ssyncset.done $0x0  }
0x34: {  	[sflag:s23] =	ssyncadd.s32 $0xFFFFFF80  }
0x35: {  	_ =	swait.ge [sflag:s22], $0x80  }
0x36: {  	[sflag:s22] =	ssyncset.done $0x0  }
0x37: {  	[sflag:s22] =	ssyncadd.s32 $0xFFFFFF80  }
0x38: {  	[tilespmem:s21], [sflag:$0x1] =	stream.indirect.gather [hbm4b:s0+s20], $0x80, s16, s20, $0xb8;
	[tilespmem:$0x17AC0] =	vst v63  }
0x39: {  	_ =	swait.ge [sflag:s22], $0x4000  }
0x3a: {  	[sflag:s22] =	ssyncset.done $0x0  }
0x3b: {  	[sflag:s22] =	ssyncadd.s32 $0xFFFFC000  }
0x3c: {  	[spmem:s2] =	stream.indirect.scatter.add.f32 [tilespmem:s21], [sflag:$0x5], $0x80, s17, s20, $0xb8;
	[tilespmem:$0x17AC0] =	vst v63  }
0x3d: {  	_ =	swait.ge [sflag:s12], $0x4000  }
0x3e: {  	s28 =	simm.s32 $0x40;
	s25 =	simm.s32 $0x20;
	[sflag:s12] =	ssyncset.done $0x0  }
.LBB2_2:
0x3f: {  	s29 =	sadd.s32 s25, s9  }
0x40: {  	[sflag:s12] =	ssyncadd.s32 $0xFFFFC000;
	s30 =	smov.u32 s28;
	s26 =	sadd.s32 $0x20, s28  }
0x41: {  	[tilespmem:s14], [sflag:$0x2] =	stream.linear.gather [hbm4b:s29+s3], $0x80, $0x38;
	[tilespmem:$0x17AC0] =	vst v63  }
0x42: {  	p1 =	sne.s32 s28, $0x4E0;
	s28 =	sadd.s32 s25, s10;
	s25 =	smov.u32 s30  }
0x43: {  	[tilespmem:s15], [sflag:$0x3] =	stream.linear.gather [hbm4b:s28+s3], $0x80, $0x38;
	[tilespmem:$0x17AC0] =	vst v63  }
0x44: {  	s29 =	sadd.s32 $0x10, s29  }
0x45: {  	[tilespmem:s16], [sflag:$0x4] =	stream.linear.gather [hbm4b:s29+s3], $0x80, $0x38;
	[tilespmem:$0x17AC0] =	vst v63  }
0x46: {  	s28 =	sadd.s32 $0x10, s28  }
0x47: {  	[tilespmem:s17], [sflag:$0x1] =	stream.linear.gather [hbm4b:s28+s3], $0x80, $0x38;
	[tilespmem:$0x17AC0] =	vst v63  }
0x48: {  	_ =	swait.ge [sflag:s18], $0x80  }
0x49: {  	[sflag:s18] =	ssyncset.done $0x0  }
0x4a: {  	[sflag:s18] =	ssyncadd.s32 $0xFFFFFF80  }
0x4b: {  	_ =	swait.ge [sflag:s19], $0x80  }
0x4c: {  	[sflag:s19] =	ssyncset.done $0x0  }
0x4d: {  	[sflag:s19] =	ssyncadd.s32 $0xFFFFFF80  }
0x4e: {  	[tilespmem:s21], [sflag:$0x1] =	stream.indirect.gather [hbm4b:s0+s20], $0x80, s14, s20, $0xb8;
	[tilespmem:$0x17AC0] =	vst v63  }
0x4f: {  	_ =	swait.ge [sflag:s22], $0x4000  }
0x50: {  	[sflag:s22] =	ssyncset.done $0x0  }
0x51: {  	[sflag:s22] =	ssyncadd.s32 $0xFFFFC000  }
0x52: {  	[spmem:s2] =	stream.indirect.scatter.add.f32 [tilespmem:s21], [sflag:$0x5], $0x80, s15, s20, $0xb8;
	[tilespmem:$0x17AC0] =	vst v63  }
0x53: {  	_ =	swait.ge [sflag:s12], $0x4000  }
0x54: {  	[sflag:s12] =	ssyncset.done $0x0  }
0x55: {  	[sflag:s12] =	ssyncadd.s32 $0xFFFFC000  }
0x56: {  	_ =	swait.ge [sflag:s23], $0x80  }
0x57: {  	[sflag:s23] =	ssyncset.done $0x0  }
0x58: {  	[sflag:s23] =	ssyncadd.s32 $0xFFFFFF80  }
0x59: {  	_ =	swait.ge [sflag:s22], $0x80  }
0x5a: {  	[sflag:s22] =	ssyncset.done $0x0  }
0x5b: {  	[sflag:s22] =	ssyncadd.s32 $0xFFFFFF80  }
0x5c: {  	[tilespmem:s21], [sflag:$0x1] =	stream.indirect.gather [hbm4b:s0+s20], $0x80, s16, s20, $0xb8;
	[tilespmem:$0x17AC0] =	vst v63  }
0x5d: {  	_ =	swait.ge [sflag:s22], $0x4000  }
.Ltmp0:
0x5e: {  	[sflag:s22] =	ssyncset.done $0x0;
	(pc) =	sbr.rel @p1 .LBB2_2-.Ltmp0, $4  }
0x5f: {  	[sflag:s22] =	ssyncadd.s32 $0xFFFFC000  }
0x60: {  	[spmem:s2] =	stream.indirect.scatter.add.f32 [tilespmem:s21], [sflag:$0x5], $0x80, s17, s20, $0xb8;
	[tilespmem:$0x17AC0] =	vst v63  }
0x61: {  	_ =	swait.ge [sflag:s12], $0x4000  }
0x62: {  	s28 =	smov.u32 s26;
	[sflag:s12] =	ssyncset.done $0x0  }
0x63: {  	s26 =	sadd.s32 s25, s9;
	[sflag:s12] =	ssyncadd.s32 $0xFFFFC000  }
0x64: {  	[tilespmem:s14], [sflag:$0x2] =	stream.linear.gather [hbm4b:s26+s3], $0x80, $0x38;
	[tilespmem:$0x17AC0] =	vst v63  }
0x65: {  	s31 =	sadd.s32 s25, s10  }
0x66: {  	[tilespmem:s15], [sflag:$0x3] =	stream.linear.gather [hbm4b:s31+s3], $0x80, $0x38;
	[tilespmem:$0x17AC0] =	vst v63  }
0x67: {  	s26 =	sadd.s32 $0x10, s26  }
0x68: {  	[tilespmem:s16], [sflag:$0x4] =	stream.linear.gather [hbm4b:s26+s3], $0x80, $0x38;
	[tilespmem:$0x17AC0] =	vst v63  }
0x69: {  	s25 =	sadd.s32 $0x10, s31  }
0x6a: {  	[tilespmem:s17], [sflag:$0x1] =	stream.linear.gather [hbm4b:s25+s3], $0x80, $0x38;
	[tilespmem:$0x17AC0] =	vst v63  }
0x6b: {  	_ =	swait.ge [sflag:s18], $0x80  }
0x6c: {  	[sflag:s18] =	ssyncset.done $0x0  }
0x6d: {  	[sflag:s18] =	ssyncadd.s32 $0xFFFFFF80  }
0x6e: {  	_ =	swait.ge [sflag:s19], $0x80  }
0x6f: {  	[sflag:s19] =	ssyncset.done $0x0  }
0x70: {  	[sflag:s19] =	ssyncadd.s32 $0xFFFFFF80  }
0x71: {  	[tilespmem:s21], [sflag:$0x1] =	stream.indirect.gather [hbm4b:s0+s20], $0x80, s14, s20, $0xb8;
	[tilespmem:$0x17AC0] =	vst v63  }
0x72: {  	_ =	swait.ge [sflag:s22], $0x4000  }
0x73: {  	[sflag:s22] =	ssyncset.done $0x0  }
0x74: {  	[sflag:s22] =	ssyncadd.s32 $0xFFFFC000  }
0x75: {  	[spmem:s2] =	stream.indirect.scatter.add.f32 [tilespmem:s21], [sflag:$0x5], $0x80, s15, s20, $0xb8;
	[tilespmem:$0x17AC0] =	vst v63  }
0x76: {  	_ =	swait.ge [sflag:s12], $0x4000  }
0x77: {  	[sflag:s12] =	ssyncset.done $0x0  }
0x78: {  	[sflag:s12] =	ssyncadd.s32 $0xFFFFC000  }
0x79: {  	_ =	swait.ge [sflag:s23], $0x80  }
0x7a: {  	[sflag:s23] =	ssyncset.done $0x0  }
0x7b: {  	[sflag:s23] =	ssyncadd.s32 $0xFFFFFF80  }
0x7c: {  	_ =	swait.ge [sflag:s22], $0x80  }
0x7d: {  	[sflag:s22] =	ssyncset.done $0x0  }
0x7e: {  	[sflag:s22] =	ssyncadd.s32 $0xFFFFFF80  }
0x7f: {  	[tilespmem:s21], [sflag:$0x1] =	stream.indirect.gather [hbm4b:s0+s20], $0x80, s16, s20, $0xb8;
	[tilespmem:$0x17AC0] =	vst v63  }
0x80: {  	_ =	swait.ge [sflag:s22], $0x4000  }
0x81: {  	[sflag:s22] =	ssyncset.done $0x0  }
0x82: {  	[sflag:s22] =	ssyncadd.s32 $0xFFFFC000  }
0x83: {  	[spmem:s2] =	stream.indirect.scatter.add.f32 [tilespmem:s21], [sflag:$0x5], $0x80, s17, s20, $0xb8;
	[tilespmem:$0x17AC0] =	vst v63  }
0x84: {  	_ =	swait.ge [sflag:s12], $0x4000  }
0x85: {  	[sflag:s12] =	ssyncset.done $0x0  }
0x86: {  	[sflag:s12] =	ssyncadd.s32 $0xFFFFC000  }
0x87: {  	[bflag:$0x0] =	sbarrier.arrive $0xFFFF  }
0x88: {  	[hbm:s6], [sflag:s5] =	dma.local [spmem:s11], $0x2700  }
0x89: {  	s24 =	sadd.s32 $0x1, s24;
	_ =	swait.ge [sflag:s12], $0x2700  }
0x8a: {  	p1 =	sne.s32 s24, s8;
	[sflag:s12] =	ssyncset.done $0x0  }
.Ltmp1:
0x8b: {  	s25 =	simm.s32 @!p0 $0x5;
	[sflag:s12] =	ssyncadd.s32 $0xFFFFD900;
	(pc) =	sbr.rel @p1 .LBB2_1-.Ltmp1, $4  }
0x8c: {  	[hbm:s7], [sflag:s5] =	dma.local @!p0 [spmem:s13], $0x100  }
0x8d: {  	_ =	swait.ge @!p0 [sflag:s25], $0x100  }
0x8e: {  	[sflag:s25] =	ssyncset.done @!p0 $0x0  }
0x8f: {  	[sflag:s25] =	ssyncadd.s32 @!p0 $0xFFFFFF00  }
0x90: {  	_ =	sfence.sel $0x180000  }
0x91: {  	[bflag:$0x0] =	sbarrier.arrive $0xFFFF  }
0x92: {  	_ =	strace $0x9000004D  }
0x93: {  	s0 =	sadd.s32 @!p0 $0x100000, s1;
	[bflag:$0x2] =	sbarrier.arrive $0xFFFF  }
0x94: {  	[sflag:s0] =	ssyncadd.tile.s32 @!p0 $0x1;
	_ =	shalt  }
.Lfunc_end2:
_tile_overlayer_lowered:
.L_overlay_start_2:
0x95: {  	(tag) =	ssettag $0x2  }
0x96: {  	s0 =	rddreg [dreg:$0x0];
	s2 =	stileid.u32  }
0x97: {  	s1 =	rddreg [dreg:$0x1];
	p0 =	sne.s32 s2, $0x0  }
0x98: {  	s3 =	rddreg [dreg:$0x2];
	[bflag:$0x3] =	sbarrier.arrive $0xFFFF;
	s2 =	simm.s32 @!p0 $0x1C05  }
0x99: {  	[timem:s3], [sflag:s2] =	dma.local @!p0 [hbm:s0], s1  }
0x9a: {  	s0 =	simm.s32 @!p0 $0x5  }
0x9b: {  	_ =	swait.ge @!p0 [sflag:s0], s1  }
0x9c: {  	s1 =	ssub.s32 @!p0 $0x0, s1;
	[sflag:s0] =	ssyncset.done @!p0 $0x0  }
0x9d: {  	[sflag:s0] =	ssyncadd.s32 @!p0 s1  }
0x9e: {  	[bflag:$0x3] =	sbarrier.arrive $0xFFFF  }
0x9f: {  	_ =	shalt  }

// kernel: kernel.31.cloned.1.call-start
scs
__scs_entry_jumppad:
0x0: {  	(pc) =	sbr.rel $0x88, $3  }
0x1: {  	(tag) =	ssettag $0x0;
	lr =	simm.s32 $0x1  }
0x2: {  	[smem:$0x3F9E] =	sst lr;
	_ =	strace $0xD0000000  }
0x3: {  	_ = 	snop  }
0x4: {  	_ = 	snop  }
0x5: {  	_ = 	snop  }
0x6: {  	_ = 	snop  }
0x7: {  	_ = 	snop  }
__scs_overlays_trampoline_lowered:
0x8: {  	[smem:$0x3FAD] =	sst s0  }
0x9: {  	[smem:$0x3FAE] =	sst s1  }
0xa: {  	[smem:$0x3FAF] =	sst s2  }
0xb: {  	[smem:$0x3FB0] =	sst s3  }
0xc: {  	[smem:$0x3FB1] =	sst s4  }
0xd: {  	[smem:$0x3FB2] =	sst s5  }
0xe: {  	[smem:$0x3FB3] =	sst s6  }
0xf: {  	[smem:$0x3FB4] =	sst s7  }
0x10: {  	[smem:$0x3FB5] =	sst s8  }
0x11: {  	[smem:$0x3FB6] =	sst s9;
	s0 =	simm.s32 @!p0 $0x0  }
0x12: {  	s1 =	sld [smem:$0x3F9C];
	s0 =	simm.s32 @p0 $0x1  }
0x13: {  	[smem:$0x3FB7] =	sst s0;
	s0 =	simm.s32 @!p1 $0x0  }
0x14: {  	s2 =	sld [smem:$0x3F9B];
	s0 =	simm.s32 @p1 $0x1  }
0x15: {  	[smem:$0x3FB8] =	sst s0;
	s0 =	simm.s32 @!p2 $0x0  }
0x16: {  	s3 =	sld [smem:$0x3FDB];
	s0 =	simm.s32 @p2 $0x1  }
0x17: {  	s4 =	simm.s32 $0x1BF5;
	[smem:$0x3FBA] =	sst s0  }
0x18: {  	s0 =	sld [smem:$0x3F9D];
	_ =	swait.ge [sflag:s4], $0x0  }
0x19: {  	s7 =	sld [smem:$0x3F9E]  }
0x1a: {  	s8 =	sadd.s32 $0xFFFFE003, lr  }
0x1b: {  	s9 =	sadd.s32 $0xFFFFFEF7, lr;
	s5 =	simm.s32 $0xFFFFFFFF;
	p2 =	slt.u32 s8, $0xFFFFF086  }
0x1c: {  	p1 =	slt.u32 s9, $0xF7A;
	s5 =	simm.s32 @!p2 $0x0  }
0x1d: {  	s5 =	simm.s32 @p1 $0x1;
	p0 =	seq.s32 s7, s2  }
0x1e: {  	s7 =	smul.u32 @!p0 $0xF7A, s2;
	p2 =	seq.s32 @!p0 s5, $0x0  }
0x1f: {  	s9 =	smul.u32 $0xF7A, s1;
	s8 =	simm.s32 @!p0 $0x1BF5;
	p2 =	por !p2, p0  }
0x20: {  	[sflag:s8] =	ssyncset.s32 @!p0 $0xFFFFF086;
	s6 =	sadd.s32 @!p0 s3, s7;
	s7 =	simm.s32 @!p0 $0x108  }
0x21: {  	s3 =	sadd.s32 s3, s9;
	s6 =	sadd.s32 @!p0 $0x88, s6;
	s7 =	simm.s32 @p2 $0x1082  }
0x22: {  	[simem:s7], [sflag:s8] =	dma.local @!p0 [hbm:s6], $0xF7A  }
0x23: {  	s9 =	sor.u32 $0xD0000000, s2;
	s6 =	simm.s32 $0x108;
	_ =	swait.ge @!p0 [sflag:s8], $0x0  }
0x24: {  	s3 =	sadd.s32 $0x88, s3;
	s6 =	simm.s32 @!p1 $0x1082;
	[sflag:s4] =	ssyncset.s32 $0xFFFFF086  }
0x25: {  	[simem:s6], [sflag:s4] =	dma.local [hbm:s3], $0xF7A  }
0x26: {  	[smem:$0x3F9E] =	sst s1;
	(tag) =	ssettag s2;
	_ =	strace s9  }
0x27: {  	s1 =	sld [smem:$0x3FAE]  }
0x28: {  	s2 =	sld [smem:$0x3FAF]  }
0x29: {  	s4 =	sld [smem:$0x3FB1]  }
0x2a: {  	p0 =	seq.s32 s5, $0x0;
	s5 =	sld [smem:$0x3FB2]  }
0x2b: {  	s6 =	sld [smem:$0x3FB3]  }
0x2c: {  	s7 =	sld [smem:$0x3FB4]  }
0x2d: {  	s3 =	simm.s32 $0x108;
	s8 =	sld [smem:$0x3FB5]  }
0x2e: {  	s3 =	simm.s32 @!p0 $0x1082;
	s9 =	sld [smem:$0x3FB6]  }
0x2f: {  	lr =	sadd.s32 s0, s3;
	s0 =	sld [smem:$0x3FAD]  }
0x30: {  	s3 =	sld [smem:$0x3FB0]  }
0x31: {  	[smem:$0x3FB9] =	sst s10  }
0x32: {  	s10 =	sld [smem:$0x3FB7];
	_ =	sdelay $0x3  }
0x33: {  	p0 =	seq.s32 s10, $0x1;
	s10 =	sld [smem:$0x3FB9];
	_ =	sdelay $0x3  }
0x34: {  	[smem:$0x3FB9] =	sst s10  }
0x35: {  	s10 =	sld [smem:$0x3FB8];
	_ =	sdelay $0x3  }
0x36: {  	p1 =	seq.s32 s10, $0x1;
	s10 =	sld [smem:$0x3FB9];
	_ =	sdelay $0x3  }
0x37: {  	[smem:$0x3FB9] =	sst s10  }
0x38: {  	s10 =	sld [smem:$0x3FBA]  }
0x39: {  	_ = 	snop;
	(pc) =	sbr.ind lr, $3  }
0x3a: {  	_ = 	snop  }
0x3b: {  	_ = 	snop  }
0x3c: {  	p2 =	seq.s32 s10, $0x1;
	s10 =	sld [smem:$0x3FB9]  }
0x3d: {  	_ =	shalt  }
0x3e: {  	_ =	shalt  }
0x3f: {  	_ =	shalt  }
0x40: {  	_ =	shalt  }
0x41: {  	_ =	shalt  }
0x42: {  	_ =	shalt  }
0x43: {  	_ =	shalt  }
0x44: {  	_ =	shalt  }
0x45: {  	_ =	shalt  }
0x46: {  	_ =	shalt  }
0x47: {  	_ =	shalt  }
0x48: {  	_ =	shalt  }
0x49: {  	_ =	shalt  }
0x4a: {  	_ =	shalt  }
0x4b: {  	_ =	shalt  }
0x4c: {  	_ =	shalt  }
0x4d: {  	_ =	shalt  }
0x4e: {  	_ =	shalt  }
0x4f: {  	_ =	shalt  }
0x50: {  	_ =	shalt  }
0x51: {  	_ =	shalt  }
0x52: {  	_ =	shalt  }
0x53: {  	_ =	shalt  }
0x54: {  	_ =	shalt  }
0x55: {  	_ =	shalt  }
0x56: {  	_ =	shalt  }
0x57: {  	_ =	shalt  }
0x58: {  	_ =	shalt  }
0x59: {  	_ =	shalt  }
0x5a: {  	_ =	shalt  }
0x5b: {  	_ =	shalt  }
0x5c: {  	_ =	shalt  }
0x5d: {  	_ =	shalt  }
0x5e: {  	_ =	shalt  }
0x5f: {  	_ =	shalt  }
0x60: {  	_ =	shalt  }
0x61: {  	_ =	shalt  }
0x62: {  	_ =	shalt  }
0x63: {  	_ =	shalt  }
0x64: {  	_ =	shalt  }
0x65: {  	_ =	shalt  }
0x66: {  	_ =	shalt  }
0x67: {  	_ =	shalt  }
0x68: {  	_ =	shalt  }
0x69: {  	_ =	shalt  }
0x6a: {  	_ =	shalt  }
0x6b: {  	_ =	shalt  }
0x6c: {  	_ =	shalt  }
0x6d: {  	_ =	shalt  }
0x6e: {  	_ =	shalt  }
0x6f: {  	_ =	shalt  }
0x70: {  	_ =	shalt  }
0x71: {  	_ =	shalt  }
0x72: {  	_ =	shalt  }
0x73: {  	_ =	shalt  }
0x74: {  	_ =	shalt  }
0x75: {  	_ =	shalt  }
0x76: {  	_ =	shalt  }
0x77: {  	_ =	shalt  }
0x78: {  	_ =	shalt  }
0x79: {  	_ =	shalt  }
0x7a: {  	_ =	shalt  }
0x7b: {  	_ =	shalt  }
0x7c: {  	_ =	shalt  }
0x7d: {  	_ =	shalt  }
0x7e: {  	_ =	shalt  }
0x7f: {  	_ =	shalt  }
0x80: {  	_ =	shalt  }
0x81: {  	_ =	shalt  }
0x82: {  	_ =	shalt  }
0x83: {  	_ =	shalt  }
0x84: {  	_ =	shalt  }
0x85: {  	_ =	shalt  }
0x86: {  	_ =	shalt  }
0x87: {  	_ =	shalt  }
.Lfunc_end0:
.L_simem_size_0:
called_computation.4_lowered:
.L_overlay_start_0:
0x88: {  	s2 =	sld [smem:$0x3FD9]  }
0x89: {  	s3 =	sld [smem:$0x3FFE];
	_ =	sdelay $0x1  }
0x8a: {  	s1 =	srdreg.scid  }
0x8b: {  	s0 =	sand.u32 $0x1, s1  }
0x8c: {  	s17 =	sshll.u32 s0, $0xA;
	s2 =	sadd.s32 s3, s2  }
0x8d: {  	s2 =	sadd.s32 s2, s17  }
0x8e: {  	[smem:$0x3FC5] =	sst s2  }
0x8f: {  	_ = 	snop  }
0x90: {  	s18 =	sld [smem:$0x3FD0];
	(tm) =	ssettm $0x1  }
0x91: {  	s19 =	sld [smem:$0x3FFB];
	_ =	sdelay $0x3  }
0x92: {  	_ =	strace s19  }
0x93: {  	s2 =	sld [smem:$0x3FFC];
	_ =	sdelay $0x3  }
0x94: {  	_ =	strace s2  }
0x95: {  	s2 =	sld [smem:$0x3FFD];
	_ =	sdelay $0x3  }
0x96: {  	_ =	strace s2  }
0x97: {  	_ =	strace $0x8FFFFFFF  }
0x98: {  	s20 =	sld [smem:$0x3FDB];
	_ =	sdelay $0x1  }
0x99: {  	s4 =	simm.s32 $_scs_section_size  }
0x9a: {  	s5 =	simm.s32 $_size__tile_overlayer_lowered;
	s6 =	simm.s32 $_tile_overlayer_lowered  }
0x9b: {  	s7 =	simm.s32 $0x1BFF;
	s21 =	sshll.u32 s6, $0x1;
	s4 =	sadd.s32 s4, s20  }
0x9c: {  	s22 =	simm.s32 $0x0;
	s5 =	sshll.u32 s5, $0x1;
	s6 =	sadd.s32 s21, s4  }
0x9d: {  	[timem:s22], [sflag:s7] =	dma.local [hbm:s6], s5  }
0x9e: {  	_ =	swait.ge [sflag:s7], s5  }
0x9f: {  	s5 =	ssub.s32 $0x0, s5;
	[sflag:s7] =	ssyncset.done $0x0  }
0xa0: {  	[sflag:s7] =	ssyncadd.s32 s5;
	_ =	sdelay $0x1  }
0xa1: {  	s23 =	simm.s32 $0x1B8B  }
0xa2: {  	_ =	swait.ge [sflag:s23], $0x1  }
0xa3: {  	[sflag:s23] =	ssyncset.done $0x0  }
0xa4: {  	[sflag:s23] =	ssyncadd.s32 $0xFFFFFFFF  }
0xa5: {  	s5 =	sld [smem:$0x0]  }
0xa6: {  	s6 =	sand.u32 $0xFFFFFFFE, s1  }
0xa7: {  	p0 =	sne.s32 s1, s6  }
0xa8: {  	s6 =	sshll.u32 @p0 s6, $0xE  }
0xa9: {  	s6 =	sadd.s32 @p0 $0x11B8D, s6;
	s7 =	sshll.u32 @p0 s5, $0x11  }
0xaa: {  	s6 =	sor.u32 @p0 s7, s6  }
0xab: {  	[sflag:s6] =	ssyncadd.remote.s32 @p0 $0x1;
	_ =	sdelay $0x1  }
0xac: {  	s6 =	simm.s32 @p0 $0x1B8D  }
0xad: {  	_ =	swait.eq @p0 [sflag:s6], $0x1  }
0xae: {  	[sflag:s6] =	ssyncadd.s32 @p0 $0xFFFFFFFF  }
0xaf: {  	s7 =	sshll.u32 @!p0 s1, $0xE  }
0xb0: {  	s7 =	sor.u32 @!p0 $0x4000, s7;
	s6 =	simm.s32 @!p0 $0x1B8D  }
0xb1: {  	s5 =	sshll.u32 @!p0 s5, $0x11;
	s7 =	sadd.s32 @!p0 $0x11B8D, s7;
	_ =	swait.eq @!p0 [sflag:s6], $0x1  }
0xb2: {  	s5 =	sor.u32 @!p0 s5, s7;
	[sflag:s6] =	ssyncadd.s32 @!p0 $0xFFFFFFFF  }
0xb3: {  	s25 =	simm.s32 $0x1B8E;
	s24 =	sld [smem:$0x3FFE];
	[sflag:s5] =	ssyncadd.remote.s32 @!p0 $0x1  }
0xb4: {  	s26 =	simm.s32 $execute0_lowered;
	[smem:$0x3FD2] =	sst s25  }
0xb5: {  	s6 =	sshll.u32 s26, $0x1;
	_ =	strace $0x80000052;
	[dreg:$0x1] =	wrdreg $0xFFFFFFFF  }
0xb6: {  	s28 =	simm.s32 $_size_execute0_lowered;
	s4 =	sadd.s32 s4, s6;
	[dreg:$0x0] =	wrdreg $0x0  }
0xb7: {  	s6 =	sshll.u32 s28, $0x1;
	[dreg:$0x2] =	wrdreg s4  }
0xb8: {  	[dreg:$0x3] =	wrdreg s6  }
0xb9: {  	[dreg:$0x4] =	wrdreg $0xC0  }
0xba: {  	_ =	task [dreg:s22], $0x5FFFF  }
0xbb: {  	[dreg:$0x1] =	wrdreg $0xFFFFFFFF  }
0xbc: {  	[dreg:$0x0] =	wrdreg $0x60  }
0xbd: {  	[dreg:$0x2] =	wrdreg s24  }
0xbe: {  	[dreg:$0x3] =	wrdreg s18  }
0xbf: {  	[dreg:$0x4] =	wrdreg $0x0  }
0xc0: {  	[dreg:$0x5] =	wrdreg $0x9  }
0xc1: {  	_ =	task.clear_ibuf [dreg:s22], $0x6FFFF;
	_ =	strace $0x90000052  }
0xc2: {  	s29 =	simm.s32 $0x9;
	_ =	strace $0x80000054  }
0xc3: {  	_ =	swait.ge [sflag:s29], $0x1  }
0xc4: {  	[sflag:s29] =	ssyncadd.s32 $0xFFFFFFFF  }
0xc5: {  	_ =	strace $0x90000054  }
0xc6: {  	_ =	sfence  }
0xc7: {  	s30 =	sld [smem:$0x0];
	_ =	sdelay $0x2  }
0xc8: {  	s31 =	sshll.u32 s1, $0xD;
	s1 =	sshrl.u32 s1, $0x2  }
0xc9: {  	s4 =	sand.u32 $0x4000, s31;
	s1 =	sadd.s32 s1, s30  }
0xca: {  	s0 =	sor.u32 s4, s0;
	s1 =	sshll.u32 s1, $0x11  }
0xcb: {  	s0 =	sor.u32 s1, s0  }
0xcc: {  	s0 =	sadd.s32 $0x8F2B, s0  }
0xcd: {  	[sflag:s0] =	ssyncadd.remote.s32 $0x1  }
0xce: {  	_ =	sfence.sel $0xFFFF  }
0xcf: {  	[dreg:$0x0] =	wrdreg $0xFFFFFFFF;
	(pc) =	sbr.abs _section_cstart, $3  }
0xd0: {  	[dreg:$0x1] =	wrdreg $0xFFFFFFFF  }
0xd1: {  	_ =	task.clear_ibuf [dreg:s22], $0x2FFFF;
	_ =	strace $0x9FFFFFFF  }
0xd2: {  	(tm) =	ssettm $0x7FFFFFFF  }
0xd3: {  	_ =	shalt  }
tec
execute0_lowered:
.L_overlay_start_1:
0x0: {  	(tag) =	ssettag $0x1  }
0x1: {  	s4 =	rddreg [dreg:$0x0]  }
0x2: {  	s6 =	rddreg [dreg:$0x1]  }
0x3: {  	s0 =	srdreg.scid;
	s11 =	stileid.u32  }
0x4: {  	s1 =	rddreg [dreg:$0x2];
	s2 =	simm.s32 $0x0;
	s15 =	simm.s32 $0x13940  }
0x5: {  	s16 =	simm.s32 $0x139C0;
	s17 =	simm.s32 $0x13A40;
	s18 =	simm.s32 $0x2  }
0x6: {  	s19 =	simm.s32 $0x3;
	s20 =	simm.s32 $0x80;
	s21 =	simm.s32 $0x13AC0  }
0x7: {  	s22 =	simm.s32 $0x1;
	s23 =	simm.s32 $0x4;
	s3 =	smul.u32 $0x5000, s11  }
0x8: {  	s5 =	sand.u32 $0x1, s0;
	s0 =	rddreg [dreg:$0x3];
	s8 =	smul.u32 $0x4E000, s11  }
0x9: {  	s24 =	simm.s32 $0x0;
	[smem:$0x7FF] =	sst s2;
	s12 =	smul.u32 $0x13800, s11  }
0xa: {  	s26 =	sshll.u32 s11, $0x6;
	s14 =	sadd.s32 $0x138000, s1;
	p0 =	sne.s32 s11, $0x0  }
0xb: {  	s7 =	smul.u32 $0x2800, s5;
	_ =	strace $0x80000053;
	s25 =	ssub.s32 $0x2, s5  }
0xc: {  	s5 =	smul.u32 $0x138800, s5;
	s9 =	sshrl.u32 s25, $0x1;
	s8 =	sshrl.u32 s8, $0x2  }
0xd: {  	s7 =	sadd.s32 s7, s3;
	s3 =	sadd.s32 $0xB8000, s4;
	s9 =	ssub.s32 s25, s9  }
0xe: {  	s13 =	sadd.s32 s8, s1;
	s28 =	sadd.s32 s12, s5;
	s29 =	sshrl.u32 s5, $0x3  }
0xf: {  	s5 =	sor.u32 $0x1C05, s26;
	s12 =	simm.s32 $0x5;
	s7 =	sshrl.u32 s7, $0x3  }
0x10: {  	s30 =	sshrl.u32 s28, $0x3;
	s31 =	sadd.s32 s6, s29;
	s8 =	smax.u32 s9, $0x1  }
0x11: {  	s11 =	sshrl.u32 s13, $0x3;
	s13 =	sshrl.u32 @!p0 s14, $0x3;
	s14 =	simm.s32 $0x138C0  }
0x12: {  	s10 =	sadd.s32 s7, s4;
	s4 =	sadd.s32 $0x40400, s4;
	s6 =	sadd.s32 s6, s30  }
0x13: {  	s7 =	sadd.s32 $0x27000, s31;
	s9 =	sadd.s32 $0x35C00, s10;
	s10 =	sadd.s32 $0x2BC00, s10  }
.LBB2_1:
0x14: {  	[spmem:s11], [sflag:s5] =	dma.local [hbm:s4], $0x2700  }
0x15: {  	_ =	swait.ge [sflag:s12], $0x2700  }
0x16: {  	[sflag:s12] =	ssyncset.done $0x0  }
0x17: {  	s25 =	simm.s32 @!p0 $0x5;
	[sflag:s12] =	ssyncadd.s32 $0xFFFFD900  }
0x18: {  	[spmem:s13], [sflag:s5] =	dma.local @!p0 [hbm:s4], $0x100  }
0x19: {  	_ =	swait.ge @!p0 [sflag:s25], $0x100  }
0x1a: {  	[sflag:s25] =	ssyncset.done @!p0 $0x0  }
0x1b: {  	[sflag:s25] =	ssyncadd.s32 @!p0 $0xFFFFFF00  }
0x1c: {  	s30 =	sadd.s32 $0x0, s9;
	[bflag:$0x0] =	sbarrier.arrive $0xFFFF  }
0x1d: {  	[tilespmem:s14], [sflag:$0x2] =	stream.linear.gather [hbm4b:s30+s2], $0x80, $0x38;
	[tilespmem:$0x17AC0] =	vst v63  }
0x1e: {  	s26 =	sadd.s32 $0x0, s10  }
0x1f: {  	[tilespmem:s15], [sflag:$0x3] =	stream.linear.gather [hbm4b:s26+s2], $0x80, $0x38;
	[tilespmem:$0x17AC0] =	vst v63  }
0x20: {  	s25 =	sadd.s32 $0x10, s30  }
0x21: {  	[tilespmem:s16], [sflag:$0x4] =	stream.linear.gather [hbm4b:s25+s2], $0x80, $0x38;
	[tilespmem:$0x17AC0] =	vst v63  }
0x22: {  	s31 =	sadd.s32 $0x10, s26  }
0x23: {  	[tilespmem:s17], [sflag:$0x1] =	stream.linear.gather [hbm4b:s31+s2], $0x80, $0x38;
	[tilespmem:$0x17AC0] =	vst v63  }
0x24: {  	_ =	swait.ge [sflag:s18], $0x80  }
0x25: {  	[sflag:s18] =	ssyncset.done $0x0  }
0x26: {  	[sflag:s18] =	ssyncadd.s32 $0xFFFFFF80  }
0x27: {  	_ =	swait.ge [sflag:s19], $0x80  }
0x28: {  	[sflag:s19] =	ssyncset.done $0x0  }
0x29: {  	[sflag:s19] =	ssyncadd.s32 $0xFFFFFF80  }
0x2a: {  	[tilespmem:s21], [sflag:$0x1] =	stream.indirect.gather [hbm4b:s3+s20], $0x80, s14, s20, $0xb8;
	[tilespmem:$0x17AC0] =	vst v63  }
0x2b: {  	_ =	swait.ge [sflag:s22], $0x4000  }
0x2c: {  	[sflag:s22] =	ssyncset.done $0x0  }
0x2d: {  	[sflag:s22] =	ssyncadd.s32 $0xFFFFC000  }
0x2e: {  	[spmem:s1] =	stream.indirect.scatter.add.f32 [tilespmem:s21], [sflag:$0x5], $0x80, s15, s20, $0xb8;
	[tilespmem:$0x17AC0] =	vst v63  }
0x2f: {  	_ =	swait.ge [sflag:s12], $0x4000  }
0x30: {  	[sflag:s12] =	ssyncset.done $0x0  }
0x31: {  	[sflag:s12] =	ssyncadd.s32 $0xFFFFC000  }
0x32: {  	_ =	swait.ge [sflag:s23], $0x80  }
0x33: {  	[sflag:s23] =	ssyncset.done $0x0  }
0x34: {  	[sflag:s23] =	ssyncadd.s32 $0xFFFFFF80  }
0x35: {  	_ =	swait.ge [sflag:s22], $0x80  }
0x36: {  	[sflag:s22] =	ssyncset.done $0x0  }
0x37: {  	[sflag:s22] =	ssyncadd.s32 $0xFFFFFF80  }
0x38: {  	[tilespmem:s21], [sflag:$0x1] =	stream.indirect.gather [hbm4b:s3+s20], $0x80, s16, s20, $0xb8;
	[tilespmem:$0x17AC0] =	vst v63  }
0x39: {  	_ =	swait.ge [sflag:s22], $0x4000  }
0x3a: {  	[sflag:s22] =	ssyncset.done $0x0  }
0x3b: {  	[sflag:s22] =	ssyncadd.s32 $0xFFFFC000  }
0x3c: {  	[spmem:s1] =	stream.indirect.scatter.add.f32 [tilespmem:s21], [sflag:$0x5], $0x80, s17, s20, $0xb8;
	[tilespmem:$0x17AC0] =	vst v63  }
0x3d: {  	_ =	swait.ge [sflag:s12], $0x4000  }
0x3e: {  	s28 =	simm.s32 $0x40;
	s25 =	simm.s32 $0x20;
	[sflag:s12] =	ssyncset.done $0x0  }
.LBB2_2:
0x3f: {  	s29 =	sadd.s32 s25, s9  }
0x40: {  	[sflag:s12] =	ssyncadd.s32 $0xFFFFC000;
	s30 =	smov.u32 s28;
	s26 =	sadd.s32 $0x20, s28  }
0x41: {  	[tilespmem:s14], [sflag:$0x2] =	stream.linear.gather [hbm4b:s29+s2], $0x80, $0x38;
	[tilespmem:$0x17AC0] =	vst v63  }
0x42: {  	p1 =	sne.s32 s28, $0x4E0;
	s28 =	sadd.s32 s25, s10;
	s25 =	smov.u32 s30  }
0x43: {  	[tilespmem:s15], [sflag:$0x3] =	stream.linear.gather [hbm4b:s28+s2], $0x80, $0x38;
	[tilespmem:$0x17AC0] =	vst v63  }
0x44: {  	s29 =	sadd.s32 $0x10, s29  }
0x45: {  	[tilespmem:s16], [sflag:$0x4] =	stream.linear.gather [hbm4b:s29+s2], $0x80, $0x38;
	[tilespmem:$0x17AC0] =	vst v63  }
0x46: {  	s28 =	sadd.s32 $0x10, s28  }
0x47: {  	[tilespmem:s17], [sflag:$0x1] =	stream.linear.gather [hbm4b:s28+s2], $0x80, $0x38;
	[tilespmem:$0x17AC0] =	vst v63  }
0x48: {  	_ =	swait.ge [sflag:s18], $0x80  }
0x49: {  	[sflag:s18] =	ssyncset.done $0x0  }
0x4a: {  	[sflag:s18] =	ssyncadd.s32 $0xFFFFFF80  }
0x4b: {  	_ =	swait.ge [sflag:s19], $0x80  }
0x4c: {  	[sflag:s19] =	ssyncset.done $0x0  }
0x4d: {  	[sflag:s19] =	ssyncadd.s32 $0xFFFFFF80  }
0x4e: {  	[tilespmem:s21], [sflag:$0x1] =	stream.indirect.gather [hbm4b:s3+s20], $0x80, s14, s20, $0xb8;
	[tilespmem:$0x17AC0] =	vst v63  }
0x4f: {  	_ =	swait.ge [sflag:s22], $0x4000  }
0x50: {  	[sflag:s22] =	ssyncset.done $0x0  }
0x51: {  	[sflag:s22] =	ssyncadd.s32 $0xFFFFC000  }
0x52: {  	[spmem:s1] =	stream.indirect.scatter.add.f32 [tilespmem:s21], [sflag:$0x5], $0x80, s15, s20, $0xb8;
	[tilespmem:$0x17AC0] =	vst v63  }
0x53: {  	_ =	swait.ge [sflag:s12], $0x4000  }
0x54: {  	[sflag:s12] =	ssyncset.done $0x0  }
0x55: {  	[sflag:s12] =	ssyncadd.s32 $0xFFFFC000  }
0x56: {  	_ =	swait.ge [sflag:s23], $0x80  }
0x57: {  	[sflag:s23] =	ssyncset.done $0x0  }
0x58: {  	[sflag:s23] =	ssyncadd.s32 $0xFFFFFF80  }
0x59: {  	_ =	swait.ge [sflag:s22], $0x80  }
0x5a: {  	[sflag:s22] =	ssyncset.done $0x0  }
0x5b: {  	[sflag:s22] =	ssyncadd.s32 $0xFFFFFF80  }
0x5c: {  	[tilespmem:s21], [sflag:$0x1] =	stream.indirect.gather [hbm4b:s3+s20], $0x80, s16, s20, $0xb8;
	[tilespmem:$0x17AC0] =	vst v63  }
0x5d: {  	_ =	swait.ge [sflag:s22], $0x4000  }
.Ltmp0:
0x5e: {  	[sflag:s22] =	ssyncset.done $0x0;
	(pc) =	sbr.rel @p1 .LBB2_2-.Ltmp0, $4  }
0x5f: {  	[sflag:s22] =	ssyncadd.s32 $0xFFFFC000  }
0x60: {  	[spmem:s1] =	stream.indirect.scatter.add.f32 [tilespmem:s21], [sflag:$0x5], $0x80, s17, s20, $0xb8;
	[tilespmem:$0x17AC0] =	vst v63  }
0x61: {  	_ =	swait.ge [sflag:s12], $0x4000  }
0x62: {  	s28 =	smov.u32 s26;
	[sflag:s12] =	ssyncset.done $0x0  }
0x63: {  	s26 =	sadd.s32 s25, s9;
	[sflag:s12] =	ssyncadd.s32 $0xFFFFC000  }
0x64: {  	[tilespmem:s14], [sflag:$0x2] =	stream.linear.gather [hbm4b:s26+s2], $0x80, $0x38;
	[tilespmem:$0x17AC0] =	vst v63  }
0x65: {  	s31 =	sadd.s32 s25, s10  }
0x66: {  	[tilespmem:s15], [sflag:$0x3] =	stream.linear.gather [hbm4b:s31+s2], $0x80, $0x38;
	[tilespmem:$0x17AC0] =	vst v63  }
0x67: {  	s26 =	sadd.s32 $0x10, s26  }
0x68: {  	[tilespmem:s16], [sflag:$0x4] =	stream.linear.gather [hbm4b:s26+s2], $0x80, $0x38;
	[tilespmem:$0x17AC0] =	vst v63  }
0x69: {  	s25 =	sadd.s32 $0x10, s31  }
0x6a: {  	[tilespmem:s17], [sflag:$0x1] =	stream.linear.gather [hbm4b:s25+s2], $0x80, $0x38;
	[tilespmem:$0x17AC0] =	vst v63  }
0x6b: {  	_ =	swait.ge [sflag:s18], $0x80  }
0x6c: {  	[sflag:s18] =	ssyncset.done $0x0  }
0x6d: {  	[sflag:s18] =	ssyncadd.s32 $0xFFFFFF80  }
0x6e: {  	_ =	swait.ge [sflag:s19], $0x80  }
0x6f: {  	[sflag:s19] =	ssyncset.done $0x0  }
0x70: {  	[sflag:s19] =	ssyncadd.s32 $0xFFFFFF80  }
0x71: {  	[tilespmem:s21], [sflag:$0x1] =	stream.indirect.gather [hbm4b:s3+s20], $0x80, s14, s20, $0xb8;
	[tilespmem:$0x17AC0] =	vst v63  }
0x72: {  	_ =	swait.ge [sflag:s22], $0x4000  }
0x73: {  	[sflag:s22] =	ssyncset.done $0x0  }
0x74: {  	[sflag:s22] =	ssyncadd.s32 $0xFFFFC000  }
0x75: {  	[spmem:s1] =	stream.indirect.scatter.add.f32 [tilespmem:s21], [sflag:$0x5], $0x80, s15, s20, $0xb8;
	[tilespmem:$0x17AC0] =	vst v63  }
0x76: {  	_ =	swait.ge [sflag:s12], $0x4000  }
0x77: {  	[sflag:s12] =	ssyncset.done $0x0  }
0x78: {  	[sflag:s12] =	ssyncadd.s32 $0xFFFFC000  }
0x79: {  	_ =	swait.ge [sflag:s23], $0x80  }
0x7a: {  	[sflag:s23] =	ssyncset.done $0x0  }
0x7b: {  	[sflag:s23] =	ssyncadd.s32 $0xFFFFFF80  }
0x7c: {  	_ =	swait.ge [sflag:s22], $0x80  }
0x7d: {  	[sflag:s22] =	ssyncset.done $0x0  }
0x7e: {  	[sflag:s22] =	ssyncadd.s32 $0xFFFFFF80  }
0x7f: {  	[tilespmem:s21], [sflag:$0x1] =	stream.indirect.gather [hbm4b:s3+s20], $0x80, s16, s20, $0xb8;
	[tilespmem:$0x17AC0] =	vst v63  }
0x80: {  	_ =	swait.ge [sflag:s22], $0x4000  }
0x81: {  	[sflag:s22] =	ssyncset.done $0x0  }
0x82: {  	[sflag:s22] =	ssyncadd.s32 $0xFFFFC000  }
0x83: {  	[spmem:s1] =	stream.indirect.scatter.add.f32 [tilespmem:s21], [sflag:$0x5], $0x80, s17, s20, $0xb8;
	[tilespmem:$0x17AC0] =	vst v63  }
0x84: {  	_ =	swait.ge [sflag:s12], $0x4000  }
0x85: {  	[sflag:s12] =	ssyncset.done $0x0  }
0x86: {  	[sflag:s12] =	ssyncadd.s32 $0xFFFFC000  }
0x87: {  	[bflag:$0x0] =	sbarrier.arrive $0xFFFF  }
0x88: {  	[hbm:s6], [sflag:s5] =	dma.local [spmem:s11], $0x2700  }
0x89: {  	s24 =	sadd.s32 $0x1, s24;
	_ =	swait.ge [sflag:s12], $0x2700  }
0x8a: {  	p1 =	sne.s32 s24, s8;
	[sflag:s12] =	ssyncset.done $0x0  }
.Ltmp1:
0x8b: {  	s25 =	simm.s32 @!p0 $0x5;
	[sflag:s12] =	ssyncadd.s32 $0xFFFFD900;
	(pc) =	sbr.rel @p1 .LBB2_1-.Ltmp1, $4  }
0x8c: {  	[hbm:s7], [sflag:s5] =	dma.local @!p0 [spmem:s13], $0x100  }
0x8d: {  	_ =	swait.ge @!p0 [sflag:s25], $0x100  }
0x8e: {  	[sflag:s25] =	ssyncset.done @!p0 $0x0  }
0x8f: {  	[sflag:s25] =	ssyncadd.s32 @!p0 $0xFFFFFF00  }
0x90: {  	_ =	sfence.sel $0x180000  }
0x91: {  	[bflag:$0x0] =	sbarrier.arrive $0xFFFF  }
0x92: {  	_ =	strace $0x90000053  }
0x93: {  	s0 =	sadd.s32 @!p0 $0x100000, s0;
	[bflag:$0x2] =	sbarrier.arrive $0xFFFF  }
0x94: {  	[sflag:s0] =	ssyncadd.tile.s32 @!p0 $0x1;
	_ =	shalt  }
.Lfunc_end2:
_tile_overlayer_lowered:
.L_overlay_start_2:
0x95: {  	(tag) =	ssettag $0x2  }
0x96: {  	s0 =	rddreg [dreg:$0x0];
	s2 =	stileid.u32  }
0x97: {  	s1 =	rddreg [dreg:$0x1];
	p0 =	sne.s32 s2, $0x0  }
0x98: {  	s3 =	rddreg [dreg:$0x2];
	[bflag:$0x3] =	sbarrier.arrive $0xFFFF;
	s2 =	simm.s32 @!p0 $0x1C05  }
0x99: {  	[timem:s3], [sflag:s2] =	dma.local @!p0 [hbm:s0], s1  }
0x9a: {  	s0 =	simm.s32 @!p0 $0x5  }
0x9b: {  	_ =	swait.ge @!p0 [sflag:s0], s1  }
0x9c: {  	s1 =	ssub.s32 @!p0 $0x0, s1;
	[sflag:s0] =	ssyncset.done @!p0 $0x0  }
0x9d: {  	[sflag:s0] =	ssyncadd.s32 @!p0 s1  }
0x9e: {  	[bflag:$0x3] =	sbarrier.arrive $0xFFFF  }
0x9f: {  	_ =	shalt  }

// kernel: kernel.34.cloned.1.call-start
scs
__scs_entry_jumppad:
0x0: {  	(pc) =	sbr.rel $0x88, $3  }
0x1: {  	(tag) =	ssettag $0x0;
	lr =	simm.s32 $0x1  }
0x2: {  	[smem:$0x3F9E] =	sst lr;
	_ =	strace $0xD0000000  }
0x3: {  	_ = 	snop  }
0x4: {  	_ = 	snop  }
0x5: {  	_ = 	snop  }
0x6: {  	_ = 	snop  }
0x7: {  	_ = 	snop  }
__scs_overlays_trampoline_lowered:
0x8: {  	[smem:$0x3FAD] =	sst s0  }
0x9: {  	[smem:$0x3FAE] =	sst s1  }
0xa: {  	[smem:$0x3FAF] =	sst s2  }
0xb: {  	[smem:$0x3FB0] =	sst s3  }
0xc: {  	[smem:$0x3FB1] =	sst s4  }
0xd: {  	[smem:$0x3FB2] =	sst s5  }
0xe: {  	[smem:$0x3FB3] =	sst s6  }
0xf: {  	[smem:$0x3FB4] =	sst s7  }
0x10: {  	[smem:$0x3FB5] =	sst s8  }
0x11: {  	[smem:$0x3FB6] =	sst s9;
	s0 =	simm.s32 @!p0 $0x0  }
0x12: {  	s1 =	sld [smem:$0x3F9C];
	s0 =	simm.s32 @p0 $0x1  }
0x13: {  	[smem:$0x3FB7] =	sst s0;
	s0 =	simm.s32 @!p1 $0x0  }
0x14: {  	s2 =	sld [smem:$0x3F9B];
	s0 =	simm.s32 @p1 $0x1  }
0x15: {  	[smem:$0x3FB8] =	sst s0;
	s0 =	simm.s32 @!p2 $0x0  }
0x16: {  	s3 =	sld [smem:$0x3FDB];
	s0 =	simm.s32 @p2 $0x1  }
0x17: {  	s4 =	simm.s32 $0x1BF5;
	[smem:$0x3FBA] =	sst s0  }
0x18: {  	s0 =	sld [smem:$0x3F9D];
	_ =	swait.ge [sflag:s4], $0x0  }
0x19: {  	s7 =	sld [smem:$0x3F9E]  }
0x1a: {  	s8 =	sadd.s32 $0xFFFFE003, lr  }
0x1b: {  	s9 =	sadd.s32 $0xFFFFFEF7, lr;
	s5 =	simm.s32 $0xFFFFFFFF;
	p2 =	slt.u32 s8, $0xFFFFF086  }
0x1c: {  	p1 =	slt.u32 s9, $0xF7A;
	s5 =	simm.s32 @!p2 $0x0  }
0x1d: {  	s5 =	simm.s32 @p1 $0x1;
	p0 =	seq.s32 s7, s2  }
0x1e: {  	s7 =	smul.u32 @!p0 $0xF7A, s2;
	p2 =	seq.s32 @!p0 s5, $0x0  }
0x1f: {  	s9 =	smul.u32 $0xF7A, s1;
	s8 =	simm.s32 @!p0 $0x1BF5;
	p2 =	por !p2, p0  }
0x20: {  	[sflag:s8] =	ssyncset.s32 @!p0 $0xFFFFF086;
	s6 =	sadd.s32 @!p0 s3, s7;
	s7 =	simm.s32 @!p0 $0x108  }
0x21: {  	s3 =	sadd.s32 s3, s9;
	s6 =	sadd.s32 @!p0 $0x88, s6;
	s7 =	simm.s32 @p2 $0x1082  }
0x22: {  	[simem:s7], [sflag:s8] =	dma.local @!p0 [hbm:s6], $0xF7A  }
0x23: {  	s9 =	sor.u32 $0xD0000000, s2;
	s6 =	simm.s32 $0x108;
	_ =	swait.ge @!p0 [sflag:s8], $0x0  }
0x24: {  	s3 =	sadd.s32 $0x88, s3;
	s6 =	simm.s32 @!p1 $0x1082;
	[sflag:s4] =	ssyncset.s32 $0xFFFFF086  }
0x25: {  	[simem:s6], [sflag:s4] =	dma.local [hbm:s3], $0xF7A  }
0x26: {  	[smem:$0x3F9E] =	sst s1;
	(tag) =	ssettag s2;
	_ =	strace s9  }
0x27: {  	s1 =	sld [smem:$0x3FAE]  }
0x28: {  	s2 =	sld [smem:$0x3FAF]  }
0x29: {  	s4 =	sld [smem:$0x3FB1]  }
0x2a: {  	p0 =	seq.s32 s5, $0x0;
	s5 =	sld [smem:$0x3FB2]  }
0x2b: {  	s6 =	sld [smem:$0x3FB3]  }
0x2c: {  	s7 =	sld [smem:$0x3FB4]  }
0x2d: {  	s3 =	simm.s32 $0x108;
	s8 =	sld [smem:$0x3FB5]  }
0x2e: {  	s3 =	simm.s32 @!p0 $0x1082;
	s9 =	sld [smem:$0x3FB6]  }
0x2f: {  	lr =	sadd.s32 s0, s3;
	s0 =	sld [smem:$0x3FAD]  }
0x30: {  	s3 =	sld [smem:$0x3FB0]  }
0x31: {  	[smem:$0x3FB9] =	sst s10  }
0x32: {  	s10 =	sld [smem:$0x3FB7];
	_ =	sdelay $0x3  }
0x33: {  	p0 =	seq.s32 s10, $0x1;
	s10 =	sld [smem:$0x3FB9];
	_ =	sdelay $0x3  }
0x34: {  	[smem:$0x3FB9] =	sst s10  }
0x35: {  	s10 =	sld [smem:$0x3FB8];
	_ =	sdelay $0x3  }
0x36: {  	p1 =	seq.s32 s10, $0x1;
	s10 =	sld [smem:$0x3FB9];
	_ =	sdelay $0x3  }
0x37: {  	[smem:$0x3FB9] =	sst s10  }
0x38: {  	s10 =	sld [smem:$0x3FBA]  }
0x39: {  	_ = 	snop;
	(pc) =	sbr.ind lr, $3  }
0x3a: {  	_ = 	snop  }
0x3b: {  	_ = 	snop  }
0x3c: {  	p2 =	seq.s32 s10, $0x1;
	s10 =	sld [smem:$0x3FB9]  }
0x3d: {  	_ =	shalt  }
0x3e: {  	_ =	shalt  }
0x3f: {  	_ =	shalt  }
0x40: {  	_ =	shalt  }
0x41: {  	_ =	shalt  }
0x42: {  	_ =	shalt  }
0x43: {  	_ =	shalt  }
0x44: {  	_ =	shalt  }
0x45: {  	_ =	shalt  }
0x46: {  	_ =	shalt  }
0x47: {  	_ =	shalt  }
0x48: {  	_ =	shalt  }
0x49: {  	_ =	shalt  }
0x4a: {  	_ =	shalt  }
0x4b: {  	_ =	shalt  }
0x4c: {  	_ =	shalt  }
0x4d: {  	_ =	shalt  }
0x4e: {  	_ =	shalt  }
0x4f: {  	_ =	shalt  }
0x50: {  	_ =	shalt  }
0x51: {  	_ =	shalt  }
0x52: {  	_ =	shalt  }
0x53: {  	_ =	shalt  }
0x54: {  	_ =	shalt  }
0x55: {  	_ =	shalt  }
0x56: {  	_ =	shalt  }
0x57: {  	_ =	shalt  }
0x58: {  	_ =	shalt  }
0x59: {  	_ =	shalt  }
0x5a: {  	_ =	shalt  }
0x5b: {  	_ =	shalt  }
0x5c: {  	_ =	shalt  }
0x5d: {  	_ =	shalt  }
0x5e: {  	_ =	shalt  }
0x5f: {  	_ =	shalt  }
0x60: {  	_ =	shalt  }
0x61: {  	_ =	shalt  }
0x62: {  	_ =	shalt  }
0x63: {  	_ =	shalt  }
0x64: {  	_ =	shalt  }
0x65: {  	_ =	shalt  }
0x66: {  	_ =	shalt  }
0x67: {  	_ =	shalt  }
0x68: {  	_ =	shalt  }
0x69: {  	_ =	shalt  }
0x6a: {  	_ =	shalt  }
0x6b: {  	_ =	shalt  }
0x6c: {  	_ =	shalt  }
0x6d: {  	_ =	shalt  }
0x6e: {  	_ =	shalt  }
0x6f: {  	_ =	shalt  }
0x70: {  	_ =	shalt  }
0x71: {  	_ =	shalt  }
0x72: {  	_ =	shalt  }
0x73: {  	_ =	shalt  }
0x74: {  	_ =	shalt  }
0x75: {  	_ =	shalt  }
0x76: {  	_ =	shalt  }
0x77: {  	_ =	shalt  }
0x78: {  	_ =	shalt  }
0x79: {  	_ =	shalt  }
0x7a: {  	_ =	shalt  }
0x7b: {  	_ =	shalt  }
0x7c: {  	_ =	shalt  }
0x7d: {  	_ =	shalt  }
0x7e: {  	_ =	shalt  }
0x7f: {  	_ =	shalt  }
0x80: {  	_ =	shalt  }
0x81: {  	_ =	shalt  }
0x82: {  	_ =	shalt  }
0x83: {  	_ =	shalt  }
0x84: {  	_ =	shalt  }
0x85: {  	_ =	shalt  }
0x86: {  	_ =	shalt  }
0x87: {  	_ =	shalt  }
.Lfunc_end0:
.L_simem_size_0:
called_computation.5_lowered:
.L_overlay_start_0:
0x88: {  	s2 =	sld [smem:$0x3FD9]  }
0x89: {  	s3 =	sld [smem:$0x3FFE];
	_ =	sdelay $0x1  }
0x8a: {  	s1 =	srdreg.scid  }
0x8b: {  	s0 =	sand.u32 $0x1, s1  }
0x8c: {  	s17 =	sshll.u32 s0, $0xA;
	s2 =	sadd.s32 s3, s2  }
0x8d: {  	s2 =	sadd.s32 s2, s17  }
0x8e: {  	[smem:$0x3FC5] =	sst s2  }
0x8f: {  	_ = 	snop  }
0x90: {  	(tm) =	ssettm $0x1  }
0x91: {  	s18 =	sld [smem:$0x3FFB];
	_ =	sdelay $0x3  }
0x92: {  	_ =	strace s18  }
0x93: {  	s2 =	sld [smem:$0x3FFC];
	_ =	sdelay $0x3  }
0x94: {  	_ =	strace s2  }
0x95: {  	s2 =	sld [smem:$0x3FFD];
	_ =	sdelay $0x3  }
0x96: {  	_ =	strace s2  }
0x97: {  	_ =	strace $0x8FFFFFFF  }
0x98: {  	s19 =	sld [smem:$0x3FDB];
	_ =	sdelay $0x1  }
0x99: {  	s20 =	simm.s32 $_scs_section_size  }
0x9a: {  	s4 =	simm.s32 $_size__tile_overlayer_lowered;
	s5 =	simm.s32 $_tile_overlayer_lowered  }
0x9b: {  	s6 =	simm.s32 $0x1BFF;
	s21 =	sshll.u32 s5, $0x1;
	s3 =	sadd.s32 s20, s19  }
0x9c: {  	s22 =	simm.s32 $0x0;
	s4 =	sshll.u32 s4, $0x1;
	s5 =	sadd.s32 s21, s3  }
0x9d: {  	[timem:s22], [sflag:s6] =	dma.local [hbm:s5], s4  }
0x9e: {  	_ =	swait.ge [sflag:s6], s4  }
0x9f: {  	s4 =	ssub.s32 $0x0, s4;
	[sflag:s6] =	ssyncset.done $0x0  }
0xa0: {  	[sflag:s6] =	ssyncadd.s32 s4;
	_ =	sdelay $0x1  }
0xa1: {  	s23 =	simm.s32 $0x1B8B  }
0xa2: {  	_ =	swait.ge [sflag:s23], $0x1  }
0xa3: {  	[sflag:s23] =	ssyncset.done $0x0  }
0xa4: {  	[sflag:s23] =	ssyncadd.s32 $0xFFFFFFFF  }
0xa5: {  	s4 =	sld [smem:$0x0]  }
0xa6: {  	s5 =	sand.u32 $0xFFFFFFFE, s1  }
0xa7: {  	p0 =	sne.s32 s1, s5  }
0xa8: {  	s5 =	sshll.u32 @p0 s5, $0xE  }
0xa9: {  	s5 =	sadd.s32 @p0 $0x11B8D, s5;
	s6 =	sshll.u32 @p0 s4, $0x11  }
0xaa: {  	s5 =	sor.u32 @p0 s6, s5  }
0xab: {  	[sflag:s5] =	ssyncadd.remote.s32 @p0 $0x1;
	_ =	sdelay $0x1  }
0xac: {  	s5 =	simm.s32 @p0 $0x1B8D  }
0xad: {  	_ =	swait.eq @p0 [sflag:s5], $0x1  }
0xae: {  	[sflag:s5] =	ssyncadd.s32 @p0 $0xFFFFFFFF  }
0xaf: {  	s6 =	sshll.u32 @!p0 s1, $0xE  }
0xb0: {  	s6 =	sor.u32 @!p0 $0x4000, s6;
	s5 =	simm.s32 @!p0 $0x1B8D  }
0xb1: {  	s4 =	sshll.u32 @!p0 s4, $0x11;
	s6 =	sadd.s32 @!p0 $0x11B8D, s6;
	_ =	swait.eq @!p0 [sflag:s5], $0x1  }
0xb2: {  	s4 =	sor.u32 @!p0 s4, s6;
	[sflag:s5] =	ssyncadd.s32 @!p0 $0xFFFFFFFF  }
0xb3: {  	s25 =	simm.s32 $0x1B8E;
	s24 =	sld [smem:$0x3FFE];
	[sflag:s4] =	ssyncadd.remote.s32 @!p0 $0x1  }
0xb4: {  	s26 =	simm.s32 $execute0_lowered;
	[smem:$0x3FD2] =	sst s25  }
0xb5: {  	s5 =	sshll.u32 s26, $0x1;
	_ =	strace $0x80000055;
	[dreg:$0x1] =	wrdreg $0xFFFFFFFF  }
0xb6: {  	s28 =	simm.s32 $_size_execute0_lowered;
	s3 =	sadd.s32 s3, s5;
	[dreg:$0x0] =	wrdreg $0x0  }
0xb7: {  	s5 =	sshll.u32 s28, $0x1;
	[dreg:$0x2] =	wrdreg s3  }
0xb8: {  	[dreg:$0x3] =	wrdreg s5  }
0xb9: {  	[dreg:$0x4] =	wrdreg $0xC0  }
0xba: {  	_ =	task [dreg:s22], $0x5FFFF  }
0xbb: {  	[dreg:$0x1] =	wrdreg $0xFFFFFFFF  }
0xbc: {  	[dreg:$0x0] =	wrdreg $0x60  }
0xbd: {  	[dreg:$0x2] =	wrdreg s24  }
0xbe: {  	[dreg:$0x3] =	wrdreg $0x0  }
0xbf: {  	[dreg:$0x4] =	wrdreg $0xA  }
0xc0: {  	_ =	task.clear_ibuf [dreg:s22], $0x5FFFF;
	_ =	strace $0x90000055  }
0xc1: {  	s29 =	simm.s32 $0xA;
	_ =	strace $0x80000057  }
0xc2: {  	_ =	swait.ge [sflag:s29], $0x1  }
0xc3: {  	[sflag:s29] =	ssyncadd.s32 $0xFFFFFFFF  }
0xc4: {  	_ =	strace $0x90000057  }
0xc5: {  	_ =	sfence  }
0xc6: {  	s30 =	sld [smem:$0x0];
	_ =	sdelay $0x2  }
0xc7: {  	s31 =	sshll.u32 s1, $0xD;
	s1 =	sshrl.u32 s1, $0x2  }
0xc8: {  	s4 =	sand.u32 $0x4000, s31;
	s1 =	sadd.s32 s1, s30  }
0xc9: {  	s0 =	sor.u32 s4, s0;
	s1 =	sshll.u32 s1, $0x11  }
0xca: {  	s0 =	sor.u32 s1, s0  }
0xcb: {  	s0 =	sadd.s32 $0x8F2B, s0  }
0xcc: {  	[sflag:s0] =	ssyncadd.remote.s32 $0x1  }
0xcd: {  	_ =	sfence.sel $0xFFFF  }
0xce: {  	[dreg:$0x0] =	wrdreg $0xFFFFFFFF;
	(pc) =	sbr.abs _section_cstart, $3  }
0xcf: {  	[dreg:$0x1] =	wrdreg $0xFFFFFFFF  }
0xd0: {  	_ =	task.clear_ibuf [dreg:s22], $0x2FFFF;
	_ =	strace $0x9FFFFFFF  }
0xd1: {  	(tm) =	ssettm $0x7FFFFFFF  }
tec
execute0_lowered:
.L_overlay_start_1:
0x0: {  	(tag) =	ssettag $0x1  }
0x1: {  	s0 =	srdreg.scid;
	s5 =	rddreg [dreg:$0x0]  }
0x2: {  	s11 =	stileid.u32;
	s1 =	rddreg [dreg:$0x1]  }
0x3: {  	s2 =	simm.s32 $0x0;
	s16 =	simm.s32 $0x139C0;
	s17 =	simm.s32 $0x13A40  }
0x4: {  	s18 =	simm.s32 $0x2;
	s19 =	simm.s32 $0x3;
	s20 =	simm.s32 $0x80  }
0x5: {  	s21 =	simm.s32 $0x13AC0;
	s22 =	simm.s32 $0x1;
	s23 =	simm.s32 $0x4  }
0x6: {  	s6 =	sand.u32 $0x1, s0;
	s3 =	smul.u32 $0x5000, s11;
	s0 =	rddreg [dreg:$0x2]  }
0x7: {  	s24 =	simm.s32 $0x0;
	[smem:$0x7FF] =	sst s2;
	s7 =	smul.u32 $0x4E000, s11  }
0x8: {  	s12 =	smul.u32 $0x13800, s11;
	s13 =	sadd.s32 $0x69E00, s5;
	s29 =	sshll.u32 s11, $0x6  }
0x9: {  	s15 =	sadd.s32 $0x138000, s1;
	p0 =	sne.s32 s11, $0x0;
	s4 =	smul.u32 $0x2800, s6  }
0xa: {  	_ =	strace $0x80000056;
	s8 =	ssub.s32 $0x2, s6;
	s6 =	smul.u32 $0x138800, s6  }
0xb: {  	s9 =	sshrl.u32 s8, $0x1;
	s7 =	sshrl.u32 s7, $0x2;
	s3 =	sadd.s32 s4, s3  }
0xc: {  	s8 =	ssub.s32 s8, s9;
	s14 =	sadd.s32 s7, s1;
	s30 =	sadd.s32 s12, s6  }
0xd: {  	s6 =	sshrl.u32 s6, $0x3;
	s12 =	simm.s32 $0x5;
	s4 =	sshrl.u32 s3, $0x3  }
0xe: {  	s3 =	sadd.s32 $0x42C00, s5;
	s7 =	sshrl.u32 s30, $0x3;
	s31 =	sadd.s32 s13, s6  }
0xf: {  	s8 =	smax.u32 s8, $0x1;
	s11 =	sshrl.u32 s14, $0x3;
	s14 =	simm.s32 $0x138C0  }
0x10: {  	s10 =	sadd.s32 s4, s5;
	s4 =	sadd.s32 $0x40400, s5;
	s5 =	sor.u32 $0x1C05, s29  }
0x11: {  	s6 =	sadd.s32 s13, s7;
	s7 =	sadd.s32 $0x27000, s31;
	s13 =	sshrl.u32 @!p0 s15, $0x3  }
0x12: {  	s15 =	simm.s32 $0x13940;
	s9 =	sadd.s32 $0x35C00, s10;
	s10 =	sadd.s32 $0x2BC00, s10  }
.LBB2_1:
0x13: {  	[spmem:s11], [sflag:s5] =	dma.local [hbm:s4], $0x2700  }
0x14: {  	_ =	swait.ge [sflag:s12], $0x2700  }
0x15: {  	[sflag:s12] =	ssyncset.done $0x0  }
0x16: {  	s25 =	simm.s32 @!p0 $0x5;
	[sflag:s12] =	ssyncadd.s32 $0xFFFFD900  }
0x17: {  	[spmem:s13], [sflag:s5] =	dma.local @!p0 [hbm:s4], $0x100  }
0x18: {  	_ =	swait.ge @!p0 [sflag:s25], $0x100  }
0x19: {  	[sflag:s25] =	ssyncset.done @!p0 $0x0  }
0x1a: {  	[sflag:s25] =	ssyncadd.s32 @!p0 $0xFFFFFF00  }
0x1b: {  	s30 =	sadd.s32 $0x0, s9;
	[bflag:$0x0] =	sbarrier.arrive $0xFFFF  }
0x1c: {  	[tilespmem:s14], [sflag:$0x2] =	stream.linear.gather [hbm4b:s30+s2], $0x80, $0x38;
	[tilespmem:$0x17AC0] =	vst v63  }
0x1d: {  	s26 =	sadd.s32 $0x0, s10  }
0x1e: {  	[tilespmem:s15], [sflag:$0x3] =	stream.linear.gather [hbm4b:s26+s2], $0x80, $0x38;
	[tilespmem:$0x17AC0] =	vst v63  }
0x1f: {  	s25 =	sadd.s32 $0x10, s30  }
0x20: {  	[tilespmem:s16], [sflag:$0x4] =	stream.linear.gather [hbm4b:s25+s2], $0x80, $0x38;
	[tilespmem:$0x17AC0] =	vst v63  }
0x21: {  	s31 =	sadd.s32 $0x10, s26  }
0x22: {  	[tilespmem:s17], [sflag:$0x1] =	stream.linear.gather [hbm4b:s31+s2], $0x80, $0x38;
	[tilespmem:$0x17AC0] =	vst v63  }
0x23: {  	_ =	swait.ge [sflag:s18], $0x80  }
0x24: {  	[sflag:s18] =	ssyncset.done $0x0  }
0x25: {  	[sflag:s18] =	ssyncadd.s32 $0xFFFFFF80  }
0x26: {  	_ =	swait.ge [sflag:s19], $0x80  }
0x27: {  	[sflag:s19] =	ssyncset.done $0x0  }
0x28: {  	[sflag:s19] =	ssyncadd.s32 $0xFFFFFF80  }
0x29: {  	[tilespmem:s21], [sflag:$0x1] =	stream.indirect.gather [hbm4b:s3+s20], $0x80, s14, s20, $0xb8;
	[tilespmem:$0x17AC0] =	vst v63  }
0x2a: {  	_ =	swait.ge [sflag:s22], $0x4000  }
0x2b: {  	[sflag:s22] =	ssyncset.done $0x0  }
0x2c: {  	[sflag:s22] =	ssyncadd.s32 $0xFFFFC000  }
0x2d: {  	[spmem:s1] =	stream.indirect.scatter.add.f32 [tilespmem:s21], [sflag:$0x5], $0x80, s15, s20, $0xb8;
	[tilespmem:$0x17AC0] =	vst v63  }
0x2e: {  	_ =	swait.ge [sflag:s12], $0x4000  }
0x2f: {  	[sflag:s12] =	ssyncset.done $0x0  }
0x30: {  	[sflag:s12] =	ssyncadd.s32 $0xFFFFC000  }
0x31: {  	_ =	swait.ge [sflag:s23], $0x80  }
0x32: {  	[sflag:s23] =	ssyncset.done $0x0  }
0x33: {  	[sflag:s23] =	ssyncadd.s32 $0xFFFFFF80  }
0x34: {  	_ =	swait.ge [sflag:s22], $0x80  }
0x35: {  	[sflag:s22] =	ssyncset.done $0x0  }
0x36: {  	[sflag:s22] =	ssyncadd.s32 $0xFFFFFF80  }
0x37: {  	[tilespmem:s21], [sflag:$0x1] =	stream.indirect.gather [hbm4b:s3+s20], $0x80, s16, s20, $0xb8;
	[tilespmem:$0x17AC0] =	vst v63  }
0x38: {  	_ =	swait.ge [sflag:s22], $0x4000  }
0x39: {  	[sflag:s22] =	ssyncset.done $0x0  }
0x3a: {  	[sflag:s22] =	ssyncadd.s32 $0xFFFFC000  }
0x3b: {  	[spmem:s1] =	stream.indirect.scatter.add.f32 [tilespmem:s21], [sflag:$0x5], $0x80, s17, s20, $0xb8;
	[tilespmem:$0x17AC0] =	vst v63  }
0x3c: {  	_ =	swait.ge [sflag:s12], $0x4000  }
0x3d: {  	s28 =	simm.s32 $0x40;
	s25 =	simm.s32 $0x20;
	[sflag:s12] =	ssyncset.done $0x0  }
.LBB2_2:
0x3e: {  	s29 =	sadd.s32 s25, s9  }
0x3f: {  	[sflag:s12] =	ssyncadd.s32 $0xFFFFC000;
	s30 =	smov.u32 s28;
	s26 =	sadd.s32 $0x20, s28  }
0x40: {  	[tilespmem:s14], [sflag:$0x2] =	stream.linear.gather [hbm4b:s29+s2], $0x80, $0x38;
	[tilespmem:$0x17AC0] =	vst v63  }
0x41: {  	p1 =	sne.s32 s28, $0x4E0;
	s28 =	sadd.s32 s25, s10;
	s25 =	smov.u32 s30  }
0x42: {  	[tilespmem:s15], [sflag:$0x3] =	stream.linear.gather [hbm4b:s28+s2], $0x80, $0x38;
	[tilespmem:$0x17AC0] =	vst v63  }
0x43: {  	s29 =	sadd.s32 $0x10, s29  }
0x44: {  	[tilespmem:s16], [sflag:$0x4] =	stream.linear.gather [hbm4b:s29+s2], $0x80, $0x38;
	[tilespmem:$0x17AC0] =	vst v63  }
0x45: {  	s28 =	sadd.s32 $0x10, s28  }
0x46: {  	[tilespmem:s17], [sflag:$0x1] =	stream.linear.gather [hbm4b:s28+s2], $0x80, $0x38;
	[tilespmem:$0x17AC0] =	vst v63  }
0x47: {  	_ =	swait.ge [sflag:s18], $0x80  }
0x48: {  	[sflag:s18] =	ssyncset.done $0x0  }
0x49: {  	[sflag:s18] =	ssyncadd.s32 $0xFFFFFF80  }
0x4a: {  	_ =	swait.ge [sflag:s19], $0x80  }
0x4b: {  	[sflag:s19] =	ssyncset.done $0x0  }
0x4c: {  	[sflag:s19] =	ssyncadd.s32 $0xFFFFFF80  }
0x4d: {  	[tilespmem:s21], [sflag:$0x1] =	stream.indirect.gather [hbm4b:s3+s20], $0x80, s14, s20, $0xb8;
	[tilespmem:$0x17AC0] =	vst v63  }
0x4e: {  	_ =	swait.ge [sflag:s22], $0x4000  }
0x4f: {  	[sflag:s22] =	ssyncset.done $0x0  }
0x50: {  	[sflag:s22] =	ssyncadd.s32 $0xFFFFC000  }
0x51: {  	[spmem:s1] =	stream.indirect.scatter.add.f32 [tilespmem:s21], [sflag:$0x5], $0x80, s15, s20, $0xb8;
	[tilespmem:$0x17AC0] =	vst v63  }
0x52: {  	_ =	swait.ge [sflag:s12], $0x4000  }
0x53: {  	[sflag:s12] =	ssyncset.done $0x0  }
0x54: {  	[sflag:s12] =	ssyncadd.s32 $0xFFFFC000  }
0x55: {  	_ =	swait.ge [sflag:s23], $0x80  }
0x56: {  	[sflag:s23] =	ssyncset.done $0x0  }
0x57: {  	[sflag:s23] =	ssyncadd.s32 $0xFFFFFF80  }
0x58: {  	_ =	swait.ge [sflag:s22], $0x80  }
0x59: {  	[sflag:s22] =	ssyncset.done $0x0  }
0x5a: {  	[sflag:s22] =	ssyncadd.s32 $0xFFFFFF80  }
0x5b: {  	[tilespmem:s21], [sflag:$0x1] =	stream.indirect.gather [hbm4b:s3+s20], $0x80, s16, s20, $0xb8;
	[tilespmem:$0x17AC0] =	vst v63  }
0x5c: {  	_ =	swait.ge [sflag:s22], $0x4000  }
.Ltmp0:
0x5d: {  	[sflag:s22] =	ssyncset.done $0x0;
	(pc) =	sbr.rel @p1 .LBB2_2-.Ltmp0, $4  }
0x5e: {  	[sflag:s22] =	ssyncadd.s32 $0xFFFFC000  }
0x5f: {  	[spmem:s1] =	stream.indirect.scatter.add.f32 [tilespmem:s21], [sflag:$0x5], $0x80, s17, s20, $0xb8;
	[tilespmem:$0x17AC0] =	vst v63  }
0x60: {  	_ =	swait.ge [sflag:s12], $0x4000  }
0x61: {  	s28 =	smov.u32 s26;
	[sflag:s12] =	ssyncset.done $0x0  }
0x62: {  	s26 =	sadd.s32 s25, s9;
	[sflag:s12] =	ssyncadd.s32 $0xFFFFC000  }
0x63: {  	[tilespmem:s14], [sflag:$0x2] =	stream.linear.gather [hbm4b:s26+s2], $0x80, $0x38;
	[tilespmem:$0x17AC0] =	vst v63  }
0x64: {  	s31 =	sadd.s32 s25, s10  }
0x65: {  	[tilespmem:s15], [sflag:$0x3] =	stream.linear.gather [hbm4b:s31+s2], $0x80, $0x38;
	[tilespmem:$0x17AC0] =	vst v63  }
0x66: {  	s26 =	sadd.s32 $0x10, s26  }
0x67: {  	[tilespmem:s16], [sflag:$0x4] =	stream.linear.gather [hbm4b:s26+s2], $0x80, $0x38;
	[tilespmem:$0x17AC0] =	vst v63  }
0x68: {  	s25 =	sadd.s32 $0x10, s31  }
0x69: {  	[tilespmem:s17], [sflag:$0x1] =	stream.linear.gather [hbm4b:s25+s2], $0x80, $0x38;
	[tilespmem:$0x17AC0] =	vst v63  }
0x6a: {  	_ =	swait.ge [sflag:s18], $0x80  }
0x6b: {  	[sflag:s18] =	ssyncset.done $0x0  }
0x6c: {  	[sflag:s18] =	ssyncadd.s32 $0xFFFFFF80  }
0x6d: {  	_ =	swait.ge [sflag:s19], $0x80  }
0x6e: {  	[sflag:s19] =	ssyncset.done $0x0  }
0x6f: {  	[sflag:s19] =	ssyncadd.s32 $0xFFFFFF80  }
0x70: {  	[tilespmem:s21], [sflag:$0x1] =	stream.indirect.gather [hbm4b:s3+s20], $0x80, s14, s20, $0xb8;
	[tilespmem:$0x17AC0] =	vst v63  }
0x71: {  	_ =	swait.ge [sflag:s22], $0x4000  }
0x72: {  	[sflag:s22] =	ssyncset.done $0x0  }
0x73: {  	[sflag:s22] =	ssyncadd.s32 $0xFFFFC000  }
0x74: {  	[spmem:s1] =	stream.indirect.scatter.add.f32 [tilespmem:s21], [sflag:$0x5], $0x80, s15, s20, $0xb8;
	[tilespmem:$0x17AC0] =	vst v63  }
0x75: {  	_ =	swait.ge [sflag:s12], $0x4000  }
0x76: {  	[sflag:s12] =	ssyncset.done $0x0  }
0x77: {  	[sflag:s12] =	ssyncadd.s32 $0xFFFFC000  }
0x78: {  	_ =	swait.ge [sflag:s23], $0x80  }
0x79: {  	[sflag:s23] =	ssyncset.done $0x0  }
0x7a: {  	[sflag:s23] =	ssyncadd.s32 $0xFFFFFF80  }
0x7b: {  	_ =	swait.ge [sflag:s22], $0x80  }
0x7c: {  	[sflag:s22] =	ssyncset.done $0x0  }
0x7d: {  	[sflag:s22] =	ssyncadd.s32 $0xFFFFFF80  }
0x7e: {  	[tilespmem:s21], [sflag:$0x1] =	stream.indirect.gather [hbm4b:s3+s20], $0x80, s16, s20, $0xb8;
	[tilespmem:$0x17AC0] =	vst v63  }
0x7f: {  	_ =	swait.ge [sflag:s22], $0x4000  }
0x80: {  	[sflag:s22] =	ssyncset.done $0x0  }
0x81: {  	[sflag:s22] =	ssyncadd.s32 $0xFFFFC000  }
0x82: {  	[spmem:s1] =	stream.indirect.scatter.add.f32 [tilespmem:s21], [sflag:$0x5], $0x80, s17, s20, $0xb8;
	[tilespmem:$0x17AC0] =	vst v63  }
0x83: {  	_ =	swait.ge [sflag:s12], $0x4000  }
0x84: {  	[sflag:s12] =	ssyncset.done $0x0  }
0x85: {  	[sflag:s12] =	ssyncadd.s32 $0xFFFFC000  }
0x86: {  	[bflag:$0x0] =	sbarrier.arrive $0xFFFF  }
0x87: {  	[hbm:s6], [sflag:s5] =	dma.local [spmem:s11], $0x2700  }
0x88: {  	s24 =	sadd.s32 $0x1, s24;
	_ =	swait.ge [sflag:s12], $0x2700  }
0x89: {  	p1 =	sne.s32 s24, s8;
	[sflag:s12] =	ssyncset.done $0x0  }
.Ltmp1:
0x8a: {  	s25 =	simm.s32 @!p0 $0x5;
	[sflag:s12] =	ssyncadd.s32 $0xFFFFD900;
	(pc) =	sbr.rel @p1 .LBB2_1-.Ltmp1, $4  }
0x8b: {  	[hbm:s7], [sflag:s5] =	dma.local @!p0 [spmem:s13], $0x100  }
0x8c: {  	_ =	swait.ge @!p0 [sflag:s25], $0x100  }
0x8d: {  	[sflag:s25] =	ssyncset.done @!p0 $0x0  }
0x8e: {  	[sflag:s25] =	ssyncadd.s32 @!p0 $0xFFFFFF00  }
0x8f: {  	_ =	sfence.sel $0x180000  }
0x90: {  	[bflag:$0x0] =	sbarrier.arrive $0xFFFF  }
0x91: {  	_ =	strace $0x90000056  }
0x92: {  	s0 =	sadd.s32 @!p0 $0x100000, s0;
	[bflag:$0x2] =	sbarrier.arrive $0xFFFF  }
0x93: {  	[sflag:s0] =	ssyncadd.tile.s32 @!p0 $0x1;
	_ =	shalt  }
.Lfunc_end2:
_tile_overlayer_lowered:
.L_overlay_start_2:
0x94: {  	(tag) =	ssettag $0x2  }
0x95: {  	s0 =	rddreg [dreg:$0x0];
	s2 =	stileid.u32  }
0x96: {  	s1 =	rddreg [dreg:$0x1];
	p0 =	sne.s32 s2, $0x0  }
0x97: {  	s3 =	rddreg [dreg:$0x2];
	[bflag:$0x3] =	sbarrier.arrive $0xFFFF;
	s2 =	simm.s32 @!p0 $0x1C05  }
0x98: {  	[timem:s3], [sflag:s2] =	dma.local @!p0 [hbm:s0], s1  }
0x99: {  	s0 =	simm.s32 @!p0 $0x5  }
0x9a: {  	_ =	swait.ge @!p0 [sflag:s0], s1  }
0x9b: {  	s1 =	ssub.s32 @!p0 $0x0, s1;
	[sflag:s0] =	ssyncset.done @!p0 $0x0  }
0x9c: {  	[sflag:s0] =	ssyncadd.s32 @!p0 s1  }
0x9d: {  	[bflag:$0x3] =	sbarrier.arrive $0xFFFF  }
0x9e: {  	_ =	shalt  }

// kernel: kernel.37.cloned.1.call-start
scs
__scs_entry_jumppad:
0x0: {  	(pc) =	sbr.rel $0x88, $3  }
0x1: {  	(tag) =	ssettag $0x0;
	lr =	simm.s32 $0x1  }
0x2: {  	[smem:$0x3F9E] =	sst lr;
	_ =	strace $0xD0000000  }
0x3: {  	_ = 	snop  }
0x4: {  	_ = 	snop  }
0x5: {  	_ = 	snop  }
0x6: {  	_ = 	snop  }
0x7: {  	_ = 	snop  }
__scs_overlays_trampoline_lowered:
0x8: {  	[smem:$0x3FAD] =	sst s0  }
0x9: {  	[smem:$0x3FAE] =	sst s1  }
0xa: {  	[smem:$0x3FAF] =	sst s2  }
0xb: {  	[smem:$0x3FB0] =	sst s3  }
0xc: {  	[smem:$0x3FB1] =	sst s4  }
0xd: {  	[smem:$0x3FB2] =	sst s5  }
0xe: {  	[smem:$0x3FB3] =	sst s6  }
0xf: {  	[smem:$0x3FB4] =	sst s7  }
0x10: {  	[smem:$0x3FB5] =	sst s8  }
0x11: {  	[smem:$0x3FB6] =	sst s9;
	s0 =	simm.s32 @!p0 $0x0  }
0x12: {  	s1 =	sld [smem:$0x3F9C];
	s0 =	simm.s32 @p0 $0x1  }
0x13: {  	[smem:$0x3FB7] =	sst s0;
	s0 =	simm.s32 @!p1 $0x0  }
0x14: {  	s2 =	sld [smem:$0x3F9B];
	s0 =	simm.s32 @p1 $0x1  }
0x15: {  	[smem:$0x3FB8] =	sst s0;
	s0 =	simm.s32 @!p2 $0x0  }
0x16: {  	s3 =	sld [smem:$0x3FDB];
	s0 =	simm.s32 @p2 $0x1  }
0x17: {  	s4 =	simm.s32 $0x1BF5;
	[smem:$0x3FBA] =	sst s0  }
0x18: {  	s0 =	sld [smem:$0x3F9D];
	_ =	swait.ge [sflag:s4], $0x0  }
0x19: {  	s7 =	sld [smem:$0x3F9E]  }
0x1a: {  	s8 =	sadd.s32 $0xFFFFE003, lr  }
0x1b: {  	s9 =	sadd.s32 $0xFFFFFEF7, lr;
	s5 =	simm.s32 $0xFFFFFFFF;
	p2 =	slt.u32 s8, $0xFFFFF086  }
0x1c: {  	p1 =	slt.u32 s9, $0xF7A;
	s5 =	simm.s32 @!p2 $0x0  }
0x1d: {  	s5 =	simm.s32 @p1 $0x1;
	p0 =	seq.s32 s7, s2  }
0x1e: {  	s7 =	smul.u32 @!p0 $0xF7A, s2;
	p2 =	seq.s32 @!p0 s5, $0x0  }
0x1f: {  	s9 =	smul.u32 $0xF7A, s1;
	s8 =	simm.s32 @!p0 $0x1BF5;
	p2 =	por !p2, p0  }
0x20: {  	[sflag:s8] =	ssyncset.s32 @!p0 $0xFFFFF086;
	s6 =	sadd.s32 @!p0 s3, s7;
	s7 =	simm.s32 @!p0 $0x108  }
0x21: {  	s3 =	sadd.s32 s3, s9;
	s6 =	sadd.s32 @!p0 $0x88, s6;
	s7 =	simm.s32 @p2 $0x1082  }
0x22: {  	[simem:s7], [sflag:s8] =	dma.local @!p0 [hbm:s6], $0xF7A  }
0x23: {  	s9 =	sor.u32 $0xD0000000, s2;
	s6 =	simm.s32 $0x108;
	_ =	swait.ge @!p0 [sflag:s8], $0x0  }
0x24: {  	s3 =	sadd.s32 $0x88, s3;
	s6 =	simm.s32 @!p1 $0x1082;
	[sflag:s4] =	ssyncset.s32 $0xFFFFF086  }
0x25: {  	[simem:s6], [sflag:s4] =	dma.local [hbm:s3], $0xF7A  }
0x26: {  	[smem:$0x3F9E] =	sst s1;
	(tag) =	ssettag s2;
	_ =	strace s9  }
0x27: {  	s1 =	sld [smem:$0x3FAE]  }
0x28: {  	s2 =	sld [smem:$0x3FAF]  }
0x29: {  	s4 =	sld [smem:$0x3FB1]  }
0x2a: {  	p0 =	seq.s32 s5, $0x0;
	s5 =	sld [smem:$0x3FB2]  }
0x2b: {  	s6 =	sld [smem:$0x3FB3]  }
0x2c: {  	s7 =	sld [smem:$0x3FB4]  }
0x2d: {  	s3 =	simm.s32 $0x108;
	s8 =	sld [smem:$0x3FB5]  }
0x2e: {  	s3 =	simm.s32 @!p0 $0x1082;
	s9 =	sld [smem:$0x3FB6]  }
0x2f: {  	lr =	sadd.s32 s0, s3;
	s0 =	sld [smem:$0x3FAD]  }
0x30: {  	s3 =	sld [smem:$0x3FB0]  }
0x31: {  	[smem:$0x3FB9] =	sst s10  }
0x32: {  	s10 =	sld [smem:$0x3FB7];
	_ =	sdelay $0x3  }
0x33: {  	p0 =	seq.s32 s10, $0x1;
	s10 =	sld [smem:$0x3FB9];
	_ =	sdelay $0x3  }
0x34: {  	[smem:$0x3FB9] =	sst s10  }
0x35: {  	s10 =	sld [smem:$0x3FB8];
	_ =	sdelay $0x3  }
0x36: {  	p1 =	seq.s32 s10, $0x1;
	s10 =	sld [smem:$0x3FB9];
	_ =	sdelay $0x3  }
0x37: {  	[smem:$0x3FB9] =	sst s10  }
0x38: {  	s10 =	sld [smem:$0x3FBA]  }
0x39: {  	_ = 	snop;
	(pc) =	sbr.ind lr, $3  }
0x3a: {  	_ = 	snop  }
0x3b: {  	_ = 	snop  }
0x3c: {  	p2 =	seq.s32 s10, $0x1;
	s10 =	sld [smem:$0x3FB9]  }
0x3d: {  	_ =	shalt  }
0x3e: {  	_ =	shalt  }
0x3f: {  	_ =	shalt  }
0x40: {  	_ =	shalt  }
0x41: {  	_ =	shalt  }
0x42: {  	_ =	shalt  }
0x43: {  	_ =	shalt  }
0x44: {  	_ =	shalt  }
0x45: {  	_ =	shalt  }
0x46: {  	_ =	shalt  }
0x47: {  	_ =	shalt  }
0x48: {  	_ =	shalt  }
0x49: {  	_ =	shalt  }
0x4a: {  	_ =	shalt  }
0x4b: {  	_ =	shalt  }
0x4c: {  	_ =	shalt  }
0x4d: {  	_ =	shalt  }
0x4e: {  	_ =	shalt  }
0x4f: {  	_ =	shalt  }
0x50: {  	_ =	shalt  }
0x51: {  	_ =	shalt  }
0x52: {  	_ =	shalt  }
0x53: {  	_ =	shalt  }
0x54: {  	_ =	shalt  }
0x55: {  	_ =	shalt  }
0x56: {  	_ =	shalt  }
0x57: {  	_ =	shalt  }
0x58: {  	_ =	shalt  }
0x59: {  	_ =	shalt  }
0x5a: {  	_ =	shalt  }
0x5b: {  	_ =	shalt  }
0x5c: {  	_ =	shalt  }
0x5d: {  	_ =	shalt  }
0x5e: {  	_ =	shalt  }
0x5f: {  	_ =	shalt  }
0x60: {  	_ =	shalt  }
0x61: {  	_ =	shalt  }
0x62: {  	_ =	shalt  }
0x63: {  	_ =	shalt  }
0x64: {  	_ =	shalt  }
0x65: {  	_ =	shalt  }
0x66: {  	_ =	shalt  }
0x67: {  	_ =	shalt  }
0x68: {  	_ =	shalt  }
0x69: {  	_ =	shalt  }
0x6a: {  	_ =	shalt  }
0x6b: {  	_ =	shalt  }
0x6c: {  	_ =	shalt  }
0x6d: {  	_ =	shalt  }
0x6e: {  	_ =	shalt  }
0x6f: {  	_ =	shalt  }
0x70: {  	_ =	shalt  }
0x71: {  	_ =	shalt  }
0x72: {  	_ =	shalt  }
0x73: {  	_ =	shalt  }
0x74: {  	_ =	shalt  }
0x75: {  	_ =	shalt  }
0x76: {  	_ =	shalt  }
0x77: {  	_ =	shalt  }
0x78: {  	_ =	shalt  }
0x79: {  	_ =	shalt  }
0x7a: {  	_ =	shalt  }
0x7b: {  	_ =	shalt  }
0x7c: {  	_ =	shalt  }
0x7d: {  	_ =	shalt  }
0x7e: {  	_ =	shalt  }
0x7f: {  	_ =	shalt  }
0x80: {  	_ =	shalt  }
0x81: {  	_ =	shalt  }
0x82: {  	_ =	shalt  }
0x83: {  	_ =	shalt  }
0x84: {  	_ =	shalt  }
0x85: {  	_ =	shalt  }
0x86: {  	_ =	shalt  }
0x87: {  	_ =	shalt  }
.Lfunc_end0:
.L_simem_size_0:
called_computation.6_lowered:
.L_overlay_start_0:
0x88: {  	s2 =	sld [smem:$0x3FD9]  }
0x89: {  	s3 =	sld [smem:$0x3FFE];
	_ =	sdelay $0x1  }
0x8a: {  	s1 =	srdreg.scid  }
0x8b: {  	s0 =	sand.u32 $0x1, s1  }
0x8c: {  	s17 =	sshll.u32 s0, $0xA;
	s2 =	sadd.s32 s3, s2  }
0x8d: {  	s2 =	sadd.s32 s2, s17  }
0x8e: {  	[smem:$0x3FC5] =	sst s2  }
0x8f: {  	_ = 	snop  }
0x90: {  	(tm) =	ssettm $0x1  }
0x91: {  	s18 =	sld [smem:$0x3FFB];
	_ =	sdelay $0x3  }
0x92: {  	_ =	strace s18  }
0x93: {  	s2 =	sld [smem:$0x3FFC];
	_ =	sdelay $0x3  }
0x94: {  	_ =	strace s2  }
0x95: {  	s2 =	sld [smem:$0x3FFD];
	_ =	sdelay $0x3  }
0x96: {  	_ =	strace s2  }
0x97: {  	_ =	strace $0x8FFFFFFF  }
0x98: {  	s19 =	sld [smem:$0x3FDB];
	_ =	sdelay $0x1  }
0x99: {  	s20 =	simm.s32 $_scs_section_size  }
0x9a: {  	s4 =	simm.s32 $_size__tile_overlayer_lowered;
	s5 =	simm.s32 $_tile_overlayer_lowered  }
0x9b: {  	s6 =	simm.s32 $0x1BFF;
	s21 =	sshll.u32 s5, $0x1;
	s3 =	sadd.s32 s20, s19  }
0x9c: {  	s22 =	simm.s32 $0x0;
	s4 =	sshll.u32 s4, $0x1;
	s5 =	sadd.s32 s21, s3  }
0x9d: {  	[timem:s22], [sflag:s6] =	dma.local [hbm:s5], s4  }
0x9e: {  	_ =	swait.ge [sflag:s6], s4  }
0x9f: {  	s4 =	ssub.s32 $0x0, s4;
	[sflag:s6] =	ssyncset.done $0x0  }
0xa0: {  	[sflag:s6] =	ssyncadd.s32 s4;
	_ =	sdelay $0x1  }
0xa1: {  	s23 =	simm.s32 $0x1B8B  }
0xa2: {  	_ =	swait.ge [sflag:s23], $0x1  }
0xa3: {  	[sflag:s23] =	ssyncset.done $0x0  }
0xa4: {  	[sflag:s23] =	ssyncadd.s32 $0xFFFFFFFF  }
0xa5: {  	s4 =	sld [smem:$0x0]  }
0xa6: {  	s5 =	sand.u32 $0xFFFFFFFE, s1  }
0xa7: {  	p0 =	sne.s32 s1, s5  }
0xa8: {  	s5 =	sshll.u32 @p0 s5, $0xE  }
0xa9: {  	s5 =	sadd.s32 @p0 $0x11B8D, s5;
	s6 =	sshll.u32 @p0 s4, $0x11  }
0xaa: {  	s5 =	sor.u32 @p0 s6, s5  }
0xab: {  	[sflag:s5] =	ssyncadd.remote.s32 @p0 $0x1;
	_ =	sdelay $0x1  }
0xac: {  	s5 =	simm.s32 @p0 $0x1B8D  }
0xad: {  	_ =	swait.eq @p0 [sflag:s5], $0x1  }
0xae: {  	[sflag:s5] =	ssyncadd.s32 @p0 $0xFFFFFFFF  }
0xaf: {  	s6 =	sshll.u32 @!p0 s1, $0xE  }
0xb0: {  	s6 =	sor.u32 @!p0 $0x4000, s6;
	s5 =	simm.s32 @!p0 $0x1B8D  }
0xb1: {  	s4 =	sshll.u32 @!p0 s4, $0x11;
	s6 =	sadd.s32 @!p0 $0x11B8D, s6;
	_ =	swait.eq @!p0 [sflag:s5], $0x1  }
0xb2: {  	s4 =	sor.u32 @!p0 s4, s6;
	[sflag:s5] =	ssyncadd.s32 @!p0 $0xFFFFFFFF  }
0xb3: {  	s25 =	simm.s32 $0x1B8E;
	s24 =	sld [smem:$0x3FFE];
	[sflag:s4] =	ssyncadd.remote.s32 @!p0 $0x1  }
0xb4: {  	s26 =	simm.s32 $execute0_lowered;
	[smem:$0x3FD2] =	sst s25  }
0xb5: {  	s5 =	sshll.u32 s26, $0x1;
	_ =	strace $0x8000005B;
	[dreg:$0x1] =	wrdreg $0xFFFFFFFF  }
0xb6: {  	s28 =	simm.s32 $_size_execute0_lowered;
	s3 =	sadd.s32 s3, s5;
	[dreg:$0x0] =	wrdreg $0x0  }
0xb7: {  	s5 =	sshll.u32 s28, $0x1;
	[dreg:$0x2] =	wrdreg s3  }
0xb8: {  	[dreg:$0x3] =	wrdreg s5  }
0xb9: {  	[dreg:$0x4] =	wrdreg $0xC0  }
0xba: {  	_ =	task [dreg:s22], $0x5FFFF  }
0xbb: {  	[dreg:$0x1] =	wrdreg $0xFFFFFFFF  }
0xbc: {  	[dreg:$0x0] =	wrdreg $0x60  }
0xbd: {  	[dreg:$0x2] =	wrdreg s24  }
0xbe: {  	[dreg:$0x3] =	wrdreg $0x0  }
0xbf: {  	[dreg:$0x4] =	wrdreg $0x9  }
0xc0: {  	_ =	task.clear_ibuf [dreg:s22], $0x5FFFF;
	_ =	strace $0x9000005B  }
0xc1: {  	s29 =	simm.s32 $0x9;
	_ =	strace $0x8000005D  }
0xc2: {  	_ =	swait.ge [sflag:s29], $0x1  }
0xc3: {  	[sflag:s29] =	ssyncadd.s32 $0xFFFFFFFF  }
0xc4: {  	_ =	strace $0x9000005D  }
0xc5: {  	_ =	sfence  }
0xc6: {  	s30 =	sld [smem:$0x0];
	_ =	sdelay $0x2  }
0xc7: {  	s31 =	sshll.u32 s1, $0xD;
	s1 =	sshrl.u32 s1, $0x2  }
0xc8: {  	s4 =	sand.u32 $0x4000, s31;
	s1 =	sadd.s32 s1, s30  }
0xc9: {  	s0 =	sor.u32 s4, s0;
	s1 =	sshll.u32 s1, $0x11  }
0xca: {  	s0 =	sor.u32 s1, s0  }
0xcb: {  	s0 =	sadd.s32 $0x8F2B, s0  }
0xcc: {  	[sflag:s0] =	ssyncadd.remote.s32 $0x1  }
0xcd: {  	_ =	sfence.sel $0xFFFF  }
0xce: {  	[dreg:$0x0] =	wrdreg $0xFFFFFFFF;
	(pc) =	sbr.abs _section_cstart, $3  }
0xcf: {  	[dreg:$0x1] =	wrdreg $0xFFFFFFFF  }
0xd0: {  	_ =	task.clear_ibuf [dreg:s22], $0x2FFFF;
	_ =	strace $0x9FFFFFFF  }
0xd1: {  	(tm) =	ssettm $0x7FFFFFFF  }
tec
execute0_lowered:
.L_overlay_start_1:
0x0: {  	(tag) =	ssettag $0x1  }
0x1: {  	s0 =	srdreg.scid;
	s5 =	rddreg [dreg:$0x0]  }
0x2: {  	s11 =	stileid.u32;
	s1 =	rddreg [dreg:$0x1]  }
0x3: {  	s2 =	simm.s32 $0x0;
	s16 =	simm.s32 $0x139C0;
	s17 =	simm.s32 $0x13A40  }
0x4: {  	s18 =	simm.s32 $0x2;
	s19 =	simm.s32 $0x3;
	s20 =	simm.s32 $0x80  }
0x5: {  	s21 =	simm.s32 $0x13AC0;
	s22 =	simm.s32 $0x1;
	s23 =	simm.s32 $0x4  }
0x6: {  	s6 =	sand.u32 $0x1, s0;
	s3 =	smul.u32 $0x5000, s11;
	s0 =	rddreg [dreg:$0x2]  }
0x7: {  	s24 =	simm.s32 $0x0;
	[smem:$0x7FF] =	sst s2;
	s7 =	smul.u32 $0x4E000, s11  }
0x8: {  	s12 =	smul.u32 $0x13800, s11;
	s13 =	sadd.s32 $0x69E00, s5;
	s29 =	sshll.u32 s11, $0x6  }
0x9: {  	s15 =	sadd.s32 $0x138000, s1;
	p0 =	sne.s32 s11, $0x0;
	s4 =	smul.u32 $0x2800, s6  }
0xa: {  	_ =	strace $0x8000005C;
	s8 =	ssub.s32 $0x2, s6;
	s6 =	smul.u32 $0x138800, s6  }
0xb: {  	s9 =	sshrl.u32 s8, $0x1;
	s7 =	sshrl.u32 s7, $0x2;
	s3 =	sadd.s32 s4, s3  }
0xc: {  	s8 =	ssub.s32 s8, s9;
	s14 =	sadd.s32 s7, s1;
	s30 =	sadd.s32 s12, s6  }
0xd: {  	s6 =	sshrl.u32 s6, $0x3;
	s12 =	simm.s32 $0x5;
	s4 =	sshrl.u32 s3, $0x3  }
0xe: {  	s3 =	sadd.s32 $0x42C00, s5;
	s7 =	sshrl.u32 s30, $0x3;
	s31 =	sadd.s32 s13, s6  }
0xf: {  	s8 =	smax.u32 s8, $0x1;
	s11 =	sshrl.u32 s14, $0x3;
	s14 =	simm.s32 $0x138C0  }
0x10: {  	s10 =	sadd.s32 s4, s5;
	s4 =	sadd.s32 $0x40400, s5;
	s5 =	sor.u32 $0x1C05, s29  }
0x11: {  	s6 =	sadd.s32 s13, s7;
	s7 =	sadd.s32 $0x27000, s31;
	s13 =	sshrl.u32 @!p0 s15, $0x3  }
0x12: {  	s15 =	simm.s32 $0x13940;
	s9 =	sadd.s32 $0x17C00, s10;
	s10 =	sadd.s32 $0x21C00, s10  }
.LBB2_1:
0x13: {  	[spmem:s11], [sflag:s5] =	dma.local [hbm:s4], $0x2700  }
0x14: {  	_ =	swait.ge [sflag:s12], $0x2700  }
0x15: {  	[sflag:s12] =	ssyncset.done $0x0  }
0x16: {  	s25 =	simm.s32 @!p0 $0x5;
	[sflag:s12] =	ssyncadd.s32 $0xFFFFD900  }
0x17: {  	[spmem:s13], [sflag:s5] =	dma.local @!p0 [hbm:s4], $0x100  }
0x18: {  	_ =	swait.ge @!p0 [sflag:s25], $0x100  }
0x19: {  	[sflag:s25] =	ssyncset.done @!p0 $0x0  }
0x1a: {  	[sflag:s25] =	ssyncadd.s32 @!p0 $0xFFFFFF00  }
0x1b: {  	s30 =	sadd.s32 $0x0, s9;
	[bflag:$0x0] =	sbarrier.arrive $0xFFFF  }
0x1c: {  	[tilespmem:s14], [sflag:$0x2] =	stream.linear.gather [hbm4b:s30+s2], $0x80, $0x38;
	[tilespmem:$0x17AC0] =	vst v63  }
0x1d: {  	s26 =	sadd.s32 $0x0, s10  }
0x1e: {  	[tilespmem:s15], [sflag:$0x3] =	stream.linear.gather [hbm4b:s26+s2], $0x80, $0x38;
	[tilespmem:$0x17AC0] =	vst v63  }
0x1f: {  	s25 =	sadd.s32 $0x10, s30  }
0x20: {  	[tilespmem:s16], [sflag:$0x4] =	stream.linear.gather [hbm4b:s25+s2], $0x80, $0x38;
	[tilespmem:$0x17AC0] =	vst v63  }
0x21: {  	s31 =	sadd.s32 $0x10, s26  }
0x22: {  	[tilespmem:s17], [sflag:$0x1] =	stream.linear.gather [hbm4b:s31+s2], $0x80, $0x38;
	[tilespmem:$0x17AC0] =	vst v63  }
0x23: {  	_ =	swait.ge [sflag:s18], $0x80  }
0x24: {  	[sflag:s18] =	ssyncset.done $0x0  }
0x25: {  	[sflag:s18] =	ssyncadd.s32 $0xFFFFFF80  }
0x26: {  	_ =	swait.ge [sflag:s19], $0x80  }
0x27: {  	[sflag:s19] =	ssyncset.done $0x0  }
0x28: {  	[sflag:s19] =	ssyncadd.s32 $0xFFFFFF80  }
0x29: {  	[tilespmem:s21], [sflag:$0x1] =	stream.indirect.gather [hbm4b:s3+s20], $0x80, s14, s20, $0xb8;
	[tilespmem:$0x17AC0] =	vst v63  }
0x2a: {  	_ =	swait.ge [sflag:s22], $0x4000  }
0x2b: {  	[sflag:s22] =	ssyncset.done $0x0  }
0x2c: {  	[sflag:s22] =	ssyncadd.s32 $0xFFFFC000  }
0x2d: {  	[spmem:s1] =	stream.indirect.scatter.add.f32 [tilespmem:s21], [sflag:$0x5], $0x80, s15, s20, $0xb8;
	[tilespmem:$0x17AC0] =	vst v63  }
0x2e: {  	_ =	swait.ge [sflag:s12], $0x4000  }
0x2f: {  	[sflag:s12] =	ssyncset.done $0x0  }
0x30: {  	[sflag:s12] =	ssyncadd.s32 $0xFFFFC000  }
0x31: {  	_ =	swait.ge [sflag:s23], $0x80  }
0x32: {  	[sflag:s23] =	ssyncset.done $0x0  }
0x33: {  	[sflag:s23] =	ssyncadd.s32 $0xFFFFFF80  }
0x34: {  	_ =	swait.ge [sflag:s22], $0x80  }
0x35: {  	[sflag:s22] =	ssyncset.done $0x0  }
0x36: {  	[sflag:s22] =	ssyncadd.s32 $0xFFFFFF80  }
0x37: {  	[tilespmem:s21], [sflag:$0x1] =	stream.indirect.gather [hbm4b:s3+s20], $0x80, s16, s20, $0xb8;
	[tilespmem:$0x17AC0] =	vst v63  }
0x38: {  	_ =	swait.ge [sflag:s22], $0x4000  }
0x39: {  	[sflag:s22] =	ssyncset.done $0x0  }
0x3a: {  	[sflag:s22] =	ssyncadd.s32 $0xFFFFC000  }
0x3b: {  	[spmem:s1] =	stream.indirect.scatter.add.f32 [tilespmem:s21], [sflag:$0x5], $0x80, s17, s20, $0xb8;
	[tilespmem:$0x17AC0] =	vst v63  }
0x3c: {  	_ =	swait.ge [sflag:s12], $0x4000  }
0x3d: {  	s28 =	simm.s32 $0x40;
	s25 =	simm.s32 $0x20;
	[sflag:s12] =	ssyncset.done $0x0  }
.LBB2_2:
0x3e: {  	s29 =	sadd.s32 s25, s9  }
0x3f: {  	[sflag:s12] =	ssyncadd.s32 $0xFFFFC000;
	s30 =	smov.u32 s28;
	s26 =	sadd.s32 $0x20, s28  }
0x40: {  	[tilespmem:s14], [sflag:$0x2] =	stream.linear.gather [hbm4b:s29+s2], $0x80, $0x38;
	[tilespmem:$0x17AC0] =	vst v63  }
0x41: {  	p1 =	sne.s32 s28, $0x4E0;
	s28 =	sadd.s32 s25, s10;
	s25 =	smov.u32 s30  }
0x42: {  	[tilespmem:s15], [sflag:$0x3] =	stream.linear.gather [hbm4b:s28+s2], $0x80, $0x38;
	[tilespmem:$0x17AC0] =	vst v63  }
0x43: {  	s29 =	sadd.s32 $0x10, s29  }
0x44: {  	[tilespmem:s16], [sflag:$0x4] =	stream.linear.gather [hbm4b:s29+s2], $0x80, $0x38;
	[tilespmem:$0x17AC0] =	vst v63  }
0x45: {  	s28 =	sadd.s32 $0x10, s28  }
0x46: {  	[tilespmem:s17], [sflag:$0x1] =	stream.linear.gather [hbm4b:s28+s2], $0x80, $0x38;
	[tilespmem:$0x17AC0] =	vst v63  }
0x47: {  	_ =	swait.ge [sflag:s18], $0x80  }
0x48: {  	[sflag:s18] =	ssyncset.done $0x0  }
0x49: {  	[sflag:s18] =	ssyncadd.s32 $0xFFFFFF80  }
0x4a: {  	_ =	swait.ge [sflag:s19], $0x80  }
0x4b: {  	[sflag:s19] =	ssyncset.done $0x0  }
0x4c: {  	[sflag:s19] =	ssyncadd.s32 $0xFFFFFF80  }
0x4d: {  	[tilespmem:s21], [sflag:$0x1] =	stream.indirect.gather [hbm4b:s3+s20], $0x80, s14, s20, $0xb8;
	[tilespmem:$0x17AC0] =	vst v63  }
0x4e: {  	_ =	swait.ge [sflag:s22], $0x4000  }
0x4f: {  	[sflag:s22] =	ssyncset.done $0x0  }
0x50: {  	[sflag:s22] =	ssyncadd.s32 $0xFFFFC000  }
0x51: {  	[spmem:s1] =	stream.indirect.scatter.add.f32 [tilespmem:s21], [sflag:$0x5], $0x80, s15, s20, $0xb8;
	[tilespmem:$0x17AC0] =	vst v63  }
0x52: {  	_ =	swait.ge [sflag:s12], $0x4000  }
0x53: {  	[sflag:s12] =	ssyncset.done $0x0  }
0x54: {  	[sflag:s12] =	ssyncadd.s32 $0xFFFFC000  }
0x55: {  	_ =	swait.ge [sflag:s23], $0x80  }
0x56: {  	[sflag:s23] =	ssyncset.done $0x0  }
0x57: {  	[sflag:s23] =	ssyncadd.s32 $0xFFFFFF80  }
0x58: {  	_ =	swait.ge [sflag:s22], $0x80  }
0x59: {  	[sflag:s22] =	ssyncset.done $0x0  }
0x5a: {  	[sflag:s22] =	ssyncadd.s32 $0xFFFFFF80  }
0x5b: {  	[tilespmem:s21], [sflag:$0x1] =	stream.indirect.gather [hbm4b:s3+s20], $0x80, s16, s20, $0xb8;
	[tilespmem:$0x17AC0] =	vst v63  }
0x5c: {  	_ =	swait.ge [sflag:s22], $0x4000  }
.Ltmp0:
0x5d: {  	[sflag:s22] =	ssyncset.done $0x0;
	(pc) =	sbr.rel @p1 .LBB2_2-.Ltmp0, $4  }
0x5e: {  	[sflag:s22] =	ssyncadd.s32 $0xFFFFC000  }
0x5f: {  	[spmem:s1] =	stream.indirect.scatter.add.f32 [tilespmem:s21], [sflag:$0x5], $0x80, s17, s20, $0xb8;
	[tilespmem:$0x17AC0] =	vst v63  }
0x60: {  	_ =	swait.ge [sflag:s12], $0x4000  }
0x61: {  	s28 =	smov.u32 s26;
	[sflag:s12] =	ssyncset.done $0x0  }
0x62: {  	s26 =	sadd.s32 s25, s9;
	[sflag:s12] =	ssyncadd.s32 $0xFFFFC000  }
0x63: {  	[tilespmem:s14], [sflag:$0x2] =	stream.linear.gather [hbm4b:s26+s2], $0x80, $0x38;
	[tilespmem:$0x17AC0] =	vst v63  }
0x64: {  	s31 =	sadd.s32 s25, s10  }
0x65: {  	[tilespmem:s15], [sflag:$0x3] =	stream.linear.gather [hbm4b:s31+s2], $0x80, $0x38;
	[tilespmem:$0x17AC0] =	vst v63  }
0x66: {  	s26 =	sadd.s32 $0x10, s26  }
0x67: {  	[tilespmem:s16], [sflag:$0x4] =	stream.linear.gather [hbm4b:s26+s2], $0x80, $0x38;
	[tilespmem:$0x17AC0] =	vst v63  }
0x68: {  	s25 =	sadd.s32 $0x10, s31  }
0x69: {  	[tilespmem:s17], [sflag:$0x1] =	stream.linear.gather [hbm4b:s25+s2], $0x80, $0x38;
	[tilespmem:$0x17AC0] =	vst v63  }
0x6a: {  	_ =	swait.ge [sflag:s18], $0x80  }
0x6b: {  	[sflag:s18] =	ssyncset.done $0x0  }
0x6c: {  	[sflag:s18] =	ssyncadd.s32 $0xFFFFFF80  }
0x6d: {  	_ =	swait.ge [sflag:s19], $0x80  }
0x6e: {  	[sflag:s19] =	ssyncset.done $0x0  }
0x6f: {  	[sflag:s19] =	ssyncadd.s32 $0xFFFFFF80  }
0x70: {  	[tilespmem:s21], [sflag:$0x1] =	stream.indirect.gather [hbm4b:s3+s20], $0x80, s14, s20, $0xb8;
	[tilespmem:$0x17AC0] =	vst v63  }
0x71: {  	_ =	swait.ge [sflag:s22], $0x4000  }
0x72: {  	[sflag:s22] =	ssyncset.done $0x0  }
0x73: {  	[sflag:s22] =	ssyncadd.s32 $0xFFFFC000  }
0x74: {  	[spmem:s1] =	stream.indirect.scatter.add.f32 [tilespmem:s21], [sflag:$0x5], $0x80, s15, s20, $0xb8;
	[tilespmem:$0x17AC0] =	vst v63  }
0x75: {  	_ =	swait.ge [sflag:s12], $0x4000  }
0x76: {  	[sflag:s12] =	ssyncset.done $0x0  }
0x77: {  	[sflag:s12] =	ssyncadd.s32 $0xFFFFC000  }
0x78: {  	_ =	swait.ge [sflag:s23], $0x80  }
0x79: {  	[sflag:s23] =	ssyncset.done $0x0  }
0x7a: {  	[sflag:s23] =	ssyncadd.s32 $0xFFFFFF80  }
0x7b: {  	_ =	swait.ge [sflag:s22], $0x80  }
0x7c: {  	[sflag:s22] =	ssyncset.done $0x0  }
0x7d: {  	[sflag:s22] =	ssyncadd.s32 $0xFFFFFF80  }
0x7e: {  	[tilespmem:s21], [sflag:$0x1] =	stream.indirect.gather [hbm4b:s3+s20], $0x80, s16, s20, $0xb8;
	[tilespmem:$0x17AC0] =	vst v63  }
0x7f: {  	_ =	swait.ge [sflag:s22], $0x4000  }
0x80: {  	[sflag:s22] =	ssyncset.done $0x0  }
0x81: {  	[sflag:s22] =	ssyncadd.s32 $0xFFFFC000  }
0x82: {  	[spmem:s1] =	stream.indirect.scatter.add.f32 [tilespmem:s21], [sflag:$0x5], $0x80, s17, s20, $0xb8;
	[tilespmem:$0x17AC0] =	vst v63  }
0x83: {  	_ =	swait.ge [sflag:s12], $0x4000  }
0x84: {  	[sflag:s12] =	ssyncset.done $0x0  }
0x85: {  	[sflag:s12] =	ssyncadd.s32 $0xFFFFC000  }
0x86: {  	[bflag:$0x0] =	sbarrier.arrive $0xFFFF  }
0x87: {  	[hbm:s6], [sflag:s5] =	dma.local [spmem:s11], $0x2700  }
0x88: {  	s24 =	sadd.s32 $0x1, s24;
	_ =	swait.ge [sflag:s12], $0x2700  }
0x89: {  	p1 =	sne.s32 s24, s8;
	[sflag:s12] =	ssyncset.done $0x0  }
.Ltmp1:
0x8a: {  	s25 =	simm.s32 @!p0 $0x5;
	[sflag:s12] =	ssyncadd.s32 $0xFFFFD900;
	(pc) =	sbr.rel @p1 .LBB2_1-.Ltmp1, $4  }
0x8b: {  	[hbm:s7], [sflag:s5] =	dma.local @!p0 [spmem:s13], $0x100  }
0x8c: {  	_ =	swait.ge @!p0 [sflag:s25], $0x100  }
0x8d: {  	[sflag:s25] =	ssyncset.done @!p0 $0x0  }
0x8e: {  	[sflag:s25] =	ssyncadd.s32 @!p0 $0xFFFFFF00  }
0x8f: {  	_ =	sfence.sel $0x180000  }
0x90: {  	[bflag:$0x0] =	sbarrier.arrive $0xFFFF  }
0x91: {  	_ =	strace $0x9000005C  }
0x92: {  	s0 =	sadd.s32 @!p0 $0x100000, s0;
	[bflag:$0x2] =	sbarrier.arrive $0xFFFF  }
0x93: {  	[sflag:s0] =	ssyncadd.tile.s32 @!p0 $0x1;
	_ =	shalt  }
.Lfunc_end2:
_tile_overlayer_lowered:
.L_overlay_start_2:
0x94: {  	(tag) =	ssettag $0x2  }
0x95: {  	s0 =	rddreg [dreg:$0x0];
	s2 =	stileid.u32  }
0x96: {  	s1 =	rddreg [dreg:$0x1];
	p0 =	sne.s32 s2, $0x0  }
0x97: {  	s3 =	rddreg [dreg:$0x2];
	[bflag:$0x3] =	sbarrier.arrive $0xFFFF;
	s2 =	simm.s32 @!p0 $0x1C05  }
0x98: {  	[timem:s3], [sflag:s2] =	dma.local @!p0 [hbm:s0], s1  }
0x99: {  	s0 =	simm.s32 @!p0 $0x5  }
0x9a: {  	_ =	swait.ge @!p0 [sflag:s0], s1  }
0x9b: {  	s1 =	ssub.s32 @!p0 $0x0, s1;
	[sflag:s0] =	ssyncset.done @!p0 $0x0  }
0x9c: {  	[sflag:s0] =	ssyncadd.s32 @!p0 s1  }
0x9d: {  	[bflag:$0x3] =	sbarrier.arrive $0xFFFF  }
0x9e: {  	_ =	shalt  }

// kernel: kernel.40.cloned.1.call-start
scs
__scs_entry_jumppad:
0x0: {  	(pc) =	sbr.rel $0x88, $3  }
0x1: {  	(tag) =	ssettag $0x0;
	lr =	simm.s32 $0x1  }
0x2: {  	[smem:$0x3F9E] =	sst lr;
	_ =	strace $0xD0000000  }
0x3: {  	_ = 	snop  }
0x4: {  	_ = 	snop  }
0x5: {  	_ = 	snop  }
0x6: {  	_ = 	snop  }
0x7: {  	_ = 	snop  }
__scs_overlays_trampoline_lowered:
0x8: {  	[smem:$0x3FAD] =	sst s0  }
0x9: {  	[smem:$0x3FAE] =	sst s1  }
0xa: {  	[smem:$0x3FAF] =	sst s2  }
0xb: {  	[smem:$0x3FB0] =	sst s3  }
0xc: {  	[smem:$0x3FB1] =	sst s4  }
0xd: {  	[smem:$0x3FB2] =	sst s5  }
0xe: {  	[smem:$0x3FB3] =	sst s6  }
0xf: {  	[smem:$0x3FB4] =	sst s7  }
0x10: {  	[smem:$0x3FB5] =	sst s8  }
0x11: {  	[smem:$0x3FB6] =	sst s9;
	s0 =	simm.s32 @!p0 $0x0  }
0x12: {  	s1 =	sld [smem:$0x3F9C];
	s0 =	simm.s32 @p0 $0x1  }
0x13: {  	[smem:$0x3FB7] =	sst s0;
	s0 =	simm.s32 @!p1 $0x0  }
0x14: {  	s2 =	sld [smem:$0x3F9B];
	s0 =	simm.s32 @p1 $0x1  }
0x15: {  	[smem:$0x3FB8] =	sst s0;
	s0 =	simm.s32 @!p2 $0x0  }
0x16: {  	s3 =	sld [smem:$0x3FDB];
	s0 =	simm.s32 @p2 $0x1  }
0x17: {  	s4 =	simm.s32 $0x1BF5;
	[smem:$0x3FBA] =	sst s0  }
0x18: {  	s0 =	sld [smem:$0x3F9D];
	_ =	swait.ge [sflag:s4], $0x0  }
0x19: {  	s7 =	sld [smem:$0x3F9E]  }
0x1a: {  	s8 =	sadd.s32 $0xFFFFE003, lr  }
0x1b: {  	s9 =	sadd.s32 $0xFFFFFEF7, lr;
	s5 =	simm.s32 $0xFFFFFFFF;
	p2 =	slt.u32 s8, $0xFFFFF086  }
0x1c: {  	p1 =	slt.u32 s9, $0xF7A;
	s5 =	simm.s32 @!p2 $0x0  }
0x1d: {  	s5 =	simm.s32 @p1 $0x1;
	p0 =	seq.s32 s7, s2  }
0x1e: {  	s7 =	smul.u32 @!p0 $0xF7A, s2;
	p2 =	seq.s32 @!p0 s5, $0x0  }
0x1f: {  	s9 =	smul.u32 $0xF7A, s1;
	s8 =	simm.s32 @!p0 $0x1BF5;
	p2 =	por !p2, p0  }
0x20: {  	[sflag:s8] =	ssyncset.s32 @!p0 $0xFFFFF086;
	s6 =	sadd.s32 @!p0 s3, s7;
	s7 =	simm.s32 @!p0 $0x108  }
0x21: {  	s3 =	sadd.s32 s3, s9;
	s6 =	sadd.s32 @!p0 $0x88, s6;
	s7 =	simm.s32 @p2 $0x1082  }
0x22: {  	[simem:s7], [sflag:s8] =	dma.local @!p0 [hbm:s6], $0xF7A  }
0x23: {  	s9 =	sor.u32 $0xD0000000, s2;
	s6 =	simm.s32 $0x108;
	_ =	swait.ge @!p0 [sflag:s8], $0x0  }
0x24: {  	s3 =	sadd.s32 $0x88, s3;
	s6 =	simm.s32 @!p1 $0x1082;
	[sflag:s4] =	ssyncset.s32 $0xFFFFF086  }
0x25: {  	[simem:s6], [sflag:s4] =	dma.local [hbm:s3], $0xF7A  }
0x26: {  	[smem:$0x3F9E] =	sst s1;
	(tag) =	ssettag s2;
	_ =	strace s9  }
0x27: {  	s1 =	sld [smem:$0x3FAE]  }
0x28: {  	s2 =	sld [smem:$0x3FAF]  }
0x29: {  	s4 =	sld [smem:$0x3FB1]  }
0x2a: {  	p0 =	seq.s32 s5, $0x0;
	s5 =	sld [smem:$0x3FB2]  }
0x2b: {  	s6 =	sld [smem:$0x3FB3]  }
0x2c: {  	s7 =	sld [smem:$0x3FB4]  }
0x2d: {  	s3 =	simm.s32 $0x108;
	s8 =	sld [smem:$0x3FB5]  }
0x2e: {  	s3 =	simm.s32 @!p0 $0x1082;
	s9 =	sld [smem:$0x3FB6]  }
0x2f: {  	lr =	sadd.s32 s0, s3;
	s0 =	sld [smem:$0x3FAD]  }
0x30: {  	s3 =	sld [smem:$0x3FB0]  }
0x31: {  	[smem:$0x3FB9] =	sst s10  }
0x32: {  	s10 =	sld [smem:$0x3FB7];
	_ =	sdelay $0x3  }
0x33: {  	p0 =	seq.s32 s10, $0x1;
	s10 =	sld [smem:$0x3FB9];
	_ =	sdelay $0x3  }
0x34: {  	[smem:$0x3FB9] =	sst s10  }
0x35: {  	s10 =	sld [smem:$0x3FB8];
	_ =	sdelay $0x3  }
0x36: {  	p1 =	seq.s32 s10, $0x1;
	s10 =	sld [smem:$0x3FB9];
	_ =	sdelay $0x3  }
0x37: {  	[smem:$0x3FB9] =	sst s10  }
0x38: {  	s10 =	sld [smem:$0x3FBA]  }
0x39: {  	_ = 	snop;
	(pc) =	sbr.ind lr, $3  }
0x3a: {  	_ = 	snop  }
0x3b: {  	_ = 	snop  }
0x3c: {  	p2 =	seq.s32 s10, $0x1;
	s10 =	sld [smem:$0x3FB9]  }
0x3d: {  	_ =	shalt  }
0x3e: {  	_ =	shalt  }
0x3f: {  	_ =	shalt  }
0x40: {  	_ =	shalt  }
0x41: {  	_ =	shalt  }
0x42: {  	_ =	shalt  }
0x43: {  	_ =	shalt  }
0x44: {  	_ =	shalt  }
0x45: {  	_ =	shalt  }
0x46: {  	_ =	shalt  }
0x47: {  	_ =	shalt  }
0x48: {  	_ =	shalt  }
0x49: {  	_ =	shalt  }
0x4a: {  	_ =	shalt  }
0x4b: {  	_ =	shalt  }
0x4c: {  	_ =	shalt  }
0x4d: {  	_ =	shalt  }
0x4e: {  	_ =	shalt  }
0x4f: {  	_ =	shalt  }
0x50: {  	_ =	shalt  }
0x51: {  	_ =	shalt  }
0x52: {  	_ =	shalt  }
0x53: {  	_ =	shalt  }
0x54: {  	_ =	shalt  }
0x55: {  	_ =	shalt  }
0x56: {  	_ =	shalt  }
0x57: {  	_ =	shalt  }
0x58: {  	_ =	shalt  }
0x59: {  	_ =	shalt  }
0x5a: {  	_ =	shalt  }
0x5b: {  	_ =	shalt  }
0x5c: {  	_ =	shalt  }
0x5d: {  	_ =	shalt  }
0x5e: {  	_ =	shalt  }
0x5f: {  	_ =	shalt  }
0x60: {  	_ =	shalt  }
0x61: {  	_ =	shalt  }
0x62: {  	_ =	shalt  }
0x63: {  	_ =	shalt  }
0x64: {  	_ =	shalt  }
0x65: {  	_ =	shalt  }
0x66: {  	_ =	shalt  }
0x67: {  	_ =	shalt  }
0x68: {  	_ =	shalt  }
0x69: {  	_ =	shalt  }
0x6a: {  	_ =	shalt  }
0x6b: {  	_ =	shalt  }
0x6c: {  	_ =	shalt  }
0x6d: {  	_ =	shalt  }
0x6e: {  	_ =	shalt  }
0x6f: {  	_ =	shalt  }
0x70: {  	_ =	shalt  }
0x71: {  	_ =	shalt  }
0x72: {  	_ =	shalt  }
0x73: {  	_ =	shalt  }
0x74: {  	_ =	shalt  }
0x75: {  	_ =	shalt  }
0x76: {  	_ =	shalt  }
0x77: {  	_ =	shalt  }
0x78: {  	_ =	shalt  }
0x79: {  	_ =	shalt  }
0x7a: {  	_ =	shalt  }
0x7b: {  	_ =	shalt  }
0x7c: {  	_ =	shalt  }
0x7d: {  	_ =	shalt  }
0x7e: {  	_ =	shalt  }
0x7f: {  	_ =	shalt  }
0x80: {  	_ =	shalt  }
0x81: {  	_ =	shalt  }
0x82: {  	_ =	shalt  }
0x83: {  	_ =	shalt  }
0x84: {  	_ =	shalt  }
0x85: {  	_ =	shalt  }
0x86: {  	_ =	shalt  }
0x87: {  	_ =	shalt  }
.Lfunc_end0:
.L_simem_size_0:
called_computation.7_lowered:
.L_overlay_start_0:
0x88: {  	s2 =	sld [smem:$0x3FD9]  }
0x89: {  	s3 =	sld [smem:$0x3FFE];
	_ =	sdelay $0x1  }
0x8a: {  	s1 =	srdreg.scid  }
0x8b: {  	s0 =	sand.u32 $0x1, s1  }
0x8c: {  	s17 =	sshll.u32 s0, $0xA;
	s2 =	sadd.s32 s3, s2  }
0x8d: {  	s2 =	sadd.s32 s2, s17  }
0x8e: {  	[smem:$0x3FC5] =	sst s2  }
0x8f: {  	_ = 	snop  }
0x90: {  	s18 =	sld [smem:$0x3FD0];
	(tm) =	ssettm $0x1  }
0x91: {  	s19 =	sld [smem:$0x3FFB];
	_ =	sdelay $0x3  }
0x92: {  	_ =	strace s19  }
0x93: {  	s2 =	sld [smem:$0x3FFC];
	_ =	sdelay $0x3  }
0x94: {  	_ =	strace s2  }
0x95: {  	s2 =	sld [smem:$0x3FFD];
	_ =	sdelay $0x3  }
0x96: {  	_ =	strace s2  }
0x97: {  	_ =	strace $0x8FFFFFFF  }
0x98: {  	s20 =	sld [smem:$0x3FDB];
	_ =	sdelay $0x1  }
0x99: {  	s4 =	simm.s32 $_scs_section_size  }
0x9a: {  	s5 =	simm.s32 $_size__tile_overlayer_lowered;
	s6 =	simm.s32 $_tile_overlayer_lowered  }
0x9b: {  	s7 =	simm.s32 $0x1BFF;
	s21 =	sshll.u32 s6, $0x1;
	s4 =	sadd.s32 s4, s20  }
0x9c: {  	s22 =	simm.s32 $0x0;
	s5 =	sshll.u32 s5, $0x1;
	s6 =	sadd.s32 s21, s4  }
0x9d: {  	[timem:s22], [sflag:s7] =	dma.local [hbm:s6], s5  }
0x9e: {  	_ =	swait.ge [sflag:s7], s5  }
0x9f: {  	s5 =	ssub.s32 $0x0, s5;
	[sflag:s7] =	ssyncset.done $0x0  }
0xa0: {  	[sflag:s7] =	ssyncadd.s32 s5;
	_ =	sdelay $0x1  }
0xa1: {  	s23 =	simm.s32 $0x1B8B  }
0xa2: {  	_ =	swait.ge [sflag:s23], $0x1  }
0xa3: {  	[sflag:s23] =	ssyncset.done $0x0  }
0xa4: {  	[sflag:s23] =	ssyncadd.s32 $0xFFFFFFFF  }
0xa5: {  	s5 =	sld [smem:$0x0]  }
0xa6: {  	s6 =	sand.u32 $0xFFFFFFFE, s1  }
0xa7: {  	p0 =	sne.s32 s1, s6  }
0xa8: {  	s6 =	sshll.u32 @p0 s6, $0xE  }
0xa9: {  	s6 =	sadd.s32 @p0 $0x11B8D, s6;
	s7 =	sshll.u32 @p0 s5, $0x11  }
0xaa: {  	s6 =	sor.u32 @p0 s7, s6  }
0xab: {  	[sflag:s6] =	ssyncadd.remote.s32 @p0 $0x1;
	_ =	sdelay $0x1  }
0xac: {  	s6 =	simm.s32 @p0 $0x1B8D  }
0xad: {  	_ =	swait.eq @p0 [sflag:s6], $0x1  }
0xae: {  	[sflag:s6] =	ssyncadd.s32 @p0 $0xFFFFFFFF  }
0xaf: {  	s7 =	sshll.u32 @!p0 s1, $0xE  }
0xb0: {  	s7 =	sor.u32 @!p0 $0x4000, s7;
	s6 =	simm.s32 @!p0 $0x1B8D  }
0xb1: {  	s5 =	sshll.u32 @!p0 s5, $0x11;
	s7 =	sadd.s32 @!p0 $0x11B8D, s7;
	_ =	swait.eq @!p0 [sflag:s6], $0x1  }
0xb2: {  	s5 =	sor.u32 @!p0 s5, s7;
	[sflag:s6] =	ssyncadd.s32 @!p0 $0xFFFFFFFF  }
0xb3: {  	s25 =	simm.s32 $0x1B8E;
	s24 =	sld [smem:$0x3FFE];
	[sflag:s5] =	ssyncadd.remote.s32 @!p0 $0x1  }
0xb4: {  	s26 =	simm.s32 $execute0_lowered;
	[smem:$0x3FD2] =	sst s25  }
0xb5: {  	s6 =	sshll.u32 s26, $0x1;
	_ =	strace $0x80000058;
	[dreg:$0x1] =	wrdreg $0xFFFFFFFF  }
0xb6: {  	s28 =	simm.s32 $_size_execute0_lowered;
	s4 =	sadd.s32 s4, s6;
	[dreg:$0x0] =	wrdreg $0x0  }
0xb7: {  	s6 =	sshll.u32 s28, $0x1;
	[dreg:$0x2] =	wrdreg s4  }
0xb8: {  	[dreg:$0x3] =	wrdreg s6  }
0xb9: {  	[dreg:$0x4] =	wrdreg $0xC0  }
0xba: {  	_ =	task [dreg:s22], $0x5FFFF  }
0xbb: {  	[dreg:$0x1] =	wrdreg $0xFFFFFFFF  }
0xbc: {  	[dreg:$0x0] =	wrdreg $0x60  }
0xbd: {  	[dreg:$0x2] =	wrdreg s24  }
0xbe: {  	[dreg:$0x3] =	wrdreg s18  }
0xbf: {  	[dreg:$0x4] =	wrdreg $0x0  }
0xc0: {  	[dreg:$0x5] =	wrdreg $0xB  }
0xc1: {  	_ =	task.clear_ibuf [dreg:s22], $0x6FFFF;
	_ =	strace $0x90000058  }
0xc2: {  	s29 =	simm.s32 $0xB;
	_ =	strace $0x8000005A  }
0xc3: {  	_ =	swait.ge [sflag:s29], $0x1  }
0xc4: {  	[sflag:s29] =	ssyncadd.s32 $0xFFFFFFFF  }
0xc5: {  	_ =	strace $0x9000005A  }
0xc6: {  	_ =	sfence  }
0xc7: {  	s30 =	sld [smem:$0x0];
	_ =	sdelay $0x2  }
0xc8: {  	s31 =	sshll.u32 s1, $0xD;
	s1 =	sshrl.u32 s1, $0x2  }
0xc9: {  	s4 =	sand.u32 $0x4000, s31;
	s1 =	sadd.s32 s1, s30  }
0xca: {  	s0 =	sor.u32 s4, s0;
	s1 =	sshll.u32 s1, $0x11  }
0xcb: {  	s0 =	sor.u32 s1, s0  }
0xcc: {  	s0 =	sadd.s32 $0x8F2B, s0  }
0xcd: {  	[sflag:s0] =	ssyncadd.remote.s32 $0x1  }
0xce: {  	_ =	sfence.sel $0xFFFF  }
0xcf: {  	[dreg:$0x0] =	wrdreg $0xFFFFFFFF;
	(pc) =	sbr.abs _section_cstart, $3  }
0xd0: {  	[dreg:$0x1] =	wrdreg $0xFFFFFFFF  }
0xd1: {  	_ =	task.clear_ibuf [dreg:s22], $0x2FFFF;
	_ =	strace $0x9FFFFFFF  }
0xd2: {  	(tm) =	ssettm $0x7FFFFFFF  }
0xd3: {  	_ =	shalt  }
tec
execute0_lowered:
.L_overlay_start_1:
0x0: {  	(tag) =	ssettag $0x1  }
0x1: {  	s4 =	rddreg [dreg:$0x0]  }
0x2: {  	s6 =	rddreg [dreg:$0x1]  }
0x3: {  	s0 =	srdreg.scid;
	s11 =	stileid.u32  }
0x4: {  	s1 =	rddreg [dreg:$0x2];
	s2 =	simm.s32 $0x0;
	s15 =	simm.s32 $0x13940  }
0x5: {  	s16 =	simm.s32 $0x139C0;
	s17 =	simm.s32 $0x13A40;
	s18 =	simm.s32 $0x2  }
0x6: {  	s19 =	simm.s32 $0x3;
	s20 =	simm.s32 $0x80;
	s21 =	simm.s32 $0x13AC0  }
0x7: {  	s22 =	simm.s32 $0x1;
	s23 =	simm.s32 $0x4;
	s3 =	smul.u32 $0x5000, s11  }
0x8: {  	s5 =	sand.u32 $0x1, s0;
	s0 =	rddreg [dreg:$0x3];
	s8 =	smul.u32 $0x4E000, s11  }
0x9: {  	s24 =	simm.s32 $0x0;
	[smem:$0x7FF] =	sst s2;
	s12 =	smul.u32 $0x13800, s11  }
0xa: {  	s26 =	sshll.u32 s11, $0x6;
	s14 =	sadd.s32 $0x138000, s1;
	p0 =	sne.s32 s11, $0x0  }
0xb: {  	s7 =	smul.u32 $0x2800, s5;
	_ =	strace $0x80000059;
	s25 =	ssub.s32 $0x2, s5  }
0xc: {  	s5 =	smul.u32 $0x138800, s5;
	s9 =	sshrl.u32 s25, $0x1;
	s8 =	sshrl.u32 s8, $0x2  }
0xd: {  	s7 =	sadd.s32 s7, s3;
	s3 =	sadd.s32 $0xB8000, s4;
	s9 =	ssub.s32 s25, s9  }
0xe: {  	s13 =	sadd.s32 s8, s1;
	s28 =	sadd.s32 s12, s5;
	s29 =	sshrl.u32 s5, $0x3  }
0xf: {  	s5 =	sor.u32 $0x1C05, s26;
	s12 =	simm.s32 $0x5;
	s7 =	sshrl.u32 s7, $0x3  }
0x10: {  	s30 =	sshrl.u32 s28, $0x3;
	s31 =	sadd.s32 s6, s29;
	s8 =	smax.u32 s9, $0x1  }
0x11: {  	s11 =	sshrl.u32 s13, $0x3;
	s13 =	sshrl.u32 @!p0 s14, $0x3;
	s14 =	simm.s32 $0x138C0  }
0x12: {  	s10 =	sadd.s32 s7, s4;
	s4 =	sadd.s32 $0x40400, s4;
	s6 =	sadd.s32 s6, s30  }
0x13: {  	s7 =	sadd.s32 $0x27000, s31;
	s9 =	sadd.s32 $0x17C00, s10;
	s10 =	sadd.s32 $0x21C00, s10  }
.LBB2_1:
0x14: {  	[spmem:s11], [sflag:s5] =	dma.local [hbm:s4], $0x2700  }
0x15: {  	_ =	swait.ge [sflag:s12], $0x2700  }
0x16: {  	[sflag:s12] =	ssyncset.done $0x0  }
0x17: {  	s25 =	simm.s32 @!p0 $0x5;
	[sflag:s12] =	ssyncadd.s32 $0xFFFFD900  }
0x18: {  	[spmem:s13], [sflag:s5] =	dma.local @!p0 [hbm:s4], $0x100  }
0x19: {  	_ =	swait.ge @!p0 [sflag:s25], $0x100  }
0x1a: {  	[sflag:s25] =	ssyncset.done @!p0 $0x0  }
0x1b: {  	[sflag:s25] =	ssyncadd.s32 @!p0 $0xFFFFFF00  }
0x1c: {  	s30 =	sadd.s32 $0x0, s9;
	[bflag:$0x0] =	sbarrier.arrive $0xFFFF  }
0x1d: {  	[tilespmem:s14], [sflag:$0x2] =	stream.linear.gather [hbm4b:s30+s2], $0x80, $0x38;
	[tilespmem:$0x17AC0] =	vst v63  }
0x1e: {  	s26 =	sadd.s32 $0x0, s10  }
0x1f: {  	[tilespmem:s15], [sflag:$0x3] =	stream.linear.gather [hbm4b:s26+s2], $0x80, $0x38;
	[tilespmem:$0x17AC0] =	vst v63  }
0x20: {  	s25 =	sadd.s32 $0x10, s30  }
0x21: {  	[tilespmem:s16], [sflag:$0x4] =	stream.linear.gather [hbm4b:s25+s2], $0x80, $0x38;
	[tilespmem:$0x17AC0] =	vst v63  }
0x22: {  	s31 =	sadd.s32 $0x10, s26  }
0x23: {  	[tilespmem:s17], [sflag:$0x1] =	stream.linear.gather [hbm4b:s31+s2], $0x80, $0x38;
	[tilespmem:$0x17AC0] =	vst v63  }
0x24: {  	_ =	swait.ge [sflag:s18], $0x80  }
0x25: {  	[sflag:s18] =	ssyncset.done $0x0  }
0x26: {  	[sflag:s18] =	ssyncadd.s32 $0xFFFFFF80  }
0x27: {  	_ =	swait.ge [sflag:s19], $0x80  }
0x28: {  	[sflag:s19] =	ssyncset.done $0x0  }
0x29: {  	[sflag:s19] =	ssyncadd.s32 $0xFFFFFF80  }
0x2a: {  	[tilespmem:s21], [sflag:$0x1] =	stream.indirect.gather [hbm4b:s3+s20], $0x80, s14, s20, $0xb8;
	[tilespmem:$0x17AC0] =	vst v63  }
0x2b: {  	_ =	swait.ge [sflag:s22], $0x4000  }
0x2c: {  	[sflag:s22] =	ssyncset.done $0x0  }
0x2d: {  	[sflag:s22] =	ssyncadd.s32 $0xFFFFC000  }
0x2e: {  	[spmem:s1] =	stream.indirect.scatter.add.f32 [tilespmem:s21], [sflag:$0x5], $0x80, s15, s20, $0xb8;
	[tilespmem:$0x17AC0] =	vst v63  }
0x2f: {  	_ =	swait.ge [sflag:s12], $0x4000  }
0x30: {  	[sflag:s12] =	ssyncset.done $0x0  }
0x31: {  	[sflag:s12] =	ssyncadd.s32 $0xFFFFC000  }
0x32: {  	_ =	swait.ge [sflag:s23], $0x80  }
0x33: {  	[sflag:s23] =	ssyncset.done $0x0  }
0x34: {  	[sflag:s23] =	ssyncadd.s32 $0xFFFFFF80  }
0x35: {  	_ =	swait.ge [sflag:s22], $0x80  }
0x36: {  	[sflag:s22] =	ssyncset.done $0x0  }
0x37: {  	[sflag:s22] =	ssyncadd.s32 $0xFFFFFF80  }
0x38: {  	[tilespmem:s21], [sflag:$0x1] =	stream.indirect.gather [hbm4b:s3+s20], $0x80, s16, s20, $0xb8;
	[tilespmem:$0x17AC0] =	vst v63  }
0x39: {  	_ =	swait.ge [sflag:s22], $0x4000  }
0x3a: {  	[sflag:s22] =	ssyncset.done $0x0  }
0x3b: {  	[sflag:s22] =	ssyncadd.s32 $0xFFFFC000  }
0x3c: {  	[spmem:s1] =	stream.indirect.scatter.add.f32 [tilespmem:s21], [sflag:$0x5], $0x80, s17, s20, $0xb8;
	[tilespmem:$0x17AC0] =	vst v63  }
0x3d: {  	_ =	swait.ge [sflag:s12], $0x4000  }
0x3e: {  	s28 =	simm.s32 $0x40;
	s25 =	simm.s32 $0x20;
	[sflag:s12] =	ssyncset.done $0x0  }
.LBB2_2:
0x3f: {  	s29 =	sadd.s32 s25, s9  }
0x40: {  	[sflag:s12] =	ssyncadd.s32 $0xFFFFC000;
	s30 =	smov.u32 s28;
	s26 =	sadd.s32 $0x20, s28  }
0x41: {  	[tilespmem:s14], [sflag:$0x2] =	stream.linear.gather [hbm4b:s29+s2], $0x80, $0x38;
	[tilespmem:$0x17AC0] =	vst v63  }
0x42: {  	p1 =	sne.s32 s28, $0x4E0;
	s28 =	sadd.s32 s25, s10;
	s25 =	smov.u32 s30  }
0x43: {  	[tilespmem:s15], [sflag:$0x3] =	stream.linear.gather [hbm4b:s28+s2], $0x80, $0x38;
	[tilespmem:$0x17AC0] =	vst v63  }
0x44: {  	s29 =	sadd.s32 $0x10, s29  }
0x45: {  	[tilespmem:s16], [sflag:$0x4] =	stream.linear.gather [hbm4b:s29+s2], $0x80, $0x38;
	[tilespmem:$0x17AC0] =	vst v63  }
0x46: {  	s28 =	sadd.s32 $0x10, s28  }
0x47: {  	[tilespmem:s17], [sflag:$0x1] =	stream.linear.gather [hbm4b:s28+s2], $0x80, $0x38;
	[tilespmem:$0x17AC0] =	vst v63  }
0x48: {  	_ =	swait.ge [sflag:s18], $0x80  }
0x49: {  	[sflag:s18] =	ssyncset.done $0x0  }
0x4a: {  	[sflag:s18] =	ssyncadd.s32 $0xFFFFFF80  }
0x4b: {  	_ =	swait.ge [sflag:s19], $0x80  }
0x4c: {  	[sflag:s19] =	ssyncset.done $0x0  }
0x4d: {  	[sflag:s19] =	ssyncadd.s32 $0xFFFFFF80  }
0x4e: {  	[tilespmem:s21], [sflag:$0x1] =	stream.indirect.gather [hbm4b:s3+s20], $0x80, s14, s20, $0xb8;
	[tilespmem:$0x17AC0] =	vst v63  }
0x4f: {  	_ =	swait.ge [sflag:s22], $0x4000  }
0x50: {  	[sflag:s22] =	ssyncset.done $0x0  }
0x51: {  	[sflag:s22] =	ssyncadd.s32 $0xFFFFC000  }
0x52: {  	[spmem:s1] =	stream.indirect.scatter.add.f32 [tilespmem:s21], [sflag:$0x5], $0x80, s15, s20, $0xb8;
	[tilespmem:$0x17AC0] =	vst v63  }
0x53: {  	_ =	swait.ge [sflag:s12], $0x4000  }
0x54: {  	[sflag:s12] =	ssyncset.done $0x0  }
0x55: {  	[sflag:s12] =	ssyncadd.s32 $0xFFFFC000  }
0x56: {  	_ =	swait.ge [sflag:s23], $0x80  }
0x57: {  	[sflag:s23] =	ssyncset.done $0x0  }
0x58: {  	[sflag:s23] =	ssyncadd.s32 $0xFFFFFF80  }
0x59: {  	_ =	swait.ge [sflag:s22], $0x80  }
0x5a: {  	[sflag:s22] =	ssyncset.done $0x0  }
0x5b: {  	[sflag:s22] =	ssyncadd.s32 $0xFFFFFF80  }
0x5c: {  	[tilespmem:s21], [sflag:$0x1] =	stream.indirect.gather [hbm4b:s3+s20], $0x80, s16, s20, $0xb8;
	[tilespmem:$0x17AC0] =	vst v63  }
0x5d: {  	_ =	swait.ge [sflag:s22], $0x4000  }
.Ltmp0:
0x5e: {  	[sflag:s22] =	ssyncset.done $0x0;
	(pc) =	sbr.rel @p1 .LBB2_2-.Ltmp0, $4  }
0x5f: {  	[sflag:s22] =	ssyncadd.s32 $0xFFFFC000  }
0x60: {  	[spmem:s1] =	stream.indirect.scatter.add.f32 [tilespmem:s21], [sflag:$0x5], $0x80, s17, s20, $0xb8;
	[tilespmem:$0x17AC0] =	vst v63  }
0x61: {  	_ =	swait.ge [sflag:s12], $0x4000  }
0x62: {  	s28 =	smov.u32 s26;
	[sflag:s12] =	ssyncset.done $0x0  }
0x63: {  	s26 =	sadd.s32 s25, s9;
	[sflag:s12] =	ssyncadd.s32 $0xFFFFC000  }
0x64: {  	[tilespmem:s14], [sflag:$0x2] =	stream.linear.gather [hbm4b:s26+s2], $0x80, $0x38;
	[tilespmem:$0x17AC0] =	vst v63  }
0x65: {  	s31 =	sadd.s32 s25, s10  }
0x66: {  	[tilespmem:s15], [sflag:$0x3] =	stream.linear.gather [hbm4b:s31+s2], $0x80, $0x38;
	[tilespmem:$0x17AC0] =	vst v63  }
0x67: {  	s26 =	sadd.s32 $0x10, s26  }
0x68: {  	[tilespmem:s16], [sflag:$0x4] =	stream.linear.gather [hbm4b:s26+s2], $0x80, $0x38;
	[tilespmem:$0x17AC0] =	vst v63  }
0x69: {  	s25 =	sadd.s32 $0x10, s31  }
0x6a: {  	[tilespmem:s17], [sflag:$0x1] =	stream.linear.gather [hbm4b:s25+s2], $0x80, $0x38;
	[tilespmem:$0x17AC0] =	vst v63  }
0x6b: {  	_ =	swait.ge [sflag:s18], $0x80  }
0x6c: {  	[sflag:s18] =	ssyncset.done $0x0  }
0x6d: {  	[sflag:s18] =	ssyncadd.s32 $0xFFFFFF80  }
0x6e: {  	_ =	swait.ge [sflag:s19], $0x80  }
0x6f: {  	[sflag:s19] =	ssyncset.done $0x0  }
0x70: {  	[sflag:s19] =	ssyncadd.s32 $0xFFFFFF80  }
0x71: {  	[tilespmem:s21], [sflag:$0x1] =	stream.indirect.gather [hbm4b:s3+s20], $0x80, s14, s20, $0xb8;
	[tilespmem:$0x17AC0] =	vst v63  }
0x72: {  	_ =	swait.ge [sflag:s22], $0x4000  }
0x73: {  	[sflag:s22] =	ssyncset.done $0x0  }
0x74: {  	[sflag:s22] =	ssyncadd.s32 $0xFFFFC000  }
0x75: {  	[spmem:s1] =	stream.indirect.scatter.add.f32 [tilespmem:s21], [sflag:$0x5], $0x80, s15, s20, $0xb8;
	[tilespmem:$0x17AC0] =	vst v63  }
0x76: {  	_ =	swait.ge [sflag:s12], $0x4000  }
0x77: {  	[sflag:s12] =	ssyncset.done $0x0  }
0x78: {  	[sflag:s12] =	ssyncadd.s32 $0xFFFFC000  }
0x79: {  	_ =	swait.ge [sflag:s23], $0x80  }
0x7a: {  	[sflag:s23] =	ssyncset.done $0x0  }
0x7b: {  	[sflag:s23] =	ssyncadd.s32 $0xFFFFFF80  }
0x7c: {  	_ =	swait.ge [sflag:s22], $0x80  }
0x7d: {  	[sflag:s22] =	ssyncset.done $0x0  }
0x7e: {  	[sflag:s22] =	ssyncadd.s32 $0xFFFFFF80  }
0x7f: {  	[tilespmem:s21], [sflag:$0x1] =	stream.indirect.gather [hbm4b:s3+s20], $0x80, s16, s20, $0xb8;
	[tilespmem:$0x17AC0] =	vst v63  }
0x80: {  	_ =	swait.ge [sflag:s22], $0x4000  }
0x81: {  	[sflag:s22] =	ssyncset.done $0x0  }
0x82: {  	[sflag:s22] =	ssyncadd.s32 $0xFFFFC000  }
0x83: {  	[spmem:s1] =	stream.indirect.scatter.add.f32 [tilespmem:s21], [sflag:$0x5], $0x80, s17, s20, $0xb8;
	[tilespmem:$0x17AC0] =	vst v63  }
0x84: {  	_ =	swait.ge [sflag:s12], $0x4000  }
0x85: {  	[sflag:s12] =	ssyncset.done $0x0  }
0x86: {  	[sflag:s12] =	ssyncadd.s32 $0xFFFFC000  }
0x87: {  	[bflag:$0x0] =	sbarrier.arrive $0xFFFF  }
0x88: {  	[hbm:s6], [sflag:s5] =	dma.local [spmem:s11], $0x2700  }
0x89: {  	s24 =	sadd.s32 $0x1, s24;
	_ =	swait.ge [sflag:s12], $0x2700  }
0x8a: {  	p1 =	sne.s32 s24, s8;
	[sflag:s12] =	ssyncset.done $0x0  }
.Ltmp1:
0x8b: {  	s25 =	simm.s32 @!p0 $0x5;
	[sflag:s12] =	ssyncadd.s32 $0xFFFFD900;
	(pc) =	sbr.rel @p1 .LBB2_1-.Ltmp1, $4  }
0x8c: {  	[hbm:s7], [sflag:s5] =	dma.local @!p0 [spmem:s13], $0x100  }
0x8d: {  	_ =	swait.ge @!p0 [sflag:s25], $0x100  }
0x8e: {  	[sflag:s25] =	ssyncset.done @!p0 $0x0  }
0x8f: {  	[sflag:s25] =	ssyncadd.s32 @!p0 $0xFFFFFF00  }
0x90: {  	_ =	sfence.sel $0x180000  }
0x91: {  	[bflag:$0x0] =	sbarrier.arrive $0xFFFF  }
0x92: {  	_ =	strace $0x90000059  }
0x93: {  	s0 =	sadd.s32 @!p0 $0x100000, s0;
	[bflag:$0x2] =	sbarrier.arrive $0xFFFF  }
0x94: {  	[sflag:s0] =	ssyncadd.tile.s32 @!p0 $0x1;
	_ =	shalt  }
.Lfunc_end2:
_tile_overlayer_lowered:
.L_overlay_start_2:
0x95: {  	(tag) =	ssettag $0x2  }
0x96: {  	s0 =	rddreg [dreg:$0x0];
	s2 =	stileid.u32  }
0x97: {  	s1 =	rddreg [dreg:$0x1];
	p0 =	sne.s32 s2, $0x0  }
0x98: {  	s3 =	rddreg [dreg:$0x2];
	[bflag:$0x3] =	sbarrier.arrive $0xFFFF;
	s2 =	simm.s32 @!p0 $0x1C05  }
0x99: {  	[timem:s3], [sflag:s2] =	dma.local @!p0 [hbm:s0], s1  }
0x9a: {  	s0 =	simm.s32 @!p0 $0x5  }
0x9b: {  	_ =	swait.ge @!p0 [sflag:s0], s1  }
0x9c: {  	s1 =	ssub.s32 @!p0 $0x0, s1;
	[sflag:s0] =	ssyncset.done @!p0 $0x0  }
0x9d: {  	[sflag:s0] =	ssyncadd.s32 @!p0 s1  }
0x9e: {  	[bflag:$0x3] =	sbarrier.arrive $0xFFFF  }
0x9f: {  	_ =	shalt  }

// kernel: kernel.43.cloned.1.call-start
scs
__scs_entry_jumppad:
0x0: {  	(pc) =	sbr.rel $0x88, $3  }
0x1: {  	(tag) =	ssettag $0x0;
	lr =	simm.s32 $0x1  }
0x2: {  	[smem:$0x3F9E] =	sst lr;
	_ =	strace $0xD0000000  }
0x3: {  	_ = 	snop  }
0x4: {  	_ = 	snop  }
0x5: {  	_ = 	snop  }
0x6: {  	_ = 	snop  }
0x7: {  	_ = 	snop  }
__scs_overlays_trampoline_lowered:
0x8: {  	[smem:$0x3FAD] =	sst s0  }
0x9: {  	[smem:$0x3FAE] =	sst s1  }
0xa: {  	[smem:$0x3FAF] =	sst s2  }
0xb: {  	[smem:$0x3FB0] =	sst s3  }
0xc: {  	[smem:$0x3FB1] =	sst s4  }
0xd: {  	[smem:$0x3FB2] =	sst s5  }
0xe: {  	[smem:$0x3FB3] =	sst s6  }
0xf: {  	[smem:$0x3FB4] =	sst s7  }
0x10: {  	[smem:$0x3FB5] =	sst s8  }
0x11: {  	[smem:$0x3FB6] =	sst s9;
	s0 =	simm.s32 @!p0 $0x0  }
0x12: {  	s1 =	sld [smem:$0x3F9C];
	s0 =	simm.s32 @p0 $0x1  }
0x13: {  	[smem:$0x3FB7] =	sst s0;
	s0 =	simm.s32 @!p1 $0x0  }
0x14: {  	s2 =	sld [smem:$0x3F9B];
	s0 =	simm.s32 @p1 $0x1  }
0x15: {  	[smem:$0x3FB8] =	sst s0;
	s0 =	simm.s32 @!p2 $0x0  }
0x16: {  	s3 =	sld [smem:$0x3FDB];
	s0 =	simm.s32 @p2 $0x1  }
0x17: {  	s4 =	simm.s32 $0x1BF5;
	[smem:$0x3FBA] =	sst s0  }
0x18: {  	s0 =	sld [smem:$0x3F9D];
	_ =	swait.ge [sflag:s4], $0x0  }
0x19: {  	s7 =	sld [smem:$0x3F9E]  }
0x1a: {  	s8 =	sadd.s32 $0xFFFFE003, lr  }
0x1b: {  	s9 =	sadd.s32 $0xFFFFFEF7, lr;
	s5 =	simm.s32 $0xFFFFFFFF;
	p2 =	slt.u32 s8, $0xFFFFF086  }
0x1c: {  	p1 =	slt.u32 s9, $0xF7A;
	s5 =	simm.s32 @!p2 $0x0  }
0x1d: {  	s5 =	simm.s32 @p1 $0x1;
	p0 =	seq.s32 s7, s2  }
0x1e: {  	s7 =	smul.u32 @!p0 $0xF7A, s2;
	p2 =	seq.s32 @!p0 s5, $0x0  }
0x1f: {  	s9 =	smul.u32 $0xF7A, s1;
	s8 =	simm.s32 @!p0 $0x1BF5;
	p2 =	por !p2, p0  }
0x20: {  	[sflag:s8] =	ssyncset.s32 @!p0 $0xFFFFF086;
	s6 =	sadd.s32 @!p0 s3, s7;
	s7 =	simm.s32 @!p0 $0x108  }
0x21: {  	s3 =	sadd.s32 s3, s9;
	s6 =	sadd.s32 @!p0 $0x88, s6;
	s7 =	simm.s32 @p2 $0x1082  }
0x22: {  	[simem:s7], [sflag:s8] =	dma.local @!p0 [hbm:s6], $0xF7A  }
0x23: {  	s9 =	sor.u32 $0xD0000000, s2;
	s6 =	simm.s32 $0x108;
	_ =	swait.ge @!p0 [sflag:s8], $0x0  }
0x24: {  	s3 =	sadd.s32 $0x88, s3;
	s6 =	simm.s32 @!p1 $0x1082;
	[sflag:s4] =	ssyncset.s32 $0xFFFFF086  }
0x25: {  	[simem:s6], [sflag:s4] =	dma.local [hbm:s3], $0xF7A  }
0x26: {  	[smem:$0x3F9E] =	sst s1;
	(tag) =	ssettag s2;
	_ =	strace s9  }
0x27: {  	s1 =	sld [smem:$0x3FAE]  }
0x28: {  	s2 =	sld [smem:$0x3FAF]  }
0x29: {  	s4 =	sld [smem:$0x3FB1]  }
0x2a: {  	p0 =	seq.s32 s5, $0x0;
	s5 =	sld [smem:$0x3FB2]  }
0x2b: {  	s6 =	sld [smem:$0x3FB3]  }
0x2c: {  	s7 =	sld [smem:$0x3FB4]  }
0x2d: {  	s3 =	simm.s32 $0x108;
	s8 =	sld [smem:$0x3FB5]  }
0x2e: {  	s3 =	simm.s32 @!p0 $0x1082;
	s9 =	sld [smem:$0x3FB6]  }
0x2f: {  	lr =	sadd.s32 s0, s3;
	s0 =	sld [smem:$0x3FAD]  }
0x30: {  	s3 =	sld [smem:$0x3FB0]  }
0x31: {  	[smem:$0x3FB9] =	sst s10  }
0x32: {  	s10 =	sld [smem:$0x3FB7];
	_ =	sdelay $0x3  }
0x33: {  	p0 =	seq.s32 s10, $0x1;
	s10 =	sld [smem:$0x3FB9];
	_ =	sdelay $0x3  }
0x34: {  	[smem:$0x3FB9] =	sst s10  }
0x35: {  	s10 =	sld [smem:$0x3FB8];
	_ =	sdelay $0x3  }
0x36: {  	p1 =	seq.s32 s10, $0x1;
	s10 =	sld [smem:$0x3FB9];
	_ =	sdelay $0x3  }
0x37: {  	[smem:$0x3FB9] =	sst s10  }
0x38: {  	s10 =	sld [smem:$0x3FBA]  }
0x39: {  	_ = 	snop;
	(pc) =	sbr.ind lr, $3  }
0x3a: {  	_ = 	snop  }
0x3b: {  	_ = 	snop  }
0x3c: {  	p2 =	seq.s32 s10, $0x1;
	s10 =	sld [smem:$0x3FB9]  }
0x3d: {  	_ =	shalt  }
0x3e: {  	_ =	shalt  }
0x3f: {  	_ =	shalt  }
0x40: {  	_ =	shalt  }
0x41: {  	_ =	shalt  }
0x42: {  	_ =	shalt  }
0x43: {  	_ =	shalt  }
0x44: {  	_ =	shalt  }
0x45: {  	_ =	shalt  }
0x46: {  	_ =	shalt  }
0x47: {  	_ =	shalt  }
0x48: {  	_ =	shalt  }
0x49: {  	_ =	shalt  }
0x4a: {  	_ =	shalt  }
0x4b: {  	_ =	shalt  }
0x4c: {  	_ =	shalt  }
0x4d: {  	_ =	shalt  }
0x4e: {  	_ =	shalt  }
0x4f: {  	_ =	shalt  }
0x50: {  	_ =	shalt  }
0x51: {  	_ =	shalt  }
0x52: {  	_ =	shalt  }
0x53: {  	_ =	shalt  }
0x54: {  	_ =	shalt  }
0x55: {  	_ =	shalt  }
0x56: {  	_ =	shalt  }
0x57: {  	_ =	shalt  }
0x58: {  	_ =	shalt  }
0x59: {  	_ =	shalt  }
0x5a: {  	_ =	shalt  }
0x5b: {  	_ =	shalt  }
0x5c: {  	_ =	shalt  }
0x5d: {  	_ =	shalt  }
0x5e: {  	_ =	shalt  }
0x5f: {  	_ =	shalt  }
0x60: {  	_ =	shalt  }
0x61: {  	_ =	shalt  }
0x62: {  	_ =	shalt  }
0x63: {  	_ =	shalt  }
0x64: {  	_ =	shalt  }
0x65: {  	_ =	shalt  }
0x66: {  	_ =	shalt  }
0x67: {  	_ =	shalt  }
0x68: {  	_ =	shalt  }
0x69: {  	_ =	shalt  }
0x6a: {  	_ =	shalt  }
0x6b: {  	_ =	shalt  }
0x6c: {  	_ =	shalt  }
0x6d: {  	_ =	shalt  }
0x6e: {  	_ =	shalt  }
0x6f: {  	_ =	shalt  }
0x70: {  	_ =	shalt  }
0x71: {  	_ =	shalt  }
0x72: {  	_ =	shalt  }
0x73: {  	_ =	shalt  }
0x74: {  	_ =	shalt  }
0x75: {  	_ =	shalt  }
0x76: {  	_ =	shalt  }
0x77: {  	_ =	shalt  }
0x78: {  	_ =	shalt  }
0x79: {  	_ =	shalt  }
0x7a: {  	_ =	shalt  }
0x7b: {  	_ =	shalt  }
0x7c: {  	_ =	shalt  }
0x7d: {  	_ =	shalt  }
0x7e: {  	_ =	shalt  }
0x7f: {  	_ =	shalt  }
0x80: {  	_ =	shalt  }
0x81: {  	_ =	shalt  }
0x82: {  	_ =	shalt  }
0x83: {  	_ =	shalt  }
0x84: {  	_ =	shalt  }
0x85: {  	_ =	shalt  }
0x86: {  	_ =	shalt  }
0x87: {  	_ =	shalt  }
.Lfunc_end0:
.L_simem_size_0:
called_computation.8_lowered:
.L_overlay_start_0:
0x88: {  	s2 =	sld [smem:$0x3FD9]  }
0x89: {  	s3 =	sld [smem:$0x3FFE];
	_ =	sdelay $0x1  }
0x8a: {  	s1 =	srdreg.scid  }
0x8b: {  	s0 =	sand.u32 $0x1, s1  }
0x8c: {  	s17 =	sshll.u32 s0, $0xA;
	s2 =	sadd.s32 s3, s2  }
0x8d: {  	s2 =	sadd.s32 s2, s17  }
0x8e: {  	[smem:$0x3FC5] =	sst s2  }
0x8f: {  	_ = 	snop  }
0x90: {  	s18 =	sld [smem:$0x3FD0];
	(tm) =	ssettm $0x1  }
0x91: {  	s19 =	sld [smem:$0x3FFB];
	_ =	sdelay $0x3  }
0x92: {  	_ =	strace s19  }
0x93: {  	s2 =	sld [smem:$0x3FFC];
	_ =	sdelay $0x3  }
0x94: {  	_ =	strace s2  }
0x95: {  	s2 =	sld [smem:$0x3FFD];
	_ =	sdelay $0x3  }
0x96: {  	_ =	strace s2  }
0x97: {  	_ =	strace $0x8FFFFFFF  }
0x98: {  	s20 =	sld [smem:$0x3FDB];
	_ =	sdelay $0x1  }
0x99: {  	s4 =	simm.s32 $_scs_section_size  }
0x9a: {  	s5 =	simm.s32 $_size__tile_overlayer_lowered;
	s6 =	simm.s32 $_tile_overlayer_lowered  }
0x9b: {  	s7 =	simm.s32 $0x1BFF;
	s21 =	sshll.u32 s6, $0x1;
	s4 =	sadd.s32 s4, s20  }
0x9c: {  	s22 =	simm.s32 $0x0;
	s5 =	sshll.u32 s5, $0x1;
	s6 =	sadd.s32 s21, s4  }
0x9d: {  	[timem:s22], [sflag:s7] =	dma.local [hbm:s6], s5  }
0x9e: {  	_ =	swait.ge [sflag:s7], s5  }
0x9f: {  	s5 =	ssub.s32 $0x0, s5;
	[sflag:s7] =	ssyncset.done $0x0  }
0xa0: {  	[sflag:s7] =	ssyncadd.s32 s5;
	_ =	sdelay $0x1  }
0xa1: {  	s23 =	simm.s32 $0x1B8B  }
0xa2: {  	_ =	swait.ge [sflag:s23], $0x1  }
0xa3: {  	[sflag:s23] =	ssyncset.done $0x0  }
0xa4: {  	[sflag:s23] =	ssyncadd.s32 $0xFFFFFFFF  }
0xa5: {  	s5 =	sld [smem:$0x0]  }
0xa6: {  	s6 =	sand.u32 $0xFFFFFFFE, s1  }
0xa7: {  	p0 =	sne.s32 s1, s6  }
0xa8: {  	s6 =	sshll.u32 @p0 s6, $0xE  }
0xa9: {  	s6 =	sadd.s32 @p0 $0x11B8D, s6;
	s7 =	sshll.u32 @p0 s5, $0x11  }
0xaa: {  	s6 =	sor.u32 @p0 s7, s6  }
0xab: {  	[sflag:s6] =	ssyncadd.remote.s32 @p0 $0x1;
	_ =	sdelay $0x1  }
0xac: {  	s6 =	simm.s32 @p0 $0x1B8D  }
0xad: {  	_ =	swait.eq @p0 [sflag:s6], $0x1  }
0xae: {  	[sflag:s6] =	ssyncadd.s32 @p0 $0xFFFFFFFF  }
0xaf: {  	s7 =	sshll.u32 @!p0 s1, $0xE  }
0xb0: {  	s7 =	sor.u32 @!p0 $0x4000, s7;
	s6 =	simm.s32 @!p0 $0x1B8D  }
0xb1: {  	s5 =	sshll.u32 @!p0 s5, $0x11;
	s7 =	sadd.s32 @!p0 $0x11B8D, s7;
	_ =	swait.eq @!p0 [sflag:s6], $0x1  }
0xb2: {  	s5 =	sor.u32 @!p0 s5, s7;
	[sflag:s6] =	ssyncadd.s32 @!p0 $0xFFFFFFFF  }
0xb3: {  	s25 =	simm.s32 $0x1B8E;
	s24 =	sld [smem:$0x3FFE];
	[sflag:s5] =	ssyncadd.remote.s32 @!p0 $0x1  }
0xb4: {  	s26 =	simm.s32 $execute0_lowered;
	[smem:$0x3FD2] =	sst s25  }
0xb5: {  	s6 =	sshll.u32 s26, $0x1;
	_ =	strace $0x8000005E;
	[dreg:$0x1] =	wrdreg $0xFFFFFFFF  }
0xb6: {  	s28 =	simm.s32 $_size_execute0_lowered;
	s4 =	sadd.s32 s4, s6;
	[dreg:$0x0] =	wrdreg $0x0  }
0xb7: {  	s6 =	sshll.u32 s28, $0x1;
	[dreg:$0x2] =	wrdreg s4  }
0xb8: {  	[dreg:$0x3] =	wrdreg s6  }
0xb9: {  	[dreg:$0x4] =	wrdreg $0xC0  }
0xba: {  	_ =	task [dreg:s22], $0x5FFFF  }
0xbb: {  	[dreg:$0x1] =	wrdreg $0xFFFFFFFF  }
0xbc: {  	[dreg:$0x0] =	wrdreg $0x60  }
0xbd: {  	[dreg:$0x2] =	wrdreg s24  }
0xbe: {  	[dreg:$0x3] =	wrdreg s18  }
0xbf: {  	[dreg:$0x4] =	wrdreg $0x0  }
0xc0: {  	[dreg:$0x5] =	wrdreg $0xA  }
0xc1: {  	_ =	task.clear_ibuf [dreg:s22], $0x6FFFF;
	_ =	strace $0x9000005E  }
0xc2: {  	s29 =	simm.s32 $0xA;
	_ =	strace $0x80000060  }
0xc3: {  	_ =	swait.ge [sflag:s29], $0x1  }
0xc4: {  	[sflag:s29] =	ssyncadd.s32 $0xFFFFFFFF  }
0xc5: {  	_ =	strace $0x90000060  }
0xc6: {  	_ =	sfence  }
0xc7: {  	s30 =	sld [smem:$0x0];
	_ =	sdelay $0x2  }
0xc8: {  	s31 =	sshll.u32 s1, $0xD;
	s1 =	sshrl.u32 s1, $0x2  }
0xc9: {  	s4 =	sand.u32 $0x4000, s31;
	s1 =	sadd.s32 s1, s30  }
0xca: {  	s0 =	sor.u32 s4, s0;
	s1 =	sshll.u32 s1, $0x11  }
0xcb: {  	s0 =	sor.u32 s1, s0  }
0xcc: {  	s0 =	sadd.s32 $0x8F2B, s0  }
0xcd: {  	[sflag:s0] =	ssyncadd.remote.s32 $0x1  }
0xce: {  	_ =	sfence.sel $0xFFFF  }
0xcf: {  	[dreg:$0x0] =	wrdreg $0xFFFFFFFF;
	(pc) =	sbr.abs _section_cstart, $3  }
0xd0: {  	[dreg:$0x1] =	wrdreg $0xFFFFFFFF  }
0xd1: {  	_ =	task.clear_ibuf [dreg:s22], $0x2FFFF;
	_ =	strace $0x9FFFFFFF  }
0xd2: {  	(tm) =	ssettm $0x7FFFFFFF  }
0xd3: {  	_ =	shalt  }
tec
execute0_lowered:
.L_overlay_start_1:
0x0: {  	(tag) =	ssettag $0x1  }
0x1: {  	s4 =	rddreg [dreg:$0x0]  }
0x2: {  	s6 =	rddreg [dreg:$0x1]  }
0x3: {  	s0 =	srdreg.scid;
	s11 =	stileid.u32  }
0x4: {  	s1 =	rddreg [dreg:$0x2];
	s2 =	simm.s32 $0x0;
	s15 =	simm.s32 $0x13940  }
0x5: {  	s16 =	simm.s32 $0x139C0;
	s17 =	simm.s32 $0x13A40;
	s18 =	simm.s32 $0x2  }
0x6: {  	s19 =	simm.s32 $0x3;
	s20 =	simm.s32 $0x80;
	s21 =	simm.s32 $0x13AC0  }
0x7: {  	s22 =	simm.s32 $0x1;
	s23 =	simm.s32 $0x4;
	s3 =	smul.u32 $0x5000, s11  }
0x8: {  	s5 =	sand.u32 $0x1, s0;
	s0 =	rddreg [dreg:$0x3];
	s8 =	smul.u32 $0x4E000, s11  }
0x9: {  	s24 =	simm.s32 $0x0;
	[smem:$0x7FF] =	sst s2;
	s12 =	smul.u32 $0x13800, s11  }
0xa: {  	s26 =	sshll.u32 s11, $0x6;
	s14 =	sadd.s32 $0x138000, s1;
	p0 =	sne.s32 s11, $0x0  }
0xb: {  	s7 =	smul.u32 $0x2800, s5;
	_ =	strace $0x8000005F;
	s25 =	ssub.s32 $0x2, s5  }
0xc: {  	s5 =	smul.u32 $0x138800, s5;
	s9 =	sshrl.u32 s25, $0x1;
	s8 =	sshrl.u32 s8, $0x2  }
0xd: {  	s7 =	sadd.s32 s7, s3;
	s3 =	sadd.s32 $0xB8000, s4;
	s9 =	ssub.s32 s25, s9  }
0xe: {  	s13 =	sadd.s32 s8, s1;
	s28 =	sadd.s32 s12, s5;
	s29 =	sshrl.u32 s5, $0x3  }
0xf: {  	s5 =	sor.u32 $0x1C05, s26;
	s12 =	simm.s32 $0x5;
	s7 =	sshrl.u32 s7, $0x3  }
0x10: {  	s30 =	sshrl.u32 s28, $0x3;
	s31 =	sadd.s32 s6, s29;
	s8 =	smax.u32 s9, $0x1  }
0x11: {  	s11 =	sshrl.u32 s13, $0x3;
	s13 =	sshrl.u32 @!p0 s14, $0x3;
	s14 =	simm.s32 $0x138C0  }
0x12: {  	s10 =	sadd.s32 s7, s4;
	s4 =	sadd.s32 $0x40400, s4;
	s6 =	sadd.s32 s6, s30  }
0x13: {  	s7 =	sadd.s32 $0x27000, s31;
	s9 =	sadd.s32 $0x35C00, s10;
	s10 =	sadd.s32 $0x2BC00, s10  }
.LBB2_1:
0x14: {  	[spmem:s11], [sflag:s5] =	dma.local [hbm:s4], $0x2700  }
0x15: {  	_ =	swait.ge [sflag:s12], $0x2700  }
0x16: {  	[sflag:s12] =	ssyncset.done $0x0  }
0x17: {  	s25 =	simm.s32 @!p0 $0x5;
	[sflag:s12] =	ssyncadd.s32 $0xFFFFD900  }
0x18: {  	[spmem:s13], [sflag:s5] =	dma.local @!p0 [hbm:s4], $0x100  }
0x19: {  	_ =	swait.ge @!p0 [sflag:s25], $0x100  }
0x1a: {  	[sflag:s25] =	ssyncset.done @!p0 $0x0  }
0x1b: {  	[sflag:s25] =	ssyncadd.s32 @!p0 $0xFFFFFF00  }
0x1c: {  	s30 =	sadd.s32 $0x0, s9;
	[bflag:$0x0] =	sbarrier.arrive $0xFFFF  }
0x1d: {  	[tilespmem:s14], [sflag:$0x2] =	stream.linear.gather [hbm4b:s30+s2], $0x80, $0x38;
	[tilespmem:$0x17AC0] =	vst v63  }
0x1e: {  	s26 =	sadd.s32 $0x0, s10  }
0x1f: {  	[tilespmem:s15], [sflag:$0x3] =	stream.linear.gather [hbm4b:s26+s2], $0x80, $0x38;
	[tilespmem:$0x17AC0] =	vst v63  }
0x20: {  	s25 =	sadd.s32 $0x10, s30  }
0x21: {  	[tilespmem:s16], [sflag:$0x4] =	stream.linear.gather [hbm4b:s25+s2], $0x80, $0x38;
	[tilespmem:$0x17AC0] =	vst v63  }
0x22: {  	s31 =	sadd.s32 $0x10, s26  }
0x23: {  	[tilespmem:s17], [sflag:$0x1] =	stream.linear.gather [hbm4b:s31+s2], $0x80, $0x38;
	[tilespmem:$0x17AC0] =	vst v63  }
0x24: {  	_ =	swait.ge [sflag:s18], $0x80  }
0x25: {  	[sflag:s18] =	ssyncset.done $0x0  }
0x26: {  	[sflag:s18] =	ssyncadd.s32 $0xFFFFFF80  }
0x27: {  	_ =	swait.ge [sflag:s19], $0x80  }
0x28: {  	[sflag:s19] =	ssyncset.done $0x0  }
0x29: {  	[sflag:s19] =	ssyncadd.s32 $0xFFFFFF80  }
0x2a: {  	[tilespmem:s21], [sflag:$0x1] =	stream.indirect.gather [hbm4b:s3+s20], $0x80, s14, s20, $0xb8;
	[tilespmem:$0x17AC0] =	vst v63  }
0x2b: {  	_ =	swait.ge [sflag:s22], $0x4000  }
0x2c: {  	[sflag:s22] =	ssyncset.done $0x0  }
0x2d: {  	[sflag:s22] =	ssyncadd.s32 $0xFFFFC000  }
0x2e: {  	[spmem:s1] =	stream.indirect.scatter.add.f32 [tilespmem:s21], [sflag:$0x5], $0x80, s15, s20, $0xb8;
	[tilespmem:$0x17AC0] =	vst v63  }
0x2f: {  	_ =	swait.ge [sflag:s12], $0x4000  }
0x30: {  	[sflag:s12] =	ssyncset.done $0x0  }
0x31: {  	[sflag:s12] =	ssyncadd.s32 $0xFFFFC000  }
0x32: {  	_ =	swait.ge [sflag:s23], $0x80  }
0x33: {  	[sflag:s23] =	ssyncset.done $0x0  }
0x34: {  	[sflag:s23] =	ssyncadd.s32 $0xFFFFFF80  }
0x35: {  	_ =	swait.ge [sflag:s22], $0x80  }
0x36: {  	[sflag:s22] =	ssyncset.done $0x0  }
0x37: {  	[sflag:s22] =	ssyncadd.s32 $0xFFFFFF80  }
0x38: {  	[tilespmem:s21], [sflag:$0x1] =	stream.indirect.gather [hbm4b:s3+s20], $0x80, s16, s20, $0xb8;
	[tilespmem:$0x17AC0] =	vst v63  }
0x39: {  	_ =	swait.ge [sflag:s22], $0x4000  }
0x3a: {  	[sflag:s22] =	ssyncset.done $0x0  }
0x3b: {  	[sflag:s22] =	ssyncadd.s32 $0xFFFFC000  }
0x3c: {  	[spmem:s1] =	stream.indirect.scatter.add.f32 [tilespmem:s21], [sflag:$0x5], $0x80, s17, s20, $0xb8;
	[tilespmem:$0x17AC0] =	vst v63  }
0x3d: {  	_ =	swait.ge [sflag:s12], $0x4000  }
0x3e: {  	s28 =	simm.s32 $0x40;
	s25 =	simm.s32 $0x20;
	[sflag:s12] =	ssyncset.done $0x0  }
.LBB2_2:
0x3f: {  	s29 =	sadd.s32 s25, s9  }
0x40: {  	[sflag:s12] =	ssyncadd.s32 $0xFFFFC000;
	s30 =	smov.u32 s28;
	s26 =	sadd.s32 $0x20, s28  }
0x41: {  	[tilespmem:s14], [sflag:$0x2] =	stream.linear.gather [hbm4b:s29+s2], $0x80, $0x38;
	[tilespmem:$0x17AC0] =	vst v63  }
0x42: {  	p1 =	sne.s32 s28, $0x4E0;
	s28 =	sadd.s32 s25, s10;
	s25 =	smov.u32 s30  }
0x43: {  	[tilespmem:s15], [sflag:$0x3] =	stream.linear.gather [hbm4b:s28+s2], $0x80, $0x38;
	[tilespmem:$0x17AC0] =	vst v63  }
0x44: {  	s29 =	sadd.s32 $0x10, s29  }
0x45: {  	[tilespmem:s16], [sflag:$0x4] =	stream.linear.gather [hbm4b:s29+s2], $0x80, $0x38;
	[tilespmem:$0x17AC0] =	vst v63  }
0x46: {  	s28 =	sadd.s32 $0x10, s28  }
0x47: {  	[tilespmem:s17], [sflag:$0x1] =	stream.linear.gather [hbm4b:s28+s2], $0x80, $0x38;
	[tilespmem:$0x17AC0] =	vst v63  }
0x48: {  	_ =	swait.ge [sflag:s18], $0x80  }
0x49: {  	[sflag:s18] =	ssyncset.done $0x0  }
0x4a: {  	[sflag:s18] =	ssyncadd.s32 $0xFFFFFF80  }
0x4b: {  	_ =	swait.ge [sflag:s19], $0x80  }
0x4c: {  	[sflag:s19] =	ssyncset.done $0x0  }
0x4d: {  	[sflag:s19] =	ssyncadd.s32 $0xFFFFFF80  }
0x4e: {  	[tilespmem:s21], [sflag:$0x1] =	stream.indirect.gather [hbm4b:s3+s20], $0x80, s14, s20, $0xb8;
	[tilespmem:$0x17AC0] =	vst v63  }
0x4f: {  	_ =	swait.ge [sflag:s22], $0x4000  }
0x50: {  	[sflag:s22] =	ssyncset.done $0x0  }
0x51: {  	[sflag:s22] =	ssyncadd.s32 $0xFFFFC000  }
0x52: {  	[spmem:s1] =	stream.indirect.scatter.add.f32 [tilespmem:s21], [sflag:$0x5], $0x80, s15, s20, $0xb8;
	[tilespmem:$0x17AC0] =	vst v63  }
0x53: {  	_ =	swait.ge [sflag:s12], $0x4000  }
0x54: {  	[sflag:s12] =	ssyncset.done $0x0  }
0x55: {  	[sflag:s12] =	ssyncadd.s32 $0xFFFFC000  }
0x56: {  	_ =	swait.ge [sflag:s23], $0x80  }
0x57: {  	[sflag:s23] =	ssyncset.done $0x0  }
0x58: {  	[sflag:s23] =	ssyncadd.s32 $0xFFFFFF80  }
0x59: {  	_ =	swait.ge [sflag:s22], $0x80  }
0x5a: {  	[sflag:s22] =	ssyncset.done $0x0  }
0x5b: {  	[sflag:s22] =	ssyncadd.s32 $0xFFFFFF80  }
0x5c: {  	[tilespmem:s21], [sflag:$0x1] =	stream.indirect.gather [hbm4b:s3+s20], $0x80, s16, s20, $0xb8;
	[tilespmem:$0x17AC0] =	vst v63  }
0x5d: {  	_ =	swait.ge [sflag:s22], $0x4000  }
.Ltmp0:
0x5e: {  	[sflag:s22] =	ssyncset.done $0x0;
	(pc) =	sbr.rel @p1 .LBB2_2-.Ltmp0, $4  }
0x5f: {  	[sflag:s22] =	ssyncadd.s32 $0xFFFFC000  }
0x60: {  	[spmem:s1] =	stream.indirect.scatter.add.f32 [tilespmem:s21], [sflag:$0x5], $0x80, s17, s20, $0xb8;
	[tilespmem:$0x17AC0] =	vst v63  }
0x61: {  	_ =	swait.ge [sflag:s12], $0x4000  }
0x62: {  	s28 =	smov.u32 s26;
	[sflag:s12] =	ssyncset.done $0x0  }
0x63: {  	s26 =	sadd.s32 s25, s9;
	[sflag:s12] =	ssyncadd.s32 $0xFFFFC000  }
0x64: {  	[tilespmem:s14], [sflag:$0x2] =	stream.linear.gather [hbm4b:s26+s2], $0x80, $0x38;
	[tilespmem:$0x17AC0] =	vst v63  }
0x65: {  	s31 =	sadd.s32 s25, s10  }
0x66: {  	[tilespmem:s15], [sflag:$0x3] =	stream.linear.gather [hbm4b:s31+s2], $0x80, $0x38;
	[tilespmem:$0x17AC0] =	vst v63  }
0x67: {  	s26 =	sadd.s32 $0x10, s26  }
0x68: {  	[tilespmem:s16], [sflag:$0x4] =	stream.linear.gather [hbm4b:s26+s2], $0x80, $0x38;
	[tilespmem:$0x17AC0] =	vst v63  }
0x69: {  	s25 =	sadd.s32 $0x10, s31  }
0x6a: {  	[tilespmem:s17], [sflag:$0x1] =	stream.linear.gather [hbm4b:s25+s2], $0x80, $0x38;
	[tilespmem:$0x17AC0] =	vst v63  }
0x6b: {  	_ =	swait.ge [sflag:s18], $0x80  }
0x6c: {  	[sflag:s18] =	ssyncset.done $0x0  }
0x6d: {  	[sflag:s18] =	ssyncadd.s32 $0xFFFFFF80  }
0x6e: {  	_ =	swait.ge [sflag:s19], $0x80  }
0x6f: {  	[sflag:s19] =	ssyncset.done $0x0  }
0x70: {  	[sflag:s19] =	ssyncadd.s32 $0xFFFFFF80  }
0x71: {  	[tilespmem:s21], [sflag:$0x1] =	stream.indirect.gather [hbm4b:s3+s20], $0x80, s14, s20, $0xb8;
	[tilespmem:$0x17AC0] =	vst v63  }
0x72: {  	_ =	swait.ge [sflag:s22], $0x4000  }
0x73: {  	[sflag:s22] =	ssyncset.done $0x0  }
0x74: {  	[sflag:s22] =	ssyncadd.s32 $0xFFFFC000  }
0x75: {  	[spmem:s1] =	stream.indirect.scatter.add.f32 [tilespmem:s21], [sflag:$0x5], $0x80, s15, s20, $0xb8;
	[tilespmem:$0x17AC0] =	vst v63  }
0x76: {  	_ =	swait.ge [sflag:s12], $0x4000  }
0x77: {  	[sflag:s12] =	ssyncset.done $0x0  }
0x78: {  	[sflag:s12] =	ssyncadd.s32 $0xFFFFC000  }
0x79: {  	_ =	swait.ge [sflag:s23], $0x80  }
0x7a: {  	[sflag:s23] =	ssyncset.done $0x0  }
0x7b: {  	[sflag:s23] =	ssyncadd.s32 $0xFFFFFF80  }
0x7c: {  	_ =	swait.ge [sflag:s22], $0x80  }
0x7d: {  	[sflag:s22] =	ssyncset.done $0x0  }
0x7e: {  	[sflag:s22] =	ssyncadd.s32 $0xFFFFFF80  }
0x7f: {  	[tilespmem:s21], [sflag:$0x1] =	stream.indirect.gather [hbm4b:s3+s20], $0x80, s16, s20, $0xb8;
	[tilespmem:$0x17AC0] =	vst v63  }
0x80: {  	_ =	swait.ge [sflag:s22], $0x4000  }
0x81: {  	[sflag:s22] =	ssyncset.done $0x0  }
0x82: {  	[sflag:s22] =	ssyncadd.s32 $0xFFFFC000  }
0x83: {  	[spmem:s1] =	stream.indirect.scatter.add.f32 [tilespmem:s21], [sflag:$0x5], $0x80, s17, s20, $0xb8;
	[tilespmem:$0x17AC0] =	vst v63  }
0x84: {  	_ =	swait.ge [sflag:s12], $0x4000  }
0x85: {  	[sflag:s12] =	ssyncset.done $0x0  }
0x86: {  	[sflag:s12] =	ssyncadd.s32 $0xFFFFC000  }
0x87: {  	[bflag:$0x0] =	sbarrier.arrive $0xFFFF  }
0x88: {  	[hbm:s6], [sflag:s5] =	dma.local [spmem:s11], $0x2700  }
0x89: {  	s24 =	sadd.s32 $0x1, s24;
	_ =	swait.ge [sflag:s12], $0x2700  }
0x8a: {  	p1 =	sne.s32 s24, s8;
	[sflag:s12] =	ssyncset.done $0x0  }
.Ltmp1:
0x8b: {  	s25 =	simm.s32 @!p0 $0x5;
	[sflag:s12] =	ssyncadd.s32 $0xFFFFD900;
	(pc) =	sbr.rel @p1 .LBB2_1-.Ltmp1, $4  }
0x8c: {  	[hbm:s7], [sflag:s5] =	dma.local @!p0 [spmem:s13], $0x100  }
0x8d: {  	_ =	swait.ge @!p0 [sflag:s25], $0x100  }
0x8e: {  	[sflag:s25] =	ssyncset.done @!p0 $0x0  }
0x8f: {  	[sflag:s25] =	ssyncadd.s32 @!p0 $0xFFFFFF00  }
0x90: {  	_ =	sfence.sel $0x180000  }
0x91: {  	[bflag:$0x0] =	sbarrier.arrive $0xFFFF  }
0x92: {  	_ =	strace $0x9000005F  }
0x93: {  	s0 =	sadd.s32 @!p0 $0x100000, s0;
	[bflag:$0x2] =	sbarrier.arrive $0xFFFF  }
0x94: {  	[sflag:s0] =	ssyncadd.tile.s32 @!p0 $0x1;
	_ =	shalt  }
.Lfunc_end2:
_tile_overlayer_lowered:
.L_overlay_start_2:
0x95: {  	(tag) =	ssettag $0x2  }
0x96: {  	s0 =	rddreg [dreg:$0x0];
	s2 =	stileid.u32  }
0x97: {  	s1 =	rddreg [dreg:$0x1];
	p0 =	sne.s32 s2, $0x0  }
0x98: {  	s3 =	rddreg [dreg:$0x2];
	[bflag:$0x3] =	sbarrier.arrive $0xFFFF;
	s2 =	simm.s32 @!p0 $0x1C05  }
0x99: {  	[timem:s3], [sflag:s2] =	dma.local @!p0 [hbm:s0], s1  }
0x9a: {  	s0 =	simm.s32 @!p0 $0x5  }
0x9b: {  	_ =	swait.ge @!p0 [sflag:s0], s1  }
0x9c: {  	s1 =	ssub.s32 @!p0 $0x0, s1;
	[sflag:s0] =	ssyncset.done @!p0 $0x0  }
0x9d: {  	[sflag:s0] =	ssyncadd.s32 @!p0 s1  }
0x9e: {  	[bflag:$0x3] =	sbarrier.arrive $0xFFFF  }
0x9f: {  	_ =	shalt  }

</sc_bundles>
